<compile_context>
chip_gen: v7x
topology: tpu7x:2x2x1
jax: 0.10.2.dev20260603
libtpu: 0.0.44.dev20260713+nightly
codegen_flags: <defaults>
</compile_context>

<pallas_src>
import functools

import jax
import jax.numpy as jnp
import numpy as np
from jax import lax
from jax.experimental import pallas as pl
from jax.experimental.pallas import tpu as pltpu
from jax.experimental.pallas import tpu_sc as plsc

AH, AW, SR = 7, 7, 2
NBINS = AH * AW
NCON = SR * SR * 4
P = NBINS * NCON
NC, NS = 2, 16
NW = NC * NS
BINS_PER_CHUNK = 7
NCHUNKS = NBINS // BINS_PER_CHUNK
ROWS_PER_CHUNK = BINS_PER_CHUNK * NCON


def _transpose_body(x_ref, o_ref):
    X = x_ref[0]
    Cc = X.shape[0]
    Q = Cc // 2
    row = lax.broadcasted_iota(jnp.int32, (Cc, Q), 0)
    col = lax.broadcasted_iota(jnp.int32, (Cc, Q), 1)
    grp = (col // 16) * 32 + (col % 16)
    ilo = (row == grp).astype(jnp.float32)
    ihi = (row == grp + 16).astype(jnp.float32)
    dn = (((0,), (0,)), ((), ()))
    lo = lax.dot_general(X, ilo, dn, precision=jax.lax.Precision.HIGHEST)
    hi = lax.dot_general(X, ihi, dn, precision=jax.lax.Precision.HIGHEST)
    lo_b = lax.bitcast_convert_type(
        lo.astype(jnp.bfloat16).astype(jnp.float32), jnp.int32)
    hi_b = lax.bitcast_convert_type(
        hi.astype(jnp.bfloat16).astype(jnp.float32), jnp.int32)
    o_ref[0] = (hi_b & jnp.int32(-65536)) | lax.shift_right_logical(
        lo_b, 16)


def _make_table(features):
    B, C, H, W = features.shape
    t = pl.pallas_call(
        _transpose_body,
        grid=(B,),
        in_specs=[pl.BlockSpec((1, C, H * W), lambda b: (b, 0, 0))],
        out_specs=pl.BlockSpec((1, H * W, C // 2), lambda b: (b, 0, 0)),
        out_shape=jax.ShapeDtypeStruct((B, H * W, C // 2), jnp.int32),
    )(features.reshape(B, C, H * W))
    return t.reshape(B * H * W, C // 2)


def _coeff_body(hw, rois_ref, si_ref, ph_ref, pw_ref, oy_ref, ox_ref,
                cy_ref, cx_ref, pix_ref, w_ref):
    H, W = hw
    ph, pw, oy, ox = ph_ref[...], pw_ref[...], oy_ref[...], ox_ref[...]
    cy, cx = cy_ref[...] != 0, cx_ref[...] != 0
    x1 = rois_ref[:, 0:1]
    y1 = rois_ref[:, 1:2]
    x2 = rois_ref[:, 2:3]
    y2 = rois_ref[:, 3:4]
    bh = jnp.maximum(y2 - y1, 1.0) / AH
    bw = jnp.maximum(x2 - x1, 1.0) / AW
    Y = jnp.clip(y1 + (ph + oy) * bh, 0.0, H - 1)
    X = jnp.clip(x1 + (pw + ox) * bw, 0.0, W - 1)
    y0 = jnp.floor(Y)
    x0 = jnp.floor(X)
    ly = Y - y0
    lx = X - x0
    y0i = y0.astype(jnp.int32)
    x0i = x0.astype(jnp.int32)
    yi = jnp.where(cy, jnp.minimum(y0i + 1, H - 1), y0i)
    xi = jnp.where(cx, jnp.minimum(x0i + 1, W - 1), x0i)
    wy = jnp.where(cy, ly, 1.0 - ly)
    wx = jnp.where(cx, lx, 1.0 - lx)
    w_ref[...] = (1.0 / (SR * SR)) * wy * wx
    pix_ref[...] = (si_ref[:, 0:1] * (H * W) + yi * W + xi).astype(jnp.int32)


def _make_coeffs(rois, sample_indices, H, W):
    N = rois.shape[0]
    p = np.arange(P)
    b = p // NCON
    k = p % NCON
    s = k // 4
    c = k % 4
    ph = (b // AW).astype(np.float32)[None, :]
    pw = (b % AW).astype(np.float32)[None, :]
    oy = (((s // SR) + 0.5) / SR).astype(np.float32)[None, :]
    ox = (((s % SR) + 0.5) / SR).astype(np.float32)[None, :]
    cy = (c // 2 == 1).astype(np.int32)[None, :]
    cx = (c % 2 == 1).astype(np.int32)[None, :]
    consts = tuple(jnp.asarray(a) for a in (ph, pw, oy, ox, cy, cx))
    pix, w = pl.pallas_call(
        functools.partial(_coeff_body, (H, W)),
        out_shape=(
            jax.ShapeDtypeStruct((N, P), jnp.int32),
            jax.ShapeDtypeStruct((N, P), jnp.float32),
        ),
    )(rois, sample_indices.astype(jnp.int32).reshape(N, 1), *consts)
    return pix, w


def _sc_body(n_rois, C, table_hbm, pix_hbm, w_hbm, out_hbm,
             idx_v, w_v, rows_v, acc_v, gsem, isem, osem):
    rois_per_w = (n_rois + NW - 1) // NW
    wid = lax.axis_index("s") * NC + lax.axis_index("c")
    base = wid * rois_per_w
    nvalid = jnp.minimum(rois_per_w, n_rois - base)
    total = nvalid * NCHUNKS

    def fetch_coeffs(r_i, slot):
        r = base + r_i
        off = pl.multiple_of(slot * P, 8)
        pltpu.async_copy(pix_hbm.at[pl.ds(r * P, P)],
                         idx_v.at[pl.ds(off, P)], isem)
        pltpu.async_copy(w_hbm.at[pl.ds(r * P, P)],
                         w_v.at[pl.ds(off, P)], isem)

    def wait_coeffs(slot):
        off = pl.multiple_of(slot * P, 8)
        pltpu.make_async_copy(
            pix_hbm.at[pl.ds(0, P)], idx_v.at[pl.ds(off, P)], isem).wait()
        pltpu.make_async_copy(
            w_hbm.at[pl.ds(0, P)], w_v.at[pl.ds(off, P)], isem).wait()

    def issue_gather(g):
        r_i = g // NCHUNKS
        ch = g % NCHUNKS
        off = pl.multiple_of(
            (r_i % 2) * P + ch * ROWS_PER_CHUNK, 8)
        idx_ch = idx_v.at[pl.ds(off, ROWS_PER_CHUNK)]
        pltpu.async_copy(table_hbm.at[idx_ch], rows_v.at[g % 3], gsem)

    fetch_coeffs(0, 0)
    wait_coeffs(0)
    issue_gather(0)
    issue_gather(1)

    def step(g, _):
        r_i = g // NCHUNKS
        ch = g % NCHUNKS
        slot = g % 3
        islot = r_i % 2

        @pl.when(ch == 0)
        def _():
            @pl.when(r_i + 1 < nvalid)
            def _():
                fetch_coeffs(r_i + 1, (r_i + 1) % 2)

            @pl.when(r_i >= 2)
            def _():
                pltpu.make_async_copy(
                    acc_v.at[islot], out_hbm.at[:, 0], osem).wait()

        pltpu.make_async_copy(
            table_hbm.at[pl.ds(0, ROWS_PER_CHUNK)], rows_v.at[slot],
            gsem).wait()

        @pl.when(ch == NCHUNKS - 2)
        def _():
            @pl.when(r_i + 1 < nvalid)
            def _():
                wait_coeffs((r_i + 1) % 2)

        @pl.when(g + 2 < total)
        def _():
            issue_gather(g + 2)

        def bin_body(bb, _):
            col = ch * BINS_PER_CHUNK + bb
            wbase = ch * ROWS_PER_CHUNK + bb * NCON
            w16 = w_v[pl.ds(islot * P + wbase, 16)]
            accs = [jnp.zeros((16,), jnp.float32)] * (C // 16)
            for kk in range(NCON):
                wk = jnp.broadcast_to(w16[kk], (16,))
                row = bb * NCON + kk
                for j in range(C // 32):
                    wrd = rows_v[slot, row, pl.ds(j * 16, 16)]
                    va = lax.bitcast_convert_type(wrd << 16, jnp.float32)
                    vb = lax.bitcast_convert_type(wrd, jnp.float32)
                    accs[2 * j] = accs[2 * j] + wk * va
                    accs[2 * j + 1] = accs[2 * j + 1] + wk * vb
            for j in range(C // 16):
                acc_v[islot, col, pl.ds(j * 16, 16)] = accs[j]
            return 0

        lax.fori_loop(0, BINS_PER_CHUNK, bin_body, 0)

        @pl.when(ch == NCHUNKS - 1)
        def _():
            r = base + r_i
            pltpu.async_copy(
                acc_v.at[islot], out_hbm.at[:, r], osem)

        return 0

    lax.fori_loop(0, total, step, 0)

    pltpu.make_async_copy(
        acc_v.at[0], out_hbm.at[:, 0], osem).wait()

    @pl.when(nvalid >= 2)
    def _():
        pltpu.make_async_copy(
            acc_v.at[0], out_hbm.at[:, 0], osem).wait()


def _roi_align_sc(table, pix, w, N, C):
    mesh = plsc.VectorSubcoreMesh(core_axis_name="c", subcore_axis_name="s")
    out = pl.kernel(
        functools.partial(_sc_body, N, C),
        out_type=jax.ShapeDtypeStruct((NBINS, N, C), jnp.float32),
        mesh=mesh,
        scratch_types=[
            pltpu.VMEM((2 * P,), jnp.int32),
            pltpu.VMEM((2 * P,), jnp.float32),
            pltpu.VMEM((3, ROWS_PER_CHUNK, C // 2), jnp.int32),
            pltpu.VMEM((2, NBINS, C), jnp.float32),
            pltpu.SemaphoreType.DMA,
            pltpu.SemaphoreType.DMA,
            pltpu.SemaphoreType.DMA,
        ],
    )(table, pix.reshape(N * P), w.reshape(N * P))
    return out


def _transpose_out_body(x_ref, o_ref):
    o_ref[...] = jnp.transpose(x_ref[...], (0, 2, 1))


def _transpose_out(binmajor, C):
    N = binmajor.shape[0]
    BN = 8
    t = pl.pallas_call(
        _transpose_out_body,
        grid=(N // BN,),
        in_specs=[pl.BlockSpec((BN, NBINS, C), lambda i: (i, 0, 0))],
        out_specs=pl.BlockSpec((BN, C, NBINS), lambda i: (i, 0, 0)),
        out_shape=jax.ShapeDtypeStruct((N, C, NBINS), jnp.float32),
    )(binmajor)
    return t.reshape(N, C, AH, AW)


def kernel(features, rois, sample_indices):
    B, C, H, W = features.shape
    N = rois.shape[0]
    table = _make_table(features)
    pix, w = _make_coeffs(rois, sample_indices, H, W)
    out3 = _roi_align_sc(table, pix, w, N, C)
    return jnp.transpose(out3.reshape(AH, AW, N, C), (2, 3, 0, 1))

# --- scband reference (transcript-rebuilt; emitter-appended) ---
"""Pipeline reference for scband-ro-ialign-28664611733860 (READ-ONLY COPY).

The authoritative reference and input builder live on the scoring server;
editing this copy changes nothing except your own understanding.
"""

import jax, jax.numpy as jnp
import numpy as np

AH, AW, SR = 7, 7, 2


def setup_inputs(seed: int = 0):
    key = jax.random.key(seed)
    k1, k2, k3, k4, k5 = jax.random.split(key, 5)
    B, C, H, W = 4, 256, 64, 64
    N = 1000
    features = jax.random.normal(k1, (B, C, H, W), dtype=jnp.float32)
    x1 = jax.random.uniform(k2, (N,), minval=0.0, maxval=48.0)
    y1 = jax.random.uniform(k3, (N,), minval=0.0, maxval=48.0)
    w = jax.random.uniform(k4, (N,), minval=2.0, maxval=15.0)
    h = jax.random.uniform(k5, (N,), minval=2.0, maxval=15.0)
    rois = jnp.stack([x1, y1, jnp.minimum(x1 + w, 63.0), jnp.minimum(y1 + h, 63.0)], axis=1).astype(jnp.float32)
    sample_indices = jax.random.randint(jax.random.fold_in(key, 7), (N,), 0, B, dtype=jnp.int32)
    return {"features": features, "rois": rois, "sample_indices": sample_indices}


def _roi_align(features, rois, sample_indices):
    B, C, H, W = features.shape
    N = rois.shape[0]
    x1 = rois[:, 0]
    y1 = rois[:, 1]
    x2 = rois[:, 2]
    y2 = rois[:, 3]
    roi_w = jnp.maximum(x2 - x1, 1.0)
    roi_h = jnp.maximum(y2 - y1, 1.0)
    bin_h = roi_h / AH
    bin_w = roi_w / AW
    offs = (jnp.arange(SR, dtype=jnp.float32) + 0.5) / SR
    ys = y1[:, None, None] + (jnp.arange(AH, dtype=jnp.float32)[None, :, None] + offs[None, None, :]) * bin_h[:, None, None]
    xs = x1[:, None, None] + (jnp.arange(AW, dtype=jnp.float32)[None, :, None] + offs[None, None, :]) * bin_w[:, None, None]
    yy = ys.reshape(N, AH * SR)
    xx = xs.reshape(N, AW * SR)
    Y = jnp.clip(jnp.broadcast_to(yy[:, :, None], (N, AH * SR, AW * SR)), 0.0, H - 1)
    X = jnp.clip(jnp.broadcast_to(xx[:, None, :], (N, AH * SR, AW * SR)), 0.0, W - 1)
    y0 = jnp.floor(Y)
    x0 = jnp.floor(X)
    y0i = y0.astype(jnp.int32)
    x0i = x0.astype(jnp.int32)
    y1i = jnp.minimum(y0i + 1, H - 1)
    x1i = jnp.minimum(x0i + 1, W - 1)
    ly = Y - y0
    lx = X - x0
    hy = 1.0 - ly
    hx = 1.0 - lx
    b = jnp.broadcast_to(sample_indices.astype(jnp.int32)[:, None, None], (N, AH * SR, AW * SR))
    v00 = features[b, :, y0i, x0i]
    v01 = features[b, :, y0i, x1i]
    v10 = features[b, :, y1i, x0i]
    v11 = features[b, :, y1i, x1i]
    val = (v00 * (hy * hx)[..., None] + v01 * (hy * lx)[..., None]
           + v10 * (ly * hx)[..., None] + v11 * (ly * lx)[..., None])
    out = val.reshape(N, AH, SR, AW, SR, C).mean(axis=(2, 4))
    return jnp.transpose(out, (0, 3, 1, 2))


def reference(features, rois, sample_indices):
    return _roi_align(features, rois, sample_indices)

if __name__ == "__main__":
    import jax
    _d = setup_inputs()
    print(jax.jit(kernel)(*tuple(_d.values())))

</pallas_src>

<mosaic_0001>
#map = affine_map<(d0, d1) -> (0, 0)>
#map1 = affine_map<(d0, d1) -> (0)>
#map2 = affine_map<(d0, d1) -> (0, 0, 0)>
module attributes {stable_mosaic.version = 14 : i64} {
  func.func @_sc_body(%arg0: i32, %arg1: i32, %arg2: memref<16384x128xi32, #tpu.memory_space<hbm>>, %arg3: memref<784000xi32, #tpu.memory_space<hbm>>, %arg4: memref<784000xf32, #tpu.memory_space<hbm>>, %arg5: memref<49x1000x256xf32, #tpu.memory_space<hbm>>, %arg6: memref<1568xi32, #tpu.memory_space<vmem>>, %arg7: memref<1568xf32, #tpu.memory_space<vmem>>, %arg8: memref<3x112x128xi32, #tpu.memory_space<vmem>>, %arg9: memref<2x49x256xf32, #tpu.memory_space<vmem>>, %arg10: memref<!tpu.dma_semaphore, #tpu.memory_space<semaphore_mem>>, %arg11: memref<!tpu.dma_semaphore, #tpu.memory_space<semaphore_mem>>, %arg12: memref<!tpu.dma_semaphore, #tpu.memory_space<semaphore_mem>>) attributes {dimension_semantics = [#tpu.dimension_semantics<core_parallel>, #tpu.dimension_semantics<subcore_parallel>], iteration_bounds = array<i64: 2, 16>, scalar_prefetch = 0 : i64, scratch_operands = 7 : i64, tpu.core_type = #tpu.core_type<sc_vector_subcore>, window_params = [{transform_indices = #map}, {transform_indices = #map1}, {transform_indices = #map1}, {transform_indices = #map2}]} {
    %mul3A = arith.constant 2 : i32
    %mul3A_0 = arith.muli %arg1, %mul3A : i32
    %add3A = arith.addi %mul3A_0, %arg0 : i32
    %mul3A_1 = arith.constant 32 : i32
    %mul3A_2 = arith.muli %add3A, %mul3A_1 : i32
    %sub3A = arith.constant 1000 : i32
    %sub3A_3 = arith.subi %sub3A, %mul3A_2 : i32
    %min3A = arith.constant 32 : i32
    %min3A_4 = arith.minsi %min3A, %sub3A_3 : i32
    %mul3A_5 = arith.constant 7 : i32
    %mul3A_6 = arith.muli %min3A_4, %mul3A_5 : i32
    %add3A_7 = arith.constant 0 : i32
    %add3A_8 = arith.addi %mul3A_2, %add3A_7 : i32
    %multiple_of3A = arith.constant 0 : i32
    %multiple_of3A_9 = tpu.assume_multiple %multiple_of3A, 8 : i32
    %mul3A_10 = arith.constant 784 : i32
    %mul3A_11 = arith.muli %add3A_8, %mul3A_10 : i32
    %dma_start3A = tpu.memref_slice %arg6[%multiple_of3A_9] : memref<1568xi32, #tpu.memory_space<vmem>> -> memref<784xi32, #tpu.memory_space<vmem>>
    %dma_start3A_12 = tpu.memref_slice %arg3[%mul3A_11] : memref<784000xi32, #tpu.memory_space<hbm>> -> memref<784xi32, #tpu.memory_space<hbm>>
    %dma_start3A_13 = tpu.memref_slice %arg6[%multiple_of3A_9] : memref<1568xi32, #tpu.memory_space<vmem>> -> memref<784xi32, #tpu.memory_space<vmem>>
    %dma_start3A_14 = tpu.memref_slice %arg3[%mul3A_11] : memref<784000xi32, #tpu.memory_space<hbm>> -> memref<784xi32, #tpu.memory_space<hbm>>
    tpu.enqueue_dma source(%dma_start3A_14 : memref<784xi32, #tpu.memory_space<hbm>>) target(%dma_start3A_13 : memref<784xi32, #tpu.memory_space<vmem>>) target_semaphore(%arg11 : memref<!tpu.dma_semaphore, #tpu.memory_space<semaphore_mem>>)
    %mul3A_15 = arith.constant 784 : i32
    %mul3A_16 = arith.muli %add3A_8, %mul3A_15 : i32
    %dma_start3A_17 = tpu.memref_slice %arg7[%multiple_of3A_9] : memref<1568xf32, #tpu.memory_space<vmem>> -> memref<784xf32, #tpu.memory_space<vmem>>
    %dma_start3A_18 = tpu.memref_slice %arg4[%mul3A_16] : memref<784000xf32, #tpu.memory_space<hbm>> -> memref<784xf32, #tpu.memory_space<hbm>>
    %dma_start3A_19 = tpu.memref_slice %arg7[%multiple_of3A_9] : memref<1568xf32, #tpu.memory_space<vmem>> -> memref<784xf32, #tpu.memory_space<vmem>>
    %dma_start3A_20 = tpu.memref_slice %arg4[%mul3A_16] : memref<784000xf32, #tpu.memory_space<hbm>> -> memref<784xf32, #tpu.memory_space<hbm>>
    tpu.enqueue_dma source(%dma_start3A_20 : memref<784xf32, #tpu.memory_space<hbm>>) target(%dma_start3A_19 : memref<784xf32, #tpu.memory_space<vmem>>) target_semaphore(%arg11 : memref<!tpu.dma_semaphore, #tpu.memory_space<semaphore_mem>>)
    %multiple_of3A_21 = arith.constant 0 : i32
    %multiple_of3A_22 = tpu.assume_multiple %multiple_of3A_21, 8 : i32
    %dma_wait3A = tpu.memref_slice %arg6[%multiple_of3A_22] : memref<1568xi32, #tpu.memory_space<vmem>> -> memref<784xi32, #tpu.memory_space<vmem>>
    %dma_wait3A_23 = arith.constant 0 : i32
    %dma_wait3A_24 = tpu.memref_slice %arg3[%dma_wait3A_23] : memref<784000xi32, #tpu.memory_space<hbm>> -> memref<784xi32, #tpu.memory_space<hbm>>
    %dma_wait3A_25 = tpu.memref_slice %arg6[%multiple_of3A_22] : memref<1568xi32, #tpu.memory_space<vmem>> -> memref<784xi32, #tpu.memory_space<vmem>>
    %dma_wait3A_26 = arith.constant 0 : i32
    %dma_wait3A_27 = tpu.memref_slice %arg3[%dma_wait3A_26] : memref<784000xi32, #tpu.memory_space<hbm>> -> memref<784xi32, #tpu.memory_space<hbm>>
    tpu.wait_dma2 semaphore(%arg11 : memref<!tpu.dma_semaphore, #tpu.memory_space<semaphore_mem>>) src(%dma_wait3A_27 : memref<784xi32, #tpu.memory_space<hbm>>) dst(%dma_wait3A_25 : memref<784xi32, #tpu.memory_space<vmem>>)
    %dma_wait3A_28 = tpu.memref_slice %arg7[%multiple_of3A_22] : memref<1568xf32, #tpu.memory_space<vmem>> -> memref<784xf32, #tpu.memory_space<vmem>>
    %dma_wait3A_29 = arith.constant 0 : i32
    %dma_wait3A_30 = tpu.memref_slice %arg4[%dma_wait3A_29] : memref<784000xf32, #tpu.memory_space<hbm>> -> memref<784xf32, #tpu.memory_space<hbm>>
    %dma_wait3A_31 = tpu.memref_slice %arg7[%multiple_of3A_22] : memref<1568xf32, #tpu.memory_space<vmem>> -> memref<784xf32, #tpu.memory_space<vmem>>
    %dma_wait3A_32 = arith.constant 0 : i32
    %dma_wait3A_33 = tpu.memref_slice %arg4[%dma_wait3A_32] : memref<784000xf32, #tpu.memory_space<hbm>> -> memref<784xf32, #tpu.memory_space<hbm>>
    tpu.wait_dma2 semaphore(%arg11 : memref<!tpu.dma_semaphore, #tpu.memory_space<semaphore_mem>>) src(%dma_wait3A_33 : memref<784xf32, #tpu.memory_space<hbm>>) dst(%dma_wait3A_31 : memref<784xf32, #tpu.memory_space<vmem>>)
    %multiple_of3A_34 = arith.constant 0 : i32
    %multiple_of3A_35 = tpu.assume_multiple %multiple_of3A_34, 8 : i32
    %dma_start3A_36 = arith.constant 0 : i32
    %dma_start3A_37 = arith.constant 0 : i32
    %dma_start3A_38 = arith.constant 0 : i32
    %dma_start3A_39 = tpu.memref_slice %arg8[%dma_start3A_36, %dma_start3A_37, %dma_start3A_38] : memref<3x112x128xi32, #tpu.memory_space<vmem>> -> memref<1x112x128xi32, #tpu.memory_space<vmem>>
    %dma_start3A_40 = tpu.memref_squeeze %dma_start3A_39 : memref<1x112x128xi32, #tpu.memory_space<vmem>> -> memref<112x128xi32, #tpu.memory_space<vmem>>
    %dma_start3A_41 = tpu.memref_slice %arg6[%multiple_of3A_35] : memref<1568xi32, #tpu.memory_space<vmem>> -> memref<112xi32, #tpu.memory_space<vmem>>
    %dma_start3A_42 = arith.constant 0 : i32
    %dma_start3A_43 = arith.constant 0 : i32
    %dma_start3A_44 = tpu.memref_slice %arg2[%dma_start3A_42, %dma_start3A_43] : memref<16384x128xi32, #tpu.memory_space<hbm>> -> memref<16384x128xi32, #tpu.memory_space<hbm>>
    tpu.enqueue_indirect_dma source(%dma_start3A_44 : memref<16384x128xi32, #tpu.memory_space<hbm>>) target(%dma_start3A_40 : memref<112x128xi32, #tpu.memory_space<vmem>>) offsets(%dma_start3A_41 : memref<112xi32, #tpu.memory_space<vmem>>) semaphore(%arg10 : memref<!tpu.dma_semaphore, #tpu.memory_space<semaphore_mem>>)
    %multiple_of3A_45 = arith.constant 112 : i32
    %multiple_of3A_46 = tpu.assume_multiple %multiple_of3A_45, 8 : i32
    %dma_start3A_47 = arith.constant 1 : i32
    %dma_start3A_48 = arith.constant 0 : i32
    %dma_start3A_49 = arith.constant 0 : i32
    %dma_start3A_50 = tpu.memref_slice %arg8[%dma_start3A_47, %dma_start3A_48, %dma_start3A_49] : memref<3x112x128xi32, #tpu.memory_space<vmem>> -> memref<1x112x128xi32, #tpu.memory_space<vmem>>
    %dma_start3A_51 = tpu.memref_squeeze %dma_start3A_50 : memref<1x112x128xi32, #tpu.memory_space<vmem>> -> memref<112x128xi32, #tpu.memory_space<vmem>>
    %dma_start3A_52 = tpu.memref_slice %arg6[%multiple_of3A_46] : memref<1568xi32, #tpu.memory_space<vmem>> -> memref<112xi32, #tpu.memory_space<vmem>>
    %dma_start3A_53 = arith.constant 0 : i32
    %dma_start3A_54 = arith.constant 0 : i32
    %dma_start3A_55 = tpu.memref_slice %arg2[%dma_start3A_53, %dma_start3A_54] : memref<16384x128xi32, #tpu.memory_space<hbm>> -> memref<16384x128xi32, #tpu.memory_space<hbm>>
    tpu.enqueue_indirect_dma source(%dma_start3A_55 : memref<16384x128xi32, #tpu.memory_space<hbm>>) target(%dma_start3A_51 : memref<112x128xi32, #tpu.memory_space<vmem>>) offsets(%dma_start3A_52 : memref<112xi32, #tpu.memory_space<vmem>>) semaphore(%arg10 : memref<!tpu.dma_semaphore, #tpu.memory_space<semaphore_mem>>)
    %while3A = arith.constant 0 : i32
    %while3A_56 = arith.constant 0 : i32
    %while3A_57 = arith.subi %mul3A_6, %while3A : i32
    %while3A_58 = arith.addi %while3A, %while3A_57 : i32
    %while3A_59 = arith.constant 1 : i32
    %while3A_60 = arith.divsi %while3A_57, %while3A_59 : i32
    %while3A_61 = arith.muli %while3A_60, %while3A_59 : i32
    %while3A_62 = arith.addi %while3A, %while3A_61 : i32
    %while3A_63 = arith.constant 1 : i32
    %while3A_64 = scf.for %while3A_87 = %while3A to %while3A_62 step %while3A_63 iter_args(%while3A_88 = %while3A_56) -> (i32)  : i32 {
      %jit3A = arith.constant 7 : i32
      %div3A = arith.divsi %while3A_87, %jit3A : i32
      %sign3A = arith.constant 0 : i32
      %sign3A_89 = arith.cmpi sgt, %while3A_87, %sign3A : i32
      %sign3A_90 = arith.extui %sign3A_89 : i1 to i32
      %sign3A_91 = arith.constant 0 : i32
      %sign3A_92 = arith.cmpi slt, %while3A_87, %sign3A_91 : i32
      %sign3A_93 = arith.extui %sign3A_92 : i1 to i32
      %sign3A_94 = arith.subi %sign3A_90, %sign3A_93 : i32
      %sign3A_95 = arith.constant 0 : i32
      %sign3A_96 = arith.cmpi sgt, %jit3A, %sign3A_95 : i32
      %sign3A_97 = arith.extui %sign3A_96 : i1 to i32
      %sign3A_98 = arith.constant 0 : i32
      %sign3A_99 = arith.cmpi slt, %jit3A, %sign3A_98 : i32
      %sign3A_100 = arith.extui %sign3A_99 : i1 to i32
      %sign3A_101 = arith.subi %sign3A_97, %sign3A_100 : i32
      %ne3A = arith.cmpi ne, %sign3A_94, %sign3A_101 : i32
      %rem3A = arith.remsi %while3A_87, %jit3A : i32
      %ne3A_102 = arith.constant 0 : i32
      %ne3A_103 = arith.cmpi ne, %rem3A, %ne3A_102 : i32
      %and3A = arith.andi %ne3A, %ne3A_103 : i1
      %sub3A_104 = arith.constant 1 : i32
      %sub3A_105 = arith.subi %div3A, %sub3A_104 : i32
      %select_n3A = arith.select %and3A, %sub3A_105, %div3A : i32
      %jit3A_106 = arith.constant 7 : i32
      %eq3A = arith.constant 0 : i32
      %eq3A_107 = arith.cmpi eq, %jit3A_106, %eq3A : i32
      %jit3A_108 = arith.constant 1 : i32
      %select_n3A_109 = arith.select %eq3A_107, %jit3A_108, %jit3A_106 : i32
      %rem3A_110 = arith.remsi %while3A_87, %select_n3A_109 : i32
      %ne3A_111 = arith.constant 0 : i32
      %ne3A_112 = arith.cmpi ne, %rem3A_110, %ne3A_111 : i32
      %lt3A = arith.constant 0 : i32
      %lt3A_113 = arith.cmpi slt, %rem3A_110, %lt3A : i32
      %lt3A_114 = arith.constant 0 : i32
      %lt3A_115 = arith.cmpi slt, %select_n3A_109, %lt3A_114 : i32
      %ne3A_116 = arith.xori %lt3A_113, %lt3A_115 : i1
      %and3A_117 = arith.andi %ne3A_116, %ne3A_112 : i1
      %add3A_118 = arith.addi %rem3A_110, %select_n3A_109 : i32
      %select_n3A_119 = arith.select %and3A_117, %add3A_118, %rem3A_110 : i32
      %jit3A_120 = arith.constant 3 : i32
      %eq3A_121 = arith.constant 0 : i32
      %eq3A_122 = arith.cmpi eq, %jit3A_120, %eq3A_121 : i32
      %jit3A_123 = arith.constant 1 : i32
      %select_n3A_124 = arith.select %eq3A_122, %jit3A_123, %jit3A_120 : i32
      %rem3A_125 = arith.remsi %while3A_87, %select_n3A_124 : i32
      %ne3A_126 = arith.constant 0 : i32
      %ne3A_127 = arith.cmpi ne, %rem3A_125, %ne3A_126 : i32
      %lt3A_128 = arith.constant 0 : i32
      %lt3A_129 = arith.cmpi slt, %rem3A_125, %lt3A_128 : i32
      %lt3A_130 = arith.constant 0 : i32
      %lt3A_131 = arith.cmpi slt, %select_n3A_124, %lt3A_130 : i32
      %ne3A_132 = arith.xori %lt3A_129, %lt3A_131 : i1
      %and3A_133 = arith.andi %ne3A_132, %ne3A_127 : i1
      %add3A_134 = arith.addi %rem3A_125, %select_n3A_124 : i32
      %select_n3A_135 = arith.select %and3A_133, %add3A_134, %rem3A_125 : i32
      %jit3A_136 = arith.constant 2 : i32
      %eq3A_137 = arith.constant 0 : i32
      %eq3A_138 = arith.cmpi eq, %jit3A_136, %eq3A_137 : i32
      %jit3A_139 = arith.constant 1 : i32
      %select_n3A_140 = arith.select %eq3A_138, %jit3A_139, %jit3A_136 : i32
      %rem3A_141 = arith.remsi %select_n3A, %select_n3A_140 : i32
      %ne3A_142 = arith.constant 0 : i32
      %ne3A_143 = arith.cmpi ne, %rem3A_141, %ne3A_142 : i32
      %lt3A_144 = arith.constant 0 : i32
      %lt3A_145 = arith.cmpi slt, %rem3A_141, %lt3A_144 : i32
      %lt3A_146 = arith.constant 0 : i32
      %lt3A_147 = arith.cmpi slt, %select_n3A_140, %lt3A_146 : i32
      %ne3A_148 = arith.xori %lt3A_145, %lt3A_147 : i1
      %and3A_149 = arith.andi %ne3A_148, %ne3A_143 : i1
      %add3A_150 = arith.addi %rem3A_141, %select_n3A_140 : i32
      %select_n3A_151 = arith.select %and3A_149, %add3A_150, %rem3A_141 : i32
      %eq3A_152 = arith.constant 0 : i32
      %eq3A_153 = arith.cmpi eq, %select_n3A_119, %eq3A_152 : i32
      %convert_element_type3A_154 = arith.extui %eq3A_153 : i1 to i32
      %cond3A_155 = arith.constant 0 : i32
      %cond3A_156 = arith.cmpi ne, %convert_element_type3A_154, %cond3A_155 : i32
      scf.if %cond3A_156 {
        %add3A_194 = arith.constant 1 : i32
        %add3A_195 = arith.addi %select_n3A, %add3A_194 : i32
        %lt3A_196 = arith.cmpi slt, %add3A_195, %min3A_4 : i32
        %convert_element_type3A_197 = arith.extui %lt3A_196 : i1 to i32
        %cond3A_198 = arith.constant 0 : i32
        %cond3A_199 = arith.cmpi ne, %convert_element_type3A_197, %cond3A_198 : i32
        scf.if %cond3A_199 {
          %add3A_205 = arith.constant 1 : i32
          %add3A_206 = arith.addi %select_n3A, %add3A_205 : i32
          %add3A_207 = arith.constant 1 : i32
          %add3A_208 = arith.addi %select_n3A, %add3A_207 : i32
          %jit3A_209 = arith.constant 2 : i32
          %eq3A_210 = arith.constant 0 : i32
          %eq3A_211 = arith.cmpi eq, %jit3A_209, %eq3A_210 : i32
          %jit3A_212 = arith.constant 1 : i32
          %select_n3A_213 = arith.select %eq3A_211, %jit3A_212, %jit3A_209 : i32
          %rem3A_214 = arith.remsi %add3A_208, %select_n3A_213 : i32
          %ne3A_215 = arith.constant 0 : i32
          %ne3A_216 = arith.cmpi ne, %rem3A_214, %ne3A_215 : i32
          %lt3A_217 = arith.constant 0 : i32
          %lt3A_218 = arith.cmpi slt, %rem3A_214, %lt3A_217 : i32
          %lt3A_219 = arith.constant 0 : i32
          %lt3A_220 = arith.cmpi slt, %select_n3A_213, %lt3A_219 : i32
          %ne3A_221 = arith.xori %lt3A_218, %lt3A_220 : i1
          %and3A_222 = arith.andi %ne3A_221, %ne3A_216 : i1
          %add3A_223 = arith.addi %rem3A_214, %select_n3A_213 : i32
          %select_n3A_224 = arith.select %and3A_222, %add3A_223, %rem3A_214 : i32
          %add3A_225 = arith.addi %mul3A_2, %add3A_206 : i32
          %mul3A_226 = arith.constant 784 : i32
          %mul3A_227 = arith.muli %select_n3A_224, %mul3A_226 : i32
          %multiple_of3A_228 = tpu.assume_multiple %mul3A_227, 8 : i32
          %mul3A_229 = arith.constant 784 : i32
          %mul3A_230 = arith.muli %add3A_225, %mul3A_229 : i32
          %dma_start3A_231 = tpu.memref_slice %arg6[%multiple_of3A_228] : memref<1568xi32, #tpu.memory_space<vmem>> -> memref<784xi32, #tpu.memory_space<vmem>>
          %dma_start3A_232 = tpu.memref_slice %arg3[%mul3A_230] : memref<784000xi32, #tpu.memory_space<hbm>> -> memref<784xi32, #tpu.memory_space<hbm>>
          %dma_start3A_233 = tpu.memref_slice %arg6[%multiple_of3A_228] : memref<1568xi32, #tpu.memory_space<vmem>> -> memref<784xi32, #tpu.memory_space<vmem>>
          %dma_start3A_234 = tpu.memref_slice %arg3[%mul3A_230] : memref<784000xi32, #tpu.memory_space<hbm>> -> memref<784xi32, #tpu.memory_space<hbm>>
          tpu.enqueue_dma source(%dma_start3A_234 : memref<784xi32, #tpu.memory_space<hbm>>) target(%dma_start3A_233 : memref<784xi32, #tpu.memory_space<vmem>>) target_semaphore(%arg11 : memref<!tpu.dma_semaphore, #tpu.memory_space<semaphore_mem>>)
          %mul3A_235 = arith.constant 784 : i32
          %mul3A_236 = arith.muli %add3A_225, %mul3A_235 : i32
          %dma_start3A_237 = tpu.memref_slice %arg7[%multiple_of3A_228] : memref<1568xf32, #tpu.memory_space<vmem>> -> memref<784xf32, #tpu.memory_space<vmem>>
          %dma_start3A_238 = tpu.memref_slice %arg4[%mul3A_236] : memref<784000xf32, #tpu.memory_space<hbm>> -> memref<784xf32, #tpu.memory_space<hbm>>
          %dma_start3A_239 = tpu.memref_slice %arg7[%multiple_of3A_228] : memref<1568xf32, #tpu.memory_space<vmem>> -> memref<784xf32, #tpu.memory_space<vmem>>
          %dma_start3A_240 = tpu.memref_slice %arg4[%mul3A_236] : memref<784000xf32, #tpu.memory_space<hbm>> -> memref<784xf32, #tpu.memory_space<hbm>>
          tpu.enqueue_dma source(%dma_start3A_240 : memref<784xf32, #tpu.memory_space<hbm>>) target(%dma_start3A_239 : memref<784xf32, #tpu.memory_space<vmem>>) target_semaphore(%arg11 : memref<!tpu.dma_semaphore, #tpu.memory_space<semaphore_mem>>)
        } else {
        }
        %ge3A_200 = arith.constant 2 : i32
        %ge3A_201 = arith.cmpi sge, %select_n3A, %ge3A_200 : i32
        %convert_element_type3A_202 = arith.extui %ge3A_201 : i1 to i32
        %cond3A_203 = arith.constant 0 : i32
        %cond3A_204 = arith.cmpi ne, %convert_element_type3A_202, %cond3A_203 : i32
        scf.if %cond3A_204 {
          %dma_wait3A_205 = arith.constant 0 : i32
          %dma_wait3A_206 = arith.constant 0 : i32
          %dma_wait3A_207 = arith.constant 0 : i32
          %dma_wait3A_208 = tpu.memref_slice %arg9[%select_n3A_151, %dma_wait3A_206, %dma_wait3A_207] : memref<2x49x256xf32, #tpu.memory_space<vmem>> -> memref<1x49x256xf32, #tpu.memory_space<vmem>>
          %dma_wait3A_209 = tpu.memref_squeeze %dma_wait3A_208 : memref<1x49x256xf32, #tpu.memory_space<vmem>> -> memref<49x256xf32, #tpu.memory_space<vmem>>
          %dma_wait3A_210 = arith.constant 0 : i32
          %dma_wait3A_211 = arith.constant 0 : i32
          %dma_wait3A_212 = tpu.memref_slice %arg5[%dma_wait3A_210, %dma_wait3A_205, %dma_wait3A_211] : memref<49x1000x256xf32, #tpu.memory_space<hbm>> -> memref<49x1x256xf32, #tpu.memory_space<hbm>>
          %dma_wait3A_213 = tpu.memref_squeeze %dma_wait3A_212 : memref<49x1x256xf32, #tpu.memory_space<hbm>> -> memref<49x256xf32, #tpu.memory_space<hbm>>
          %dma_wait3A_214 = arith.constant 0 : i32
          %dma_wait3A_215 = arith.constant 0 : i32
          %dma_wait3A_216 = tpu.memref_slice %arg5[%dma_wait3A_214, %dma_wait3A_205, %dma_wait3A_215] : memref<49x1000x256xf32, #tpu.memory_space<hbm>> -> memref<49x1x256xf32, #tpu.memory_space<hbm>>
          %dma_wait3A_217 = tpu.memref_squeeze %dma_wait3A_216 : memref<49x1x256xf32, #tpu.memory_space<hbm>> -> memref<49x256xf32, #tpu.memory_space<hbm>>
          %dma_wait3A_218 = arith.constant 0 : i32
          %dma_wait3A_219 = arith.constant 0 : i32
          %dma_wait3A_220 = tpu.memref_slice %arg9[%select_n3A_151, %dma_wait3A_218, %dma_wait3A_219] : memref<2x49x256xf32, #tpu.memory_space<vmem>> -> memref<1x49x256xf32, #tpu.memory_space<vmem>>
          %dma_wait3A_221 = tpu.memref_squeeze %dma_wait3A_220 : memref<1x49x256xf32, #tpu.memory_space<vmem>> -> memref<49x256xf32, #tpu.memory_space<vmem>>
          tpu.wait_dma2 semaphore(%arg12 : memref<!tpu.dma_semaphore, #tpu.memory_space<semaphore_mem>>) src(%dma_wait3A_221 : memref<49x256xf32, #tpu.memory_space<vmem>>) dst(%dma_wait3A_217 : memref<49x256xf32, #tpu.memory_space<hbm>>)
        } else {
        }
      } else {
      }
      %dma_wait3A_157 = arith.constant 0 : i32
      %dma_wait3A_158 = arith.constant 0 : i32
      %dma_wait3A_159 = tpu.memref_slice %arg8[%select_n3A_135, %dma_wait3A_157, %dma_wait3A_158] : memref<3x112x128xi32, #tpu.memory_space<vmem>> -> memref<1x112x128xi32, #tpu.memory_space<vmem>>
      %dma_wait3A_160 = tpu.memref_squeeze %dma_wait3A_159 : memref<1x112x128xi32, #tpu.memory_space<vmem>> -> memref<112x128xi32, #tpu.memory_space<vmem>>
      %dma_wait3A_161 = arith.constant 0 : i32
      %dma_wait3A_162 = arith.constant 0 : i32
      %dma_wait3A_163 = tpu.memref_slice %arg2[%dma_wait3A_161, %dma_wait3A_162] : memref<16384x128xi32, #tpu.memory_space<hbm>> -> memref<112x128xi32, #tpu.memory_space<hbm>>
      %dma_wait3A_164 = arith.constant 0 : i32
      %dma_wait3A_165 = arith.constant 0 : i32
      %dma_wait3A_166 = tpu.memref_slice %arg8[%select_n3A_135, %dma_wait3A_164, %dma_wait3A_165] : memref<3x112x128xi32, #tpu.memory_space<vmem>> -> memref<1x112x128xi32, #tpu.memory_space<vmem>>
      %dma_wait3A_167 = tpu.memref_squeeze %dma_wait3A_166 : memref<1x112x128xi32, #tpu.memory_space<vmem>> -> memref<112x128xi32, #tpu.memory_space<vmem>>
      %dma_wait3A_168 = arith.constant 0 : i32
      %dma_wait3A_169 = arith.constant 0 : i32
      %dma_wait3A_170 = tpu.memref_slice %arg2[%dma_wait3A_168, %dma_wait3A_169] : memref<16384x128xi32, #tpu.memory_space<hbm>> -> memref<112x128xi32, #tpu.memory_space<hbm>>
      tpu.wait_dma2 semaphore(%arg10 : memref<!tpu.dma_semaphore, #tpu.memory_space<semaphore_mem>>) src(%dma_wait3A_170 : memref<112x128xi32, #tpu.memory_space<hbm>>) dst(%dma_wait3A_167 : memref<112x128xi32, #tpu.memory_space<vmem>>)
      %eq3A_171 = arith.constant 5 : i32
      %eq3A_172 = arith.cmpi eq, %select_n3A_119, %eq3A_171 : i32
      %convert_element_type3A_173 = arith.extui %eq3A_172 : i1 to i32
      %cond3A_174 = arith.constant 0 : i32
      %cond3A_175 = arith.cmpi ne, %convert_element_type3A_173, %cond3A_174 : i32
      scf.if %cond3A_175 {
        %add3A_194 = arith.constant 1 : i32
        %add3A_195 = arith.addi %select_n3A, %add3A_194 : i32
        %lt3A_196 = arith.cmpi slt, %add3A_195, %min3A_4 : i32
        %convert_element_type3A_197 = arith.extui %lt3A_196 : i1 to i32
        %cond3A_198 = arith.constant 0 : i32
        %cond3A_199 = arith.cmpi ne, %convert_element_type3A_197, %cond3A_198 : i32
        scf.if %cond3A_199 {
          %add3A_200 = arith.constant 1 : i32
          %add3A_201 = arith.addi %select_n3A, %add3A_200 : i32
          %jit3A_202 = arith.constant 2 : i32
          %eq3A_203 = arith.constant 0 : i32
          %eq3A_204 = arith.cmpi eq, %jit3A_202, %eq3A_203 : i32
          %jit3A_205 = arith.constant 1 : i32
          %select_n3A_206 = arith.select %eq3A_204, %jit3A_205, %jit3A_202 : i32
          %rem3A_207 = arith.remsi %add3A_201, %select_n3A_206 : i32
          %ne3A_208 = arith.constant 0 : i32
          %ne3A_209 = arith.cmpi ne, %rem3A_207, %ne3A_208 : i32
          %lt3A_210 = arith.constant 0 : i32
          %lt3A_211 = arith.cmpi slt, %rem3A_207, %lt3A_210 : i32
          %lt3A_212 = arith.constant 0 : i32
          %lt3A_213 = arith.cmpi slt, %select_n3A_206, %lt3A_212 : i32
          %ne3A_214 = arith.xori %lt3A_211, %lt3A_213 : i1
          %and3A_215 = arith.andi %ne3A_214, %ne3A_209 : i1
          %add3A_216 = arith.addi %rem3A_207, %select_n3A_206 : i32
          %select_n3A_217 = arith.select %and3A_215, %add3A_216, %rem3A_207 : i32
          %mul3A_218 = arith.constant 784 : i32
          %mul3A_219 = arith.muli %select_n3A_217, %mul3A_218 : i32
          %multiple_of3A_220 = tpu.assume_multiple %mul3A_219, 8 : i32
          %dma_wait3A_221 = tpu.memref_slice %arg6[%multiple_of3A_220] : memref<1568xi32, #tpu.memory_space<vmem>> -> memref<784xi32, #tpu.memory_space<vmem>>
          %dma_wait3A_222 = arith.constant 0 : i32
          %dma_wait3A_223 = tpu.memref_slice %arg3[%dma_wait3A_222] : memref<784000xi32, #tpu.memory_space<hbm>> -> memref<784xi32, #tpu.memory_space<hbm>>
          %dma_wait3A_224 = tpu.memref_slice %arg6[%multiple_of3A_220] : memref<1568xi32, #tpu.memory_space<vmem>> -> memref<784xi32, #tpu.memory_space<vmem>>
          %dma_wait3A_225 = arith.constant 0 : i32
          %dma_wait3A_226 = tpu.memref_slice %arg3[%dma_wait3A_225] : memref<784000xi32, #tpu.memory_space<hbm>> -> memref<784xi32, #tpu.memory_space<hbm>>
          tpu.wait_dma2 semaphore(%arg11 : memref<!tpu.dma_semaphore, #tpu.memory_space<semaphore_mem>>) src(%dma_wait3A_226 : memref<784xi32, #tpu.memory_space<hbm>>) dst(%dma_wait3A_224 : memref<784xi32, #tpu.memory_space<vmem>>)
          %dma_wait3A_227 = tpu.memref_slice %arg7[%multiple_of3A_220] : memref<1568xf32, #tpu.memory_space<vmem>> -> memref<784xf32, #tpu.memory_space<vmem>>
          %dma_wait3A_228 = arith.constant 0 : i32
          %dma_wait3A_229 = tpu.memref_slice %arg4[%dma_wait3A_228] : memref<784000xf32, #tpu.memory_space<hbm>> -> memref<784xf32, #tpu.memory_space<hbm>>
          %dma_wait3A_230 = tpu.memref_slice %arg7[%multiple_of3A_220] : memref<1568xf32, #tpu.memory_space<vmem>> -> memref<784xf32, #tpu.memory_space<vmem>>
          %dma_wait3A_231 = arith.constant 0 : i32
          %dma_wait3A_232 = tpu.memref_slice %arg4[%dma_wait3A_231] : memref<784000xf32, #tpu.memory_space<hbm>> -> memref<784xf32, #tpu.memory_space<hbm>>
          tpu.wait_dma2 semaphore(%arg11 : memref<!tpu.dma_semaphore, #tpu.memory_space<semaphore_mem>>) src(%dma_wait3A_232 : memref<784xf32, #tpu.memory_space<hbm>>) dst(%dma_wait3A_230 : memref<784xf32, #tpu.memory_space<vmem>>)
        } else {
        }
      } else {
      }
      %add3A_176 = arith.constant 2 : i32
      %add3A_177 = arith.addi %while3A_87, %add3A_176 : i32
      %lt3A_178 = arith.cmpi slt, %add3A_177, %mul3A_6 : i32
      %convert_element_type3A_179 = arith.extui %lt3A_178 : i1 to i32
      %cond3A_180 = arith.constant 0 : i32
      %cond3A_181 = arith.cmpi ne, %convert_element_type3A_179, %cond3A_180 : i32
      scf.if %cond3A_181 {
        %add3A_194 = arith.constant 2 : i32
        %add3A_195 = arith.addi %while3A_87, %add3A_194 : i32
        %jit3A_196 = arith.constant 7 : i32
        %div3A_197 = arith.divsi %add3A_195, %jit3A_196 : i32
        %sign3A_198 = arith.constant 0 : i32
        %sign3A_199 = arith.cmpi sgt, %add3A_195, %sign3A_198 : i32
        %sign3A_200 = arith.extui %sign3A_199 : i1 to i32
        %sign3A_201 = arith.constant 0 : i32
        %sign3A_202 = arith.cmpi slt, %add3A_195, %sign3A_201 : i32
        %sign3A_203 = arith.extui %sign3A_202 : i1 to i32
        %sign3A_204 = arith.subi %sign3A_200, %sign3A_203 : i32
        %sign3A_205 = arith.constant 0 : i32
        %sign3A_206 = arith.cmpi sgt, %jit3A_196, %sign3A_205 : i32
        %sign3A_207 = arith.extui %sign3A_206 : i1 to i32
        %sign3A_208 = arith.constant 0 : i32
        %sign3A_209 = arith.cmpi slt, %jit3A_196, %sign3A_208 : i32
        %sign3A_210 = arith.extui %sign3A_209 : i1 to i32
        %sign3A_211 = arith.subi %sign3A_207, %sign3A_210 : i32
        %ne3A_212 = arith.cmpi ne, %sign3A_204, %sign3A_211 : i32
        %rem3A_213 = arith.remsi %add3A_195, %jit3A_196 : i32
        %ne3A_214 = arith.constant 0 : i32
        %ne3A_215 = arith.cmpi ne, %rem3A_213, %ne3A_214 : i32
        %and3A_216 = arith.andi %ne3A_212, %ne3A_215 : i1
        %sub3A_217 = arith.constant 1 : i32
        %sub3A_218 = arith.subi %div3A_197, %sub3A_217 : i32
        %select_n3A_219 = arith.select %and3A_216, %sub3A_218, %div3A_197 : i32
        %jit3A_220 = arith.constant 7 : i32
        %eq3A_221 = arith.constant 0 : i32
        %eq3A_222 = arith.cmpi eq, %jit3A_220, %eq3A_221 : i32
        %jit3A_223 = arith.constant 1 : i32
        %select_n3A_224 = arith.select %eq3A_222, %jit3A_223, %jit3A_220 : i32
        %rem3A_225 = arith.remsi %add3A_195, %select_n3A_224 : i32
        %ne3A_226 = arith.constant 0 : i32
        %ne3A_227 = arith.cmpi ne, %rem3A_225, %ne3A_226 : i32
        %lt3A_228 = arith.constant 0 : i32
        %lt3A_229 = arith.cmpi slt, %rem3A_225, %lt3A_228 : i32
        %lt3A_230 = arith.constant 0 : i32
        %lt3A_231 = arith.cmpi slt, %select_n3A_224, %lt3A_230 : i32
        %ne3A_232 = arith.xori %lt3A_229, %lt3A_231 : i1
        %and3A_233 = arith.andi %ne3A_232, %ne3A_227 : i1
        %add3A_234 = arith.addi %rem3A_225, %select_n3A_224 : i32
        %select_n3A_235 = arith.select %and3A_233, %add3A_234, %rem3A_225 : i32
        %jit3A_236 = arith.constant 2 : i32
        %eq3A_237 = arith.constant 0 : i32
        %eq3A_238 = arith.cmpi eq, %jit3A_236, %eq3A_237 : i32
        %jit3A_239 = arith.constant 1 : i32
        %select_n3A_240 = arith.select %eq3A_238, %jit3A_239, %jit3A_236 : i32
        %rem3A_241 = arith.remsi %select_n3A_219, %select_n3A_240 : i32
        %ne3A_242 = arith.constant 0 : i32
        %ne3A_243 = arith.cmpi ne, %rem3A_241, %ne3A_242 : i32
        %lt3A_244 = arith.constant 0 : i32
        %lt3A_245 = arith.cmpi slt, %rem3A_241, %lt3A_244 : i32
        %lt3A_246 = arith.constant 0 : i32
        %lt3A_247 = arith.cmpi slt, %select_n3A_240, %lt3A_246 : i32
        %ne3A_248 = arith.xori %lt3A_245, %lt3A_247 : i1
        %and3A_249 = arith.andi %ne3A_248, %ne3A_243 : i1
        %add3A_250 = arith.addi %rem3A_241, %select_n3A_240 : i32
        %select_n3A_251 = arith.select %and3A_249, %add3A_250, %rem3A_241 : i32
        %mul3A_252 = arith.constant 784 : i32
        %mul3A_253 = arith.muli %select_n3A_251, %mul3A_252 : i32
        %mul3A_254 = arith.constant 112 : i32
        %mul3A_255 = arith.muli %select_n3A_235, %mul3A_254 : i32
        %add3A_256 = arith.addi %mul3A_253, %mul3A_255 : i32
        %multiple_of3A_257 = tpu.assume_multiple %add3A_256, 8 : i32
        %jit3A_258 = arith.constant 3 : i32
        %eq3A_259 = arith.constant 0 : i32
        %eq3A_260 = arith.cmpi eq, %jit3A_258, %eq3A_259 : i32
        %jit3A_261 = arith.constant 1 : i32
        %select_n3A_262 = arith.select %eq3A_260, %jit3A_261, %jit3A_258 : i32
        %rem3A_263 = arith.remsi %add3A_195, %select_n3A_262 : i32
        %ne3A_264 = arith.constant 0 : i32
        %ne3A_265 = arith.cmpi ne, %rem3A_263, %ne3A_264 : i32
        %lt3A_266 = arith.constant 0 : i32
        %lt3A_267 = arith.cmpi slt, %rem3A_263, %lt3A_266 : i32
        %lt3A_268 = arith.constant 0 : i32
        %lt3A_269 = arith.cmpi slt, %select_n3A_262, %lt3A_268 : i32
        %ne3A_270 = arith.xori %lt3A_267, %lt3A_269 : i1
        %and3A_271 = arith.andi %ne3A_270, %ne3A_265 : i1
        %add3A_272 = arith.addi %rem3A_263, %select_n3A_262 : i32
        %select_n3A_273 = arith.select %and3A_271, %add3A_272, %rem3A_263 : i32
        %dma_start3A_274 = arith.constant 0 : i32
        %dma_start3A_275 = arith.constant 0 : i32
        %dma_start3A_276 = tpu.memref_slice %arg8[%select_n3A_273, %dma_start3A_274, %dma_start3A_275] : memref<3x112x128xi32, #tpu.memory_space<vmem>> -> memref<1x112x128xi32, #tpu.memory_space<vmem>>
        %dma_start3A_277 = tpu.memref_squeeze %dma_start3A_276 : memref<1x112x128xi32, #tpu.memory_space<vmem>> -> memref<112x128xi32, #tpu.memory_space<vmem>>
        %dma_start3A_278 = tpu.memref_slice %arg6[%multiple_of3A_257] : memref<1568xi32, #tpu.memory_space<vmem>> -> memref<112xi32, #tpu.memory_space<vmem>>
        %dma_start3A_279 = arith.constant 0 : i32
        %dma_start3A_280 = arith.constant 0 : i32
        %dma_start3A_281 = tpu.memref_slice %arg2[%dma_start3A_279, %dma_start3A_280] : memref<16384x128xi32, #tpu.memory_space<hbm>> -> memref<16384x128xi32, #tpu.memory_space<hbm>>
        tpu.enqueue_indirect_dma source(%dma_start3A_281 : memref<16384x128xi32, #tpu.memory_space<hbm>>) target(%dma_start3A_277 : memref<112x128xi32, #tpu.memory_space<vmem>>) offsets(%dma_start3A_278 : memref<112xi32, #tpu.memory_space<vmem>>) semaphore(%arg10 : memref<!tpu.dma_semaphore, #tpu.memory_space<semaphore_mem>>)
      } else {
      }
      %scan3A = arith.constant 0 : i32
      %scan3A_182 = arith.constant 0 : i32
      %scan3A_183 = arith.constant 7 : i32
      %scan3A_184 = arith.addi %scan3A_182, %scan3A_183 : i32
      %scan3A_185 = arith.constant 1 : i32
      %scan3A_186 = scf.for %scan3A_194 = %scan3A_182 to %scan3A_184 step %scan3A_185 iter_args(%scan3A_195 = %scan3A) -> (i32)  : i32 {
        %mul3A_196 = arith.constant 7 : i32
        %mul3A_197 = arith.muli %select_n3A_119, %mul3A_196 : i32
        %add3A_198 = arith.addi %mul3A_197, %scan3A_194 : i32
        %mul3A_199 = arith.constant 112 : i32
        %mul3A_200 = arith.muli %select_n3A_119, %mul3A_199 : i32
        %mul3A_201 = arith.constant 16 : i32
        %mul3A_202 = arith.muli %scan3A_194, %mul3A_201 : i32
        %add3A_203 = arith.addi %mul3A_200, %mul3A_202 : i32
        %mul3A_204 = arith.constant 784 : i32
        %mul3A_205 = arith.muli %select_n3A_151, %mul3A_204 : i32
        %add3A_206 = arith.addi %mul3A_205, %add3A_203 : i32
        %get3A = arith.index_cast %add3A_206 : i32 to index
        %get3A_207 = tpu.vector_load %arg7[%get3A] {strides = array<i32>} : memref<1568xf32, #tpu.memory_space<vmem>>, vector<16xf32>,
        %get3A_208 = vector.shape_cast %get3A_207 : vector<16xf32> to vector<16xf32>
        %broadcast_in_dim3A = arith.constant 0.000000e+00 : f32
        %broadcast_in_dim3A_209 = vector.broadcast %broadcast_in_dim3A : f32 to vector<16xf32>
        %slice3A = vector.extract_strided_slice %get3A_208 {offsets = [0], sizes = [1], strides = [1]} : vector<16xf32> to vector<1xf32>
        %squeeze3A = vector.extract %slice3A[0] : f32 from vector<1xf32>
        %broadcast_in_dim3A_210 = vector.broadcast %squeeze3A : f32 to vector<16xf32>
        %mul3A_211 = arith.constant 16 : i32
        %mul3A_212 = arith.muli %scan3A_194, %mul3A_211 : i32
        %add3A_213 = arith.constant 0 : i32
        %add3A_214 = arith.addi %mul3A_212, %add3A_213 : i32
        %get3A_215 = arith.index_cast %select_n3A_135 : i32 to index
        %get3A_216 = arith.index_cast %add3A_214 : i32 to index
        %get3A_217 = arith.constant 0 : index
        %get3A_218 = tpu.vector_load %arg8[%get3A_215, %get3A_216, %get3A_217] {strides = array<i32>} : memref<3x112x128xi32, #tpu.memory_space<vmem>>, vector<1x1x16xi32>,
        %get3A_219 = vector.shape_cast %get3A_218 : vector<1x1x16xi32> to vector<16xi32>
        %shift_left3A = arith.constant 16 : i32
        %shift_left3A_220 = vector.broadcast %shift_left3A : i32 to vector<16xi32>
        %shift_left3A_221 = arith.shli %get3A_219, %shift_left3A_220 : vector<16xi32>
        %bitcast_convert_type3A = tpu.bitcast %shift_left3A_221 : vector<16xi32> -> vector<16xf32>
        %bitcast_convert_type3A_222 = tpu.bitcast %get3A_219 : vector<16xi32> -> vector<16xf32>
        %mul3A_223 = arith.mulf %broadcast_in_dim3A_210, %bitcast_convert_type3A : vector<16xf32>
        %add3A_224 = arith.addf %broadcast_in_dim3A_209, %mul3A_223 : vector<16xf32>
        %mul3A_225 = arith.mulf %broadcast_in_dim3A_210, %bitcast_convert_type3A_222 : vector<16xf32>
        %add3A_226 = arith.addf %broadcast_in_dim3A_209, %mul3A_225 : vector<16xf32>
        %get3A_227 = arith.index_cast %select_n3A_135 : i32 to index
        %get3A_228 = arith.index_cast %add3A_214 : i32 to index
        %get3A_229 = arith.constant 16 : index
        %get3A_230 = tpu.vector_load %arg8[%get3A_227, %get3A_228, %get3A_229] {strides = array<i32>} : memref<3x112x128xi32, #tpu.memory_space<vmem>>, vector<1x1x16xi32>,
        %get3A_231 = vector.shape_cast %get3A_230 : vector<1x1x16xi32> to vector<16xi32>
        %shift_left3A_232 = arith.constant 16 : i32
        %shift_left3A_233 = vector.broadcast %shift_left3A_232 : i32 to vector<16xi32>
        %shift_left3A_234 = arith.shli %get3A_231, %shift_left3A_233 : vector<16xi32>
        %bitcast_convert_type3A_235 = tpu.bitcast %shift_left3A_234 : vector<16xi32> -> vector<16xf32>
        %bitcast_convert_type3A_236 = tpu.bitcast %get3A_231 : vector<16xi32> -> vector<16xf32>
        %mul3A_237 = arith.mulf %broadcast_in_dim3A_210, %bitcast_convert_type3A_235 : vector<16xf32>
        %add3A_238 = arith.addf %broadcast_in_dim3A_209, %mul3A_237 : vector<16xf32>
        %mul3A_239 = arith.mulf %broadcast_in_dim3A_210, %bitcast_convert_type3A_236 : vector<16xf32>
        %add3A_240 = arith.addf %broadcast_in_dim3A_209, %mul3A_239 : vector<16xf32>
        %get3A_241 = arith.index_cast %select_n3A_135 : i32 to index
        %get3A_242 = arith.index_cast %add3A_214 : i32 to index
        %get3A_243 = arith.constant 32 : index
        %get3A_244 = tpu.vector_load %arg8[%get3A_241, %get3A_242, %get3A_243] {strides = array<i32>} : memref<3x112x128xi32, #tpu.memory_space<vmem>>, vector<1x1x16xi32>,
        %get3A_245 = vector.shape_cast %get3A_244 : vector<1x1x16xi32> to vector<16xi32>
        %shift_left3A_246 = arith.constant 16 : i32
        %shift_left3A_247 = vector.broadcast %shift_left3A_246 : i32 to vector<16xi32>
        %shift_left3A_248 = arith.shli %get3A_245, %shift_left3A_247 : vector<16xi32>
        %bitcast_convert_type3A_249 = tpu.bitcast %shift_left3A_248 : vector<16xi32> -> vector<16xf32>
        %bitcast_convert_type3A_250 = tpu.bitcast %get3A_245 : vector<16xi32> -> vector<16xf32>
        %mul3A_251 = arith.mulf %broadcast_in_dim3A_210, %bitcast_convert_type3A_249 : vector<16xf32>
        %add3A_252 = arith.addf %broadcast_in_dim3A_209, %mul3A_251 : vector<16xf32>
        %mul3A_253 = arith.mulf %broadcast_in_dim3A_210, %bitcast_convert_type3A_250 : vector<16xf32>
        %add3A_254 = arith.addf %broadcast_in_dim3A_209, %mul3A_253 : vector<16xf32>
        %get3A_255 = arith.index_cast %select_n3A_135 : i32 to index
        %get3A_256 = arith.index_cast %add3A_214 : i32 to index
        %get3A_257 = arith.constant 48 : index
        %get3A_258 = tpu.vector_load %arg8[%get3A_255, %get3A_256, %get3A_257] {strides = array<i32>} : memref<3x112x128xi32, #tpu.memory_space<vmem>>, vector<1x1x16xi32>,
        %get3A_259 = vector.shape_cast %get3A_258 : vector<1x1x16xi32> to vector<16xi32>
        %shift_left3A_260 = arith.constant 16 : i32
        %shift_left3A_261 = vector.broadcast %shift_left3A_260 : i32 to vector<16xi32>
        %shift_left3A_262 = arith.shli %get3A_259, %shift_left3A_261 : vector<16xi32>
        %bitcast_convert_type3A_263 = tpu.bitcast %shift_left3A_262 : vector<16xi32> -> vector<16xf32>
        %bitcast_convert_type3A_264 = tpu.bitcast %get3A_259 : vector<16xi32> -> vector<16xf32>
        %mul3A_265 = arith.mulf %broadcast_in_dim3A_210, %bitcast_convert_type3A_263 : vector<16xf32>
        %add3A_266 = arith.addf %broadcast_in_dim3A_209, %mul3A_265 : vector<16xf32>
        %mul3A_267 = arith.mulf %broadcast_in_dim3A_210, %bitcast_convert_type3A_264 : vector<16xf32>
        %add3A_268 = arith.addf %broadcast_in_dim3A_209, %mul3A_267 : vector<16xf32>
        %get3A_269 = arith.index_cast %select_n3A_135 : i32 to index
        %get3A_270 = arith.index_cast %add3A_214 : i32 to index
        %get3A_271 = arith.constant 64 : index
        %get3A_272 = tpu.vector_load %arg8[%get3A_269, %get3A_270, %get3A_271] {strides = array<i32>} : memref<3x112x128xi32, #tpu.memory_space<vmem>>, vector<1x1x16xi32>,
        %get3A_273 = vector.shape_cast %get3A_272 : vector<1x1x16xi32> to vector<16xi32>
        %shift_left3A_274 = arith.constant 16 : i32
        %shift_left3A_275 = vector.broadcast %shift_left3A_274 : i32 to vector<16xi32>
        %shift_left3A_276 = arith.shli %get3A_273, %shift_left3A_275 : vector<16xi32>
        %bitcast_convert_type3A_277 = tpu.bitcast %shift_left3A_276 : vector<16xi32> -> vector<16xf32>
        %bitcast_convert_type3A_278 = tpu.bitcast %get3A_273 : vector<16xi32> -> vector<16xf32>
        %mul3A_279 = arith.mulf %broadcast_in_dim3A_210, %bitcast_convert_type3A_277 : vector<16xf32>
        %add3A_280 = arith.addf %broadcast_in_dim3A_209, %mul3A_279 : vector<16xf32>
        %mul3A_281 = arith.mulf %broadcast_in_dim3A_210, %bitcast_convert_type3A_278 : vector<16xf32>
        %add3A_282 = arith.addf %broadcast_in_dim3A_209, %mul3A_281 : vector<16xf32>
        %get3A_283 = arith.index_cast %select_n3A_135 : i32 to index
        %get3A_284 = arith.index_cast %add3A_214 : i32 to index
        %get3A_285 = arith.constant 80 : index
        %get3A_286 = tpu.vector_load %arg8[%get3A_283, %get3A_284, %get3A_285] {strides = array<i32>} : memref<3x112x128xi32, #tpu.memory_space<vmem>>, vector<1x1x16xi32>,
        %get3A_287 = vector.shape_cast %get3A_286 : vector<1x1x16xi32> to vector<16xi32>
        %shift_left3A_288 = arith.constant 16 : i32
        %shift_left3A_289 = vector.broadcast %shift_left3A_288 : i32 to vector<16xi32>
        %shift_left3A_290 = arith.shli %get3A_287, %shift_left3A_289 : vector<16xi32>
        %bitcast_convert_type3A_291 = tpu.bitcast %shift_left3A_290 : vector<16xi32> -> vector<16xf32>
        %bitcast_convert_type3A_292 = tpu.bitcast %get3A_287 : vector<16xi32> -> vector<16xf32>
        %mul3A_293 = arith.mulf %broadcast_in_dim3A_210, %bitcast_convert_type3A_291 : vector<16xf32>
        %add3A_294 = arith.addf %broadcast_in_dim3A_209, %mul3A_293 : vector<16xf32>
        %mul3A_295 = arith.mulf %broadcast_in_dim3A_210, %bitcast_convert_type3A_292 : vector<16xf32>
        %add3A_296 = arith.addf %broadcast_in_dim3A_209, %mul3A_295 : vector<16xf32>
        %get3A_297 = arith.index_cast %select_n3A_135 : i32 to index
        %get3A_298 = arith.index_cast %add3A_214 : i32 to index
        %get3A_299 = arith.constant 96 : index
        %get3A_300 = tpu.vector_load %arg8[%get3A_297, %get3A_298, %get3A_299] {strides = array<i32>} : memref<3x112x128xi32, #tpu.memory_space<vmem>>, vector<1x1x16xi32>,
        %get3A_301 = vector.shape_cast %get3A_300 : vector<1x1x16xi32> to vector<16xi32>
        %shift_left3A_302 = arith.constant 16 : i32
        %shift_left3A_303 = vector.broadcast %shift_left3A_302 : i32 to vector<16xi32>
        %shift_left3A_304 = arith.shli %get3A_301, %shift_left3A_303 : vector<16xi32>
        %bitcast_convert_type3A_305 = tpu.bitcast %shift_left3A_304 : vector<16xi32> -> vector<16xf32>
        %bitcast_convert_type3A_306 = tpu.bitcast %get3A_301 : vector<16xi32> -> vector<16xf32>
        %mul3A_307 = arith.mulf %broadcast_in_dim3A_210, %bitcast_convert_type3A_305 : vector<16xf32>
        %add3A_308 = arith.addf %broadcast_in_dim3A_209, %mul3A_307 : vector<16xf32>
        %mul3A_309 = arith.mulf %broadcast_in_dim3A_210, %bitcast_convert_type3A_306 : vector<16xf32>
        %add3A_310 = arith.addf %broadcast_in_dim3A_209, %mul3A_309 : vector<16xf32>
        %get3A_311 = arith.index_cast %select_n3A_135 : i32 to index
        %get3A_312 = arith.index_cast %add3A_214 : i32 to index
        %get3A_313 = arith.constant 112 : index
        %get3A_314 = tpu.vector_load %arg8[%get3A_311, %get3A_312, %get3A_313] {strides = array<i32>} : memref<3x112x128xi32, #tpu.memory_space<vmem>>, vector<1x1x16xi32>,
        %get3A_315 = vector.shape_cast %get3A_314 : vector<1x1x16xi32> to vector<16xi32>
        %shift_left3A_316 = arith.constant 16 : i32
        %shift_left3A_317 = vector.broadcast %shift_left3A_316 : i32 to vector<16xi32>
        %shift_left3A_318 = arith.shli %get3A_315, %shift_left3A_317 : vector<16xi32>
        %bitcast_convert_type3A_319 = tpu.bitcast %shift_left3A_318 : vector<16xi32> -> vector<16xf32>
        %bitcast_convert_type3A_320 = tpu.bitcast %get3A_315 : vector<16xi32> -> vector<16xf32>
        %mul3A_321 = arith.mulf %broadcast_in_dim3A_210, %bitcast_convert_type3A_319 : vector<16xf32>
        %add3A_322 = arith.addf %broadcast_in_dim3A_209, %mul3A_321 : vector<16xf32>
        %mul3A_323 = arith.mulf %broadcast_in_dim3A_210, %bitcast_convert_type3A_320 : vector<16xf32>
        %add3A_324 = arith.addf %broadcast_in_dim3A_209, %mul3A_323 : vector<16xf32>
        %slice3A_325 = vector.extract_strided_slice %get3A_208 {offsets = [1], sizes = [1], strides = [1]} : vector<16xf32> to vector<1xf32>
        %squeeze3A_326 = vector.extract %slice3A_325[0] : f32 from vector<1xf32>
        %broadcast_in_dim3A_327 = vector.broadcast %squeeze3A_326 : f32 to vector<16xf32>
        %mul3A_328 = arith.constant 16 : i32
        %mul3A_329 = arith.muli %scan3A_194, %mul3A_328 : i32
        %add3A_330 = arith.constant 1 : i32
        %add3A_331 = arith.addi %mul3A_329, %add3A_330 : i32
        %get3A_332 = arith.index_cast %select_n3A_135 : i32 to index
        %get3A_333 = arith.index_cast %add3A_331 : i32 to index
        %get3A_334 = arith.constant 0 : index
        %get3A_335 = tpu.vector_load %arg8[%get3A_332, %get3A_333, %get3A_334] {strides = array<i32>} : memref<3x112x128xi32, #tpu.memory_space<vmem>>, vector<1x1x16xi32>,
        %get3A_336 = vector.shape_cast %get3A_335 : vector<1x1x16xi32> to vector<16xi32>
        %shift_left3A_337 = arith.constant 16 : i32
        %shift_left3A_338 = vector.broadcast %shift_left3A_337 : i32 to vector<16xi32>
        %shift_left3A_339 = arith.shli %get3A_336, %shift_left3A_338 : vector<16xi32>
        %bitcast_convert_type3A_340 = tpu.bitcast %shift_left3A_339 : vector<16xi32> -> vector<16xf32>
        %bitcast_convert_type3A_341 = tpu.bitcast %get3A_336 : vector<16xi32> -> vector<16xf32>
        %mul3A_342 = arith.mulf %broadcast_in_dim3A_327, %bitcast_convert_type3A_340 : vector<16xf32>
        %add3A_343 = arith.addf %add3A_224, %mul3A_342 : vector<16xf32>
        %mul3A_344 = arith.mulf %broadcast_in_dim3A_327, %bitcast_convert_type3A_341 : vector<16xf32>
        %add3A_345 = arith.addf %add3A_226, %mul3A_344 : vector<16xf32>
        %get3A_346 = arith.index_cast %select_n3A_135 : i32 to index
        %get3A_347 = arith.index_cast %add3A_331 : i32 to index
        %get3A_348 = arith.constant 16 : index
        %get3A_349 = tpu.vector_load %arg8[%get3A_346, %get3A_347, %get3A_348] {strides = array<i32>} : memref<3x112x128xi32, #tpu.memory_space<vmem>>, vector<1x1x16xi32>,
        %get3A_350 = vector.shape_cast %get3A_349 : vector<1x1x16xi32> to vector<16xi32>
        %shift_left3A_351 = arith.constant 16 : i32
        %shift_left3A_352 = vector.broadcast %shift_left3A_351 : i32 to vector<16xi32>
        %shift_left3A_353 = arith.shli %get3A_350, %shift_left3A_352 : vector<16xi32>
        %bitcast_convert_type3A_354 = tpu.bitcast %shift_left3A_353 : vector<16xi32> -> vector<16xf32>
        %bitcast_convert_type3A_355 = tpu.bitcast %get3A_350 : vector<16xi32> -> vector<16xf32>
        %mul3A_356 = arith.mulf %broadcast_in_dim3A_327, %bitcast_convert_type3A_354 : vector<16xf32>
        %add3A_357 = arith.addf %add3A_238, %mul3A_356 : vector<16xf32>
        %mul3A_358 = arith.mulf %broadcast_in_dim3A_327, %bitcast_convert_type3A_355 : vector<16xf32>
        %add3A_359 = arith.addf %add3A_240, %mul3A_358 : vector<16xf32>
        %get3A_360 = arith.index_cast %select_n3A_135 : i32 to index
        %get3A_361 = arith.index_cast %add3A_331 : i32 to index
        %get3A_362 = arith.constant 32 : index
        %get3A_363 = tpu.vector_load %arg8[%get3A_360, %get3A_361, %get3A_362] {strides = array<i32>} : memref<3x112x128xi32, #tpu.memory_space<vmem>>, vector<1x1x16xi32>,
        %get3A_364 = vector.shape_cast %get3A_363 : vector<1x1x16xi32> to vector<16xi32>
        %shift_left3A_365 = arith.constant 16 : i32
        %shift_left3A_366 = vector.broadcast %shift_left3A_365 : i32 to vector<16xi32>
        %shift_left3A_367 = arith.shli %get3A_364, %shift_left3A_366 : vector<16xi32>
        %bitcast_convert_type3A_368 = tpu.bitcast %shift_left3A_367 : vector<16xi32> -> vector<16xf32>
        %bitcast_convert_type3A_369 = tpu.bitcast %get3A_364 : vector<16xi32> -> vector<16xf32>
        %mul3A_370 = arith.mulf %broadcast_in_dim3A_327, %bitcast_convert_type3A_368 : vector<16xf32>
        %add3A_371 = arith.addf %add3A_252, %mul3A_370 : vector<16xf32>
        %mul3A_372 = arith.mulf %broadcast_in_dim3A_327, %bitcast_convert_type3A_369 : vector<16xf32>
        %add3A_373 = arith.addf %add3A_254, %mul3A_372 : vector<16xf32>
        %get3A_374 = arith.index_cast %select_n3A_135 : i32 to index
        %get3A_375 = arith.index_cast %add3A_331 : i32 to index
        %get3A_376 = arith.constant 48 : index
        %get3A_377 = tpu.vector_load %arg8[%get3A_374, %get3A_375, %get3A_376] {strides = array<i32>} : memref<3x112x128xi32, #tpu.memory_space<vmem>>, vector<1x1x16xi32>,
        %get3A_378 = vector.shape_cast %get3A_377 : vector<1x1x16xi32> to vector<16xi32>
        %shift_left3A_379 = arith.constant 16 : i32
        %shift_left3A_380 = vector.broadcast %shift_left3A_379 : i32 to vector<16xi32>
        %shift_left3A_381 = arith.shli %get3A_378, %shift_left3A_380 : vector<16xi32>
        %bitcast_convert_type3A_382 = tpu.bitcast %shift_left3A_381 : vector<16xi32> -> vector<16xf32>
        %bitcast_convert_type3A_383 = tpu.bitcast %get3A_378 : vector<16xi32> -> vector<16xf32>
        %mul3A_384 = arith.mulf %broadcast_in_dim3A_327, %bitcast_convert_type3A_382 : vector<16xf32>
        %add3A_385 = arith.addf %add3A_266, %mul3A_384 : vector<16xf32>
        %mul3A_386 = arith.mulf %broadcast_in_dim3A_327, %bitcast_convert_type3A_383 : vector<16xf32>
        %add3A_387 = arith.addf %add3A_268, %mul3A_386 : vector<16xf32>
        %get3A_388 = arith.index_cast %select_n3A_135 : i32 to index
        %get3A_389 = arith.index_cast %add3A_331 : i32 to index
        %get3A_390 = arith.constant 64 : index
        %get3A_391 = tpu.vector_load %arg8[%get3A_388, %get3A_389, %get3A_390] {strides = array<i32>} : memref<3x112x128xi32, #tpu.memory_space<vmem>>, vector<1x1x16xi32>,
        %get3A_392 = vector.shape_cast %get3A_391 : vector<1x1x16xi32> to vector<16xi32>
        %shift_left3A_393 = arith.constant 16 : i32
        %shift_left3A_394 = vector.broadcast %shift_left3A_393 : i32 to vector<16xi32>
        %shift_left3A_395 = arith.shli %get3A_392, %shift_left3A_394 : vector<16xi32>
        %bitcast_convert_type3A_396 = tpu.bitcast %shift_left3A_395 : vector<16xi32> -> vector<16xf32>
        %bitcast_convert_type3A_397 = tpu.bitcast %get3A_392 : vector<16xi32> -> vector<16xf32>
        %mul3A_398 = arith.mulf %broadcast_in_dim3A_327, %bitcast_convert_type3A_396 : vector<16xf32>
        %add3A_399 = arith.addf %add3A_280, %mul3A_398 : vector<16xf32>
        %mul3A_400 = arith.mulf %broadcast_in_dim3A_327, %bitcast_convert_type3A_397 : vector<16xf32>
        %add3A_401 = arith.addf %add3A_282, %mul3A_400 : vector<16xf32>
        %get3A_402 = arith.index_cast %select_n3A_135 : i32 to index
        %get3A_403 = arith.index_cast %add3A_331 : i32 to index
        %get3A_404 = arith.constant 80 : index
        %get3A_405 = tpu.vector_load %arg8[%get3A_402, %get3A_403, %get3A_404] {strides = array<i32>} : memref<3x112x128xi32, #tpu.memory_space<vmem>>, vector<1x1x16xi32>,
        %get3A_406 = vector.shape_cast %get3A_405 : vector<1x1x16xi32> to vector<16xi32>
        %shift_left3A_407 = arith.constant 16 : i32
        %shift_left3A_408 = vector.broadcast %shift_left3A_407 : i32 to vector<16xi32>
        %shift_left3A_409 = arith.shli %get3A_406, %shift_left3A_408 : vector<16xi32>
        %bitcast_convert_type3A_410 = tpu.bitcast %shift_left3A_409 : vector<16xi32> -> vector<16xf32>
        %bitcast_convert_type3A_411 = tpu.bitcast %get3A_406 : vector<16xi32> -> vector<16xf32>
        %mul3A_412 = arith.mulf %broadcast_in_dim3A_327, %bitcast_convert_type3A_410 : vector<16xf32>
        %add3A_413 = arith.addf %add3A_294, %mul3A_412 : vector<16xf32>
        %mul3A_414 = arith.mulf %broadcast_in_dim3A_327, %bitcast_convert_type3A_411 : vector<16xf32>
        %add3A_415 = arith.addf %add3A_296, %mul3A_414 : vector<16xf32>
        %get3A_416 = arith.index_cast %select_n3A_135 : i32 to index
        %get3A_417 = arith.index_cast %add3A_331 : i32 to index
        %get3A_418 = arith.constant 96 : index
        %get3A_419 = tpu.vector_load %arg8[%get3A_416, %get3A_417, %get3A_418] {strides = array<i32>} : memref<3x112x128xi32, #tpu.memory_space<vmem>>, vector<1x1x16xi32>,
        %get3A_420 = vector.shape_cast %get3A_419 : vector<1x1x16xi32> to vector<16xi32>
        %shift_left3A_421 = arith.constant 16 : i32
        %shift_left3A_422 = vector.broadcast %shift_left3A_421 : i32 to vector<16xi32>
        %shift_left3A_423 = arith.shli %get3A_420, %shift_left3A_422 : vector<16xi32>
        %bitcast_convert_type3A_424 = tpu.bitcast %shift_left3A_423 : vector<16xi32> -> vector<16xf32>
        %bitcast_convert_type3A_425 = tpu.bitcast %get3A_420 : vector<16xi32> -> vector<16xf32>
        %mul3A_426 = arith.mulf %broadcast_in_dim3A_327, %bitcast_convert_type3A_424 : vector<16xf32>
        %add3A_427 = arith.addf %add3A_308, %mul3A_426 : vector<16xf32>
        %mul3A_428 = arith.mulf %broadcast_in_dim3A_327, %bitcast_convert_type3A_425 : vector<16xf32>
        %add3A_429 = arith.addf %add3A_310, %mul3A_428 : vector<16xf32>
        %get3A_430 = arith.index_cast %select_n3A_135 : i32 to index
        %get3A_431 = arith.index_cast %add3A_331 : i32 to index
        %get3A_432 = arith.constant 112 : index
        %get3A_433 = tpu.vector_load %arg8[%get3A_430, %get3A_431, %get3A_432] {strides = array<i32>} : memref<3x112x128xi32, #tpu.memory_space<vmem>>, vector<1x1x16xi32>,
        %get3A_434 = vector.shape_cast %get3A_433 : vector<1x1x16xi32> to vector<16xi32>
        %shift_left3A_435 = arith.constant 16 : i32
        %shift_left3A_436 = vector.broadcast %shift_left3A_435 : i32 to vector<16xi32>
        %shift_left3A_437 = arith.shli %get3A_434, %shift_left3A_436 : vector<16xi32>
        %bitcast_convert_type3A_438 = tpu.bitcast %shift_left3A_437 : vector<16xi32> -> vector<16xf32>
        %bitcast_convert_type3A_439 = tpu.bitcast %get3A_434 : vector<16xi32> -> vector<16xf32>
        %mul3A_440 = arith.mulf %broadcast_in_dim3A_327, %bitcast_convert_type3A_438 : vector<16xf32>
        %add3A_441 = arith.addf %add3A_322, %mul3A_440 : vector<16xf32>
        %mul3A_442 = arith.mulf %broadcast_in_dim3A_327, %bitcast_convert_type3A_439 : vector<16xf32>
        %add3A_443 = arith.addf %add3A_324, %mul3A_442 : vector<16xf32>
        %slice3A_444 = vector.extract_strided_slice %get3A_208 {offsets = [2], sizes = [1], strides = [1]} : vector<16xf32> to vector<1xf32>
        %squeeze3A_445 = vector.extract %slice3A_444[0] : f32 from vector<1xf32>
        %broadcast_in_dim3A_446 = vector.broadcast %squeeze3A_445 : f32 to vector<16xf32>
        %mul3A_447 = arith.constant 16 : i32
        %mul3A_448 = arith.muli %scan3A_194, %mul3A_447 : i32
        %add3A_449 = arith.constant 2 : i32
        %add3A_450 = arith.addi %mul3A_448, %add3A_449 : i32
        %get3A_451 = arith.index_cast %select_n3A_135 : i32 to index
        %get3A_452 = arith.index_cast %add3A_450 : i32 to index
        %get3A_453 = arith.constant 0 : index
        %get3A_454 = tpu.vector_load %arg8[%get3A_451, %get3A_452, %get3A_453] {strides = array<i32>} : memref<3x112x128xi32, #tpu.memory_space<vmem>>, vector<1x1x16xi32>,
        %get3A_455 = vector.shape_cast %get3A_454 : vector<1x1x16xi32> to vector<16xi32>
        %shift_left3A_456 = arith.constant 16 : i32
        %shift_left3A_457 = vector.broadcast %shift_left3A_456 : i32 to vector<16xi32>
        %shift_left3A_458 = arith.shli %get3A_455, %shift_left3A_457 : vector<16xi32>
        %bitcast_convert_type3A_459 = tpu.bitcast %shift_left3A_458 : vector<16xi32> -> vector<16xf32>
        %bitcast_convert_type3A_460 = tpu.bitcast %get3A_455 : vector<16xi32> -> vector<16xf32>
        %mul3A_461 = arith.mulf %broadcast_in_dim3A_446, %bitcast_convert_type3A_459 : vector<16xf32>
        %add3A_462 = arith.addf %add3A_343, %mul3A_461 : vector<16xf32>
        %mul3A_463 = arith.mulf %broadcast_in_dim3A_446, %bitcast_convert_type3A_460 : vector<16xf32>
        %add3A_464 = arith.addf %add3A_345, %mul3A_463 : vector<16xf32>
        %get3A_465 = arith.index_cast %select_n3A_135 : i32 to index
        %get3A_466 = arith.index_cast %add3A_450 : i32 to index
        %get3A_467 = arith.constant 16 : index
        %get3A_468 = tpu.vector_load %arg8[%get3A_465, %get3A_466, %get3A_467] {strides = array<i32>} : memref<3x112x128xi32, #tpu.memory_space<vmem>>, vector<1x1x16xi32>,
        %get3A_469 = vector.shape_cast %get3A_468 : vector<1x1x16xi32> to vector<16xi32>
        %shift_left3A_470 = arith.constant 16 : i32
        %shift_left3A_471 = vector.broadcast %shift_left3A_470 : i32 to vector<16xi32>
        %shift_left3A_472 = arith.shli %get3A_469, %shift_left3A_471 : vector<16xi32>
        %bitcast_convert_type3A_473 = tpu.bitcast %shift_left3A_472 : vector<16xi32> -> vector<16xf32>
        %bitcast_convert_type3A_474 = tpu.bitcast %get3A_469 : vector<16xi32> -> vector<16xf32>
        %mul3A_475 = arith.mulf %broadcast_in_dim3A_446, %bitcast_convert_type3A_473 : vector<16xf32>
        %add3A_476 = arith.addf %add3A_357, %mul3A_475 : vector<16xf32>
        %mul3A_477 = arith.mulf %broadcast_in_dim3A_446, %bitcast_convert_type3A_474 : vector<16xf32>
        %add3A_478 = arith.addf %add3A_359, %mul3A_477 : vector<16xf32>
        %get3A_479 = arith.index_cast %select_n3A_135 : i32 to index
        %get3A_480 = arith.index_cast %add3A_450 : i32 to index
        %get3A_481 = arith.constant 32 : index
        %get3A_482 = tpu.vector_load %arg8[%get3A_479, %get3A_480, %get3A_481] {strides = array<i32>} : memref<3x112x128xi32, #tpu.memory_space<vmem>>, vector<1x1x16xi32>,
        %get3A_483 = vector.shape_cast %get3A_482 : vector<1x1x16xi32> to vector<16xi32>
        %shift_left3A_484 = arith.constant 16 : i32
        %shift_left3A_485 = vector.broadcast %shift_left3A_484 : i32 to vector<16xi32>
        %shift_left3A_486 = arith.shli %get3A_483, %shift_left3A_485 : vector<16xi32>
        %bitcast_convert_type3A_487 = tpu.bitcast %shift_left3A_486 : vector<16xi32> -> vector<16xf32>
        %bitcast_convert_type3A_488 = tpu.bitcast %get3A_483 : vector<16xi32> -> vector<16xf32>
        %mul3A_489 = arith.mulf %broadcast_in_dim3A_446, %bitcast_convert_type3A_487 : vector<16xf32>
        %add3A_490 = arith.addf %add3A_371, %mul3A_489 : vector<16xf32>
        %mul3A_491 = arith.mulf %broadcast_in_dim3A_446, %bitcast_convert_type3A_488 : vector<16xf32>
        %add3A_492 = arith.addf %add3A_373, %mul3A_491 : vector<16xf32>
        %get3A_493 = arith.index_cast %select_n3A_135 : i32 to index
        %get3A_494 = arith.index_cast %add3A_450 : i32 to index
        %get3A_495 = arith.constant 48 : index
        %get3A_496 = tpu.vector_load %arg8[%get3A_493, %get3A_494, %get3A_495] {strides = array<i32>} : memref<3x112x128xi32, #tpu.memory_space<vmem>>, vector<1x1x16xi32>,
        %get3A_497 = vector.shape_cast %get3A_496 : vector<1x1x16xi32> to vector<16xi32>
        %shift_left3A_498 = arith.constant 16 : i32
        %shift_left3A_499 = vector.broadcast %shift_left3A_498 : i32 to vector<16xi32>
        %shift_left3A_500 = arith.shli %get3A_497, %shift_left3A_499 : vector<16xi32>
        %bitcast_convert_type3A_501 = tpu.bitcast %shift_left3A_500 : vector<16xi32> -> vector<16xf32>
        %bitcast_convert_type3A_502 = tpu.bitcast %get3A_497 : vector<16xi32> -> vector<16xf32>
        %mul3A_503 = arith.mulf %broadcast_in_dim3A_446, %bitcast_convert_type3A_501 : vector<16xf32>
        %add3A_504 = arith.addf %add3A_385, %mul3A_503 : vector<16xf32>
        %mul3A_505 = arith.mulf %broadcast_in_dim3A_446, %bitcast_convert_type3A_502 : vector<16xf32>
        %add3A_506 = arith.addf %add3A_387, %mul3A_505 : vector<16xf32>
        %get3A_507 = arith.index_cast %select_n3A_135 : i32 to index
        %get3A_508 = arith.index_cast %add3A_450 : i32 to index
        %get3A_509 = arith.constant 64 : index
        %get3A_510 = tpu.vector_load %arg8[%get3A_507, %get3A_508, %get3A_509] {strides = array<i32>} : memref<3x112x128xi32, #tpu.memory_space<vmem>>, vector<1x1x16xi32>,
        %get3A_511 = vector.shape_cast %get3A_510 : vector<1x1x16xi32> to vector<16xi32>
        %shift_left3A_512 = arith.constant 16 : i32
        %shift_left3A_513 = vector.broadcast %shift_left3A_512 : i32 to vector<16xi32>
        %shift_left3A_514 = arith.shli %get3A_511, %shift_left3A_513 : vector<16xi32>
        %bitcast_convert_type3A_515 = tpu.bitcast %shift_left3A_514 : vector<16xi32> -> vector<16xf32>
        %bitcast_convert_type3A_516 = tpu.bitcast %get3A_511 : vector<16xi32> -> vector<16xf32>
        %mul3A_517 = arith.mulf %broadcast_in_dim3A_446, %bitcast_convert_type3A_515 : vector<16xf32>
        %add3A_518 = arith.addf %add3A_399, %mul3A_517 : vector<16xf32>
        %mul3A_519 = arith.mulf %broadcast_in_dim3A_446, %bitcast_convert_type3A_516 : vector<16xf32>
        %add3A_520 = arith.addf %add3A_401, %mul3A_519 : vector<16xf32>
        %get3A_521 = arith.index_cast %select_n3A_135 : i32 to index
        %get3A_522 = arith.index_cast %add3A_450 : i32 to index
        %get3A_523 = arith.constant 80 : index
        %get3A_524 = tpu.vector_load %arg8[%get3A_521, %get3A_522, %get3A_523] {strides = array<i32>} : memref<3x112x128xi32, #tpu.memory_space<vmem>>, vector<1x1x16xi32>,
        %get3A_525 = vector.shape_cast %get3A_524 : vector<1x1x16xi32> to vector<16xi32>
        %shift_left3A_526 = arith.constant 16 : i32
        %shift_left3A_527 = vector.broadcast %shift_left3A_526 : i32 to vector<16xi32>
        %shift_left3A_528 = arith.shli %get3A_525, %shift_left3A_527 : vector<16xi32>
        %bitcast_convert_type3A_529 = tpu.bitcast %shift_left3A_528 : vector<16xi32> -> vector<16xf32>
        %bitcast_convert_type3A_530 = tpu.bitcast %get3A_525 : vector<16xi32> -> vector<16xf32>
        %mul3A_531 = arith.mulf %broadcast_in_dim3A_446, %bitcast_convert_type3A_529 : vector<16xf32>
        %add3A_532 = arith.addf %add3A_413, %mul3A_531 : vector<16xf32>
        %mul3A_533 = arith.mulf %broadcast_in_dim3A_446, %bitcast_convert_type3A_530 : vector<16xf32>
        %add3A_534 = arith.addf %add3A_415, %mul3A_533 : vector<16xf32>
        %get3A_535 = arith.index_cast %select_n3A_135 : i32 to index
        %get3A_536 = arith.index_cast %add3A_450 : i32 to index
        %get3A_537 = arith.constant 96 : index
        %get3A_538 = tpu.vector_load %arg8[%get3A_535, %get3A_536, %get3A_537] {strides = array<i32>} : memref<3x112x128xi32, #tpu.memory_space<vmem>>, vector<1x1x16xi32>,
        %get3A_539 = vector.shape_cast %get3A_538 : vector<1x1x16xi32> to vector<16xi32>
        %shift_left3A_540 = arith.constant 16 : i32
        %shift_left3A_541 = vector.broadcast %shift_left3A_540 : i32 to vector<16xi32>
        %shift_left3A_542 = arith.shli %get3A_539, %shift_left3A_541 : vector<16xi32>
        %bitcast_convert_type3A_543 = tpu.bitcast %shift_left3A_542 : vector<16xi32> -> vector<16xf32>
        %bitcast_convert_type3A_544 = tpu.bitcast %get3A_539 : vector<16xi32> -> vector<16xf32>
        %mul3A_545 = arith.mulf %broadcast_in_dim3A_446, %bitcast_convert_type3A_543 : vector<16xf32>
        %add3A_546 = arith.addf %add3A_427, %mul3A_545 : vector<16xf32>
        %mul3A_547 = arith.mulf %broadcast_in_dim3A_446, %bitcast_convert_type3A_544 : vector<16xf32>
        %add3A_548 = arith.addf %add3A_429, %mul3A_547 : vector<16xf32>
        %get3A_549 = arith.index_cast %select_n3A_135 : i32 to index
        %get3A_550 = arith.index_cast %add3A_450 : i32 to index
        %get3A_551 = arith.constant 112 : index
        %get3A_552 = tpu.vector_load %arg8[%get3A_549, %get3A_550, %get3A_551] {strides = array<i32>} : memref<3x112x128xi32, #tpu.memory_space<vmem>>, vector<1x1x16xi32>,
        %get3A_553 = vector.shape_cast %get3A_552 : vector<1x1x16xi32> to vector<16xi32>
        %shift_left3A_554 = arith.constant 16 : i32
        %shift_left3A_555 = vector.broadcast %shift_left3A_554 : i32 to vector<16xi32>
        %shift_left3A_556 = arith.shli %get3A_553, %shift_left3A_555 : vector<16xi32>
        %bitcast_convert_type3A_557 = tpu.bitcast %shift_left3A_556 : vector<16xi32> -> vector<16xf32>
        %bitcast_convert_type3A_558 = tpu.bitcast %get3A_553 : vector<16xi32> -> vector<16xf32>
        %mul3A_559 = arith.mulf %broadcast_in_dim3A_446, %bitcast_convert_type3A_557 : vector<16xf32>
        %add3A_560 = arith.addf %add3A_441, %mul3A_559 : vector<16xf32>
        %mul3A_561 = arith.mulf %broadcast_in_dim3A_446, %bitcast_convert_type3A_558 : vector<16xf32>
        %add3A_562 = arith.addf %add3A_443, %mul3A_561 : vector<16xf32>
        %slice3A_563 = vector.extract_strided_slice %get3A_208 {offsets = [3], sizes = [1], strides = [1]} : vector<16xf32> to vector<1xf32>
        %squeeze3A_564 = vector.extract %slice3A_563[0] : f32 from vector<1xf32>
        %broadcast_in_dim3A_565 = vector.broadcast %squeeze3A_564 : f32 to vector<16xf32>
        %mul3A_566 = arith.constant 16 : i32
        %mul3A_567 = arith.muli %scan3A_194, %mul3A_566 : i32
        %add3A_568 = arith.constant 3 : i32
        %add3A_569 = arith.addi %mul3A_567, %add3A_568 : i32
        %get3A_570 = arith.index_cast %select_n3A_135 : i32 to index
        %get3A_571 = arith.index_cast %add3A_569 : i32 to index
        %get3A_572 = arith.constant 0 : index
        %get3A_573 = tpu.vector_load %arg8[%get3A_570, %get3A_571, %get3A_572] {strides = array<i32>} : memref<3x112x128xi32, #tpu.memory_space<vmem>>, vector<1x1x16xi32>,
        %get3A_574 = vector.shape_cast %get3A_573 : vector<1x1x16xi32> to vector<16xi32>
        %shift_left3A_575 = arith.constant 16 : i32
        %shift_left3A_576 = vector.broadcast %shift_left3A_575 : i32 to vector<16xi32>
        %shift_left3A_577 = arith.shli %get3A_574, %shift_left3A_576 : vector<16xi32>
        %bitcast_convert_type3A_578 = tpu.bitcast %shift_left3A_577 : vector<16xi32> -> vector<16xf32>
        %bitcast_convert_type3A_579 = tpu.bitcast %get3A_574 : vector<16xi32> -> vector<16xf32>
        %mul3A_580 = arith.mulf %broadcast_in_dim3A_565, %bitcast_convert_type3A_578 : vector<16xf32>
        %add3A_581 = arith.addf %add3A_462, %mul3A_580 : vector<16xf32>
        %mul3A_582 = arith.mulf %broadcast_in_dim3A_565, %bitcast_convert_type3A_579 : vector<16xf32>
        %add3A_583 = arith.addf %add3A_464, %mul3A_582 : vector<16xf32>
        %get3A_584 = arith.index_cast %select_n3A_135 : i32 to index
        %get3A_585 = arith.index_cast %add3A_569 : i32 to index
        %get3A_586 = arith.constant 16 : index
        %get3A_587 = tpu.vector_load %arg8[%get3A_584, %get3A_585, %get3A_586] {strides = array<i32>} : memref<3x112x128xi32, #tpu.memory_space<vmem>>, vector<1x1x16xi32>,
        %get3A_588 = vector.shape_cast %get3A_587 : vector<1x1x16xi32> to vector<16xi32>
        %shift_left3A_589 = arith.constant 16 : i32
        %shift_left3A_590 = vector.broadcast %shift_left3A_589 : i32 to vector<16xi32>
        %shift_left3A_591 = arith.shli %get3A_588, %shift_left3A_590 : vector<16xi32>
        %bitcast_convert_type3A_592 = tpu.bitcast %shift_left3A_591 : vector<16xi32> -> vector<16xf32>
        %bitcast_convert_type3A_593 = tpu.bitcast %get3A_588 : vector<16xi32> -> vector<16xf32>
        %mul3A_594 = arith.mulf %broadcast_in_dim3A_565, %bitcast_convert_type3A_592 : vector<16xf32>
        %add3A_595 = arith.addf %add3A_476, %mul3A_594 : vector<16xf32>
        %mul3A_596 = arith.mulf %broadcast_in_dim3A_565, %bitcast_convert_type3A_593 : vector<16xf32>
        %add3A_597 = arith.addf %add3A_478, %mul3A_596 : vector<16xf32>
        %get3A_598 = arith.index_cast %select_n3A_135 : i32 to index
        %get3A_599 = arith.index_cast %add3A_569 : i32 to index
        %get3A_600 = arith.constant 32 : index
        %get3A_601 = tpu.vector_load %arg8[%get3A_598, %get3A_599, %get3A_600] {strides = array<i32>} : memref<3x112x128xi32, #tpu.memory_space<vmem>>, vector<1x1x16xi32>,
        %get3A_602 = vector.shape_cast %get3A_601 : vector<1x1x16xi32> to vector<16xi32>
        %shift_left3A_603 = arith.constant 16 : i32
        %shift_left3A_604 = vector.broadcast %shift_left3A_603 : i32 to vector<16xi32>
        %shift_left3A_605 = arith.shli %get3A_602, %shift_left3A_604 : vector<16xi32>
        %bitcast_convert_type3A_606 = tpu.bitcast %shift_left3A_605 : vector<16xi32> -> vector<16xf32>
        %bitcast_convert_type3A_607 = tpu.bitcast %get3A_602 : vector<16xi32> -> vector<16xf32>
        %mul3A_608 = arith.mulf %broadcast_in_dim3A_565, %bitcast_convert_type3A_606 : vector<16xf32>
        %add3A_609 = arith.addf %add3A_490, %mul3A_608 : vector<16xf32>
        %mul3A_610 = arith.mulf %broadcast_in_dim3A_565, %bitcast_convert_type3A_607 : vector<16xf32>
        %add3A_611 = arith.addf %add3A_492, %mul3A_610 : vector<16xf32>
        %get3A_612 = arith.index_cast %select_n3A_135 : i32 to index
        %get3A_613 = arith.index_cast %add3A_569 : i32 to index
        %get3A_614 = arith.constant 48 : index
        %get3A_615 = tpu.vector_load %arg8[%get3A_612, %get3A_613, %get3A_614] {strides = array<i32>} : memref<3x112x128xi32, #tpu.memory_space<vmem>>, vector<1x1x16xi32>,
        %get3A_616 = vector.shape_cast %get3A_615 : vector<1x1x16xi32> to vector<16xi32>
        %shift_left3A_617 = arith.constant 16 : i32
        %shift_left3A_618 = vector.broadcast %shift_left3A_617 : i32 to vector<16xi32>
        %shift_left3A_619 = arith.shli %get3A_616, %shift_left3A_618 : vector<16xi32>
        %bitcast_convert_type3A_620 = tpu.bitcast %shift_left3A_619 : vector<16xi32> -> vector<16xf32>
        %bitcast_convert_type3A_621 = tpu.bitcast %get3A_616 : vector<16xi32> -> vector<16xf32>
        %mul3A_622 = arith.mulf %broadcast_in_dim3A_565, %bitcast_convert_type3A_620 : vector<16xf32>
        %add3A_623 = arith.addf %add3A_504, %mul3A_622 : vector<16xf32>
        %mul3A_624 = arith.mulf %broadcast_in_dim3A_565, %bitcast_convert_type3A_621 : vector<16xf32>
        %add3A_625 = arith.addf %add3A_506, %mul3A_624 : vector<16xf32>
        %get3A_626 = arith.index_cast %select_n3A_135 : i32 to index
        %get3A_627 = arith.index_cast %add3A_569 : i32 to index
        %get3A_628 = arith.constant 64 : index
        %get3A_629 = tpu.vector_load %arg8[%get3A_626, %get3A_627, %get3A_628] {strides = array<i32>} : memref<3x112x128xi32, #tpu.memory_space<vmem>>, vector<1x1x16xi32>,
        %get3A_630 = vector.shape_cast %get3A_629 : vector<1x1x16xi32> to vector<16xi32>
        %shift_left3A_631 = arith.constant 16 : i32
        %shift_left3A_632 = vector.broadcast %shift_left3A_631 : i32 to vector<16xi32>
        %shift_left3A_633 = arith.shli %get3A_630, %shift_left3A_632 : vector<16xi32>
        %bitcast_convert_type3A_634 = tpu.bitcast %shift_left3A_633 : vector<16xi32> -> vector<16xf32>
        %bitcast_convert_type3A_635 = tpu.bitcast %get3A_630 : vector<16xi32> -> vector<16xf32>
        %mul3A_636 = arith.mulf %broadcast_in_dim3A_565, %bitcast_convert_type3A_634 : vector<16xf32>
        %add3A_637 = arith.addf %add3A_518, %mul3A_636 : vector<16xf32>
        %mul3A_638 = arith.mulf %broadcast_in_dim3A_565, %bitcast_convert_type3A_635 : vector<16xf32>
        %add3A_639 = arith.addf %add3A_520, %mul3A_638 : vector<16xf32>
        %get3A_640 = arith.index_cast %select_n3A_135 : i32 to index
        %get3A_641 = arith.index_cast %add3A_569 : i32 to index
        %get3A_642 = arith.constant 80 : index
        %get3A_643 = tpu.vector_load %arg8[%get3A_640, %get3A_641, %get3A_642] {strides = array<i32>} : memref<3x112x128xi32, #tpu.memory_space<vmem>>, vector<1x1x16xi32>,
        %get3A_644 = vector.shape_cast %get3A_643 : vector<1x1x16xi32> to vector<16xi32>
        %shift_left3A_645 = arith.constant 16 : i32
        %shift_left3A_646 = vector.broadcast %shift_left3A_645 : i32 to vector<16xi32>
        %shift_left3A_647 = arith.shli %get3A_644, %shift_left3A_646 : vector<16xi32>
        %bitcast_convert_type3A_648 = tpu.bitcast %shift_left3A_647 : vector<16xi32> -> vector<16xf32>
        %bitcast_convert_type3A_649 = tpu.bitcast %get3A_644 : vector<16xi32> -> vector<16xf32>
        %mul3A_650 = arith.mulf %broadcast_in_dim3A_565, %bitcast_convert_type3A_648 : vector<16xf32>
        %add3A_651 = arith.addf %add3A_532, %mul3A_650 : vector<16xf32>
        %mul3A_652 = arith.mulf %broadcast_in_dim3A_565, %bitcast_convert_type3A_649 : vector<16xf32>
        %add3A_653 = arith.addf %add3A_534, %mul3A_652 : vector<16xf32>
        %get3A_654 = arith.index_cast %select_n3A_135 : i32 to index
        %get3A_655 = arith.index_cast %add3A_569 : i32 to index
        %get3A_656 = arith.constant 96 : index
        %get3A_657 = tpu.vector_load %arg8[%get3A_654, %get3A_655, %get3A_656] {strides = array<i32>} : memref<3x112x128xi32, #tpu.memory_space<vmem>>, vector<1x1x16xi32>,
        %get3A_658 = vector.shape_cast %get3A_657 : vector<1x1x16xi32> to vector<16xi32>
        %shift_left3A_659 = arith.constant 16 : i32
        %shift_left3A_660 = vector.broadcast %shift_left3A_659 : i32 to vector<16xi32>
        %shift_left3A_661 = arith.shli %get3A_658, %shift_left3A_660 : vector<16xi32>
        %bitcast_convert_type3A_662 = tpu.bitcast %shift_left3A_661 : vector<16xi32> -> vector<16xf32>
        %bitcast_convert_type3A_663 = tpu.bitcast %get3A_658 : vector<16xi32> -> vector<16xf32>
        %mul3A_664 = arith.mulf %broadcast_in_dim3A_565, %bitcast_convert_type3A_662 : vector<16xf32>
        %add3A_665 = arith.addf %add3A_546, %mul3A_664 : vector<16xf32>
        %mul3A_666 = arith.mulf %broadcast_in_dim3A_565, %bitcast_convert_type3A_663 : vector<16xf32>
        %add3A_667 = arith.addf %add3A_548, %mul3A_666 : vector<16xf32>
        %get3A_668 = arith.index_cast %select_n3A_135 : i32 to index
        %get3A_669 = arith.index_cast %add3A_569 : i32 to index
        %get3A_670 = arith.constant 112 : index
        %get3A_671 = tpu.vector_load %arg8[%get3A_668, %get3A_669, %get3A_670] {strides = array<i32>} : memref<3x112x128xi32, #tpu.memory_space<vmem>>, vector<1x1x16xi32>,
        %get3A_672 = vector.shape_cast %get3A_671 : vector<1x1x16xi32> to vector<16xi32>
        %shift_left3A_673 = arith.constant 16 : i32
        %shift_left3A_674 = vector.broadcast %shift_left3A_673 : i32 to vector<16xi32>
        %shift_left3A_675 = arith.shli %get3A_672, %shift_left3A_674 : vector<16xi32>
        %bitcast_convert_type3A_676 = tpu.bitcast %shift_left3A_675 : vector<16xi32> -> vector<16xf32>
        %bitcast_convert_type3A_677 = tpu.bitcast %get3A_672 : vector<16xi32> -> vector<16xf32>
        %mul3A_678 = arith.mulf %broadcast_in_dim3A_565, %bitcast_convert_type3A_676 : vector<16xf32>
        %add3A_679 = arith.addf %add3A_560, %mul3A_678 : vector<16xf32>
        %mul3A_680 = arith.mulf %broadcast_in_dim3A_565, %bitcast_convert_type3A_677 : vector<16xf32>
        %add3A_681 = arith.addf %add3A_562, %mul3A_680 : vector<16xf32>
        %slice3A_682 = vector.extract_strided_slice %get3A_208 {offsets = [4], sizes = [1], strides = [1]} : vector<16xf32> to vector<1xf32>
        %squeeze3A_683 = vector.extract %slice3A_682[0] : f32 from vector<1xf32>
        %broadcast_in_dim3A_684 = vector.broadcast %squeeze3A_683 : f32 to vector<16xf32>
        %mul3A_685 = arith.constant 16 : i32
        %mul3A_686 = arith.muli %scan3A_194, %mul3A_685 : i32
        %add3A_687 = arith.constant 4 : i32
        %add3A_688 = arith.addi %mul3A_686, %add3A_687 : i32
        %get3A_689 = arith.index_cast %select_n3A_135 : i32 to index
        %get3A_690 = arith.index_cast %add3A_688 : i32 to index
        %get3A_691 = arith.constant 0 : index
        %get3A_692 = tpu.vector_load %arg8[%get3A_689, %get3A_690, %get3A_691] {strides = array<i32>} : memref<3x112x128xi32, #tpu.memory_space<vmem>>, vector<1x1x16xi32>,
        %get3A_693 = vector.shape_cast %get3A_692 : vector<1x1x16xi32> to vector<16xi32>
        %shift_left3A_694 = arith.constant 16 : i32
        %shift_left3A_695 = vector.broadcast %shift_left3A_694 : i32 to vector<16xi32>
        %shift_left3A_696 = arith.shli %get3A_693, %shift_left3A_695 : vector<16xi32>
        %bitcast_convert_type3A_697 = tpu.bitcast %shift_left3A_696 : vector<16xi32> -> vector<16xf32>
        %bitcast_convert_type3A_698 = tpu.bitcast %get3A_693 : vector<16xi32> -> vector<16xf32>
        %mul3A_699 = arith.mulf %broadcast_in_dim3A_684, %bitcast_convert_type3A_697 : vector<16xf32>
        %add3A_700 = arith.addf %add3A_581, %mul3A_699 : vector<16xf32>
        %mul3A_701 = arith.mulf %broadcast_in_dim3A_684, %bitcast_convert_type3A_698 : vector<16xf32>
        %add3A_702 = arith.addf %add3A_583, %mul3A_701 : vector<16xf32>
        %get3A_703 = arith.index_cast %select_n3A_135 : i32 to index
        %get3A_704 = arith.index_cast %add3A_688 : i32 to index
        %get3A_705 = arith.constant 16 : index
        %get3A_706 = tpu.vector_load %arg8[%get3A_703, %get3A_704, %get3A_705] {strides = array<i32>} : memref<3x112x128xi32, #tpu.memory_space<vmem>>, vector<1x1x16xi32>,
        %get3A_707 = vector.shape_cast %get3A_706 : vector<1x1x16xi32> to vector<16xi32>
        %shift_left3A_708 = arith.constant 16 : i32
        %shift_left3A_709 = vector.broadcast %shift_left3A_708 : i32 to vector<16xi32>
        %shift_left3A_710 = arith.shli %get3A_707, %shift_left3A_709 : vector<16xi32>
        %bitcast_convert_type3A_711 = tpu.bitcast %shift_left3A_710 : vector<16xi32> -> vector<16xf32>
        %bitcast_convert_type3A_712 = tpu.bitcast %get3A_707 : vector<16xi32> -> vector<16xf32>
        %mul3A_713 = arith.mulf %broadcast_in_dim3A_684, %bitcast_convert_type3A_711 : vector<16xf32>
        %add3A_714 = arith.addf %add3A_595, %mul3A_713 : vector<16xf32>
        %mul3A_715 = arith.mulf %broadcast_in_dim3A_684, %bitcast_convert_type3A_712 : vector<16xf32>
        %add3A_716 = arith.addf %add3A_597, %mul3A_715 : vector<16xf32>
        %get3A_717 = arith.index_cast %select_n3A_135 : i32 to index
        %get3A_718 = arith.index_cast %add3A_688 : i32 to index
        %get3A_719 = arith.constant 32 : index
        %get3A_720 = tpu.vector_load %arg8[%get3A_717, %get3A_718, %get3A_719] {strides = array<i32>} : memref<3x112x128xi32, #tpu.memory_space<vmem>>, vector<1x1x16xi32>,
        %get3A_721 = vector.shape_cast %get3A_720 : vector<1x1x16xi32> to vector<16xi32>
        %shift_left3A_722 = arith.constant 16 : i32
        %shift_left3A_723 = vector.broadcast %shift_left3A_722 : i32 to vector<16xi32>
        %shift_left3A_724 = arith.shli %get3A_721, %shift_left3A_723 : vector<16xi32>
        %bitcast_convert_type3A_725 = tpu.bitcast %shift_left3A_724 : vector<16xi32> -> vector<16xf32>
        %bitcast_convert_type3A_726 = tpu.bitcast %get3A_721 : vector<16xi32> -> vector<16xf32>
        %mul3A_727 = arith.mulf %broadcast_in_dim3A_684, %bitcast_convert_type3A_725 : vector<16xf32>
        %add3A_728 = arith.addf %add3A_609, %mul3A_727 : vector<16xf32>
        %mul3A_729 = arith.mulf %broadcast_in_dim3A_684, %bitcast_convert_type3A_726 : vector<16xf32>
        %add3A_730 = arith.addf %add3A_611, %mul3A_729 : vector<16xf32>
        %get3A_731 = arith.index_cast %select_n3A_135 : i32 to index
        %get3A_732 = arith.index_cast %add3A_688 : i32 to index
        %get3A_733 = arith.constant 48 : index
        %get3A_734 = tpu.vector_load %arg8[%get3A_731, %get3A_732, %get3A_733] {strides = array<i32>} : memref<3x112x128xi32, #tpu.memory_space<vmem>>, vector<1x1x16xi32>,
        %get3A_735 = vector.shape_cast %get3A_734 : vector<1x1x16xi32> to vector<16xi32>
        %shift_left3A_736 = arith.constant 16 : i32
        %shift_left3A_737 = vector.broadcast %shift_left3A_736 : i32 to vector<16xi32>
        %shift_left3A_738 = arith.shli %get3A_735, %shift_left3A_737 : vector<16xi32>
        %bitcast_convert_type3A_739 = tpu.bitcast %shift_left3A_738 : vector<16xi32> -> vector<16xf32>
        %bitcast_convert_type3A_740 = tpu.bitcast %get3A_735 : vector<16xi32> -> vector<16xf32>
        %mul3A_741 = arith.mulf %broadcast_in_dim3A_684, %bitcast_convert_type3A_739 : vector<16xf32>
        %add3A_742 = arith.addf %add3A_623, %mul3A_741 : vector<16xf32>
        %mul3A_743 = arith.mulf %broadcast_in_dim3A_684, %bitcast_convert_type3A_740 : vector<16xf32>
        %add3A_744 = arith.addf %add3A_625, %mul3A_743 : vector<16xf32>
        %get3A_745 = arith.index_cast %select_n3A_135 : i32 to index
        %get3A_746 = arith.index_cast %add3A_688 : i32 to index
        %get3A_747 = arith.constant 64 : index
        %get3A_748 = tpu.vector_load %arg8[%get3A_745, %get3A_746, %get3A_747] {strides = array<i32>} : memref<3x112x128xi32, #tpu.memory_space<vmem>>, vector<1x1x16xi32>,
        %get3A_749 = vector.shape_cast %get3A_748 : vector<1x1x16xi32> to vector<16xi32>
        %shift_left3A_750 = arith.constant 16 : i32
        %shift_left3A_751 = vector.broadcast %shift_left3A_750 : i32 to vector<16xi32>
        %shift_left3A_752 = arith.shli %get3A_749, %shift_left3A_751 : vector<16xi32>
        %bitcast_convert_type3A_753 = tpu.bitcast %shift_left3A_752 : vector<16xi32> -> vector<16xf32>
        %bitcast_convert_type3A_754 = tpu.bitcast %get3A_749 : vector<16xi32> -> vector<16xf32>
        %mul3A_755 = arith.mulf %broadcast_in_dim3A_684, %bitcast_convert_type3A_753 : vector<16xf32>
        %add3A_756 = arith.addf %add3A_637, %mul3A_755 : vector<16xf32>
        %mul3A_757 = arith.mulf %broadcast_in_dim3A_684, %bitcast_convert_type3A_754 : vector<16xf32>
        %add3A_758 = arith.addf %add3A_639, %mul3A_757 : vector<16xf32>
        %get3A_759 = arith.index_cast %select_n3A_135 : i32 to index
        %get3A_760 = arith.index_cast %add3A_688 : i32 to index
        %get3A_761 = arith.constant 80 : index
        %get3A_762 = tpu.vector_load %arg8[%get3A_759, %get3A_760, %get3A_761] {strides = array<i32>} : memref<3x112x128xi32, #tpu.memory_space<vmem>>, vector<1x1x16xi32>,
        %get3A_763 = vector.shape_cast %get3A_762 : vector<1x1x16xi32> to vector<16xi32>
        %shift_left3A_764 = arith.constant 16 : i32
        %shift_left3A_765 = vector.broadcast %shift_left3A_764 : i32 to vector<16xi32>
        %shift_left3A_766 = arith.shli %get3A_763, %shift_left3A_765 : vector<16xi32>
        %bitcast_convert_type3A_767 = tpu.bitcast %shift_left3A_766 : vector<16xi32> -> vector<16xf32>
        %bitcast_convert_type3A_768 = tpu.bitcast %get3A_763 : vector<16xi32> -> vector<16xf32>
        %mul3A_769 = arith.mulf %broadcast_in_dim3A_684, %bitcast_convert_type3A_767 : vector<16xf32>
        %add3A_770 = arith.addf %add3A_651, %mul3A_769 : vector<16xf32>
        %mul3A_771 = arith.mulf %broadcast_in_dim3A_684, %bitcast_convert_type3A_768 : vector<16xf32>
        %add3A_772 = arith.addf %add3A_653, %mul3A_771 : vector<16xf32>
        %get3A_773 = arith.index_cast %select_n3A_135 : i32 to index
        %get3A_774 = arith.index_cast %add3A_688 : i32 to index
        %get3A_775 = arith.constant 96 : index
        %get3A_776 = tpu.vector_load %arg8[%get3A_773, %get3A_774, %get3A_775] {strides = array<i32>} : memref<3x112x128xi32, #tpu.memory_space<vmem>>, vector<1x1x16xi32>,
        %get3A_777 = vector.shape_cast %get3A_776 : vector<1x1x16xi32> to vector<16xi32>
        %shift_left3A_778 = arith.constant 16 : i32
        %shift_left3A_779 = vector.broadcast %shift_left3A_778 : i32 to vector<16xi32>
        %shift_left3A_780 = arith.shli %get3A_777, %shift_left3A_779 : vector<16xi32>
        %bitcast_convert_type3A_781 = tpu.bitcast %shift_left3A_780 : vector<16xi32> -> vector<16xf32>
        %bitcast_convert_type3A_782 = tpu.bitcast %get3A_777 : vector<16xi32> -> vector<16xf32>
        %mul3A_783 = arith.mulf %broadcast_in_dim3A_684, %bitcast_convert_type3A_781 : vector<16xf32>
        %add3A_784 = arith.addf %add3A_665, %mul3A_783 : vector<16xf32>
        %mul3A_785 = arith.mulf %broadcast_in_dim3A_684, %bitcast_convert_type3A_782 : vector<16xf32>
        %add3A_786 = arith.addf %add3A_667, %mul3A_785 : vector<16xf32>
        %get3A_787 = arith.index_cast %select_n3A_135 : i32 to index
        %get3A_788 = arith.index_cast %add3A_688 : i32 to index
        %get3A_789 = arith.constant 112 : index
        %get3A_790 = tpu.vector_load %arg8[%get3A_787, %get3A_788, %get3A_789] {strides = array<i32>} : memref<3x112x128xi32, #tpu.memory_space<vmem>>, vector<1x1x16xi32>,
        %get3A_791 = vector.shape_cast %get3A_790 : vector<1x1x16xi32> to vector<16xi32>
        %shift_left3A_792 = arith.constant 16 : i32
        %shift_left3A_793 = vector.broadcast %shift_left3A_792 : i32 to vector<16xi32>
        %shift_left3A_794 = arith.shli %get3A_791, %shift_left3A_793 : vector<16xi32>
        %bitcast_convert_type3A_795 = tpu.bitcast %shift_left3A_794 : vector<16xi32> -> vector<16xf32>
        %bitcast_convert_type3A_796 = tpu.bitcast %get3A_791 : vector<16xi32> -> vector<16xf32>
        %mul3A_797 = arith.mulf %broadcast_in_dim3A_684, %bitcast_convert_type3A_795 : vector<16xf32>
        %add3A_798 = arith.addf %add3A_679, %mul3A_797 : vector<16xf32>
        %mul3A_799 = arith.mulf %broadcast_in_dim3A_684, %bitcast_convert_type3A_796 : vector<16xf32>
        %add3A_800 = arith.addf %add3A_681, %mul3A_799 : vector<16xf32>
        %slice3A_801 = vector.extract_strided_slice %get3A_208 {offsets = [5], sizes = [1], strides = [1]} : vector<16xf32> to vector<1xf32>
        %squeeze3A_802 = vector.extract %slice3A_801[0] : f32 from vector<1xf32>
        %broadcast_in_dim3A_803 = vector.broadcast %squeeze3A_802 : f32 to vector<16xf32>
        %mul3A_804 = arith.constant 16 : i32
        %mul3A_805 = arith.muli %scan3A_194, %mul3A_804 : i32
        %add3A_806 = arith.constant 5 : i32
        %add3A_807 = arith.addi %mul3A_805, %add3A_806 : i32
        %get3A_808 = arith.index_cast %select_n3A_135 : i32 to index
        %get3A_809 = arith.index_cast %add3A_807 : i32 to index
        %get3A_810 = arith.constant 0 : index
        %get3A_811 = tpu.vector_load %arg8[%get3A_808, %get3A_809, %get3A_810] {strides = array<i32>} : memref<3x112x128xi32, #tpu.memory_space<vmem>>, vector<1x1x16xi32>,
        %get3A_812 = vector.shape_cast %get3A_811 : vector<1x1x16xi32> to vector<16xi32>
        %shift_left3A_813 = arith.constant 16 : i32
        %shift_left3A_814 = vector.broadcast %shift_left3A_813 : i32 to vector<16xi32>
        %shift_left3A_815 = arith.shli %get3A_812, %shift_left3A_814 : vector<16xi32>
        %bitcast_convert_type3A_816 = tpu.bitcast %shift_left3A_815 : vector<16xi32> -> vector<16xf32>
        %bitcast_convert_type3A_817 = tpu.bitcast %get3A_812 : vector<16xi32> -> vector<16xf32>
        %mul3A_818 = arith.mulf %broadcast_in_dim3A_803, %bitcast_convert_type3A_816 : vector<16xf32>
        %add3A_819 = arith.addf %add3A_700, %mul3A_818 : vector<16xf32>
        %mul3A_820 = arith.mulf %broadcast_in_dim3A_803, %bitcast_convert_type3A_817 : vector<16xf32>
        %add3A_821 = arith.addf %add3A_702, %mul3A_820 : vector<16xf32>
        %get3A_822 = arith.index_cast %select_n3A_135 : i32 to index
        %get3A_823 = arith.index_cast %add3A_807 : i32 to index
        %get3A_824 = arith.constant 16 : index
        %get3A_825 = tpu.vector_load %arg8[%get3A_822, %get3A_823, %get3A_824] {strides = array<i32>} : memref<3x112x128xi32, #tpu.memory_space<vmem>>, vector<1x1x16xi32>,
        %get3A_826 = vector.shape_cast %get3A_825 : vector<1x1x16xi32> to vector<16xi32>
        %shift_left3A_827 = arith.constant 16 : i32
        %shift_left3A_828 = vector.broadcast %shift_left3A_827 : i32 to vector<16xi32>
        %shift_left3A_829 = arith.shli %get3A_826, %shift_left3A_828 : vector<16xi32>
        %bitcast_convert_type3A_830 = tpu.bitcast %shift_left3A_829 : vector<16xi32> -> vector<16xf32>
        %bitcast_convert_type3A_831 = tpu.bitcast %get3A_826 : vector<16xi32> -> vector<16xf32>
        %mul3A_832 = arith.mulf %broadcast_in_dim3A_803, %bitcast_convert_type3A_830 : vector<16xf32>
        %add3A_833 = arith.addf %add3A_714, %mul3A_832 : vector<16xf32>
        %mul3A_834 = arith.mulf %broadcast_in_dim3A_803, %bitcast_convert_type3A_831 : vector<16xf32>
        %add3A_835 = arith.addf %add3A_716, %mul3A_834 : vector<16xf32>
        %get3A_836 = arith.index_cast %select_n3A_135 : i32 to index
        %get3A_837 = arith.index_cast %add3A_807 : i32 to index
        %get3A_838 = arith.constant 32 : index
        %get3A_839 = tpu.vector_load %arg8[%get3A_836, %get3A_837, %get3A_838] {strides = array<i32>} : memref<3x112x128xi32, #tpu.memory_space<vmem>>, vector<1x1x16xi32>,
        %get3A_840 = vector.shape_cast %get3A_839 : vector<1x1x16xi32> to vector<16xi32>
        %shift_left3A_841 = arith.constant 16 : i32
        %shift_left3A_842 = vector.broadcast %shift_left3A_841 : i32 to vector<16xi32>
        %shift_left3A_843 = arith.shli %get3A_840, %shift_left3A_842 : vector<16xi32>
        %bitcast_convert_type3A_844 = tpu.bitcast %shift_left3A_843 : vector<16xi32> -> vector<16xf32>
        %bitcast_convert_type3A_845 = tpu.bitcast %get3A_840 : vector<16xi32> -> vector<16xf32>
        %mul3A_846 = arith.mulf %broadcast_in_dim3A_803, %bitcast_convert_type3A_844 : vector<16xf32>
        %add3A_847 = arith.addf %add3A_728, %mul3A_846 : vector<16xf32>
        %mul3A_848 = arith.mulf %broadcast_in_dim3A_803, %bitcast_convert_type3A_845 : vector<16xf32>
        %add3A_849 = arith.addf %add3A_730, %mul3A_848 : vector<16xf32>
        %get3A_850 = arith.index_cast %select_n3A_135 : i32 to index
        %get3A_851 = arith.index_cast %add3A_807 : i32 to index
        %get3A_852 = arith.constant 48 : index
        %get3A_853 = tpu.vector_load %arg8[%get3A_850, %get3A_851, %get3A_852] {strides = array<i32>} : memref<3x112x128xi32, #tpu.memory_space<vmem>>, vector<1x1x16xi32>,
        %get3A_854 = vector.shape_cast %get3A_853 : vector<1x1x16xi32> to vector<16xi32>
        %shift_left3A_855 = arith.constant 16 : i32
        %shift_left3A_856 = vector.broadcast %shift_left3A_855 : i32 to vector<16xi32>
        %shift_left3A_857 = arith.shli %get3A_854, %shift_left3A_856 : vector<16xi32>
        %bitcast_convert_type3A_858 = tpu.bitcast %shift_left3A_857 : vector<16xi32> -> vector<16xf32>
        %bitcast_convert_type3A_859 = tpu.bitcast %get3A_854 : vector<16xi32> -> vector<16xf32>
        %mul3A_860 = arith.mulf %broadcast_in_dim3A_803, %bitcast_convert_type3A_858 : vector<16xf32>
        %add3A_861 = arith.addf %add3A_742, %mul3A_860 : vector<16xf32>
        %mul3A_862 = arith.mulf %broadcast_in_dim3A_803, %bitcast_convert_type3A_859 : vector<16xf32>
        %add3A_863 = arith.addf %add3A_744, %mul3A_862 : vector<16xf32>
        %get3A_864 = arith.index_cast %select_n3A_135 : i32 to index
        %get3A_865 = arith.index_cast %add3A_807 : i32 to index
        %get3A_866 = arith.constant 64 : index
        %get3A_867 = tpu.vector_load %arg8[%get3A_864, %get3A_865, %get3A_866] {strides = array<i32>} : memref<3x112x128xi32, #tpu.memory_space<vmem>>, vector<1x1x16xi32>,
        %get3A_868 = vector.shape_cast %get3A_867 : vector<1x1x16xi32> to vector<16xi32>
        %shift_left3A_869 = arith.constant 16 : i32
        %shift_left3A_870 = vector.broadcast %shift_left3A_869 : i32 to vector<16xi32>
        %shift_left3A_871 = arith.shli %get3A_868, %shift_left3A_870 : vector<16xi32>
        %bitcast_convert_type3A_872 = tpu.bitcast %shift_left3A_871 : vector<16xi32> -> vector<16xf32>
        %bitcast_convert_type3A_873 = tpu.bitcast %get3A_868 : vector<16xi32> -> vector<16xf32>
        %mul3A_874 = arith.mulf %broadcast_in_dim3A_803, %bitcast_convert_type3A_872 : vector<16xf32>
        %add3A_875 = arith.addf %add3A_756, %mul3A_874 : vector<16xf32>
        %mul3A_876 = arith.mulf %broadcast_in_dim3A_803, %bitcast_convert_type3A_873 : vector<16xf32>
        %add3A_877 = arith.addf %add3A_758, %mul3A_876 : vector<16xf32>
        %get3A_878 = arith.index_cast %select_n3A_135 : i32 to index
        %get3A_879 = arith.index_cast %add3A_807 : i32 to index
        %get3A_880 = arith.constant 80 : index
        %get3A_881 = tpu.vector_load %arg8[%get3A_878, %get3A_879, %get3A_880] {strides = array<i32>} : memref<3x112x128xi32, #tpu.memory_space<vmem>>, vector<1x1x16xi32>,
        %get3A_882 = vector.shape_cast %get3A_881 : vector<1x1x16xi32> to vector<16xi32>
        %shift_left3A_883 = arith.constant 16 : i32
        %shift_left3A_884 = vector.broadcast %shift_left3A_883 : i32 to vector<16xi32>
        %shift_left3A_885 = arith.shli %get3A_882, %shift_left3A_884 : vector<16xi32>
        %bitcast_convert_type3A_886 = tpu.bitcast %shift_left3A_885 : vector<16xi32> -> vector<16xf32>
        %bitcast_convert_type3A_887 = tpu.bitcast %get3A_882 : vector<16xi32> -> vector<16xf32>
        %mul3A_888 = arith.mulf %broadcast_in_dim3A_803, %bitcast_convert_type3A_886 : vector<16xf32>
        %add3A_889 = arith.addf %add3A_770, %mul3A_888 : vector<16xf32>
        %mul3A_890 = arith.mulf %broadcast_in_dim3A_803, %bitcast_convert_type3A_887 : vector<16xf32>
        %add3A_891 = arith.addf %add3A_772, %mul3A_890 : vector<16xf32>
        %get3A_892 = arith.index_cast %select_n3A_135 : i32 to index
        %get3A_893 = arith.index_cast %add3A_807 : i32 to index
        %get3A_894 = arith.constant 96 : index
        %get3A_895 = tpu.vector_load %arg8[%get3A_892, %get3A_893, %get3A_894] {strides = array<i32>} : memref<3x112x128xi32, #tpu.memory_space<vmem>>, vector<1x1x16xi32>,
        %get3A_896 = vector.shape_cast %get3A_895 : vector<1x1x16xi32> to vector<16xi32>
        %shift_left3A_897 = arith.constant 16 : i32
        %shift_left3A_898 = vector.broadcast %shift_left3A_897 : i32 to vector<16xi32>
        %shift_left3A_899 = arith.shli %get3A_896, %shift_left3A_898 : vector<16xi32>
        %bitcast_convert_type3A_900 = tpu.bitcast %shift_left3A_899 : vector<16xi32> -> vector<16xf32>
        %bitcast_convert_type3A_901 = tpu.bitcast %get3A_896 : vector<16xi32> -> vector<16xf32>
        %mul3A_902 = arith.mulf %broadcast_in_dim3A_803, %bitcast_convert_type3A_900 : vector<16xf32>
        %add3A_903 = arith.addf %add3A_784, %mul3A_902 : vector<16xf32>
        %mul3A_904 = arith.mulf %broadcast_in_dim3A_803, %bitcast_convert_type3A_901 : vector<16xf32>
        %add3A_905 = arith.addf %add3A_786, %mul3A_904 : vector<16xf32>
        %get3A_906 = arith.index_cast %select_n3A_135 : i32 to index
        %get3A_907 = arith.index_cast %add3A_807 : i32 to index
        %get3A_908 = arith.constant 112 : index
        %get3A_909 = tpu.vector_load %arg8[%get3A_906, %get3A_907, %get3A_908] {strides = array<i32>} : memref<3x112x128xi32, #tpu.memory_space<vmem>>, vector<1x1x16xi32>,
        %get3A_910 = vector.shape_cast %get3A_909 : vector<1x1x16xi32> to vector<16xi32>
        %shift_left3A_911 = arith.constant 16 : i32
        %shift_left3A_912 = vector.broadcast %shift_left3A_911 : i32 to vector<16xi32>
        %shift_left3A_913 = arith.shli %get3A_910, %shift_left3A_912 : vector<16xi32>
        %bitcast_convert_type3A_914 = tpu.bitcast %shift_left3A_913 : vector<16xi32> -> vector<16xf32>
        %bitcast_convert_type3A_915 = tpu.bitcast %get3A_910 : vector<16xi32> -> vector<16xf32>
        %mul3A_916 = arith.mulf %broadcast_in_dim3A_803, %bitcast_convert_type3A_914 : vector<16xf32>
        %add3A_917 = arith.addf %add3A_798, %mul3A_916 : vector<16xf32>
        %mul3A_918 = arith.mulf %broadcast_in_dim3A_803, %bitcast_convert_type3A_915 : vector<16xf32>
        %add3A_919 = arith.addf %add3A_800, %mul3A_918 : vector<16xf32>
        %slice3A_920 = vector.extract_strided_slice %get3A_208 {offsets = [6], sizes = [1], strides = [1]} : vector<16xf32> to vector<1xf32>
        %squeeze3A_921 = vector.extract %slice3A_920[0] : f32 from vector<1xf32>
        %broadcast_in_dim3A_922 = vector.broadcast %squeeze3A_921 : f32 to vector<16xf32>
        %mul3A_923 = arith.constant 16 : i32
        %mul3A_924 = arith.muli %scan3A_194, %mul3A_923 : i32
        %add3A_925 = arith.constant 6 : i32
        %add3A_926 = arith.addi %mul3A_924, %add3A_925 : i32
        %get3A_927 = arith.index_cast %select_n3A_135 : i32 to index
        %get3A_928 = arith.index_cast %add3A_926 : i32 to index
        %get3A_929 = arith.constant 0 : index
        %get3A_930 = tpu.vector_load %arg8[%get3A_927, %get3A_928, %get3A_929] {strides = array<i32>} : memref<3x112x128xi32, #tpu.memory_space<vmem>>, vector<1x1x16xi32>,
        %get3A_931 = vector.shape_cast %get3A_930 : vector<1x1x16xi32> to vector<16xi32>
        %shift_left3A_932 = arith.constant 16 : i32
        %shift_left3A_933 = vector.broadcast %shift_left3A_932 : i32 to vector<16xi32>
        %shift_left3A_934 = arith.shli %get3A_931, %shift_left3A_933 : vector<16xi32>
        %bitcast_convert_type3A_935 = tpu.bitcast %shift_left3A_934 : vector<16xi32> -> vector<16xf32>
        %bitcast_convert_type3A_936 = tpu.bitcast %get3A_931 : vector<16xi32> -> vector<16xf32>
        %mul3A_937 = arith.mulf %broadcast_in_dim3A_922, %bitcast_convert_type3A_935 : vector<16xf32>
        %add3A_938 = arith.addf %add3A_819, %mul3A_937 : vector<16xf32>
        %mul3A_939 = arith.mulf %broadcast_in_dim3A_922, %bitcast_convert_type3A_936 : vector<16xf32>
        %add3A_940 = arith.addf %add3A_821, %mul3A_939 : vector<16xf32>
        %get3A_941 = arith.index_cast %select_n3A_135 : i32 to index
        %get3A_942 = arith.index_cast %add3A_926 : i32 to index
        %get3A_943 = arith.constant 16 : index
        %get3A_944 = tpu.vector_load %arg8[%get3A_941, %get3A_942, %get3A_943] {strides = array<i32>} : memref<3x112x128xi32, #tpu.memory_space<vmem>>, vector<1x1x16xi32>,
        %get3A_945 = vector.shape_cast %get3A_944 : vector<1x1x16xi32> to vector<16xi32>
        %shift_left3A_946 = arith.constant 16 : i32
        %shift_left3A_947 = vector.broadcast %shift_left3A_946 : i32 to vector<16xi32>
        %shift_left3A_948 = arith.shli %get3A_945, %shift_left3A_947 : vector<16xi32>
        %bitcast_convert_type3A_949 = tpu.bitcast %shift_left3A_948 : vector<16xi32> -> vector<16xf32>
        %bitcast_convert_type3A_950 = tpu.bitcast %get3A_945 : vector<16xi32> -> vector<16xf32>
        %mul3A_951 = arith.mulf %broadcast_in_dim3A_922, %bitcast_convert_type3A_949 : vector<16xf32>
        %add3A_952 = arith.addf %add3A_833, %mul3A_951 : vector<16xf32>
        %mul3A_953 = arith.mulf %broadcast_in_dim3A_922, %bitcast_convert_type3A_950 : vector<16xf32>
        %add3A_954 = arith.addf %add3A_835, %mul3A_953 : vector<16xf32>
        %get3A_955 = arith.index_cast %select_n3A_135 : i32 to index
        %get3A_956 = arith.index_cast %add3A_926 : i32 to index
        %get3A_957 = arith.constant 32 : index
        %get3A_958 = tpu.vector_load %arg8[%get3A_955, %get3A_956, %get3A_957] {strides = array<i32>} : memref<3x112x128xi32, #tpu.memory_space<vmem>>, vector<1x1x16xi32>,
        %get3A_959 = vector.shape_cast %get3A_958 : vector<1x1x16xi32> to vector<16xi32>
        %shift_left3A_960 = arith.constant 16 : i32
        %shift_left3A_961 = vector.broadcast %shift_left3A_960 : i32 to vector<16xi32>
        %shift_left3A_962 = arith.shli %get3A_959, %shift_left3A_961 : vector<16xi32>
        %bitcast_convert_type3A_963 = tpu.bitcast %shift_left3A_962 : vector<16xi32> -> vector<16xf32>
        %bitcast_convert_type3A_964 = tpu.bitcast %get3A_959 : vector<16xi32> -> vector<16xf32>
        %mul3A_965 = arith.mulf %broadcast_in_dim3A_922, %bitcast_convert_type3A_963 : vector<16xf32>
        %add3A_966 = arith.addf %add3A_847, %mul3A_965 : vector<16xf32>
        %mul3A_967 = arith.mulf %broadcast_in_dim3A_922, %bitcast_convert_type3A_964 : vector<16xf32>
        %add3A_968 = arith.addf %add3A_849, %mul3A_967 : vector<16xf32>
        %get3A_969 = arith.index_cast %select_n3A_135 : i32 to index
        %get3A_970 = arith.index_cast %add3A_926 : i32 to index
        %get3A_971 = arith.constant 48 : index
        %get3A_972 = tpu.vector_load %arg8[%get3A_969, %get3A_970, %get3A_971] {strides = array<i32>} : memref<3x112x128xi32, #tpu.memory_space<vmem>>, vector<1x1x16xi32>,
        %get3A_973 = vector.shape_cast %get3A_972 : vector<1x1x16xi32> to vector<16xi32>
        %shift_left3A_974 = arith.constant 16 : i32
        %shift_left3A_975 = vector.broadcast %shift_left3A_974 : i32 to vector<16xi32>
        %shift_left3A_976 = arith.shli %get3A_973, %shift_left3A_975 : vector<16xi32>
        %bitcast_convert_type3A_977 = tpu.bitcast %shift_left3A_976 : vector<16xi32> -> vector<16xf32>
        %bitcast_convert_type3A_978 = tpu.bitcast %get3A_973 : vector<16xi32> -> vector<16xf32>
        %mul3A_979 = arith.mulf %broadcast_in_dim3A_922, %bitcast_convert_type3A_977 : vector<16xf32>
        %add3A_980 = arith.addf %add3A_861, %mul3A_979 : vector<16xf32>
        %mul3A_981 = arith.mulf %broadcast_in_dim3A_922, %bitcast_convert_type3A_978 : vector<16xf32>
        %add3A_982 = arith.addf %add3A_863, %mul3A_981 : vector<16xf32>
        %get3A_983 = arith.index_cast %select_n3A_135 : i32 to index
        %get3A_984 = arith.index_cast %add3A_926 : i32 to index
        %get3A_985 = arith.constant 64 : index
        %get3A_986 = tpu.vector_load %arg8[%get3A_983, %get3A_984, %get3A_985] {strides = array<i32>} : memref<3x112x128xi32, #tpu.memory_space<vmem>>, vector<1x1x16xi32>,
        %get3A_987 = vector.shape_cast %get3A_986 : vector<1x1x16xi32> to vector<16xi32>
        %shift_left3A_988 = arith.constant 16 : i32
        %shift_left3A_989 = vector.broadcast %shift_left3A_988 : i32 to vector<16xi32>
        %shift_left3A_990 = arith.shli %get3A_987, %shift_left3A_989 : vector<16xi32>
        %bitcast_convert_type3A_991 = tpu.bitcast %shift_left3A_990 : vector<16xi32> -> vector<16xf32>
        %bitcast_convert_type3A_992 = tpu.bitcast %get3A_987 : vector<16xi32> -> vector<16xf32>
        %mul3A_993 = arith.mulf %broadcast_in_dim3A_922, %bitcast_convert_type3A_991 : vector<16xf32>
        %add3A_994 = arith.addf %add3A_875, %mul3A_993 : vector<16xf32>
        %mul3A_995 = arith.mulf %broadcast_in_dim3A_922, %bitcast_convert_type3A_992 : vector<16xf32>
        %add3A_996 = arith.addf %add3A_877, %mul3A_995 : vector<16xf32>
        %get3A_997 = arith.index_cast %select_n3A_135 : i32 to index
        %get3A_998 = arith.index_cast %add3A_926 : i32 to index
        %get3A_999 = arith.constant 80 : index
        %get3A_1000 = tpu.vector_load %arg8[%get3A_997, %get3A_998, %get3A_999] {strides = array<i32>} : memref<3x112x128xi32, #tpu.memory_space<vmem>>, vector<1x1x16xi32>,
        %get3A_1001 = vector.shape_cast %get3A_1000 : vector<1x1x16xi32> to vector<16xi32>
        %shift_left3A_1002 = arith.constant 16 : i32
        %shift_left3A_1003 = vector.broadcast %shift_left3A_1002 : i32 to vector<16xi32>
        %shift_left3A_1004 = arith.shli %get3A_1001, %shift_left3A_1003 : vector<16xi32>
        %bitcast_convert_type3A_1005 = tpu.bitcast %shift_left3A_1004 : vector<16xi32> -> vector<16xf32>
        %bitcast_convert_type3A_1006 = tpu.bitcast %get3A_1001 : vector<16xi32> -> vector<16xf32>
        %mul3A_1007 = arith.mulf %broadcast_in_dim3A_922, %bitcast_convert_type3A_1005 : vector<16xf32>
        %add3A_1008 = arith.addf %add3A_889, %mul3A_1007 : vector<16xf32>
        %mul3A_1009 = arith.mulf %broadcast_in_dim3A_922, %bitcast_convert_type3A_1006 : vector<16xf32>
        %add3A_1010 = arith.addf %add3A_891, %mul3A_1009 : vector<16xf32>
        %get3A_1011 = arith.index_cast %select_n3A_135 : i32 to index
        %get3A_1012 = arith.index_cast %add3A_926 : i32 to index
        %get3A_1013 = arith.constant 96 : index
        %get3A_1014 = tpu.vector_load %arg8[%get3A_1011, %get3A_1012, %get3A_1013] {strides = array<i32>} : memref<3x112x128xi32, #tpu.memory_space<vmem>>, vector<1x1x16xi32>,
        %get3A_1015 = vector.shape_cast %get3A_1014 : vector<1x1x16xi32> to vector<16xi32>
        %shift_left3A_1016 = arith.constant 16 : i32
        %shift_left3A_1017 = vector.broadcast %shift_left3A_1016 : i32 to vector<16xi32>
        %shift_left3A_1018 = arith.shli %get3A_1015, %shift_left3A_1017 : vector<16xi32>
        %bitcast_convert_type3A_1019 = tpu.bitcast %shift_left3A_1018 : vector<16xi32> -> vector<16xf32>
        %bitcast_convert_type3A_1020 = tpu.bitcast %get3A_1015 : vector<16xi32> -> vector<16xf32>
        %mul3A_1021 = arith.mulf %broadcast_in_dim3A_922, %bitcast_convert_type3A_1019 : vector<16xf32>
        %add3A_1022 = arith.addf %add3A_903, %mul3A_1021 : vector<16xf32>
        %mul3A_1023 = arith.mulf %broadcast_in_dim3A_922, %bitcast_convert_type3A_1020 : vector<16xf32>
        %add3A_1024 = arith.addf %add3A_905, %mul3A_1023 : vector<16xf32>
        %get3A_1025 = arith.index_cast %select_n3A_135 : i32 to index
        %get3A_1026 = arith.index_cast %add3A_926 : i32 to index
        %get3A_1027 = arith.constant 112 : index
        %get3A_1028 = tpu.vector_load %arg8[%get3A_1025, %get3A_1026, %get3A_1027] {strides = array<i32>} : memref<3x112x128xi32, #tpu.memory_space<vmem>>, vector<1x1x16xi32>,
        %get3A_1029 = vector.shape_cast %get3A_1028 : vector<1x1x16xi32> to vector<16xi32>
        %shift_left3A_1030 = arith.constant 16 : i32
        %shift_left3A_1031 = vector.broadcast %shift_left3A_1030 : i32 to vector<16xi32>
        %shift_left3A_1032 = arith.shli %get3A_1029, %shift_left3A_1031 : vector<16xi32>
        %bitcast_convert_type3A_1033 = tpu.bitcast %shift_left3A_1032 : vector<16xi32> -> vector<16xf32>
        %bitcast_convert_type3A_1034 = tpu.bitcast %get3A_1029 : vector<16xi32> -> vector<16xf32>
        %mul3A_1035 = arith.mulf %broadcast_in_dim3A_922, %bitcast_convert_type3A_1033 : vector<16xf32>
        %add3A_1036 = arith.addf %add3A_917, %mul3A_1035 : vector<16xf32>
        %mul3A_1037 = arith.mulf %broadcast_in_dim3A_922, %bitcast_convert_type3A_1034 : vector<16xf32>
        %add3A_1038 = arith.addf %add3A_919, %mul3A_1037 : vector<16xf32>
        %slice3A_1039 = vector.extract_strided_slice %get3A_208 {offsets = [7], sizes = [1], strides = [1]} : vector<16xf32> to vector<1xf32>
        %squeeze3A_1040 = vector.extract %slice3A_1039[0] : f32 from vector<1xf32>
        %broadcast_in_dim3A_1041 = vector.broadcast %squeeze3A_1040 : f32 to vector<16xf32>
        %mul3A_1042 = arith.constant 16 : i32
        %mul3A_1043 = arith.muli %scan3A_194, %mul3A_1042 : i32
        %add3A_1044 = arith.constant 7 : i32
        %add3A_1045 = arith.addi %mul3A_1043, %add3A_1044 : i32
        %get3A_1046 = arith.index_cast %select_n3A_135 : i32 to index
        %get3A_1047 = arith.index_cast %add3A_1045 : i32 to index
        %get3A_1048 = arith.constant 0 : index
        %get3A_1049 = tpu.vector_load %arg8[%get3A_1046, %get3A_1047, %get3A_1048] {strides = array<i32>} : memref<3x112x128xi32, #tpu.memory_space<vmem>>, vector<1x1x16xi32>,
        %get3A_1050 = vector.shape_cast %get3A_1049 : vector<1x1x16xi32> to vector<16xi32>
        %shift_left3A_1051 = arith.constant 16 : i32
        %shift_left3A_1052 = vector.broadcast %shift_left3A_1051 : i32 to vector<16xi32>
        %shift_left3A_1053 = arith.shli %get3A_1050, %shift_left3A_1052 : vector<16xi32>
        %bitcast_convert_type3A_1054 = tpu.bitcast %shift_left3A_1053 : vector<16xi32> -> vector<16xf32>
        %bitcast_convert_type3A_1055 = tpu.bitcast %get3A_1050 : vector<16xi32> -> vector<16xf32>
        %mul3A_1056 = arith.mulf %broadcast_in_dim3A_1041, %bitcast_convert_type3A_1054 : vector<16xf32>
        %add3A_1057 = arith.addf %add3A_938, %mul3A_1056 : vector<16xf32>
        %mul3A_1058 = arith.mulf %broadcast_in_dim3A_1041, %bitcast_convert_type3A_1055 : vector<16xf32>
        %add3A_1059 = arith.addf %add3A_940, %mul3A_1058 : vector<16xf32>
        %get3A_1060 = arith.index_cast %select_n3A_135 : i32 to index
        %get3A_1061 = arith.index_cast %add3A_1045 : i32 to index
        %get3A_1062 = arith.constant 16 : index
        %get3A_1063 = tpu.vector_load %arg8[%get3A_1060, %get3A_1061, %get3A_1062] {strides = array<i32>} : memref<3x112x128xi32, #tpu.memory_space<vmem>>, vector<1x1x16xi32>,
        %get3A_1064 = vector.shape_cast %get3A_1063 : vector<1x1x16xi32> to vector<16xi32>
        %shift_left3A_1065 = arith.constant 16 : i32
        %shift_left3A_1066 = vector.broadcast %shift_left3A_1065 : i32 to vector<16xi32>
        %shift_left3A_1067 = arith.shli %get3A_1064, %shift_left3A_1066 : vector<16xi32>
        %bitcast_convert_type3A_1068 = tpu.bitcast %shift_left3A_1067 : vector<16xi32> -> vector<16xf32>
        %bitcast_convert_type3A_1069 = tpu.bitcast %get3A_1064 : vector<16xi32> -> vector<16xf32>
        %mul3A_1070 = arith.mulf %broadcast_in_dim3A_1041, %bitcast_convert_type3A_1068 : vector<16xf32>
        %add3A_1071 = arith.addf %add3A_952, %mul3A_1070 : vector<16xf32>
        %mul3A_1072 = arith.mulf %broadcast_in_dim3A_1041, %bitcast_convert_type3A_1069 : vector<16xf32>
        %add3A_1073 = arith.addf %add3A_954, %mul3A_1072 : vector<16xf32>
        %get3A_1074 = arith.index_cast %select_n3A_135 : i32 to index
        %get3A_1075 = arith.index_cast %add3A_1045 : i32 to index
        %get3A_1076 = arith.constant 32 : index
        %get3A_1077 = tpu.vector_load %arg8[%get3A_1074, %get3A_1075, %get3A_1076] {strides = array<i32>} : memref<3x112x128xi32, #tpu.memory_space<vmem>>, vector<1x1x16xi32>,
        %get3A_1078 = vector.shape_cast %get3A_1077 : vector<1x1x16xi32> to vector<16xi32>
        %shift_left3A_1079 = arith.constant 16 : i32
        %shift_left3A_1080 = vector.broadcast %shift_left3A_1079 : i32 to vector<16xi32>
        %shift_left3A_1081 = arith.shli %get3A_1078, %shift_left3A_1080 : vector<16xi32>
        %bitcast_convert_type3A_1082 = tpu.bitcast %shift_left3A_1081 : vector<16xi32> -> vector<16xf32>
        %bitcast_convert_type3A_1083 = tpu.bitcast %get3A_1078 : vector<16xi32> -> vector<16xf32>
        %mul3A_1084 = arith.mulf %broadcast_in_dim3A_1041, %bitcast_convert_type3A_1082 : vector<16xf32>
        %add3A_1085 = arith.addf %add3A_966, %mul3A_1084 : vector<16xf32>
        %mul3A_1086 = arith.mulf %broadcast_in_dim3A_1041, %bitcast_convert_type3A_1083 : vector<16xf32>
        %add3A_1087 = arith.addf %add3A_968, %mul3A_1086 : vector<16xf32>
        %get3A_1088 = arith.index_cast %select_n3A_135 : i32 to index
        %get3A_1089 = arith.index_cast %add3A_1045 : i32 to index
        %get3A_1090 = arith.constant 48 : index
        %get3A_1091 = tpu.vector_load %arg8[%get3A_1088, %get3A_1089, %get3A_1090] {strides = array<i32>} : memref<3x112x128xi32, #tpu.memory_space<vmem>>, vector<1x1x16xi32>,
        %get3A_1092 = vector.shape_cast %get3A_1091 : vector<1x1x16xi32> to vector<16xi32>
        %shift_left3A_1093 = arith.constant 16 : i32
        %shift_left3A_1094 = vector.broadcast %shift_left3A_1093 : i32 to vector<16xi32>
        %shift_left3A_1095 = arith.shli %get3A_1092, %shift_left3A_1094 : vector<16xi32>
        %bitcast_convert_type3A_1096 = tpu.bitcast %shift_left3A_1095 : vector<16xi32> -> vector<16xf32>
        %bitcast_convert_type3A_1097 = tpu.bitcast %get3A_1092 : vector<16xi32> -> vector<16xf32>
        %mul3A_1098 = arith.mulf %broadcast_in_dim3A_1041, %bitcast_convert_type3A_1096 : vector<16xf32>
        %add3A_1099 = arith.addf %add3A_980, %mul3A_1098 : vector<16xf32>
        %mul3A_1100 = arith.mulf %broadcast_in_dim3A_1041, %bitcast_convert_type3A_1097 : vector<16xf32>
        %add3A_1101 = arith.addf %add3A_982, %mul3A_1100 : vector<16xf32>
        %get3A_1102 = arith.index_cast %select_n3A_135 : i32 to index
        %get3A_1103 = arith.index_cast %add3A_1045 : i32 to index
        %get3A_1104 = arith.constant 64 : index
        %get3A_1105 = tpu.vector_load %arg8[%get3A_1102, %get3A_1103, %get3A_1104] {strides = array<i32>} : memref<3x112x128xi32, #tpu.memory_space<vmem>>, vector<1x1x16xi32>,
        %get3A_1106 = vector.shape_cast %get3A_1105 : vector<1x1x16xi32> to vector<16xi32>
        %shift_left3A_1107 = arith.constant 16 : i32
        %shift_left3A_1108 = vector.broadcast %shift_left3A_1107 : i32 to vector<16xi32>
        %shift_left3A_1109 = arith.shli %get3A_1106, %shift_left3A_1108 : vector<16xi32>
        %bitcast_convert_type3A_1110 = tpu.bitcast %shift_left3A_1109 : vector<16xi32> -> vector<16xf32>
        %bitcast_convert_type3A_1111 = tpu.bitcast %get3A_1106 : vector<16xi32> -> vector<16xf32>
        %mul3A_1112 = arith.mulf %broadcast_in_dim3A_1041, %bitcast_convert_type3A_1110 : vector<16xf32>
        %add3A_1113 = arith.addf %add3A_994, %mul3A_1112 : vector<16xf32>
        %mul3A_1114 = arith.mulf %broadcast_in_dim3A_1041, %bitcast_convert_type3A_1111 : vector<16xf32>
        %add3A_1115 = arith.addf %add3A_996, %mul3A_1114 : vector<16xf32>
        %get3A_1116 = arith.index_cast %select_n3A_135 : i32 to index
        %get3A_1117 = arith.index_cast %add3A_1045 : i32 to index
        %get3A_1118 = arith.constant 80 : index
        %get3A_1119 = tpu.vector_load %arg8[%get3A_1116, %get3A_1117, %get3A_1118] {strides = array<i32>} : memref<3x112x128xi32, #tpu.memory_space<vmem>>, vector<1x1x16xi32>,
        %get3A_1120 = vector.shape_cast %get3A_1119 : vector<1x1x16xi32> to vector<16xi32>
        %shift_left3A_1121 = arith.constant 16 : i32
        %shift_left3A_1122 = vector.broadcast %shift_left3A_1121 : i32 to vector<16xi32>
        %shift_left3A_1123 = arith.shli %get3A_1120, %shift_left3A_1122 : vector<16xi32>
        %bitcast_convert_type3A_1124 = tpu.bitcast %shift_left3A_1123 : vector<16xi32> -> vector<16xf32>
        %bitcast_convert_type3A_1125 = tpu.bitcast %get3A_1120 : vector<16xi32> -> vector<16xf32>
        %mul3A_1126 = arith.mulf %broadcast_in_dim3A_1041, %bitcast_convert_type3A_1124 : vector<16xf32>
        %add3A_1127 = arith.addf %add3A_1008, %mul3A_1126 : vector<16xf32>
        %mul3A_1128 = arith.mulf %broadcast_in_dim3A_1041, %bitcast_convert_type3A_1125 : vector<16xf32>
        %add3A_1129 = arith.addf %add3A_1010, %mul3A_1128 : vector<16xf32>
        %get3A_1130 = arith.index_cast %select_n3A_135 : i32 to index
        %get3A_1131 = arith.index_cast %add3A_1045 : i32 to index
        %get3A_1132 = arith.constant 96 : index
        %get3A_1133 = tpu.vector_load %arg8[%get3A_1130, %get3A_1131, %get3A_1132] {strides = array<i32>} : memref<3x112x128xi32, #tpu.memory_space<vmem>>, vector<1x1x16xi32>,
        %get3A_1134 = vector.shape_cast %get3A_1133 : vector<1x1x16xi32> to vector<16xi32>
        %shift_left3A_1135 = arith.constant 16 : i32
        %shift_left3A_1136 = vector.broadcast %shift_left3A_1135 : i32 to vector<16xi32>
        %shift_left3A_1137 = arith.shli %get3A_1134, %shift_left3A_1136 : vector<16xi32>
        %bitcast_convert_type3A_1138 = tpu.bitcast %shift_left3A_1137 : vector<16xi32> -> vector<16xf32>
        %bitcast_convert_type3A_1139 = tpu.bitcast %get3A_1134 : vector<16xi32> -> vector<16xf32>
        %mul3A_1140 = arith.mulf %broadcast_in_dim3A_1041, %bitcast_convert_type3A_1138 : vector<16xf32>
        %add3A_1141 = arith.addf %add3A_1022, %mul3A_1140 : vector<16xf32>
        %mul3A_1142 = arith.mulf %broadcast_in_dim3A_1041, %bitcast_convert_type3A_1139 : vector<16xf32>
        %add3A_1143 = arith.addf %add3A_1024, %mul3A_1142 : vector<16xf32>
        %get3A_1144 = arith.index_cast %select_n3A_135 : i32 to index
        %get3A_1145 = arith.index_cast %add3A_1045 : i32 to index
        %get3A_1146 = arith.constant 112 : index
        %get3A_1147 = tpu.vector_load %arg8[%get3A_1144, %get3A_1145, %get3A_1146] {strides = array<i32>} : memref<3x112x128xi32, #tpu.memory_space<vmem>>, vector<1x1x16xi32>,
        %get3A_1148 = vector.shape_cast %get3A_1147 : vector<1x1x16xi32> to vector<16xi32>
        %shift_left3A_1149 = arith.constant 16 : i32
        %shift_left3A_1150 = vector.broadcast %shift_left3A_1149 : i32 to vector<16xi32>
        %shift_left3A_1151 = arith.shli %get3A_1148, %shift_left3A_1150 : vector<16xi32>
        %bitcast_convert_type3A_1152 = tpu.bitcast %shift_left3A_1151 : vector<16xi32> -> vector<16xf32>
        %bitcast_convert_type3A_1153 = tpu.bitcast %get3A_1148 : vector<16xi32> -> vector<16xf32>
        %mul3A_1154 = arith.mulf %broadcast_in_dim3A_1041, %bitcast_convert_type3A_1152 : vector<16xf32>
        %add3A_1155 = arith.addf %add3A_1036, %mul3A_1154 : vector<16xf32>
        %mul3A_1156 = arith.mulf %broadcast_in_dim3A_1041, %bitcast_convert_type3A_1153 : vector<16xf32>
        %add3A_1157 = arith.addf %add3A_1038, %mul3A_1156 : vector<16xf32>
        %slice3A_1158 = vector.extract_strided_slice %get3A_208 {offsets = [8], sizes = [1], strides = [1]} : vector<16xf32> to vector<1xf32>
        %squeeze3A_1159 = vector.extract %slice3A_1158[0] : f32 from vector<1xf32>
        %broadcast_in_dim3A_1160 = vector.broadcast %squeeze3A_1159 : f32 to vector<16xf32>
        %mul3A_1161 = arith.constant 16 : i32
        %mul3A_1162 = arith.muli %scan3A_194, %mul3A_1161 : i32
        %add3A_1163 = arith.constant 8 : i32
        %add3A_1164 = arith.addi %mul3A_1162, %add3A_1163 : i32
        %get3A_1165 = arith.index_cast %select_n3A_135 : i32 to index
        %get3A_1166 = arith.index_cast %add3A_1164 : i32 to index
        %get3A_1167 = arith.constant 0 : index
        %get3A_1168 = tpu.vector_load %arg8[%get3A_1165, %get3A_1166, %get3A_1167] {strides = array<i32>} : memref<3x112x128xi32, #tpu.memory_space<vmem>>, vector<1x1x16xi32>,
        %get3A_1169 = vector.shape_cast %get3A_1168 : vector<1x1x16xi32> to vector<16xi32>
        %shift_left3A_1170 = arith.constant 16 : i32
        %shift_left3A_1171 = vector.broadcast %shift_left3A_1170 : i32 to vector<16xi32>
        %shift_left3A_1172 = arith.shli %get3A_1169, %shift_left3A_1171 : vector<16xi32>
        %bitcast_convert_type3A_1173 = tpu.bitcast %shift_left3A_1172 : vector<16xi32> -> vector<16xf32>
        %bitcast_convert_type3A_1174 = tpu.bitcast %get3A_1169 : vector<16xi32> -> vector<16xf32>
        %mul3A_1175 = arith.mulf %broadcast_in_dim3A_1160, %bitcast_convert_type3A_1173 : vector<16xf32>
        %add3A_1176 = arith.addf %add3A_1057, %mul3A_1175 : vector<16xf32>
        %mul3A_1177 = arith.mulf %broadcast_in_dim3A_1160, %bitcast_convert_type3A_1174 : vector<16xf32>
        %add3A_1178 = arith.addf %add3A_1059, %mul3A_1177 : vector<16xf32>
        %get3A_1179 = arith.index_cast %select_n3A_135 : i32 to index
        %get3A_1180 = arith.index_cast %add3A_1164 : i32 to index
        %get3A_1181 = arith.constant 16 : index
        %get3A_1182 = tpu.vector_load %arg8[%get3A_1179, %get3A_1180, %get3A_1181] {strides = array<i32>} : memref<3x112x128xi32, #tpu.memory_space<vmem>>, vector<1x1x16xi32>,
        %get3A_1183 = vector.shape_cast %get3A_1182 : vector<1x1x16xi32> to vector<16xi32>
        %shift_left3A_1184 = arith.constant 16 : i32
        %shift_left3A_1185 = vector.broadcast %shift_left3A_1184 : i32 to vector<16xi32>
        %shift_left3A_1186 = arith.shli %get3A_1183, %shift_left3A_1185 : vector<16xi32>
        %bitcast_convert_type3A_1187 = tpu.bitcast %shift_left3A_1186 : vector<16xi32> -> vector<16xf32>
        %bitcast_convert_type3A_1188 = tpu.bitcast %get3A_1183 : vector<16xi32> -> vector<16xf32>
        %mul3A_1189 = arith.mulf %broadcast_in_dim3A_1160, %bitcast_convert_type3A_1187 : vector<16xf32>
        %add3A_1190 = arith.addf %add3A_1071, %mul3A_1189 : vector<16xf32>
        %mul3A_1191 = arith.mulf %broadcast_in_dim3A_1160, %bitcast_convert_type3A_1188 : vector<16xf32>
        %add3A_1192 = arith.addf %add3A_1073, %mul3A_1191 : vector<16xf32>
        %get3A_1193 = arith.index_cast %select_n3A_135 : i32 to index
        %get3A_1194 = arith.index_cast %add3A_1164 : i32 to index
        %get3A_1195 = arith.constant 32 : index
        %get3A_1196 = tpu.vector_load %arg8[%get3A_1193, %get3A_1194, %get3A_1195] {strides = array<i32>} : memref<3x112x128xi32, #tpu.memory_space<vmem>>, vector<1x1x16xi32>,
        %get3A_1197 = vector.shape_cast %get3A_1196 : vector<1x1x16xi32> to vector<16xi32>
        %shift_left3A_1198 = arith.constant 16 : i32
        %shift_left3A_1199 = vector.broadcast %shift_left3A_1198 : i32 to vector<16xi32>
        %shift_left3A_1200 = arith.shli %get3A_1197, %shift_left3A_1199 : vector<16xi32>
        %bitcast_convert_type3A_1201 = tpu.bitcast %shift_left3A_1200 : vector<16xi32> -> vector<16xf32>
        %bitcast_convert_type3A_1202 = tpu.bitcast %get3A_1197 : vector<16xi32> -> vector<16xf32>
        %mul3A_1203 = arith.mulf %broadcast_in_dim3A_1160, %bitcast_convert_type3A_1201 : vector<16xf32>
        %add3A_1204 = arith.addf %add3A_1085, %mul3A_1203 : vector<16xf32>
        %mul3A_1205 = arith.mulf %broadcast_in_dim3A_1160, %bitcast_convert_type3A_1202 : vector<16xf32>
        %add3A_1206 = arith.addf %add3A_1087, %mul3A_1205 : vector<16xf32>
        %get3A_1207 = arith.index_cast %select_n3A_135 : i32 to index
        %get3A_1208 = arith.index_cast %add3A_1164 : i32 to index
        %get3A_1209 = arith.constant 48 : index
        %get3A_1210 = tpu.vector_load %arg8[%get3A_1207, %get3A_1208, %get3A_1209] {strides = array<i32>} : memref<3x112x128xi32, #tpu.memory_space<vmem>>, vector<1x1x16xi32>,
        %get3A_1211 = vector.shape_cast %get3A_1210 : vector<1x1x16xi32> to vector<16xi32>
        %shift_left3A_1212 = arith.constant 16 : i32
        %shift_left3A_1213 = vector.broadcast %shift_left3A_1212 : i32 to vector<16xi32>
        %shift_left3A_1214 = arith.shli %get3A_1211, %shift_left3A_1213 : vector<16xi32>
        %bitcast_convert_type3A_1215 = tpu.bitcast %shift_left3A_1214 : vector<16xi32> -> vector<16xf32>
        %bitcast_convert_type3A_1216 = tpu.bitcast %get3A_1211 : vector<16xi32> -> vector<16xf32>
        %mul3A_1217 = arith.mulf %broadcast_in_dim3A_1160, %bitcast_convert_type3A_1215 : vector<16xf32>
        %add3A_1218 = arith.addf %add3A_1099, %mul3A_1217 : vector<16xf32>
        %mul3A_1219 = arith.mulf %broadcast_in_dim3A_1160, %bitcast_convert_type3A_1216 : vector<16xf32>
        %add3A_1220 = arith.addf %add3A_1101, %mul3A_1219 : vector<16xf32>
        %get3A_1221 = arith.index_cast %select_n3A_135 : i32 to index
        %get3A_1222 = arith.index_cast %add3A_1164 : i32 to index
        %get3A_1223 = arith.constant 64 : index
        %get3A_1224 = tpu.vector_load %arg8[%get3A_1221, %get3A_1222, %get3A_1223] {strides = array<i32>} : memref<3x112x128xi32, #tpu.memory_space<vmem>>, vector<1x1x16xi32>,
        %get3A_1225 = vector.shape_cast %get3A_1224 : vector<1x1x16xi32> to vector<16xi32>
        %shift_left3A_1226 = arith.constant 16 : i32
        %shift_left3A_1227 = vector.broadcast %shift_left3A_1226 : i32 to vector<16xi32>
        %shift_left3A_1228 = arith.shli %get3A_1225, %shift_left3A_1227 : vector<16xi32>
        %bitcast_convert_type3A_1229 = tpu.bitcast %shift_left3A_1228 : vector<16xi32> -> vector<16xf32>
        %bitcast_convert_type3A_1230 = tpu.bitcast %get3A_1225 : vector<16xi32> -> vector<16xf32>
        %mul3A_1231 = arith.mulf %broadcast_in_dim3A_1160, %bitcast_convert_type3A_1229 : vector<16xf32>
        %add3A_1232 = arith.addf %add3A_1113, %mul3A_1231 : vector<16xf32>
        %mul3A_1233 = arith.mulf %broadcast_in_dim3A_1160, %bitcast_convert_type3A_1230 : vector<16xf32>
        %add3A_1234 = arith.addf %add3A_1115, %mul3A_1233 : vector<16xf32>
        %get3A_1235 = arith.index_cast %select_n3A_135 : i32 to index
        %get3A_1236 = arith.index_cast %add3A_1164 : i32 to index
        %get3A_1237 = arith.constant 80 : index
        %get3A_1238 = tpu.vector_load %arg8[%get3A_1235, %get3A_1236, %get3A_1237] {strides = array<i32>} : memref<3x112x128xi32, #tpu.memory_space<vmem>>, vector<1x1x16xi32>,
        %get3A_1239 = vector.shape_cast %get3A_1238 : vector<1x1x16xi32> to vector<16xi32>
        %shift_left3A_1240 = arith.constant 16 : i32
        %shift_left3A_1241 = vector.broadcast %shift_left3A_1240 : i32 to vector<16xi32>
        %shift_left3A_1242 = arith.shli %get3A_1239, %shift_left3A_1241 : vector<16xi32>
        %bitcast_convert_type3A_1243 = tpu.bitcast %shift_left3A_1242 : vector<16xi32> -> vector<16xf32>
        %bitcast_convert_type3A_1244 = tpu.bitcast %get3A_1239 : vector<16xi32> -> vector<16xf32>
        %mul3A_1245 = arith.mulf %broadcast_in_dim3A_1160, %bitcast_convert_type3A_1243 : vector<16xf32>
        %add3A_1246 = arith.addf %add3A_1127, %mul3A_1245 : vector<16xf32>
        %mul3A_1247 = arith.mulf %broadcast_in_dim3A_1160, %bitcast_convert_type3A_1244 : vector<16xf32>
        %add3A_1248 = arith.addf %add3A_1129, %mul3A_1247 : vector<16xf32>
        %get3A_1249 = arith.index_cast %select_n3A_135 : i32 to index
        %get3A_1250 = arith.index_cast %add3A_1164 : i32 to index
        %get3A_1251 = arith.constant 96 : index
        %get3A_1252 = tpu.vector_load %arg8[%get3A_1249, %get3A_1250, %get3A_1251] {strides = array<i32>} : memref<3x112x128xi32, #tpu.memory_space<vmem>>, vector<1x1x16xi32>,
        %get3A_1253 = vector.shape_cast %get3A_1252 : vector<1x1x16xi32> to vector<16xi32>
        %shift_left3A_1254 = arith.constant 16 : i32
        %shift_left3A_1255 = vector.broadcast %shift_left3A_1254 : i32 to vector<16xi32>
        %shift_left3A_1256 = arith.shli %get3A_1253, %shift_left3A_1255 : vector<16xi32>
        %bitcast_convert_type3A_1257 = tpu.bitcast %shift_left3A_1256 : vector<16xi32> -> vector<16xf32>
        %bitcast_convert_type3A_1258 = tpu.bitcast %get3A_1253 : vector<16xi32> -> vector<16xf32>
        %mul3A_1259 = arith.mulf %broadcast_in_dim3A_1160, %bitcast_convert_type3A_1257 : vector<16xf32>
        %add3A_1260 = arith.addf %add3A_1141, %mul3A_1259 : vector<16xf32>
        %mul3A_1261 = arith.mulf %broadcast_in_dim3A_1160, %bitcast_convert_type3A_1258 : vector<16xf32>
        %add3A_1262 = arith.addf %add3A_1143, %mul3A_1261 : vector<16xf32>
        %get3A_1263 = arith.index_cast %select_n3A_135 : i32 to index
        %get3A_1264 = arith.index_cast %add3A_1164 : i32 to index
        %get3A_1265 = arith.constant 112 : index
        %get3A_1266 = tpu.vector_load %arg8[%get3A_1263, %get3A_1264, %get3A_1265] {strides = array<i32>} : memref<3x112x128xi32, #tpu.memory_space<vmem>>, vector<1x1x16xi32>,
        %get3A_1267 = vector.shape_cast %get3A_1266 : vector<1x1x16xi32> to vector<16xi32>
        %shift_left3A_1268 = arith.constant 16 : i32
        %shift_left3A_1269 = vector.broadcast %shift_left3A_1268 : i32 to vector<16xi32>
        %shift_left3A_1270 = arith.shli %get3A_1267, %shift_left3A_1269 : vector<16xi32>
        %bitcast_convert_type3A_1271 = tpu.bitcast %shift_left3A_1270 : vector<16xi32> -> vector<16xf32>
        %bitcast_convert_type3A_1272 = tpu.bitcast %get3A_1267 : vector<16xi32> -> vector<16xf32>
        %mul3A_1273 = arith.mulf %broadcast_in_dim3A_1160, %bitcast_convert_type3A_1271 : vector<16xf32>
        %add3A_1274 = arith.addf %add3A_1155, %mul3A_1273 : vector<16xf32>
        %mul3A_1275 = arith.mulf %broadcast_in_dim3A_1160, %bitcast_convert_type3A_1272 : vector<16xf32>
        %add3A_1276 = arith.addf %add3A_1157, %mul3A_1275 : vector<16xf32>
        %slice3A_1277 = vector.extract_strided_slice %get3A_208 {offsets = [9], sizes = [1], strides = [1]} : vector<16xf32> to vector<1xf32>
        %squeeze3A_1278 = vector.extract %slice3A_1277[0] : f32 from vector<1xf32>
        %broadcast_in_dim3A_1279 = vector.broadcast %squeeze3A_1278 : f32 to vector<16xf32>
        %mul3A_1280 = arith.constant 16 : i32
        %mul3A_1281 = arith.muli %scan3A_194, %mul3A_1280 : i32
        %add3A_1282 = arith.constant 9 : i32
        %add3A_1283 = arith.addi %mul3A_1281, %add3A_1282 : i32
        %get3A_1284 = arith.index_cast %select_n3A_135 : i32 to index
        %get3A_1285 = arith.index_cast %add3A_1283 : i32 to index
        %get3A_1286 = arith.constant 0 : index
        %get3A_1287 = tpu.vector_load %arg8[%get3A_1284, %get3A_1285, %get3A_1286] {strides = array<i32>} : memref<3x112x128xi32, #tpu.memory_space<vmem>>, vector<1x1x16xi32>,
        %get3A_1288 = vector.shape_cast %get3A_1287 : vector<1x1x16xi32> to vector<16xi32>
        %shift_left3A_1289 = arith.constant 16 : i32
        %shift_left3A_1290 = vector.broadcast %shift_left3A_1289 : i32 to vector<16xi32>
        %shift_left3A_1291 = arith.shli %get3A_1288, %shift_left3A_1290 : vector<16xi32>
        %bitcast_convert_type3A_1292 = tpu.bitcast %shift_left3A_1291 : vector<16xi32> -> vector<16xf32>
        %bitcast_convert_type3A_1293 = tpu.bitcast %get3A_1288 : vector<16xi32> -> vector<16xf32>
        %mul3A_1294 = arith.mulf %broadcast_in_dim3A_1279, %bitcast_convert_type3A_1292 : vector<16xf32>
        %add3A_1295 = arith.addf %add3A_1176, %mul3A_1294 : vector<16xf32>
        %mul3A_1296 = arith.mulf %broadcast_in_dim3A_1279, %bitcast_convert_type3A_1293 : vector<16xf32>
        %add3A_1297 = arith.addf %add3A_1178, %mul3A_1296 : vector<16xf32>
        %get3A_1298 = arith.index_cast %select_n3A_135 : i32 to index
        %get3A_1299 = arith.index_cast %add3A_1283 : i32 to index
        %get3A_1300 = arith.constant 16 : index
        %get3A_1301 = tpu.vector_load %arg8[%get3A_1298, %get3A_1299, %get3A_1300] {strides = array<i32>} : memref<3x112x128xi32, #tpu.memory_space<vmem>>, vector<1x1x16xi32>,
        %get3A_1302 = vector.shape_cast %get3A_1301 : vector<1x1x16xi32> to vector<16xi32>
        %shift_left3A_1303 = arith.constant 16 : i32
        %shift_left3A_1304 = vector.broadcast %shift_left3A_1303 : i32 to vector<16xi32>
        %shift_left3A_1305 = arith.shli %get3A_1302, %shift_left3A_1304 : vector<16xi32>
        %bitcast_convert_type3A_1306 = tpu.bitcast %shift_left3A_1305 : vector<16xi32> -> vector<16xf32>
        %bitcast_convert_type3A_1307 = tpu.bitcast %get3A_1302 : vector<16xi32> -> vector<16xf32>
        %mul3A_1308 = arith.mulf %broadcast_in_dim3A_1279, %bitcast_convert_type3A_1306 : vector<16xf32>
        %add3A_1309 = arith.addf %add3A_1190, %mul3A_1308 : vector<16xf32>
        %mul3A_1310 = arith.mulf %broadcast_in_dim3A_1279, %bitcast_convert_type3A_1307 : vector<16xf32>
        %add3A_1311 = arith.addf %add3A_1192, %mul3A_1310 : vector<16xf32>
        %get3A_1312 = arith.index_cast %select_n3A_135 : i32 to index
        %get3A_1313 = arith.index_cast %add3A_1283 : i32 to index
        %get3A_1314 = arith.constant 32 : index
        %get3A_1315 = tpu.vector_load %arg8[%get3A_1312, %get3A_1313, %get3A_1314] {strides = array<i32>} : memref<3x112x128xi32, #tpu.memory_space<vmem>>, vector<1x1x16xi32>,
        %get3A_1316 = vector.shape_cast %get3A_1315 : vector<1x1x16xi32> to vector<16xi32>
        %shift_left3A_1317 = arith.constant 16 : i32
        %shift_left3A_1318 = vector.broadcast %shift_left3A_1317 : i32 to vector<16xi32>
        %shift_left3A_1319 = arith.shli %get3A_1316, %shift_left3A_1318 : vector<16xi32>
        %bitcast_convert_type3A_1320 = tpu.bitcast %shift_left3A_1319 : vector<16xi32> -> vector<16xf32>
        %bitcast_convert_type3A_1321 = tpu.bitcast %get3A_1316 : vector<16xi32> -> vector<16xf32>
        %mul3A_1322 = arith.mulf %broadcast_in_dim3A_1279, %bitcast_convert_type3A_1320 : vector<16xf32>
        %add3A_1323 = arith.addf %add3A_1204, %mul3A_1322 : vector<16xf32>
        %mul3A_1324 = arith.mulf %broadcast_in_dim3A_1279, %bitcast_convert_type3A_1321 : vector<16xf32>
        %add3A_1325 = arith.addf %add3A_1206, %mul3A_1324 : vector<16xf32>
        %get3A_1326 = arith.index_cast %select_n3A_135 : i32 to index
        %get3A_1327 = arith.index_cast %add3A_1283 : i32 to index
        %get3A_1328 = arith.constant 48 : index
        %get3A_1329 = tpu.vector_load %arg8[%get3A_1326, %get3A_1327, %get3A_1328] {strides = array<i32>} : memref<3x112x128xi32, #tpu.memory_space<vmem>>, vector<1x1x16xi32>,
        %get3A_1330 = vector.shape_cast %get3A_1329 : vector<1x1x16xi32> to vector<16xi32>
        %shift_left3A_1331 = arith.constant 16 : i32
        %shift_left3A_1332 = vector.broadcast %shift_left3A_1331 : i32 to vector<16xi32>
        %shift_left3A_1333 = arith.shli %get3A_1330, %shift_left3A_1332 : vector<16xi32>
        %bitcast_convert_type3A_1334 = tpu.bitcast %shift_left3A_1333 : vector<16xi32> -> vector<16xf32>
        %bitcast_convert_type3A_1335 = tpu.bitcast %get3A_1330 : vector<16xi32> -> vector<16xf32>
        %mul3A_1336 = arith.mulf %broadcast_in_dim3A_1279, %bitcast_convert_type3A_1334 : vector<16xf32>
        %add3A_1337 = arith.addf %add3A_1218, %mul3A_1336 : vector<16xf32>
        %mul3A_1338 = arith.mulf %broadcast_in_dim3A_1279, %bitcast_convert_type3A_1335 : vector<16xf32>
        %add3A_1339 = arith.addf %add3A_1220, %mul3A_1338 : vector<16xf32>
        %get3A_1340 = arith.index_cast %select_n3A_135 : i32 to index
        %get3A_1341 = arith.index_cast %add3A_1283 : i32 to index
        %get3A_1342 = arith.constant 64 : index
        %get3A_1343 = tpu.vector_load %arg8[%get3A_1340, %get3A_1341, %get3A_1342] {strides = array<i32>} : memref<3x112x128xi32, #tpu.memory_space<vmem>>, vector<1x1x16xi32>,
        %get3A_1344 = vector.shape_cast %get3A_1343 : vector<1x1x16xi32> to vector<16xi32>
        %shift_left3A_1345 = arith.constant 16 : i32
        %shift_left3A_1346 = vector.broadcast %shift_left3A_1345 : i32 to vector<16xi32>
        %shift_left3A_1347 = arith.shli %get3A_1344, %shift_left3A_1346 : vector<16xi32>
        %bitcast_convert_type3A_1348 = tpu.bitcast %shift_left3A_1347 : vector<16xi32> -> vector<16xf32>
        %bitcast_convert_type3A_1349 = tpu.bitcast %get3A_1344 : vector<16xi32> -> vector<16xf32>
        %mul3A_1350 = arith.mulf %broadcast_in_dim3A_1279, %bitcast_convert_type3A_1348 : vector<16xf32>
        %add3A_1351 = arith.addf %add3A_1232, %mul3A_1350 : vector<16xf32>
        %mul3A_1352 = arith.mulf %broadcast_in_dim3A_1279, %bitcast_convert_type3A_1349 : vector<16xf32>
        %add3A_1353 = arith.addf %add3A_1234, %mul3A_1352 : vector<16xf32>
        %get3A_1354 = arith.index_cast %select_n3A_135 : i32 to index
        %get3A_1355 = arith.index_cast %add3A_1283 : i32 to index
        %get3A_1356 = arith.constant 80 : index
        %get3A_1357 = tpu.vector_load %arg8[%get3A_1354, %get3A_1355, %get3A_1356] {strides = array<i32>} : memref<3x112x128xi32, #tpu.memory_space<vmem>>, vector<1x1x16xi32>,
        %get3A_1358 = vector.shape_cast %get3A_1357 : vector<1x1x16xi32> to vector<16xi32>
        %shift_left3A_1359 = arith.constant 16 : i32
        %shift_left3A_1360 = vector.broadcast %shift_left3A_1359 : i32 to vector<16xi32>
        %shift_left3A_1361 = arith.shli %get3A_1358, %shift_left3A_1360 : vector<16xi32>
        %bitcast_convert_type3A_1362 = tpu.bitcast %shift_left3A_1361 : vector<16xi32> -> vector<16xf32>
        %bitcast_convert_type3A_1363 = tpu.bitcast %get3A_1358 : vector<16xi32> -> vector<16xf32>
        %mul3A_1364 = arith.mulf %broadcast_in_dim3A_1279, %bitcast_convert_type3A_1362 : vector<16xf32>
        %add3A_1365 = arith.addf %add3A_1246, %mul3A_1364 : vector<16xf32>
        %mul3A_1366 = arith.mulf %broadcast_in_dim3A_1279, %bitcast_convert_type3A_1363 : vector<16xf32>
        %add3A_1367 = arith.addf %add3A_1248, %mul3A_1366 : vector<16xf32>
        %get3A_1368 = arith.index_cast %select_n3A_135 : i32 to index
        %get3A_1369 = arith.index_cast %add3A_1283 : i32 to index
        %get3A_1370 = arith.constant 96 : index
        %get3A_1371 = tpu.vector_load %arg8[%get3A_1368, %get3A_1369, %get3A_1370] {strides = array<i32>} : memref<3x112x128xi32, #tpu.memory_space<vmem>>, vector<1x1x16xi32>,
        %get3A_1372 = vector.shape_cast %get3A_1371 : vector<1x1x16xi32> to vector<16xi32>
        %shift_left3A_1373 = arith.constant 16 : i32
        %shift_left3A_1374 = vector.broadcast %shift_left3A_1373 : i32 to vector<16xi32>
        %shift_left3A_1375 = arith.shli %get3A_1372, %shift_left3A_1374 : vector<16xi32>
        %bitcast_convert_type3A_1376 = tpu.bitcast %shift_left3A_1375 : vector<16xi32> -> vector<16xf32>
        %bitcast_convert_type3A_1377 = tpu.bitcast %get3A_1372 : vector<16xi32> -> vector<16xf32>
        %mul3A_1378 = arith.mulf %broadcast_in_dim3A_1279, %bitcast_convert_type3A_1376 : vector<16xf32>
        %add3A_1379 = arith.addf %add3A_1260, %mul3A_1378 : vector<16xf32>
        %mul3A_1380 = arith.mulf %broadcast_in_dim3A_1279, %bitcast_convert_type3A_1377 : vector<16xf32>
        %add3A_1381 = arith.addf %add3A_1262, %mul3A_1380 : vector<16xf32>
        %get3A_1382 = arith.index_cast %select_n3A_135 : i32 to index
        %get3A_1383 = arith.index_cast %add3A_1283 : i32 to index
        %get3A_1384 = arith.constant 112 : index
        %get3A_1385 = tpu.vector_load %arg8[%get3A_1382, %get3A_1383, %get3A_1384] {strides = array<i32>} : memref<3x112x128xi32, #tpu.memory_space<vmem>>, vector<1x1x16xi32>,
        %get3A_1386 = vector.shape_cast %get3A_1385 : vector<1x1x16xi32> to vector<16xi32>
        %shift_left3A_1387 = arith.constant 16 : i32
        %shift_left3A_1388 = vector.broadcast %shift_left3A_1387 : i32 to vector<16xi32>
        %shift_left3A_1389 = arith.shli %get3A_1386, %shift_left3A_1388 : vector<16xi32>
        %bitcast_convert_type3A_1390 = tpu.bitcast %shift_left3A_1389 : vector<16xi32> -> vector<16xf32>
        %bitcast_convert_type3A_1391 = tpu.bitcast %get3A_1386 : vector<16xi32> -> vector<16xf32>
        %mul3A_1392 = arith.mulf %broadcast_in_dim3A_1279, %bitcast_convert_type3A_1390 : vector<16xf32>
        %add3A_1393 = arith.addf %add3A_1274, %mul3A_1392 : vector<16xf32>
        %mul3A_1394 = arith.mulf %broadcast_in_dim3A_1279, %bitcast_convert_type3A_1391 : vector<16xf32>
        %add3A_1395 = arith.addf %add3A_1276, %mul3A_1394 : vector<16xf32>
        %slice3A_1396 = vector.extract_strided_slice %get3A_208 {offsets = [10], sizes = [1], strides = [1]} : vector<16xf32> to vector<1xf32>
        %squeeze3A_1397 = vector.extract %slice3A_1396[0] : f32 from vector<1xf32>
        %broadcast_in_dim3A_1398 = vector.broadcast %squeeze3A_1397 : f32 to vector<16xf32>
        %mul3A_1399 = arith.constant 16 : i32
        %mul3A_1400 = arith.muli %scan3A_194, %mul3A_1399 : i32
        %add3A_1401 = arith.constant 10 : i32
        %add3A_1402 = arith.addi %mul3A_1400, %add3A_1401 : i32
        %get3A_1403 = arith.index_cast %select_n3A_135 : i32 to index
        %get3A_1404 = arith.index_cast %add3A_1402 : i32 to index
        %get3A_1405 = arith.constant 0 : index
        %get3A_1406 = tpu.vector_load %arg8[%get3A_1403, %get3A_1404, %get3A_1405] {strides = array<i32>} : memref<3x112x128xi32, #tpu.memory_space<vmem>>, vector<1x1x16xi32>,
        %get3A_1407 = vector.shape_cast %get3A_1406 : vector<1x1x16xi32> to vector<16xi32>
        %shift_left3A_1408 = arith.constant 16 : i32
        %shift_left3A_1409 = vector.broadcast %shift_left3A_1408 : i32 to vector<16xi32>
        %shift_left3A_1410 = arith.shli %get3A_1407, %shift_left3A_1409 : vector<16xi32>
        %bitcast_convert_type3A_1411 = tpu.bitcast %shift_left3A_1410 : vector<16xi32> -> vector<16xf32>
        %bitcast_convert_type3A_1412 = tpu.bitcast %get3A_1407 : vector<16xi32> -> vector<16xf32>
        %mul3A_1413 = arith.mulf %broadcast_in_dim3A_1398, %bitcast_convert_type3A_1411 : vector<16xf32>
        %add3A_1414 = arith.addf %add3A_1295, %mul3A_1413 : vector<16xf32>
        %mul3A_1415 = arith.mulf %broadcast_in_dim3A_1398, %bitcast_convert_type3A_1412 : vector<16xf32>
        %add3A_1416 = arith.addf %add3A_1297, %mul3A_1415 : vector<16xf32>
        %get3A_1417 = arith.index_cast %select_n3A_135 : i32 to index
        %get3A_1418 = arith.index_cast %add3A_1402 : i32 to index
        %get3A_1419 = arith.constant 16 : index
        %get3A_1420 = tpu.vector_load %arg8[%get3A_1417, %get3A_1418, %get3A_1419] {strides = array<i32>} : memref<3x112x128xi32, #tpu.memory_space<vmem>>, vector<1x1x16xi32>,
        %get3A_1421 = vector.shape_cast %get3A_1420 : vector<1x1x16xi32> to vector<16xi32>
        %shift_left3A_1422 = arith.constant 16 : i32
        %shift_left3A_1423 = vector.broadcast %shift_left3A_1422 : i32 to vector<16xi32>
        %shift_left3A_1424 = arith.shli %get3A_1421, %shift_left3A_1423 : vector<16xi32>
        %bitcast_convert_type3A_1425 = tpu.bitcast %shift_left3A_1424 : vector<16xi32> -> vector<16xf32>
        %bitcast_convert_type3A_1426 = tpu.bitcast %get3A_1421 : vector<16xi32> -> vector<16xf32>
        %mul3A_1427 = arith.mulf %broadcast_in_dim3A_1398, %bitcast_convert_type3A_1425 : vector<16xf32>
        %add3A_1428 = arith.addf %add3A_1309, %mul3A_1427 : vector<16xf32>
        %mul3A_1429 = arith.mulf %broadcast_in_dim3A_1398, %bitcast_convert_type3A_1426 : vector<16xf32>
        %add3A_1430 = arith.addf %add3A_1311, %mul3A_1429 : vector<16xf32>
        %get3A_1431 = arith.index_cast %select_n3A_135 : i32 to index
        %get3A_1432 = arith.index_cast %add3A_1402 : i32 to index
        %get3A_1433 = arith.constant 32 : index
        %get3A_1434 = tpu.vector_load %arg8[%get3A_1431, %get3A_1432, %get3A_1433] {strides = array<i32>} : memref<3x112x128xi32, #tpu.memory_space<vmem>>, vector<1x1x16xi32>,
        %get3A_1435 = vector.shape_cast %get3A_1434 : vector<1x1x16xi32> to vector<16xi32>
        %shift_left3A_1436 = arith.constant 16 : i32
        %shift_left3A_1437 = vector.broadcast %shift_left3A_1436 : i32 to vector<16xi32>
        %shift_left3A_1438 = arith.shli %get3A_1435, %shift_left3A_1437 : vector<16xi32>
        %bitcast_convert_type3A_1439 = tpu.bitcast %shift_left3A_1438 : vector<16xi32> -> vector<16xf32>
        %bitcast_convert_type3A_1440 = tpu.bitcast %get3A_1435 : vector<16xi32> -> vector<16xf32>
        %mul3A_1441 = arith.mulf %broadcast_in_dim3A_1398, %bitcast_convert_type3A_1439 : vector<16xf32>
        %add3A_1442 = arith.addf %add3A_1323, %mul3A_1441 : vector<16xf32>
        %mul3A_1443 = arith.mulf %broadcast_in_dim3A_1398, %bitcast_convert_type3A_1440 : vector<16xf32>
        %add3A_1444 = arith.addf %add3A_1325, %mul3A_1443 : vector<16xf32>
        %get3A_1445 = arith.index_cast %select_n3A_135 : i32 to index
        %get3A_1446 = arith.index_cast %add3A_1402 : i32 to index
        %get3A_1447 = arith.constant 48 : index
        %get3A_1448 = tpu.vector_load %arg8[%get3A_1445, %get3A_1446, %get3A_1447] {strides = array<i32>} : memref<3x112x128xi32, #tpu.memory_space<vmem>>, vector<1x1x16xi32>,
        %get3A_1449 = vector.shape_cast %get3A_1448 : vector<1x1x16xi32> to vector<16xi32>
        %shift_left3A_1450 = arith.constant 16 : i32
        %shift_left3A_1451 = vector.broadcast %shift_left3A_1450 : i32 to vector<16xi32>
        %shift_left3A_1452 = arith.shli %get3A_1449, %shift_left3A_1451 : vector<16xi32>
        %bitcast_convert_type3A_1453 = tpu.bitcast %shift_left3A_1452 : vector<16xi32> -> vector<16xf32>
        %bitcast_convert_type3A_1454 = tpu.bitcast %get3A_1449 : vector<16xi32> -> vector<16xf32>
        %mul3A_1455 = arith.mulf %broadcast_in_dim3A_1398, %bitcast_convert_type3A_1453 : vector<16xf32>
        %add3A_1456 = arith.addf %add3A_1337, %mul3A_1455 : vector<16xf32>
        %mul3A_1457 = arith.mulf %broadcast_in_dim3A_1398, %bitcast_convert_type3A_1454 : vector<16xf32>
        %add3A_1458 = arith.addf %add3A_1339, %mul3A_1457 : vector<16xf32>
        %get3A_1459 = arith.index_cast %select_n3A_135 : i32 to index
        %get3A_1460 = arith.index_cast %add3A_1402 : i32 to index
        %get3A_1461 = arith.constant 64 : index
        %get3A_1462 = tpu.vector_load %arg8[%get3A_1459, %get3A_1460, %get3A_1461] {strides = array<i32>} : memref<3x112x128xi32, #tpu.memory_space<vmem>>, vector<1x1x16xi32>,
        %get3A_1463 = vector.shape_cast %get3A_1462 : vector<1x1x16xi32> to vector<16xi32>
        %shift_left3A_1464 = arith.constant 16 : i32
        %shift_left3A_1465 = vector.broadcast %shift_left3A_1464 : i32 to vector<16xi32>
        %shift_left3A_1466 = arith.shli %get3A_1463, %shift_left3A_1465 : vector<16xi32>
        %bitcast_convert_type3A_1467 = tpu.bitcast %shift_left3A_1466 : vector<16xi32> -> vector<16xf32>
        %bitcast_convert_type3A_1468 = tpu.bitcast %get3A_1463 : vector<16xi32> -> vector<16xf32>
        %mul3A_1469 = arith.mulf %broadcast_in_dim3A_1398, %bitcast_convert_type3A_1467 : vector<16xf32>
        %add3A_1470 = arith.addf %add3A_1351, %mul3A_1469 : vector<16xf32>
        %mul3A_1471 = arith.mulf %broadcast_in_dim3A_1398, %bitcast_convert_type3A_1468 : vector<16xf32>
        %add3A_1472 = arith.addf %add3A_1353, %mul3A_1471 : vector<16xf32>
        %get3A_1473 = arith.index_cast %select_n3A_135 : i32 to index
        %get3A_1474 = arith.index_cast %add3A_1402 : i32 to index
        %get3A_1475 = arith.constant 80 : index
        %get3A_1476 = tpu.vector_load %arg8[%get3A_1473, %get3A_1474, %get3A_1475] {strides = array<i32>} : memref<3x112x128xi32, #tpu.memory_space<vmem>>, vector<1x1x16xi32>,
        %get3A_1477 = vector.shape_cast %get3A_1476 : vector<1x1x16xi32> to vector<16xi32>
        %shift_left3A_1478 = arith.constant 16 : i32
        %shift_left3A_1479 = vector.broadcast %shift_left3A_1478 : i32 to vector<16xi32>
        %shift_left3A_1480 = arith.shli %get3A_1477, %shift_left3A_1479 : vector<16xi32>
        %bitcast_convert_type3A_1481 = tpu.bitcast %shift_left3A_1480 : vector<16xi32> -> vector<16xf32>
        %bitcast_convert_type3A_1482 = tpu.bitcast %get3A_1477 : vector<16xi32> -> vector<16xf32>
        %mul3A_1483 = arith.mulf %broadcast_in_dim3A_1398, %bitcast_convert_type3A_1481 : vector<16xf32>
        %add3A_1484 = arith.addf %add3A_1365, %mul3A_1483 : vector<16xf32>
        %mul3A_1485 = arith.mulf %broadcast_in_dim3A_1398, %bitcast_convert_type3A_1482 : vector<16xf32>
        %add3A_1486 = arith.addf %add3A_1367, %mul3A_1485 : vector<16xf32>
        %get3A_1487 = arith.index_cast %select_n3A_135 : i32 to index
        %get3A_1488 = arith.index_cast %add3A_1402 : i32 to index
        %get3A_1489 = arith.constant 96 : index
        %get3A_1490 = tpu.vector_load %arg8[%get3A_1487, %get3A_1488, %get3A_1489] {strides = array<i32>} : memref<3x112x128xi32, #tpu.memory_space<vmem>>, vector<1x1x16xi32>,
        %get3A_1491 = vector.shape_cast %get3A_1490 : vector<1x1x16xi32> to vector<16xi32>
        %shift_left3A_1492 = arith.constant 16 : i32
        %shift_left3A_1493 = vector.broadcast %shift_left3A_1492 : i32 to vector<16xi32>
        %shift_left3A_1494 = arith.shli %get3A_1491, %shift_left3A_1493 : vector<16xi32>
        %bitcast_convert_type3A_1495 = tpu.bitcast %shift_left3A_1494 : vector<16xi32> -> vector<16xf32>
        %bitcast_convert_type3A_1496 = tpu.bitcast %get3A_1491 : vector<16xi32> -> vector<16xf32>
        %mul3A_1497 = arith.mulf %broadcast_in_dim3A_1398, %bitcast_convert_type3A_1495 : vector<16xf32>
        %add3A_1498 = arith.addf %add3A_1379, %mul3A_1497 : vector<16xf32>
        %mul3A_1499 = arith.mulf %broadcast_in_dim3A_1398, %bitcast_convert_type3A_1496 : vector<16xf32>
        %add3A_1500 = arith.addf %add3A_1381, %mul3A_1499 : vector<16xf32>
        %get3A_1501 = arith.index_cast %select_n3A_135 : i32 to index
        %get3A_1502 = arith.index_cast %add3A_1402 : i32 to index
        %get3A_1503 = arith.constant 112 : index
        %get3A_1504 = tpu.vector_load %arg8[%get3A_1501, %get3A_1502, %get3A_1503] {strides = array<i32>} : memref<3x112x128xi32, #tpu.memory_space<vmem>>, vector<1x1x16xi32>,
        %get3A_1505 = vector.shape_cast %get3A_1504 : vector<1x1x16xi32> to vector<16xi32>
        %shift_left3A_1506 = arith.constant 16 : i32
        %shift_left3A_1507 = vector.broadcast %shift_left3A_1506 : i32 to vector<16xi32>
        %shift_left3A_1508 = arith.shli %get3A_1505, %shift_left3A_1507 : vector<16xi32>
        %bitcast_convert_type3A_1509 = tpu.bitcast %shift_left3A_1508 : vector<16xi32> -> vector<16xf32>
        %bitcast_convert_type3A_1510 = tpu.bitcast %get3A_1505 : vector<16xi32> -> vector<16xf32>
        %mul3A_1511 = arith.mulf %broadcast_in_dim3A_1398, %bitcast_convert_type3A_1509 : vector<16xf32>
        %add3A_1512 = arith.addf %add3A_1393, %mul3A_1511 : vector<16xf32>
        %mul3A_1513 = arith.mulf %broadcast_in_dim3A_1398, %bitcast_convert_type3A_1510 : vector<16xf32>
        %add3A_1514 = arith.addf %add3A_1395, %mul3A_1513 : vector<16xf32>
        %slice3A_1515 = vector.extract_strided_slice %get3A_208 {offsets = [11], sizes = [1], strides = [1]} : vector<16xf32> to vector<1xf32>
        %squeeze3A_1516 = vector.extract %slice3A_1515[0] : f32 from vector<1xf32>
        %broadcast_in_dim3A_1517 = vector.broadcast %squeeze3A_1516 : f32 to vector<16xf32>
        %mul3A_1518 = arith.constant 16 : i32
        %mul3A_1519 = arith.muli %scan3A_194, %mul3A_1518 : i32
        %add3A_1520 = arith.constant 11 : i32
        %add3A_1521 = arith.addi %mul3A_1519, %add3A_1520 : i32
        %get3A_1522 = arith.index_cast %select_n3A_135 : i32 to index
        %get3A_1523 = arith.index_cast %add3A_1521 : i32 to index
        %get3A_1524 = arith.constant 0 : index
        %get3A_1525 = tpu.vector_load %arg8[%get3A_1522, %get3A_1523, %get3A_1524] {strides = array<i32>} : memref<3x112x128xi32, #tpu.memory_space<vmem>>, vector<1x1x16xi32>,
        %get3A_1526 = vector.shape_cast %get3A_1525 : vector<1x1x16xi32> to vector<16xi32>
        %shift_left3A_1527 = arith.constant 16 : i32
        %shift_left3A_1528 = vector.broadcast %shift_left3A_1527 : i32 to vector<16xi32>
        %shift_left3A_1529 = arith.shli %get3A_1526, %shift_left3A_1528 : vector<16xi32>
        %bitcast_convert_type3A_1530 = tpu.bitcast %shift_left3A_1529 : vector<16xi32> -> vector<16xf32>
        %bitcast_convert_type3A_1531 = tpu.bitcast %get3A_1526 : vector<16xi32> -> vector<16xf32>
        %mul3A_1532 = arith.mulf %broadcast_in_dim3A_1517, %bitcast_convert_type3A_1530 : vector<16xf32>
        %add3A_1533 = arith.addf %add3A_1414, %mul3A_1532 : vector<16xf32>
        %mul3A_1534 = arith.mulf %broadcast_in_dim3A_1517, %bitcast_convert_type3A_1531 : vector<16xf32>
        %add3A_1535 = arith.addf %add3A_1416, %mul3A_1534 : vector<16xf32>
        %get3A_1536 = arith.index_cast %select_n3A_135 : i32 to index
        %get3A_1537 = arith.index_cast %add3A_1521 : i32 to index
        %get3A_1538 = arith.constant 16 : index
        %get3A_1539 = tpu.vector_load %arg8[%get3A_1536, %get3A_1537, %get3A_1538] {strides = array<i32>} : memref<3x112x128xi32, #tpu.memory_space<vmem>>, vector<1x1x16xi32>,
        %get3A_1540 = vector.shape_cast %get3A_1539 : vector<1x1x16xi32> to vector<16xi32>
        %shift_left3A_1541 = arith.constant 16 : i32
        %shift_left3A_1542 = vector.broadcast %shift_left3A_1541 : i32 to vector<16xi32>
        %shift_left3A_1543 = arith.shli %get3A_1540, %shift_left3A_1542 : vector<16xi32>
        %bitcast_convert_type3A_1544 = tpu.bitcast %shift_left3A_1543 : vector<16xi32> -> vector<16xf32>
        %bitcast_convert_type3A_1545 = tpu.bitcast %get3A_1540 : vector<16xi32> -> vector<16xf32>
        %mul3A_1546 = arith.mulf %broadcast_in_dim3A_1517, %bitcast_convert_type3A_1544 : vector<16xf32>
        %add3A_1547 = arith.addf %add3A_1428, %mul3A_1546 : vector<16xf32>
        %mul3A_1548 = arith.mulf %broadcast_in_dim3A_1517, %bitcast_convert_type3A_1545 : vector<16xf32>
        %add3A_1549 = arith.addf %add3A_1430, %mul3A_1548 : vector<16xf32>
        %get3A_1550 = arith.index_cast %select_n3A_135 : i32 to index
        %get3A_1551 = arith.index_cast %add3A_1521 : i32 to index
        %get3A_1552 = arith.constant 32 : index
        %get3A_1553 = tpu.vector_load %arg8[%get3A_1550, %get3A_1551, %get3A_1552] {strides = array<i32>} : memref<3x112x128xi32, #tpu.memory_space<vmem>>, vector<1x1x16xi32>,
        %get3A_1554 = vector.shape_cast %get3A_1553 : vector<1x1x16xi32> to vector<16xi32>
        %shift_left3A_1555 = arith.constant 16 : i32
        %shift_left3A_1556 = vector.broadcast %shift_left3A_1555 : i32 to vector<16xi32>
        %shift_left3A_1557 = arith.shli %get3A_1554, %shift_left3A_1556 : vector<16xi32>
        %bitcast_convert_type3A_1558 = tpu.bitcast %shift_left3A_1557 : vector<16xi32> -> vector<16xf32>
        %bitcast_convert_type3A_1559 = tpu.bitcast %get3A_1554 : vector<16xi32> -> vector<16xf32>
        %mul3A_1560 = arith.mulf %broadcast_in_dim3A_1517, %bitcast_convert_type3A_1558 : vector<16xf32>
        %add3A_1561 = arith.addf %add3A_1442, %mul3A_1560 : vector<16xf32>
        %mul3A_1562 = arith.mulf %broadcast_in_dim3A_1517, %bitcast_convert_type3A_1559 : vector<16xf32>
        %add3A_1563 = arith.addf %add3A_1444, %mul3A_1562 : vector<16xf32>
        %get3A_1564 = arith.index_cast %select_n3A_135 : i32 to index
        %get3A_1565 = arith.index_cast %add3A_1521 : i32 to index
        %get3A_1566 = arith.constant 48 : index
        %get3A_1567 = tpu.vector_load %arg8[%get3A_1564, %get3A_1565, %get3A_1566] {strides = array<i32>} : memref<3x112x128xi32, #tpu.memory_space<vmem>>, vector<1x1x16xi32>,
        %get3A_1568 = vector.shape_cast %get3A_1567 : vector<1x1x16xi32> to vector<16xi32>
        %shift_left3A_1569 = arith.constant 16 : i32
        %shift_left3A_1570 = vector.broadcast %shift_left3A_1569 : i32 to vector<16xi32>
        %shift_left3A_1571 = arith.shli %get3A_1568, %shift_left3A_1570 : vector<16xi32>
        %bitcast_convert_type3A_1572 = tpu.bitcast %shift_left3A_1571 : vector<16xi32> -> vector<16xf32>
        %bitcast_convert_type3A_1573 = tpu.bitcast %get3A_1568 : vector<16xi32> -> vector<16xf32>
        %mul3A_1574 = arith.mulf %broadcast_in_dim3A_1517, %bitcast_convert_type3A_1572 : vector<16xf32>
        %add3A_1575 = arith.addf %add3A_1456, %mul3A_1574 : vector<16xf32>
        %mul3A_1576 = arith.mulf %broadcast_in_dim3A_1517, %bitcast_convert_type3A_1573 : vector<16xf32>
        %add3A_1577 = arith.addf %add3A_1458, %mul3A_1576 : vector<16xf32>
        %get3A_1578 = arith.index_cast %select_n3A_135 : i32 to index
        %get3A_1579 = arith.index_cast %add3A_1521 : i32 to index
        %get3A_1580 = arith.constant 64 : index
        %get3A_1581 = tpu.vector_load %arg8[%get3A_1578, %get3A_1579, %get3A_1580] {strides = array<i32>} : memref<3x112x128xi32, #tpu.memory_space<vmem>>, vector<1x1x16xi32>,
        %get3A_1582 = vector.shape_cast %get3A_1581 : vector<1x1x16xi32> to vector<16xi32>
        %shift_left3A_1583 = arith.constant 16 : i32
        %shift_left3A_1584 = vector.broadcast %shift_left3A_1583 : i32 to vector<16xi32>
        %shift_left3A_1585 = arith.shli %get3A_1582, %shift_left3A_1584 : vector<16xi32>
        %bitcast_convert_type3A_1586 = tpu.bitcast %shift_left3A_1585 : vector<16xi32> -> vector<16xf32>
        %bitcast_convert_type3A_1587 = tpu.bitcast %get3A_1582 : vector<16xi32> -> vector<16xf32>
        %mul3A_1588 = arith.mulf %broadcast_in_dim3A_1517, %bitcast_convert_type3A_1586 : vector<16xf32>
        %add3A_1589 = arith.addf %add3A_1470, %mul3A_1588 : vector<16xf32>
        %mul3A_1590 = arith.mulf %broadcast_in_dim3A_1517, %bitcast_convert_type3A_1587 : vector<16xf32>
        %add3A_1591 = arith.addf %add3A_1472, %mul3A_1590 : vector<16xf32>
        %get3A_1592 = arith.index_cast %select_n3A_135 : i32 to index
        %get3A_1593 = arith.index_cast %add3A_1521 : i32 to index
        %get3A_1594 = arith.constant 80 : index
        %get3A_1595 = tpu.vector_load %arg8[%get3A_1592, %get3A_1593, %get3A_1594] {strides = array<i32>} : memref<3x112x128xi32, #tpu.memory_space<vmem>>, vector<1x1x16xi32>,
        %get3A_1596 = vector.shape_cast %get3A_1595 : vector<1x1x16xi32> to vector<16xi32>
        %shift_left3A_1597 = arith.constant 16 : i32
        %shift_left3A_1598 = vector.broadcast %shift_left3A_1597 : i32 to vector<16xi32>
        %shift_left3A_1599 = arith.shli %get3A_1596, %shift_left3A_1598 : vector<16xi32>
        %bitcast_convert_type3A_1600 = tpu.bitcast %shift_left3A_1599 : vector<16xi32> -> vector<16xf32>
        %bitcast_convert_type3A_1601 = tpu.bitcast %get3A_1596 : vector<16xi32> -> vector<16xf32>
        %mul3A_1602 = arith.mulf %broadcast_in_dim3A_1517, %bitcast_convert_type3A_1600 : vector<16xf32>
        %add3A_1603 = arith.addf %add3A_1484, %mul3A_1602 : vector<16xf32>
        %mul3A_1604 = arith.mulf %broadcast_in_dim3A_1517, %bitcast_convert_type3A_1601 : vector<16xf32>
        %add3A_1605 = arith.addf %add3A_1486, %mul3A_1604 : vector<16xf32>
        %get3A_1606 = arith.index_cast %select_n3A_135 : i32 to index
        %get3A_1607 = arith.index_cast %add3A_1521 : i32 to index
        %get3A_1608 = arith.constant 96 : index
        %get3A_1609 = tpu.vector_load %arg8[%get3A_1606, %get3A_1607, %get3A_1608] {strides = array<i32>} : memref<3x112x128xi32, #tpu.memory_space<vmem>>, vector<1x1x16xi32>,
        %get3A_1610 = vector.shape_cast %get3A_1609 : vector<1x1x16xi32> to vector<16xi32>
        %shift_left3A_1611 = arith.constant 16 : i32
        %shift_left3A_1612 = vector.broadcast %shift_left3A_1611 : i32 to vector<16xi32>
        %shift_left3A_1613 = arith.shli %get3A_1610, %shift_left3A_1612 : vector<16xi32>
        %bitcast_convert_type3A_1614 = tpu.bitcast %shift_left3A_1613 : vector<16xi32> -> vector<16xf32>
        %bitcast_convert_type3A_1615 = tpu.bitcast %get3A_1610 : vector<16xi32> -> vector<16xf32>
        %mul3A_1616 = arith.mulf %broadcast_in_dim3A_1517, %bitcast_convert_type3A_1614 : vector<16xf32>
        %add3A_1617 = arith.addf %add3A_1498, %mul3A_1616 : vector<16xf32>
        %mul3A_1618 = arith.mulf %broadcast_in_dim3A_1517, %bitcast_convert_type3A_1615 : vector<16xf32>
        %add3A_1619 = arith.addf %add3A_1500, %mul3A_1618 : vector<16xf32>
        %get3A_1620 = arith.index_cast %select_n3A_135 : i32 to index
        %get3A_1621 = arith.index_cast %add3A_1521 : i32 to index
        %get3A_1622 = arith.constant 112 : index
        %get3A_1623 = tpu.vector_load %arg8[%get3A_1620, %get3A_1621, %get3A_1622] {strides = array<i32>} : memref<3x112x128xi32, #tpu.memory_space<vmem>>, vector<1x1x16xi32>,
        %get3A_1624 = vector.shape_cast %get3A_1623 : vector<1x1x16xi32> to vector<16xi32>
        %shift_left3A_1625 = arith.constant 16 : i32
        %shift_left3A_1626 = vector.broadcast %shift_left3A_1625 : i32 to vector<16xi32>
        %shift_left3A_1627 = arith.shli %get3A_1624, %shift_left3A_1626 : vector<16xi32>
        %bitcast_convert_type3A_1628 = tpu.bitcast %shift_left3A_1627 : vector<16xi32> -> vector<16xf32>
        %bitcast_convert_type3A_1629 = tpu.bitcast %get3A_1624 : vector<16xi32> -> vector<16xf32>
        %mul3A_1630 = arith.mulf %broadcast_in_dim3A_1517, %bitcast_convert_type3A_1628 : vector<16xf32>
        %add3A_1631 = arith.addf %add3A_1512, %mul3A_1630 : vector<16xf32>
        %mul3A_1632 = arith.mulf %broadcast_in_dim3A_1517, %bitcast_convert_type3A_1629 : vector<16xf32>
        %add3A_1633 = arith.addf %add3A_1514, %mul3A_1632 : vector<16xf32>
        %slice3A_1634 = vector.extract_strided_slice %get3A_208 {offsets = [12], sizes = [1], strides = [1]} : vector<16xf32> to vector<1xf32>
        %squeeze3A_1635 = vector.extract %slice3A_1634[0] : f32 from vector<1xf32>
        %broadcast_in_dim3A_1636 = vector.broadcast %squeeze3A_1635 : f32 to vector<16xf32>
        %mul3A_1637 = arith.constant 16 : i32
        %mul3A_1638 = arith.muli %scan3A_194, %mul3A_1637 : i32
        %add3A_1639 = arith.constant 12 : i32
        %add3A_1640 = arith.addi %mul3A_1638, %add3A_1639 : i32
        %get3A_1641 = arith.index_cast %select_n3A_135 : i32 to index
        %get3A_1642 = arith.index_cast %add3A_1640 : i32 to index
        %get3A_1643 = arith.constant 0 : index
        %get3A_1644 = tpu.vector_load %arg8[%get3A_1641, %get3A_1642, %get3A_1643] {strides = array<i32>} : memref<3x112x128xi32, #tpu.memory_space<vmem>>, vector<1x1x16xi32>,
        %get3A_1645 = vector.shape_cast %get3A_1644 : vector<1x1x16xi32> to vector<16xi32>
        %shift_left3A_1646 = arith.constant 16 : i32
        %shift_left3A_1647 = vector.broadcast %shift_left3A_1646 : i32 to vector<16xi32>
        %shift_left3A_1648 = arith.shli %get3A_1645, %shift_left3A_1647 : vector<16xi32>
        %bitcast_convert_type3A_1649 = tpu.bitcast %shift_left3A_1648 : vector<16xi32> -> vector<16xf32>
        %bitcast_convert_type3A_1650 = tpu.bitcast %get3A_1645 : vector<16xi32> -> vector<16xf32>
        %mul3A_1651 = arith.mulf %broadcast_in_dim3A_1636, %bitcast_convert_type3A_1649 : vector<16xf32>
        %add3A_1652 = arith.addf %add3A_1533, %mul3A_1651 : vector<16xf32>
        %mul3A_1653 = arith.mulf %broadcast_in_dim3A_1636, %bitcast_convert_type3A_1650 : vector<16xf32>
        %add3A_1654 = arith.addf %add3A_1535, %mul3A_1653 : vector<16xf32>
        %get3A_1655 = arith.index_cast %select_n3A_135 : i32 to index
        %get3A_1656 = arith.index_cast %add3A_1640 : i32 to index
        %get3A_1657 = arith.constant 16 : index
        %get3A_1658 = tpu.vector_load %arg8[%get3A_1655, %get3A_1656, %get3A_1657] {strides = array<i32>} : memref<3x112x128xi32, #tpu.memory_space<vmem>>, vector<1x1x16xi32>,
        %get3A_1659 = vector.shape_cast %get3A_1658 : vector<1x1x16xi32> to vector<16xi32>
        %shift_left3A_1660 = arith.constant 16 : i32
        %shift_left3A_1661 = vector.broadcast %shift_left3A_1660 : i32 to vector<16xi32>
        %shift_left3A_1662 = arith.shli %get3A_1659, %shift_left3A_1661 : vector<16xi32>
        %bitcast_convert_type3A_1663 = tpu.bitcast %shift_left3A_1662 : vector<16xi32> -> vector<16xf32>
        %bitcast_convert_type3A_1664 = tpu.bitcast %get3A_1659 : vector<16xi32> -> vector<16xf32>
        %mul3A_1665 = arith.mulf %broadcast_in_dim3A_1636, %bitcast_convert_type3A_1663 : vector<16xf32>
        %add3A_1666 = arith.addf %add3A_1547, %mul3A_1665 : vector<16xf32>
        %mul3A_1667 = arith.mulf %broadcast_in_dim3A_1636, %bitcast_convert_type3A_1664 : vector<16xf32>
        %add3A_1668 = arith.addf %add3A_1549, %mul3A_1667 : vector<16xf32>
        %get3A_1669 = arith.index_cast %select_n3A_135 : i32 to index
        %get3A_1670 = arith.index_cast %add3A_1640 : i32 to index
        %get3A_1671 = arith.constant 32 : index
        %get3A_1672 = tpu.vector_load %arg8[%get3A_1669, %get3A_1670, %get3A_1671] {strides = array<i32>} : memref<3x112x128xi32, #tpu.memory_space<vmem>>, vector<1x1x16xi32>,
        %get3A_1673 = vector.shape_cast %get3A_1672 : vector<1x1x16xi32> to vector<16xi32>
        %shift_left3A_1674 = arith.constant 16 : i32
        %shift_left3A_1675 = vector.broadcast %shift_left3A_1674 : i32 to vector<16xi32>
        %shift_left3A_1676 = arith.shli %get3A_1673, %shift_left3A_1675 : vector<16xi32>
        %bitcast_convert_type3A_1677 = tpu.bitcast %shift_left3A_1676 : vector<16xi32> -> vector<16xf32>
        %bitcast_convert_type3A_1678 = tpu.bitcast %get3A_1673 : vector<16xi32> -> vector<16xf32>
        %mul3A_1679 = arith.mulf %broadcast_in_dim3A_1636, %bitcast_convert_type3A_1677 : vector<16xf32>
        %add3A_1680 = arith.addf %add3A_1561, %mul3A_1679 : vector<16xf32>
        %mul3A_1681 = arith.mulf %broadcast_in_dim3A_1636, %bitcast_convert_type3A_1678 : vector<16xf32>
        %add3A_1682 = arith.addf %add3A_1563, %mul3A_1681 : vector<16xf32>
        %get3A_1683 = arith.index_cast %select_n3A_135 : i32 to index
        %get3A_1684 = arith.index_cast %add3A_1640 : i32 to index
        %get3A_1685 = arith.constant 48 : index
        %get3A_1686 = tpu.vector_load %arg8[%get3A_1683, %get3A_1684, %get3A_1685] {strides = array<i32>} : memref<3x112x128xi32, #tpu.memory_space<vmem>>, vector<1x1x16xi32>,
        %get3A_1687 = vector.shape_cast %get3A_1686 : vector<1x1x16xi32> to vector<16xi32>
        %shift_left3A_1688 = arith.constant 16 : i32
        %shift_left3A_1689 = vector.broadcast %shift_left3A_1688 : i32 to vector<16xi32>
        %shift_left3A_1690 = arith.shli %get3A_1687, %shift_left3A_1689 : vector<16xi32>
        %bitcast_convert_type3A_1691 = tpu.bitcast %shift_left3A_1690 : vector<16xi32> -> vector<16xf32>
        %bitcast_convert_type3A_1692 = tpu.bitcast %get3A_1687 : vector<16xi32> -> vector<16xf32>
        %mul3A_1693 = arith.mulf %broadcast_in_dim3A_1636, %bitcast_convert_type3A_1691 : vector<16xf32>
        %add3A_1694 = arith.addf %add3A_1575, %mul3A_1693 : vector<16xf32>
        %mul3A_1695 = arith.mulf %broadcast_in_dim3A_1636, %bitcast_convert_type3A_1692 : vector<16xf32>
        %add3A_1696 = arith.addf %add3A_1577, %mul3A_1695 : vector<16xf32>
        %get3A_1697 = arith.index_cast %select_n3A_135 : i32 to index
        %get3A_1698 = arith.index_cast %add3A_1640 : i32 to index
        %get3A_1699 = arith.constant 64 : index
        %get3A_1700 = tpu.vector_load %arg8[%get3A_1697, %get3A_1698, %get3A_1699] {strides = array<i32>} : memref<3x112x128xi32, #tpu.memory_space<vmem>>, vector<1x1x16xi32>,
        %get3A_1701 = vector.shape_cast %get3A_1700 : vector<1x1x16xi32> to vector<16xi32>
        %shift_left3A_1702 = arith.constant 16 : i32
        %shift_left3A_1703 = vector.broadcast %shift_left3A_1702 : i32 to vector<16xi32>
        %shift_left3A_1704 = arith.shli %get3A_1701, %shift_left3A_1703 : vector<16xi32>
        %bitcast_convert_type3A_1705 = tpu.bitcast %shift_left3A_1704 : vector<16xi32> -> vector<16xf32>
        %bitcast_convert_type3A_1706 = tpu.bitcast %get3A_1701 : vector<16xi32> -> vector<16xf32>
        %mul3A_1707 = arith.mulf %broadcast_in_dim3A_1636, %bitcast_convert_type3A_1705 : vector<16xf32>
        %add3A_1708 = arith.addf %add3A_1589, %mul3A_1707 : vector<16xf32>
        %mul3A_1709 = arith.mulf %broadcast_in_dim3A_1636, %bitcast_convert_type3A_1706 : vector<16xf32>
        %add3A_1710 = arith.addf %add3A_1591, %mul3A_1709 : vector<16xf32>
        %get3A_1711 = arith.index_cast %select_n3A_135 : i32 to index
        %get3A_1712 = arith.index_cast %add3A_1640 : i32 to index
        %get3A_1713 = arith.constant 80 : index
        %get3A_1714 = tpu.vector_load %arg8[%get3A_1711, %get3A_1712, %get3A_1713] {strides = array<i32>} : memref<3x112x128xi32, #tpu.memory_space<vmem>>, vector<1x1x16xi32>,
        %get3A_1715 = vector.shape_cast %get3A_1714 : vector<1x1x16xi32> to vector<16xi32>
        %shift_left3A_1716 = arith.constant 16 : i32
        %shift_left3A_1717 = vector.broadcast %shift_left3A_1716 : i32 to vector<16xi32>
        %shift_left3A_1718 = arith.shli %get3A_1715, %shift_left3A_1717 : vector<16xi32>
        %bitcast_convert_type3A_1719 = tpu.bitcast %shift_left3A_1718 : vector<16xi32> -> vector<16xf32>
        %bitcast_convert_type3A_1720 = tpu.bitcast %get3A_1715 : vector<16xi32> -> vector<16xf32>
        %mul3A_1721 = arith.mulf %broadcast_in_dim3A_1636, %bitcast_convert_type3A_1719 : vector<16xf32>
        %add3A_1722 = arith.addf %add3A_1603, %mul3A_1721 : vector<16xf32>
        %mul3A_1723 = arith.mulf %broadcast_in_dim3A_1636, %bitcast_convert_type3A_1720 : vector<16xf32>
        %add3A_1724 = arith.addf %add3A_1605, %mul3A_1723 : vector<16xf32>
        %get3A_1725 = arith.index_cast %select_n3A_135 : i32 to index
        %get3A_1726 = arith.index_cast %add3A_1640 : i32 to index
        %get3A_1727 = arith.constant 96 : index
        %get3A_1728 = tpu.vector_load %arg8[%get3A_1725, %get3A_1726, %get3A_1727] {strides = array<i32>} : memref<3x112x128xi32, #tpu.memory_space<vmem>>, vector<1x1x16xi32>,
        %get3A_1729 = vector.shape_cast %get3A_1728 : vector<1x1x16xi32> to vector<16xi32>
        %shift_left3A_1730 = arith.constant 16 : i32
        %shift_left3A_1731 = vector.broadcast %shift_left3A_1730 : i32 to vector<16xi32>
        %shift_left3A_1732 = arith.shli %get3A_1729, %shift_left3A_1731 : vector<16xi32>
        %bitcast_convert_type3A_1733 = tpu.bitcast %shift_left3A_1732 : vector<16xi32> -> vector<16xf32>
        %bitcast_convert_type3A_1734 = tpu.bitcast %get3A_1729 : vector<16xi32> -> vector<16xf32>
        %mul3A_1735 = arith.mulf %broadcast_in_dim3A_1636, %bitcast_convert_type3A_1733 : vector<16xf32>
        %add3A_1736 = arith.addf %add3A_1617, %mul3A_1735 : vector<16xf32>
        %mul3A_1737 = arith.mulf %broadcast_in_dim3A_1636, %bitcast_convert_type3A_1734 : vector<16xf32>
        %add3A_1738 = arith.addf %add3A_1619, %mul3A_1737 : vector<16xf32>
        %get3A_1739 = arith.index_cast %select_n3A_135 : i32 to index
        %get3A_1740 = arith.index_cast %add3A_1640 : i32 to index
        %get3A_1741 = arith.constant 112 : index
        %get3A_1742 = tpu.vector_load %arg8[%get3A_1739, %get3A_1740, %get3A_1741] {strides = array<i32>} : memref<3x112x128xi32, #tpu.memory_space<vmem>>, vector<1x1x16xi32>,
        %get3A_1743 = vector.shape_cast %get3A_1742 : vector<1x1x16xi32> to vector<16xi32>
        %shift_left3A_1744 = arith.constant 16 : i32
        %shift_left3A_1745 = vector.broadcast %shift_left3A_1744 : i32 to vector<16xi32>
        %shift_left3A_1746 = arith.shli %get3A_1743, %shift_left3A_1745 : vector<16xi32>
        %bitcast_convert_type3A_1747 = tpu.bitcast %shift_left3A_1746 : vector<16xi32> -> vector<16xf32>
        %bitcast_convert_type3A_1748 = tpu.bitcast %get3A_1743 : vector<16xi32> -> vector<16xf32>
        %mul3A_1749 = arith.mulf %broadcast_in_dim3A_1636, %bitcast_convert_type3A_1747 : vector<16xf32>
        %add3A_1750 = arith.addf %add3A_1631, %mul3A_1749 : vector<16xf32>
        %mul3A_1751 = arith.mulf %broadcast_in_dim3A_1636, %bitcast_convert_type3A_1748 : vector<16xf32>
        %add3A_1752 = arith.addf %add3A_1633, %mul3A_1751 : vector<16xf32>
        %slice3A_1753 = vector.extract_strided_slice %get3A_208 {offsets = [13], sizes = [1], strides = [1]} : vector<16xf32> to vector<1xf32>
        %squeeze3A_1754 = vector.extract %slice3A_1753[0] : f32 from vector<1xf32>
        %broadcast_in_dim3A_1755 = vector.broadcast %squeeze3A_1754 : f32 to vector<16xf32>
        %mul3A_1756 = arith.constant 16 : i32
        %mul3A_1757 = arith.muli %scan3A_194, %mul3A_1756 : i32
        %add3A_1758 = arith.constant 13 : i32
        %add3A_1759 = arith.addi %mul3A_1757, %add3A_1758 : i32
        %get3A_1760 = arith.index_cast %select_n3A_135 : i32 to index
        %get3A_1761 = arith.index_cast %add3A_1759 : i32 to index
        %get3A_1762 = arith.constant 0 : index
        %get3A_1763 = tpu.vector_load %arg8[%get3A_1760, %get3A_1761, %get3A_1762] {strides = array<i32>} : memref<3x112x128xi32, #tpu.memory_space<vmem>>, vector<1x1x16xi32>,
        %get3A_1764 = vector.shape_cast %get3A_1763 : vector<1x1x16xi32> to vector<16xi32>
        %shift_left3A_1765 = arith.constant 16 : i32
        %shift_left3A_1766 = vector.broadcast %shift_left3A_1765 : i32 to vector<16xi32>
        %shift_left3A_1767 = arith.shli %get3A_1764, %shift_left3A_1766 : vector<16xi32>
        %bitcast_convert_type3A_1768 = tpu.bitcast %shift_left3A_1767 : vector<16xi32> -> vector<16xf32>
        %bitcast_convert_type3A_1769 = tpu.bitcast %get3A_1764 : vector<16xi32> -> vector<16xf32>
        %mul3A_1770 = arith.mulf %broadcast_in_dim3A_1755, %bitcast_convert_type3A_1768 : vector<16xf32>
        %add3A_1771 = arith.addf %add3A_1652, %mul3A_1770 : vector<16xf32>
        %mul3A_1772 = arith.mulf %broadcast_in_dim3A_1755, %bitcast_convert_type3A_1769 : vector<16xf32>
        %add3A_1773 = arith.addf %add3A_1654, %mul3A_1772 : vector<16xf32>
        %get3A_1774 = arith.index_cast %select_n3A_135 : i32 to index
        %get3A_1775 = arith.index_cast %add3A_1759 : i32 to index
        %get3A_1776 = arith.constant 16 : index
        %get3A_1777 = tpu.vector_load %arg8[%get3A_1774, %get3A_1775, %get3A_1776] {strides = array<i32>} : memref<3x112x128xi32, #tpu.memory_space<vmem>>, vector<1x1x16xi32>,
        %get3A_1778 = vector.shape_cast %get3A_1777 : vector<1x1x16xi32> to vector<16xi32>
        %shift_left3A_1779 = arith.constant 16 : i32
        %shift_left3A_1780 = vector.broadcast %shift_left3A_1779 : i32 to vector<16xi32>
        %shift_left3A_1781 = arith.shli %get3A_1778, %shift_left3A_1780 : vector<16xi32>
        %bitcast_convert_type3A_1782 = tpu.bitcast %shift_left3A_1781 : vector<16xi32> -> vector<16xf32>
        %bitcast_convert_type3A_1783 = tpu.bitcast %get3A_1778 : vector<16xi32> -> vector<16xf32>
        %mul3A_1784 = arith.mulf %broadcast_in_dim3A_1755, %bitcast_convert_type3A_1782 : vector<16xf32>
        %add3A_1785 = arith.addf %add3A_1666, %mul3A_1784 : vector<16xf32>
        %mul3A_1786 = arith.mulf %broadcast_in_dim3A_1755, %bitcast_convert_type3A_1783 : vector<16xf32>
        %add3A_1787 = arith.addf %add3A_1668, %mul3A_1786 : vector<16xf32>
        %get3A_1788 = arith.index_cast %select_n3A_135 : i32 to index
        %get3A_1789 = arith.index_cast %add3A_1759 : i32 to index
        %get3A_1790 = arith.constant 32 : index
        %get3A_1791 = tpu.vector_load %arg8[%get3A_1788, %get3A_1789, %get3A_1790] {strides = array<i32>} : memref<3x112x128xi32, #tpu.memory_space<vmem>>, vector<1x1x16xi32>,
        %get3A_1792 = vector.shape_cast %get3A_1791 : vector<1x1x16xi32> to vector<16xi32>
        %shift_left3A_1793 = arith.constant 16 : i32
        %shift_left3A_1794 = vector.broadcast %shift_left3A_1793 : i32 to vector<16xi32>
        %shift_left3A_1795 = arith.shli %get3A_1792, %shift_left3A_1794 : vector<16xi32>
        %bitcast_convert_type3A_1796 = tpu.bitcast %shift_left3A_1795 : vector<16xi32> -> vector<16xf32>
        %bitcast_convert_type3A_1797 = tpu.bitcast %get3A_1792 : vector<16xi32> -> vector<16xf32>
        %mul3A_1798 = arith.mulf %broadcast_in_dim3A_1755, %bitcast_convert_type3A_1796 : vector<16xf32>
        %add3A_1799 = arith.addf %add3A_1680, %mul3A_1798 : vector<16xf32>
        %mul3A_1800 = arith.mulf %broadcast_in_dim3A_1755, %bitcast_convert_type3A_1797 : vector<16xf32>
        %add3A_1801 = arith.addf %add3A_1682, %mul3A_1800 : vector<16xf32>
        %get3A_1802 = arith.index_cast %select_n3A_135 : i32 to index
        %get3A_1803 = arith.index_cast %add3A_1759 : i32 to index
        %get3A_1804 = arith.constant 48 : index
        %get3A_1805 = tpu.vector_load %arg8[%get3A_1802, %get3A_1803, %get3A_1804] {strides = array<i32>} : memref<3x112x128xi32, #tpu.memory_space<vmem>>, vector<1x1x16xi32>,
        %get3A_1806 = vector.shape_cast %get3A_1805 : vector<1x1x16xi32> to vector<16xi32>
        %shift_left3A_1807 = arith.constant 16 : i32
        %shift_left3A_1808 = vector.broadcast %shift_left3A_1807 : i32 to vector<16xi32>
        %shift_left3A_1809 = arith.shli %get3A_1806, %shift_left3A_1808 : vector<16xi32>
        %bitcast_convert_type3A_1810 = tpu.bitcast %shift_left3A_1809 : vector<16xi32> -> vector<16xf32>
        %bitcast_convert_type3A_1811 = tpu.bitcast %get3A_1806 : vector<16xi32> -> vector<16xf32>
        %mul3A_1812 = arith.mulf %broadcast_in_dim3A_1755, %bitcast_convert_type3A_1810 : vector<16xf32>
        %add3A_1813 = arith.addf %add3A_1694, %mul3A_1812 : vector<16xf32>
        %mul3A_1814 = arith.mulf %broadcast_in_dim3A_1755, %bitcast_convert_type3A_1811 : vector<16xf32>
        %add3A_1815 = arith.addf %add3A_1696, %mul3A_1814 : vector<16xf32>
        %get3A_1816 = arith.index_cast %select_n3A_135 : i32 to index
        %get3A_1817 = arith.index_cast %add3A_1759 : i32 to index
        %get3A_1818 = arith.constant 64 : index
        %get3A_1819 = tpu.vector_load %arg8[%get3A_1816, %get3A_1817, %get3A_1818] {strides = array<i32>} : memref<3x112x128xi32, #tpu.memory_space<vmem>>, vector<1x1x16xi32>,
        %get3A_1820 = vector.shape_cast %get3A_1819 : vector<1x1x16xi32> to vector<16xi32>
        %shift_left3A_1821 = arith.constant 16 : i32
        %shift_left3A_1822 = vector.broadcast %shift_left3A_1821 : i32 to vector<16xi32>
        %shift_left3A_1823 = arith.shli %get3A_1820, %shift_left3A_1822 : vector<16xi32>
        %bitcast_convert_type3A_1824 = tpu.bitcast %shift_left3A_1823 : vector<16xi32> -> vector<16xf32>
        %bitcast_convert_type3A_1825 = tpu.bitcast %get3A_1820 : vector<16xi32> -> vector<16xf32>
        %mul3A_1826 = arith.mulf %broadcast_in_dim3A_1755, %bitcast_convert_type3A_1824 : vector<16xf32>
        %add3A_1827 = arith.addf %add3A_1708, %mul3A_1826 : vector<16xf32>
        %mul3A_1828 = arith.mulf %broadcast_in_dim3A_1755, %bitcast_convert_type3A_1825 : vector<16xf32>
        %add3A_1829 = arith.addf %add3A_1710, %mul3A_1828 : vector<16xf32>
        %get3A_1830 = arith.index_cast %select_n3A_135 : i32 to index
        %get3A_1831 = arith.index_cast %add3A_1759 : i32 to index
        %get3A_1832 = arith.constant 80 : index
        %get3A_1833 = tpu.vector_load %arg8[%get3A_1830, %get3A_1831, %get3A_1832] {strides = array<i32>} : memref<3x112x128xi32, #tpu.memory_space<vmem>>, vector<1x1x16xi32>,
        %get3A_1834 = vector.shape_cast %get3A_1833 : vector<1x1x16xi32> to vector<16xi32>
        %shift_left3A_1835 = arith.constant 16 : i32
        %shift_left3A_1836 = vector.broadcast %shift_left3A_1835 : i32 to vector<16xi32>
        %shift_left3A_1837 = arith.shli %get3A_1834, %shift_left3A_1836 : vector<16xi32>
        %bitcast_convert_type3A_1838 = tpu.bitcast %shift_left3A_1837 : vector<16xi32> -> vector<16xf32>
        %bitcast_convert_type3A_1839 = tpu.bitcast %get3A_1834 : vector<16xi32> -> vector<16xf32>
        %mul3A_1840 = arith.mulf %broadcast_in_dim3A_1755, %bitcast_convert_type3A_1838 : vector<16xf32>
        %add3A_1841 = arith.addf %add3A_1722, %mul3A_1840 : vector<16xf32>
        %mul3A_1842 = arith.mulf %broadcast_in_dim3A_1755, %bitcast_convert_type3A_1839 : vector<16xf32>
        %add3A_1843 = arith.addf %add3A_1724, %mul3A_1842 : vector<16xf32>
        %get3A_1844 = arith.index_cast %select_n3A_135 : i32 to index
        %get3A_1845 = arith.index_cast %add3A_1759 : i32 to index
        %get3A_1846 = arith.constant 96 : index
        %get3A_1847 = tpu.vector_load %arg8[%get3A_1844, %get3A_1845, %get3A_1846] {strides = array<i32>} : memref<3x112x128xi32, #tpu.memory_space<vmem>>, vector<1x1x16xi32>,
        %get3A_1848 = vector.shape_cast %get3A_1847 : vector<1x1x16xi32> to vector<16xi32>
        %shift_left3A_1849 = arith.constant 16 : i32
        %shift_left3A_1850 = vector.broadcast %shift_left3A_1849 : i32 to vector<16xi32>
        %shift_left3A_1851 = arith.shli %get3A_1848, %shift_left3A_1850 : vector<16xi32>
        %bitcast_convert_type3A_1852 = tpu.bitcast %shift_left3A_1851 : vector<16xi32> -> vector<16xf32>
        %bitcast_convert_type3A_1853 = tpu.bitcast %get3A_1848 : vector<16xi32> -> vector<16xf32>
        %mul3A_1854 = arith.mulf %broadcast_in_dim3A_1755, %bitcast_convert_type3A_1852 : vector<16xf32>
        %add3A_1855 = arith.addf %add3A_1736, %mul3A_1854 : vector<16xf32>
        %mul3A_1856 = arith.mulf %broadcast_in_dim3A_1755, %bitcast_convert_type3A_1853 : vector<16xf32>
        %add3A_1857 = arith.addf %add3A_1738, %mul3A_1856 : vector<16xf32>
        %get3A_1858 = arith.index_cast %select_n3A_135 : i32 to index
        %get3A_1859 = arith.index_cast %add3A_1759 : i32 to index
        %get3A_1860 = arith.constant 112 : index
        %get3A_1861 = tpu.vector_load %arg8[%get3A_1858, %get3A_1859, %get3A_1860] {strides = array<i32>} : memref<3x112x128xi32, #tpu.memory_space<vmem>>, vector<1x1x16xi32>,
        %get3A_1862 = vector.shape_cast %get3A_1861 : vector<1x1x16xi32> to vector<16xi32>
        %shift_left3A_1863 = arith.constant 16 : i32
        %shift_left3A_1864 = vector.broadcast %shift_left3A_1863 : i32 to vector<16xi32>
        %shift_left3A_1865 = arith.shli %get3A_1862, %shift_left3A_1864 : vector<16xi32>
        %bitcast_convert_type3A_1866 = tpu.bitcast %shift_left3A_1865 : vector<16xi32> -> vector<16xf32>
        %bitcast_convert_type3A_1867 = tpu.bitcast %get3A_1862 : vector<16xi32> -> vector<16xf32>
        %mul3A_1868 = arith.mulf %broadcast_in_dim3A_1755, %bitcast_convert_type3A_1866 : vector<16xf32>
        %add3A_1869 = arith.addf %add3A_1750, %mul3A_1868 : vector<16xf32>
        %mul3A_1870 = arith.mulf %broadcast_in_dim3A_1755, %bitcast_convert_type3A_1867 : vector<16xf32>
        %add3A_1871 = arith.addf %add3A_1752, %mul3A_1870 : vector<16xf32>
        %slice3A_1872 = vector.extract_strided_slice %get3A_208 {offsets = [14], sizes = [1], strides = [1]} : vector<16xf32> to vector<1xf32>
        %squeeze3A_1873 = vector.extract %slice3A_1872[0] : f32 from vector<1xf32>
        %broadcast_in_dim3A_1874 = vector.broadcast %squeeze3A_1873 : f32 to vector<16xf32>
        %mul3A_1875 = arith.constant 16 : i32
        %mul3A_1876 = arith.muli %scan3A_194, %mul3A_1875 : i32
        %add3A_1877 = arith.constant 14 : i32
        %add3A_1878 = arith.addi %mul3A_1876, %add3A_1877 : i32
        %get3A_1879 = arith.index_cast %select_n3A_135 : i32 to index
        %get3A_1880 = arith.index_cast %add3A_1878 : i32 to index
        %get3A_1881 = arith.constant 0 : index
        %get3A_1882 = tpu.vector_load %arg8[%get3A_1879, %get3A_1880, %get3A_1881] {strides = array<i32>} : memref<3x112x128xi32, #tpu.memory_space<vmem>>, vector<1x1x16xi32>,
        %get3A_1883 = vector.shape_cast %get3A_1882 : vector<1x1x16xi32> to vector<16xi32>
        %shift_left3A_1884 = arith.constant 16 : i32
        %shift_left3A_1885 = vector.broadcast %shift_left3A_1884 : i32 to vector<16xi32>
        %shift_left3A_1886 = arith.shli %get3A_1883, %shift_left3A_1885 : vector<16xi32>
        %bitcast_convert_type3A_1887 = tpu.bitcast %shift_left3A_1886 : vector<16xi32> -> vector<16xf32>
        %bitcast_convert_type3A_1888 = tpu.bitcast %get3A_1883 : vector<16xi32> -> vector<16xf32>
        %mul3A_1889 = arith.mulf %broadcast_in_dim3A_1874, %bitcast_convert_type3A_1887 : vector<16xf32>
        %add3A_1890 = arith.addf %add3A_1771, %mul3A_1889 : vector<16xf32>
        %mul3A_1891 = arith.mulf %broadcast_in_dim3A_1874, %bitcast_convert_type3A_1888 : vector<16xf32>
        %add3A_1892 = arith.addf %add3A_1773, %mul3A_1891 : vector<16xf32>
        %get3A_1893 = arith.index_cast %select_n3A_135 : i32 to index
        %get3A_1894 = arith.index_cast %add3A_1878 : i32 to index
        %get3A_1895 = arith.constant 16 : index
        %get3A_1896 = tpu.vector_load %arg8[%get3A_1893, %get3A_1894, %get3A_1895] {strides = array<i32>} : memref<3x112x128xi32, #tpu.memory_space<vmem>>, vector<1x1x16xi32>,
        %get3A_1897 = vector.shape_cast %get3A_1896 : vector<1x1x16xi32> to vector<16xi32>
        %shift_left3A_1898 = arith.constant 16 : i32
        %shift_left3A_1899 = vector.broadcast %shift_left3A_1898 : i32 to vector<16xi32>
        %shift_left3A_1900 = arith.shli %get3A_1897, %shift_left3A_1899 : vector<16xi32>
        %bitcast_convert_type3A_1901 = tpu.bitcast %shift_left3A_1900 : vector<16xi32> -> vector<16xf32>
        %bitcast_convert_type3A_1902 = tpu.bitcast %get3A_1897 : vector<16xi32> -> vector<16xf32>
        %mul3A_1903 = arith.mulf %broadcast_in_dim3A_1874, %bitcast_convert_type3A_1901 : vector<16xf32>
        %add3A_1904 = arith.addf %add3A_1785, %mul3A_1903 : vector<16xf32>
        %mul3A_1905 = arith.mulf %broadcast_in_dim3A_1874, %bitcast_convert_type3A_1902 : vector<16xf32>
        %add3A_1906 = arith.addf %add3A_1787, %mul3A_1905 : vector<16xf32>
        %get3A_1907 = arith.index_cast %select_n3A_135 : i32 to index
        %get3A_1908 = arith.index_cast %add3A_1878 : i32 to index
        %get3A_1909 = arith.constant 32 : index
        %get3A_1910 = tpu.vector_load %arg8[%get3A_1907, %get3A_1908, %get3A_1909] {strides = array<i32>} : memref<3x112x128xi32, #tpu.memory_space<vmem>>, vector<1x1x16xi32>,
        %get3A_1911 = vector.shape_cast %get3A_1910 : vector<1x1x16xi32> to vector<16xi32>
        %shift_left3A_1912 = arith.constant 16 : i32
        %shift_left3A_1913 = vector.broadcast %shift_left3A_1912 : i32 to vector<16xi32>
        %shift_left3A_1914 = arith.shli %get3A_1911, %shift_left3A_1913 : vector<16xi32>
        %bitcast_convert_type3A_1915 = tpu.bitcast %shift_left3A_1914 : vector<16xi32> -> vector<16xf32>
        %bitcast_convert_type3A_1916 = tpu.bitcast %get3A_1911 : vector<16xi32> -> vector<16xf32>
        %mul3A_1917 = arith.mulf %broadcast_in_dim3A_1874, %bitcast_convert_type3A_1915 : vector<16xf32>
        %add3A_1918 = arith.addf %add3A_1799, %mul3A_1917 : vector<16xf32>
        %mul3A_1919 = arith.mulf %broadcast_in_dim3A_1874, %bitcast_convert_type3A_1916 : vector<16xf32>
        %add3A_1920 = arith.addf %add3A_1801, %mul3A_1919 : vector<16xf32>
        %get3A_1921 = arith.index_cast %select_n3A_135 : i32 to index
        %get3A_1922 = arith.index_cast %add3A_1878 : i32 to index
        %get3A_1923 = arith.constant 48 : index
        %get3A_1924 = tpu.vector_load %arg8[%get3A_1921, %get3A_1922, %get3A_1923] {strides = array<i32>} : memref<3x112x128xi32, #tpu.memory_space<vmem>>, vector<1x1x16xi32>,
        %get3A_1925 = vector.shape_cast %get3A_1924 : vector<1x1x16xi32> to vector<16xi32>
        %shift_left3A_1926 = arith.constant 16 : i32
        %shift_left3A_1927 = vector.broadcast %shift_left3A_1926 : i32 to vector<16xi32>
        %shift_left3A_1928 = arith.shli %get3A_1925, %shift_left3A_1927 : vector<16xi32>
        %bitcast_convert_type3A_1929 = tpu.bitcast %shift_left3A_1928 : vector<16xi32> -> vector<16xf32>
        %bitcast_convert_type3A_1930 = tpu.bitcast %get3A_1925 : vector<16xi32> -> vector<16xf32>
        %mul3A_1931 = arith.mulf %broadcast_in_dim3A_1874, %bitcast_convert_type3A_1929 : vector<16xf32>
        %add3A_1932 = arith.addf %add3A_1813, %mul3A_1931 : vector<16xf32>
        %mul3A_1933 = arith.mulf %broadcast_in_dim3A_1874, %bitcast_convert_type3A_1930 : vector<16xf32>
        %add3A_1934 = arith.addf %add3A_1815, %mul3A_1933 : vector<16xf32>
        %get3A_1935 = arith.index_cast %select_n3A_135 : i32 to index
        %get3A_1936 = arith.index_cast %add3A_1878 : i32 to index
        %get3A_1937 = arith.constant 64 : index
        %get3A_1938 = tpu.vector_load %arg8[%get3A_1935, %get3A_1936, %get3A_1937] {strides = array<i32>} : memref<3x112x128xi32, #tpu.memory_space<vmem>>, vector<1x1x16xi32>,
        %get3A_1939 = vector.shape_cast %get3A_1938 : vector<1x1x16xi32> to vector<16xi32>
        %shift_left3A_1940 = arith.constant 16 : i32
        %shift_left3A_1941 = vector.broadcast %shift_left3A_1940 : i32 to vector<16xi32>
        %shift_left3A_1942 = arith.shli %get3A_1939, %shift_left3A_1941 : vector<16xi32>
        %bitcast_convert_type3A_1943 = tpu.bitcast %shift_left3A_1942 : vector<16xi32> -> vector<16xf32>
        %bitcast_convert_type3A_1944 = tpu.bitcast %get3A_1939 : vector<16xi32> -> vector<16xf32>
        %mul3A_1945 = arith.mulf %broadcast_in_dim3A_1874, %bitcast_convert_type3A_1943 : vector<16xf32>
        %add3A_1946 = arith.addf %add3A_1827, %mul3A_1945 : vector<16xf32>
        %mul3A_1947 = arith.mulf %broadcast_in_dim3A_1874, %bitcast_convert_type3A_1944 : vector<16xf32>
        %add3A_1948 = arith.addf %add3A_1829, %mul3A_1947 : vector<16xf32>
        %get3A_1949 = arith.index_cast %select_n3A_135 : i32 to index
        %get3A_1950 = arith.index_cast %add3A_1878 : i32 to index
        %get3A_1951 = arith.constant 80 : index
        %get3A_1952 = tpu.vector_load %arg8[%get3A_1949, %get3A_1950, %get3A_1951] {strides = array<i32>} : memref<3x112x128xi32, #tpu.memory_space<vmem>>, vector<1x1x16xi32>,
        %get3A_1953 = vector.shape_cast %get3A_1952 : vector<1x1x16xi32> to vector<16xi32>
        %shift_left3A_1954 = arith.constant 16 : i32
        %shift_left3A_1955 = vector.broadcast %shift_left3A_1954 : i32 to vector<16xi32>
        %shift_left3A_1956 = arith.shli %get3A_1953, %shift_left3A_1955 : vector<16xi32>
        %bitcast_convert_type3A_1957 = tpu.bitcast %shift_left3A_1956 : vector<16xi32> -> vector<16xf32>
        %bitcast_convert_type3A_1958 = tpu.bitcast %get3A_1953 : vector<16xi32> -> vector<16xf32>
        %mul3A_1959 = arith.mulf %broadcast_in_dim3A_1874, %bitcast_convert_type3A_1957 : vector<16xf32>
        %add3A_1960 = arith.addf %add3A_1841, %mul3A_1959 : vector<16xf32>
        %mul3A_1961 = arith.mulf %broadcast_in_dim3A_1874, %bitcast_convert_type3A_1958 : vector<16xf32>
        %add3A_1962 = arith.addf %add3A_1843, %mul3A_1961 : vector<16xf32>
        %get3A_1963 = arith.index_cast %select_n3A_135 : i32 to index
        %get3A_1964 = arith.index_cast %add3A_1878 : i32 to index
        %get3A_1965 = arith.constant 96 : index
        %get3A_1966 = tpu.vector_load %arg8[%get3A_1963, %get3A_1964, %get3A_1965] {strides = array<i32>} : memref<3x112x128xi32, #tpu.memory_space<vmem>>, vector<1x1x16xi32>,
        %get3A_1967 = vector.shape_cast %get3A_1966 : vector<1x1x16xi32> to vector<16xi32>
        %shift_left3A_1968 = arith.constant 16 : i32
        %shift_left3A_1969 = vector.broadcast %shift_left3A_1968 : i32 to vector<16xi32>
        %shift_left3A_1970 = arith.shli %get3A_1967, %shift_left3A_1969 : vector<16xi32>
        %bitcast_convert_type3A_1971 = tpu.bitcast %shift_left3A_1970 : vector<16xi32> -> vector<16xf32>
        %bitcast_convert_type3A_1972 = tpu.bitcast %get3A_1967 : vector<16xi32> -> vector<16xf32>
        %mul3A_1973 = arith.mulf %broadcast_in_dim3A_1874, %bitcast_convert_type3A_1971 : vector<16xf32>
        %add3A_1974 = arith.addf %add3A_1855, %mul3A_1973 : vector<16xf32>
        %mul3A_1975 = arith.mulf %broadcast_in_dim3A_1874, %bitcast_convert_type3A_1972 : vector<16xf32>
        %add3A_1976 = arith.addf %add3A_1857, %mul3A_1975 : vector<16xf32>
        %get3A_1977 = arith.index_cast %select_n3A_135 : i32 to index
        %get3A_1978 = arith.index_cast %add3A_1878 : i32 to index
        %get3A_1979 = arith.constant 112 : index
        %get3A_1980 = tpu.vector_load %arg8[%get3A_1977, %get3A_1978, %get3A_1979] {strides = array<i32>} : memref<3x112x128xi32, #tpu.memory_space<vmem>>, vector<1x1x16xi32>,
        %get3A_1981 = vector.shape_cast %get3A_1980 : vector<1x1x16xi32> to vector<16xi32>
        %shift_left3A_1982 = arith.constant 16 : i32
        %shift_left3A_1983 = vector.broadcast %shift_left3A_1982 : i32 to vector<16xi32>
        %shift_left3A_1984 = arith.shli %get3A_1981, %shift_left3A_1983 : vector<16xi32>
        %bitcast_convert_type3A_1985 = tpu.bitcast %shift_left3A_1984 : vector<16xi32> -> vector<16xf32>
        %bitcast_convert_type3A_1986 = tpu.bitcast %get3A_1981 : vector<16xi32> -> vector<16xf32>
        %mul3A_1987 = arith.mulf %broadcast_in_dim3A_1874, %bitcast_convert_type3A_1985 : vector<16xf32>
        %add3A_1988 = arith.addf %add3A_1869, %mul3A_1987 : vector<16xf32>
        %mul3A_1989 = arith.mulf %broadcast_in_dim3A_1874, %bitcast_convert_type3A_1986 : vector<16xf32>
        %add3A_1990 = arith.addf %add3A_1871, %mul3A_1989 : vector<16xf32>
        %slice3A_1991 = vector.extract_strided_slice %get3A_208 {offsets = [15], sizes = [1], strides = [1]} : vector<16xf32> to vector<1xf32>
        %squeeze3A_1992 = vector.extract %slice3A_1991[0] : f32 from vector<1xf32>
        %broadcast_in_dim3A_1993 = vector.broadcast %squeeze3A_1992 : f32 to vector<16xf32>
        %mul3A_1994 = arith.constant 16 : i32
        %mul3A_1995 = arith.muli %scan3A_194, %mul3A_1994 : i32
        %add3A_1996 = arith.constant 15 : i32
        %add3A_1997 = arith.addi %mul3A_1995, %add3A_1996 : i32
        %get3A_1998 = arith.index_cast %select_n3A_135 : i32 to index
        %get3A_1999 = arith.index_cast %add3A_1997 : i32 to index
        %get3A_2000 = arith.constant 0 : index
        %get3A_2001 = tpu.vector_load %arg8[%get3A_1998, %get3A_1999, %get3A_2000] {strides = array<i32>} : memref<3x112x128xi32, #tpu.memory_space<vmem>>, vector<1x1x16xi32>,
        %get3A_2002 = vector.shape_cast %get3A_2001 : vector<1x1x16xi32> to vector<16xi32>
        %shift_left3A_2003 = arith.constant 16 : i32
        %shift_left3A_2004 = vector.broadcast %shift_left3A_2003 : i32 to vector<16xi32>
        %shift_left3A_2005 = arith.shli %get3A_2002, %shift_left3A_2004 : vector<16xi32>
        %bitcast_convert_type3A_2006 = tpu.bitcast %shift_left3A_2005 : vector<16xi32> -> vector<16xf32>
        %bitcast_convert_type3A_2007 = tpu.bitcast %get3A_2002 : vector<16xi32> -> vector<16xf32>
        %mul3A_2008 = arith.mulf %broadcast_in_dim3A_1993, %bitcast_convert_type3A_2006 : vector<16xf32>
        %add3A_2009 = arith.addf %add3A_1890, %mul3A_2008 : vector<16xf32>
        %mul3A_2010 = arith.mulf %broadcast_in_dim3A_1993, %bitcast_convert_type3A_2007 : vector<16xf32>
        %add3A_2011 = arith.addf %add3A_1892, %mul3A_2010 : vector<16xf32>
        %get3A_2012 = arith.index_cast %select_n3A_135 : i32 to index
        %get3A_2013 = arith.index_cast %add3A_1997 : i32 to index
        %get3A_2014 = arith.constant 16 : index
        %get3A_2015 = tpu.vector_load %arg8[%get3A_2012, %get3A_2013, %get3A_2014] {strides = array<i32>} : memref<3x112x128xi32, #tpu.memory_space<vmem>>, vector<1x1x16xi32>,
        %get3A_2016 = vector.shape_cast %get3A_2015 : vector<1x1x16xi32> to vector<16xi32>
        %shift_left3A_2017 = arith.constant 16 : i32
        %shift_left3A_2018 = vector.broadcast %shift_left3A_2017 : i32 to vector<16xi32>
        %shift_left3A_2019 = arith.shli %get3A_2016, %shift_left3A_2018 : vector<16xi32>
        %bitcast_convert_type3A_2020 = tpu.bitcast %shift_left3A_2019 : vector<16xi32> -> vector<16xf32>
        %bitcast_convert_type3A_2021 = tpu.bitcast %get3A_2016 : vector<16xi32> -> vector<16xf32>
        %mul3A_2022 = arith.mulf %broadcast_in_dim3A_1993, %bitcast_convert_type3A_2020 : vector<16xf32>
        %add3A_2023 = arith.addf %add3A_1904, %mul3A_2022 : vector<16xf32>
        %mul3A_2024 = arith.mulf %broadcast_in_dim3A_1993, %bitcast_convert_type3A_2021 : vector<16xf32>
        %add3A_2025 = arith.addf %add3A_1906, %mul3A_2024 : vector<16xf32>
        %get3A_2026 = arith.index_cast %select_n3A_135 : i32 to index
        %get3A_2027 = arith.index_cast %add3A_1997 : i32 to index
        %get3A_2028 = arith.constant 32 : index
        %get3A_2029 = tpu.vector_load %arg8[%get3A_2026, %get3A_2027, %get3A_2028] {strides = array<i32>} : memref<3x112x128xi32, #tpu.memory_space<vmem>>, vector<1x1x16xi32>,
        %get3A_2030 = vector.shape_cast %get3A_2029 : vector<1x1x16xi32> to vector<16xi32>
        %shift_left3A_2031 = arith.constant 16 : i32
        %shift_left3A_2032 = vector.broadcast %shift_left3A_2031 : i32 to vector<16xi32>
        %shift_left3A_2033 = arith.shli %get3A_2030, %shift_left3A_2032 : vector<16xi32>
        %bitcast_convert_type3A_2034 = tpu.bitcast %shift_left3A_2033 : vector<16xi32> -> vector<16xf32>
        %bitcast_convert_type3A_2035 = tpu.bitcast %get3A_2030 : vector<16xi32> -> vector<16xf32>
        %mul3A_2036 = arith.mulf %broadcast_in_dim3A_1993, %bitcast_convert_type3A_2034 : vector<16xf32>
        %add3A_2037 = arith.addf %add3A_1918, %mul3A_2036 : vector<16xf32>
        %mul3A_2038 = arith.mulf %broadcast_in_dim3A_1993, %bitcast_convert_type3A_2035 : vector<16xf32>
        %add3A_2039 = arith.addf %add3A_1920, %mul3A_2038 : vector<16xf32>
        %get3A_2040 = arith.index_cast %select_n3A_135 : i32 to index
        %get3A_2041 = arith.index_cast %add3A_1997 : i32 to index
        %get3A_2042 = arith.constant 48 : index
        %get3A_2043 = tpu.vector_load %arg8[%get3A_2040, %get3A_2041, %get3A_2042] {strides = array<i32>} : memref<3x112x128xi32, #tpu.memory_space<vmem>>, vector<1x1x16xi32>,
        %get3A_2044 = vector.shape_cast %get3A_2043 : vector<1x1x16xi32> to vector<16xi32>
        %shift_left3A_2045 = arith.constant 16 : i32
        %shift_left3A_2046 = vector.broadcast %shift_left3A_2045 : i32 to vector<16xi32>
        %shift_left3A_2047 = arith.shli %get3A_2044, %shift_left3A_2046 : vector<16xi32>
        %bitcast_convert_type3A_2048 = tpu.bitcast %shift_left3A_2047 : vector<16xi32> -> vector<16xf32>
        %bitcast_convert_type3A_2049 = tpu.bitcast %get3A_2044 : vector<16xi32> -> vector<16xf32>
        %mul3A_2050 = arith.mulf %broadcast_in_dim3A_1993, %bitcast_convert_type3A_2048 : vector<16xf32>
        %add3A_2051 = arith.addf %add3A_1932, %mul3A_2050 : vector<16xf32>
        %mul3A_2052 = arith.mulf %broadcast_in_dim3A_1993, %bitcast_convert_type3A_2049 : vector<16xf32>
        %add3A_2053 = arith.addf %add3A_1934, %mul3A_2052 : vector<16xf32>
        %get3A_2054 = arith.index_cast %select_n3A_135 : i32 to index
        %get3A_2055 = arith.index_cast %add3A_1997 : i32 to index
        %get3A_2056 = arith.constant 64 : index
        %get3A_2057 = tpu.vector_load %arg8[%get3A_2054, %get3A_2055, %get3A_2056] {strides = array<i32>} : memref<3x112x128xi32, #tpu.memory_space<vmem>>, vector<1x1x16xi32>,
        %get3A_2058 = vector.shape_cast %get3A_2057 : vector<1x1x16xi32> to vector<16xi32>
        %shift_left3A_2059 = arith.constant 16 : i32
        %shift_left3A_2060 = vector.broadcast %shift_left3A_2059 : i32 to vector<16xi32>
        %shift_left3A_2061 = arith.shli %get3A_2058, %shift_left3A_2060 : vector<16xi32>
        %bitcast_convert_type3A_2062 = tpu.bitcast %shift_left3A_2061 : vector<16xi32> -> vector<16xf32>
        %bitcast_convert_type3A_2063 = tpu.bitcast %get3A_2058 : vector<16xi32> -> vector<16xf32>
        %mul3A_2064 = arith.mulf %broadcast_in_dim3A_1993, %bitcast_convert_type3A_2062 : vector<16xf32>
        %add3A_2065 = arith.addf %add3A_1946, %mul3A_2064 : vector<16xf32>
        %mul3A_2066 = arith.mulf %broadcast_in_dim3A_1993, %bitcast_convert_type3A_2063 : vector<16xf32>
        %add3A_2067 = arith.addf %add3A_1948, %mul3A_2066 : vector<16xf32>
        %get3A_2068 = arith.index_cast %select_n3A_135 : i32 to index
        %get3A_2069 = arith.index_cast %add3A_1997 : i32 to index
        %get3A_2070 = arith.constant 80 : index
        %get3A_2071 = tpu.vector_load %arg8[%get3A_2068, %get3A_2069, %get3A_2070] {strides = array<i32>} : memref<3x112x128xi32, #tpu.memory_space<vmem>>, vector<1x1x16xi32>,
        %get3A_2072 = vector.shape_cast %get3A_2071 : vector<1x1x16xi32> to vector<16xi32>
        %shift_left3A_2073 = arith.constant 16 : i32
        %shift_left3A_2074 = vector.broadcast %shift_left3A_2073 : i32 to vector<16xi32>
        %shift_left3A_2075 = arith.shli %get3A_2072, %shift_left3A_2074 : vector<16xi32>
        %bitcast_convert_type3A_2076 = tpu.bitcast %shift_left3A_2075 : vector<16xi32> -> vector<16xf32>
        %bitcast_convert_type3A_2077 = tpu.bitcast %get3A_2072 : vector<16xi32> -> vector<16xf32>
        %mul3A_2078 = arith.mulf %broadcast_in_dim3A_1993, %bitcast_convert_type3A_2076 : vector<16xf32>
        %add3A_2079 = arith.addf %add3A_1960, %mul3A_2078 : vector<16xf32>
        %mul3A_2080 = arith.mulf %broadcast_in_dim3A_1993, %bitcast_convert_type3A_2077 : vector<16xf32>
        %add3A_2081 = arith.addf %add3A_1962, %mul3A_2080 : vector<16xf32>
        %get3A_2082 = arith.index_cast %select_n3A_135 : i32 to index
        %get3A_2083 = arith.index_cast %add3A_1997 : i32 to index
        %get3A_2084 = arith.constant 96 : index
        %get3A_2085 = tpu.vector_load %arg8[%get3A_2082, %get3A_2083, %get3A_2084] {strides = array<i32>} : memref<3x112x128xi32, #tpu.memory_space<vmem>>, vector<1x1x16xi32>,
        %get3A_2086 = vector.shape_cast %get3A_2085 : vector<1x1x16xi32> to vector<16xi32>
        %shift_left3A_2087 = arith.constant 16 : i32
        %shift_left3A_2088 = vector.broadcast %shift_left3A_2087 : i32 to vector<16xi32>
        %shift_left3A_2089 = arith.shli %get3A_2086, %shift_left3A_2088 : vector<16xi32>
        %bitcast_convert_type3A_2090 = tpu.bitcast %shift_left3A_2089 : vector<16xi32> -> vector<16xf32>
        %bitcast_convert_type3A_2091 = tpu.bitcast %get3A_2086 : vector<16xi32> -> vector<16xf32>
        %mul3A_2092 = arith.mulf %broadcast_in_dim3A_1993, %bitcast_convert_type3A_2090 : vector<16xf32>
        %add3A_2093 = arith.addf %add3A_1974, %mul3A_2092 : vector<16xf32>
        %mul3A_2094 = arith.mulf %broadcast_in_dim3A_1993, %bitcast_convert_type3A_2091 : vector<16xf32>
        %add3A_2095 = arith.addf %add3A_1976, %mul3A_2094 : vector<16xf32>
        %get3A_2096 = arith.index_cast %select_n3A_135 : i32 to index
        %get3A_2097 = arith.index_cast %add3A_1997 : i32 to index
        %get3A_2098 = arith.constant 112 : index
        %get3A_2099 = tpu.vector_load %arg8[%get3A_2096, %get3A_2097, %get3A_2098] {strides = array<i32>} : memref<3x112x128xi32, #tpu.memory_space<vmem>>, vector<1x1x16xi32>,
        %get3A_2100 = vector.shape_cast %get3A_2099 : vector<1x1x16xi32> to vector<16xi32>
        %shift_left3A_2101 = arith.constant 16 : i32
        %shift_left3A_2102 = vector.broadcast %shift_left3A_2101 : i32 to vector<16xi32>
        %shift_left3A_2103 = arith.shli %get3A_2100, %shift_left3A_2102 : vector<16xi32>
        %bitcast_convert_type3A_2104 = tpu.bitcast %shift_left3A_2103 : vector<16xi32> -> vector<16xf32>
        %bitcast_convert_type3A_2105 = tpu.bitcast %get3A_2100 : vector<16xi32> -> vector<16xf32>
        %mul3A_2106 = arith.mulf %broadcast_in_dim3A_1993, %bitcast_convert_type3A_2104 : vector<16xf32>
        %add3A_2107 = arith.addf %add3A_1988, %mul3A_2106 : vector<16xf32>
        %mul3A_2108 = arith.mulf %broadcast_in_dim3A_1993, %bitcast_convert_type3A_2105 : vector<16xf32>
        %add3A_2109 = arith.addf %add3A_1990, %mul3A_2108 : vector<16xf32>
        %swap3A = arith.index_cast %select_n3A_151 : i32 to index
        %swap3A_2110 = arith.index_cast %add3A_198 : i32 to index
        %swap3A_2111 = arith.constant 0 : index
        %swap3A_2112 = tpu.vector_load %arg9[%swap3A, %swap3A_2110, %swap3A_2111] {strides = array<i32>} : memref<2x49x256xf32, #tpu.memory_space<vmem>>, vector<1x1x16xf32>,
        %swap3A_2113 = vector.shape_cast %swap3A_2112 : vector<1x1x16xf32> to vector<16xf32>
        %swap3A_2114 = vector.shape_cast %add3A_2009 : vector<16xf32> to vector<1x1x16xf32>
        tpu.vector_store %arg9[%swap3A, %swap3A_2110, %swap3A_2111], %swap3A_2114 {strides = array<i32>} : memref<2x49x256xf32, #tpu.memory_space<vmem>>, vector<1x1x16xf32>,
        %swap3A_2115 = arith.index_cast %select_n3A_151 : i32 to index
        %swap3A_2116 = arith.index_cast %add3A_198 : i32 to index
        %swap3A_2117 = arith.constant 16 : index
        %swap3A_2118 = tpu.vector_load %arg9[%swap3A_2115, %swap3A_2116, %swap3A_2117] {strides = array<i32>} : memref<2x49x256xf32, #tpu.memory_space<vmem>>, vector<1x1x16xf32>,
        %swap3A_2119 = vector.shape_cast %swap3A_2118 : vector<1x1x16xf32> to vector<16xf32>
        %swap3A_2120 = vector.shape_cast %add3A_2011 : vector<16xf32> to vector<1x1x16xf32>
        tpu.vector_store %arg9[%swap3A_2115, %swap3A_2116, %swap3A_2117], %swap3A_2120 {strides = array<i32>} : memref<2x49x256xf32, #tpu.memory_space<vmem>>, vector<1x1x16xf32>,
        %swap3A_2121 = arith.index_cast %select_n3A_151 : i32 to index
        %swap3A_2122 = arith.index_cast %add3A_198 : i32 to index
        %swap3A_2123 = arith.constant 32 : index
        %swap3A_2124 = tpu.vector_load %arg9[%swap3A_2121, %swap3A_2122, %swap3A_2123] {strides = array<i32>} : memref<2x49x256xf32, #tpu.memory_space<vmem>>, vector<1x1x16xf32>,
        %swap3A_2125 = vector.shape_cast %swap3A_2124 : vector<1x1x16xf32> to vector<16xf32>
        %swap3A_2126 = vector.shape_cast %add3A_2023 : vector<16xf32> to vector<1x1x16xf32>
        tpu.vector_store %arg9[%swap3A_2121, %swap3A_2122, %swap3A_2123], %swap3A_2126 {strides = array<i32>} : memref<2x49x256xf32, #tpu.memory_space<vmem>>, vector<1x1x16xf32>,
        %swap3A_2127 = arith.index_cast %select_n3A_151 : i32 to index
        %swap3A_2128 = arith.index_cast %add3A_198 : i32 to index
        %swap3A_2129 = arith.constant 48 : index
        %swap3A_2130 = tpu.vector_load %arg9[%swap3A_2127, %swap3A_2128, %swap3A_2129] {strides = array<i32>} : memref<2x49x256xf32, #tpu.memory_space<vmem>>, vector<1x1x16xf32>,
        %swap3A_2131 = vector.shape_cast %swap3A_2130 : vector<1x1x16xf32> to vector<16xf32>
        %swap3A_2132 = vector.shape_cast %add3A_2025 : vector<16xf32> to vector<1x1x16xf32>
        tpu.vector_store %arg9[%swap3A_2127, %swap3A_2128, %swap3A_2129], %swap3A_2132 {strides = array<i32>} : memref<2x49x256xf32, #tpu.memory_space<vmem>>, vector<1x1x16xf32>,
        %swap3A_2133 = arith.index_cast %select_n3A_151 : i32 to index
        %swap3A_2134 = arith.index_cast %add3A_198 : i32 to index
        %swap3A_2135 = arith.constant 64 : index
        %swap3A_2136 = tpu.vector_load %arg9[%swap3A_2133, %swap3A_2134, %swap3A_2135] {strides = array<i32>} : memref<2x49x256xf32, #tpu.memory_space<vmem>>, vector<1x1x16xf32>,
        %swap3A_2137 = vector.shape_cast %swap3A_2136 : vector<1x1x16xf32> to vector<16xf32>
        %swap3A_2138 = vector.shape_cast %add3A_2037 : vector<16xf32> to vector<1x1x16xf32>
        tpu.vector_store %arg9[%swap3A_2133, %swap3A_2134, %swap3A_2135], %swap3A_2138 {strides = array<i32>} : memref<2x49x256xf32, #tpu.memory_space<vmem>>, vector<1x1x16xf32>,
        %swap3A_2139 = arith.index_cast %select_n3A_151 : i32 to index
        %swap3A_2140 = arith.index_cast %add3A_198 : i32 to index
        %swap3A_2141 = arith.constant 80 : index
        %swap3A_2142 = tpu.vector_load %arg9[%swap3A_2139, %swap3A_2140, %swap3A_2141] {strides = array<i32>} : memref<2x49x256xf32, #tpu.memory_space<vmem>>, vector<1x1x16xf32>,
        %swap3A_2143 = vector.shape_cast %swap3A_2142 : vector<1x1x16xf32> to vector<16xf32>
        %swap3A_2144 = vector.shape_cast %add3A_2039 : vector<16xf32> to vector<1x1x16xf32>
        tpu.vector_store %arg9[%swap3A_2139, %swap3A_2140, %swap3A_2141], %swap3A_2144 {strides = array<i32>} : memref<2x49x256xf32, #tpu.memory_space<vmem>>, vector<1x1x16xf32>,
        %swap3A_2145 = arith.index_cast %select_n3A_151 : i32 to index
        %swap3A_2146 = arith.index_cast %add3A_198 : i32 to index
        %swap3A_2147 = arith.constant 96 : index
        %swap3A_2148 = tpu.vector_load %arg9[%swap3A_2145, %swap3A_2146, %swap3A_2147] {strides = array<i32>} : memref<2x49x256xf32, #tpu.memory_space<vmem>>, vector<1x1x16xf32>,
        %swap3A_2149 = vector.shape_cast %swap3A_2148 : vector<1x1x16xf32> to vector<16xf32>
        %swap3A_2150 = vector.shape_cast %add3A_2051 : vector<16xf32> to vector<1x1x16xf32>
        tpu.vector_store %arg9[%swap3A_2145, %swap3A_2146, %swap3A_2147], %swap3A_2150 {strides = array<i32>} : memref<2x49x256xf32, #tpu.memory_space<vmem>>, vector<1x1x16xf32>,
        %swap3A_2151 = arith.index_cast %select_n3A_151 : i32 to index
        %swap3A_2152 = arith.index_cast %add3A_198 : i32 to index
        %swap3A_2153 = arith.constant 112 : index
        %swap3A_2154 = tpu.vector_load %arg9[%swap3A_2151, %swap3A_2152, %swap3A_2153] {strides = array<i32>} : memref<2x49x256xf32, #tpu.memory_space<vmem>>, vector<1x1x16xf32>,
        %swap3A_2155 = vector.shape_cast %swap3A_2154 : vector<1x1x16xf32> to vector<16xf32>
        %swap3A_2156 = vector.shape_cast %add3A_2053 : vector<16xf32> to vector<1x1x16xf32>
        tpu.vector_store %arg9[%swap3A_2151, %swap3A_2152, %swap3A_2153], %swap3A_2156 {strides = array<i32>} : memref<2x49x256xf32, #tpu.memory_space<vmem>>, vector<1x1x16xf32>,
        %swap3A_2157 = arith.index_cast %select_n3A_151 : i32 to index
        %swap3A_2158 = arith.index_cast %add3A_198 : i32 to index
        %swap3A_2159 = arith.constant 128 : index
        %swap3A_2160 = tpu.vector_load %arg9[%swap3A_2157, %swap3A_2158, %swap3A_2159] {strides = array<i32>} : memref<2x49x256xf32, #tpu.memory_space<vmem>>, vector<1x1x16xf32>,
        %swap3A_2161 = vector.shape_cast %swap3A_2160 : vector<1x1x16xf32> to vector<16xf32>
        %swap3A_2162 = vector.shape_cast %add3A_2065 : vector<16xf32> to vector<1x1x16xf32>
        tpu.vector_store %arg9[%swap3A_2157, %swap3A_2158, %swap3A_2159], %swap3A_2162 {strides = array<i32>} : memref<2x49x256xf32, #tpu.memory_space<vmem>>, vector<1x1x16xf32>,
        %swap3A_2163 = arith.index_cast %select_n3A_151 : i32 to index
        %swap3A_2164 = arith.index_cast %add3A_198 : i32 to index
        %swap3A_2165 = arith.constant 144 : index
        %swap3A_2166 = tpu.vector_load %arg9[%swap3A_2163, %swap3A_2164, %swap3A_2165] {strides = array<i32>} : memref<2x49x256xf32, #tpu.memory_space<vmem>>, vector<1x1x16xf32>,
        %swap3A_2167 = vector.shape_cast %swap3A_2166 : vector<1x1x16xf32> to vector<16xf32>
        %swap3A_2168 = vector.shape_cast %add3A_2067 : vector<16xf32> to vector<1x1x16xf32>
        tpu.vector_store %arg9[%swap3A_2163, %swap3A_2164, %swap3A_2165], %swap3A_2168 {strides = array<i32>} : memref<2x49x256xf32, #tpu.memory_space<vmem>>, vector<1x1x16xf32>,
        %swap3A_2169 = arith.index_cast %select_n3A_151 : i32 to index
        %swap3A_2170 = arith.index_cast %add3A_198 : i32 to index
        %swap3A_2171 = arith.constant 160 : index
        %swap3A_2172 = tpu.vector_load %arg9[%swap3A_2169, %swap3A_2170, %swap3A_2171] {strides = array<i32>} : memref<2x49x256xf32, #tpu.memory_space<vmem>>, vector<1x1x16xf32>,
        %swap3A_2173 = vector.shape_cast %swap3A_2172 : vector<1x1x16xf32> to vector<16xf32>
        %swap3A_2174 = vector.shape_cast %add3A_2079 : vector<16xf32> to vector<1x1x16xf32>
        tpu.vector_store %arg9[%swap3A_2169, %swap3A_2170, %swap3A_2171], %swap3A_2174 {strides = array<i32>} : memref<2x49x256xf32, #tpu.memory_space<vmem>>, vector<1x1x16xf32>,
        %swap3A_2175 = arith.index_cast %select_n3A_151 : i32 to index
        %swap3A_2176 = arith.index_cast %add3A_198 : i32 to index
        %swap3A_2177 = arith.constant 176 : index
        %swap3A_2178 = tpu.vector_load %arg9[%swap3A_2175, %swap3A_2176, %swap3A_2177] {strides = array<i32>} : memref<2x49x256xf32, #tpu.memory_space<vmem>>, vector<1x1x16xf32>,
        %swap3A_2179 = vector.shape_cast %swap3A_2178 : vector<1x1x16xf32> to vector<16xf32>
        %swap3A_2180 = vector.shape_cast %add3A_2081 : vector<16xf32> to vector<1x1x16xf32>
        tpu.vector_store %arg9[%swap3A_2175, %swap3A_2176, %swap3A_2177], %swap3A_2180 {strides = array<i32>} : memref<2x49x256xf32, #tpu.memory_space<vmem>>, vector<1x1x16xf32>,
        %swap3A_2181 = arith.index_cast %select_n3A_151 : i32 to index
        %swap3A_2182 = arith.index_cast %add3A_198 : i32 to index
        %swap3A_2183 = arith.constant 192 : index
        %swap3A_2184 = tpu.vector_load %arg9[%swap3A_2181, %swap3A_2182, %swap3A_2183] {strides = array<i32>} : memref<2x49x256xf32, #tpu.memory_space<vmem>>, vector<1x1x16xf32>,
        %swap3A_2185 = vector.shape_cast %swap3A_2184 : vector<1x1x16xf32> to vector<16xf32>
        %swap3A_2186 = vector.shape_cast %add3A_2093 : vector<16xf32> to vector<1x1x16xf32>
        tpu.vector_store %arg9[%swap3A_2181, %swap3A_2182, %swap3A_2183], %swap3A_2186 {strides = array<i32>} : memref<2x49x256xf32, #tpu.memory_space<vmem>>, vector<1x1x16xf32>,
        %swap3A_2187 = arith.index_cast %select_n3A_151 : i32 to index
        %swap3A_2188 = arith.index_cast %add3A_198 : i32 to index
        %swap3A_2189 = arith.constant 208 : index
        %swap3A_2190 = tpu.vector_load %arg9[%swap3A_2187, %swap3A_2188, %swap3A_2189] {strides = array<i32>} : memref<2x49x256xf32, #tpu.memory_space<vmem>>, vector<1x1x16xf32>,
        %swap3A_2191 = vector.shape_cast %swap3A_2190 : vector<1x1x16xf32> to vector<16xf32>
        %swap3A_2192 = vector.shape_cast %add3A_2095 : vector<16xf32> to vector<1x1x16xf32>
        tpu.vector_store %arg9[%swap3A_2187, %swap3A_2188, %swap3A_2189], %swap3A_2192 {strides = array<i32>} : memref<2x49x256xf32, #tpu.memory_space<vmem>>, vector<1x1x16xf32>,
        %swap3A_2193 = arith.index_cast %select_n3A_151 : i32 to index
        %swap3A_2194 = arith.index_cast %add3A_198 : i32 to index
        %swap3A_2195 = arith.constant 224 : index
        %swap3A_2196 = tpu.vector_load %arg9[%swap3A_2193, %swap3A_2194, %swap3A_2195] {strides = array<i32>} : memref<2x49x256xf32, #tpu.memory_space<vmem>>, vector<1x1x16xf32>,
        %swap3A_2197 = vector.shape_cast %swap3A_2196 : vector<1x1x16xf32> to vector<16xf32>
        %swap3A_2198 = vector.shape_cast %add3A_2107 : vector<16xf32> to vector<1x1x16xf32>
        tpu.vector_store %arg9[%swap3A_2193, %swap3A_2194, %swap3A_2195], %swap3A_2198 {strides = array<i32>} : memref<2x49x256xf32, #tpu.memory_space<vmem>>, vector<1x1x16xf32>,
        %swap3A_2199 = arith.index_cast %select_n3A_151 : i32 to index
        %swap3A_2200 = arith.index_cast %add3A_198 : i32 to index
        %swap3A_2201 = arith.constant 240 : index
        %swap3A_2202 = tpu.vector_load %arg9[%swap3A_2199, %swap3A_2200, %swap3A_2201] {strides = array<i32>} : memref<2x49x256xf32, #tpu.memory_space<vmem>>, vector<1x1x16xf32>,
        %swap3A_2203 = vector.shape_cast %swap3A_2202 : vector<1x1x16xf32> to vector<16xf32>
        %swap3A_2204 = vector.shape_cast %add3A_2109 : vector<16xf32> to vector<1x1x16xf32>
        tpu.vector_store %arg9[%swap3A_2199, %swap3A_2200, %swap3A_2201], %swap3A_2204 {strides = array<i32>} : memref<2x49x256xf32, #tpu.memory_space<vmem>>, vector<1x1x16xf32>,
        %scan3A_2205 = arith.constant 0 : i32
        scf.yield %scan3A_2205 : i32
      }
      %scan3A_187 = arith.constant 7 : i32
      %eq3A_188 = arith.constant 6 : i32
      %eq3A_189 = arith.cmpi eq, %select_n3A_119, %eq3A_188 : i32
      %convert_element_type3A_190 = arith.extui %eq3A_189 : i1 to i32
      %cond3A_191 = arith.constant 0 : i32
      %cond3A_192 = arith.cmpi ne, %convert_element_type3A_190, %cond3A_191 : i32
      scf.if %cond3A_192 {
        %add3A_194 = arith.addi %mul3A_2, %select_n3A : i32
        %dma_start3A_195 = arith.constant 0 : i32
        %dma_start3A_196 = arith.constant 0 : i32
        %dma_start3A_197 = tpu.memref_slice %arg9[%select_n3A_151, %dma_start3A_195, %dma_start3A_196] : memref<2x49x256xf32, #tpu.memory_space<vmem>> -> memref<1x49x256xf32, #tpu.memory_space<vmem>>
        %dma_start3A_198 = tpu.memref_squeeze %dma_start3A_197 : memref<1x49x256xf32, #tpu.memory_space<vmem>> -> memref<49x256xf32, #tpu.memory_space<vmem>>
        %dma_start3A_199 = arith.constant 0 : i32
        %dma_start3A_200 = arith.constant 0 : i32
        %dma_start3A_201 = tpu.memref_slice %arg5[%dma_start3A_199, %add3A_194, %dma_start3A_200] : memref<49x1000x256xf32, #tpu.memory_space<hbm>> -> memref<49x1x256xf32, #tpu.memory_space<hbm>>
        %dma_start3A_202 = tpu.memref_squeeze %dma_start3A_201 : memref<49x1x256xf32, #tpu.memory_space<hbm>> -> memref<49x256xf32, #tpu.memory_space<hbm>>
        %dma_start3A_203 = arith.constant 0 : i32
        %dma_start3A_204 = arith.constant 0 : i32
        %dma_start3A_205 = tpu.memref_slice %arg5[%dma_start3A_203, %add3A_194, %dma_start3A_204] : memref<49x1000x256xf32, #tpu.memory_space<hbm>> -> memref<49x1x256xf32, #tpu.memory_space<hbm>>
        %dma_start3A_206 = tpu.memref_squeeze %dma_start3A_205 : memref<49x1x256xf32, #tpu.memory_space<hbm>> -> memref<49x256xf32, #tpu.memory_space<hbm>>
        %dma_start3A_207 = arith.constant 0 : i32
        %dma_start3A_208 = arith.constant 0 : i32
        %dma_start3A_209 = tpu.memref_slice %arg9[%select_n3A_151, %dma_start3A_207, %dma_start3A_208] : memref<2x49x256xf32, #tpu.memory_space<vmem>> -> memref<1x49x256xf32, #tpu.memory_space<vmem>>
        %dma_start3A_210 = tpu.memref_squeeze %dma_start3A_209 : memref<1x49x256xf32, #tpu.memory_space<vmem>> -> memref<49x256xf32, #tpu.memory_space<vmem>>
        tpu.enqueue_dma source(%dma_start3A_210 : memref<49x256xf32, #tpu.memory_space<vmem>>) target(%dma_start3A_206 : memref<49x256xf32, #tpu.memory_space<hbm>>) target_semaphore(%arg12 : memref<!tpu.dma_semaphore, #tpu.memory_space<semaphore_mem>>)
      } else {
      }
      %while3A_193 = arith.constant 0 : i32
      scf.yield %while3A_193 : i32
    }
    %while3A_65 = arith.constant 1 : i32
    %while3A_66 = scf.for %while3A_87 = %while3A_62 to %while3A_58 step %while3A_65 iter_args(%while3A_88 = %while3A_64) -> (i32)  : i32 {
      %jit3A = arith.constant 7 : i32
      %div3A = arith.divsi %while3A_87, %jit3A : i32
      %sign3A = arith.constant 0 : i32
      %sign3A_89 = arith.cmpi sgt, %while3A_87, %sign3A : i32
      %sign3A_90 = arith.extui %sign3A_89 : i1 to i32
      %sign3A_91 = arith.constant 0 : i32
      %sign3A_92 = arith.cmpi slt, %while3A_87, %sign3A_91 : i32
      %sign3A_93 = arith.extui %sign3A_92 : i1 to i32
      %sign3A_94 = arith.subi %sign3A_90, %sign3A_93 : i32
      %sign3A_95 = arith.constant 0 : i32
      %sign3A_96 = arith.cmpi sgt, %jit3A, %sign3A_95 : i32
      %sign3A_97 = arith.extui %sign3A_96 : i1 to i32
      %sign3A_98 = arith.constant 0 : i32
      %sign3A_99 = arith.cmpi slt, %jit3A, %sign3A_98 : i32
      %sign3A_100 = arith.extui %sign3A_99 : i1 to i32
      %sign3A_101 = arith.subi %sign3A_97, %sign3A_100 : i32
      %ne3A = arith.cmpi ne, %sign3A_94, %sign3A_101 : i32
      %rem3A = arith.remsi %while3A_87, %jit3A : i32
      %ne3A_102 = arith.constant 0 : i32
      %ne3A_103 = arith.cmpi ne, %rem3A, %ne3A_102 : i32
      %and3A = arith.andi %ne3A, %ne3A_103 : i1
      %sub3A_104 = arith.constant 1 : i32
      %sub3A_105 = arith.subi %div3A, %sub3A_104 : i32
      %select_n3A = arith.select %and3A, %sub3A_105, %div3A : i32
      %jit3A_106 = arith.constant 7 : i32
      %eq3A = arith.constant 0 : i32
      %eq3A_107 = arith.cmpi eq, %jit3A_106, %eq3A : i32
      %jit3A_108 = arith.constant 1 : i32
      %select_n3A_109 = arith.select %eq3A_107, %jit3A_108, %jit3A_106 : i32
      %rem3A_110 = arith.remsi %while3A_87, %select_n3A_109 : i32
      %ne3A_111 = arith.constant 0 : i32
      %ne3A_112 = arith.cmpi ne, %rem3A_110, %ne3A_111 : i32
      %lt3A = arith.constant 0 : i32
      %lt3A_113 = arith.cmpi slt, %rem3A_110, %lt3A : i32
      %lt3A_114 = arith.constant 0 : i32
      %lt3A_115 = arith.cmpi slt, %select_n3A_109, %lt3A_114 : i32
      %ne3A_116 = arith.xori %lt3A_113, %lt3A_115 : i1
      %and3A_117 = arith.andi %ne3A_116, %ne3A_112 : i1
      %add3A_118 = arith.addi %rem3A_110, %select_n3A_109 : i32
      %select_n3A_119 = arith.select %and3A_117, %add3A_118, %rem3A_110 : i32
      %jit3A_120 = arith.constant 3 : i32
      %eq3A_121 = arith.constant 0 : i32
      %eq3A_122 = arith.cmpi eq, %jit3A_120, %eq3A_121 : i32
      %jit3A_123 = arith.constant 1 : i32
      %select_n3A_124 = arith.select %eq3A_122, %jit3A_123, %jit3A_120 : i32
      %rem3A_125 = arith.remsi %while3A_87, %select_n3A_124 : i32
      %ne3A_126 = arith.constant 0 : i32
      %ne3A_127 = arith.cmpi ne, %rem3A_125, %ne3A_126 : i32
      %lt3A_128 = arith.constant 0 : i32
      %lt3A_129 = arith.cmpi slt, %rem3A_125, %lt3A_128 : i32
      %lt3A_130 = arith.constant 0 : i32
      %lt3A_131 = arith.cmpi slt, %select_n3A_124, %lt3A_130 : i32
      %ne3A_132 = arith.xori %lt3A_129, %lt3A_131 : i1
      %and3A_133 = arith.andi %ne3A_132, %ne3A_127 : i1
      %add3A_134 = arith.addi %rem3A_125, %select_n3A_124 : i32
      %select_n3A_135 = arith.select %and3A_133, %add3A_134, %rem3A_125 : i32
      %jit3A_136 = arith.constant 2 : i32
      %eq3A_137 = arith.constant 0 : i32
      %eq3A_138 = arith.cmpi eq, %jit3A_136, %eq3A_137 : i32
      %jit3A_139 = arith.constant 1 : i32
      %select_n3A_140 = arith.select %eq3A_138, %jit3A_139, %jit3A_136 : i32
      %rem3A_141 = arith.remsi %select_n3A, %select_n3A_140 : i32
      %ne3A_142 = arith.constant 0 : i32
      %ne3A_143 = arith.cmpi ne, %rem3A_141, %ne3A_142 : i32
      %lt3A_144 = arith.constant 0 : i32
      %lt3A_145 = arith.cmpi slt, %rem3A_141, %lt3A_144 : i32
      %lt3A_146 = arith.constant 0 : i32
      %lt3A_147 = arith.cmpi slt, %select_n3A_140, %lt3A_146 : i32
      %ne3A_148 = arith.xori %lt3A_145, %lt3A_147 : i1
      %and3A_149 = arith.andi %ne3A_148, %ne3A_143 : i1
      %add3A_150 = arith.addi %rem3A_141, %select_n3A_140 : i32
      %select_n3A_151 = arith.select %and3A_149, %add3A_150, %rem3A_141 : i32
      %eq3A_152 = arith.constant 0 : i32
      %eq3A_153 = arith.cmpi eq, %select_n3A_119, %eq3A_152 : i32
      %convert_element_type3A_154 = arith.extui %eq3A_153 : i1 to i32
      %cond3A_155 = arith.constant 0 : i32
      %cond3A_156 = arith.cmpi ne, %convert_element_type3A_154, %cond3A_155 : i32
      scf.if %cond3A_156 {
        %add3A_194 = arith.constant 1 : i32
        %add3A_195 = arith.addi %select_n3A, %add3A_194 : i32
        %lt3A_196 = arith.cmpi slt, %add3A_195, %min3A_4 : i32
        %convert_element_type3A_197 = arith.extui %lt3A_196 : i1 to i32
        %cond3A_198 = arith.constant 0 : i32
        %cond3A_199 = arith.cmpi ne, %convert_element_type3A_197, %cond3A_198 : i32
        scf.if %cond3A_199 {
          %add3A_205 = arith.constant 1 : i32
          %add3A_206 = arith.addi %select_n3A, %add3A_205 : i32
          %add3A_207 = arith.constant 1 : i32
          %add3A_208 = arith.addi %select_n3A, %add3A_207 : i32
          %jit3A_209 = arith.constant 2 : i32
          %eq3A_210 = arith.constant 0 : i32
          %eq3A_211 = arith.cmpi eq, %jit3A_209, %eq3A_210 : i32
          %jit3A_212 = arith.constant 1 : i32
          %select_n3A_213 = arith.select %eq3A_211, %jit3A_212, %jit3A_209 : i32
          %rem3A_214 = arith.remsi %add3A_208, %select_n3A_213 : i32
          %ne3A_215 = arith.constant 0 : i32
          %ne3A_216 = arith.cmpi ne, %rem3A_214, %ne3A_215 : i32
          %lt3A_217 = arith.constant 0 : i32
          %lt3A_218 = arith.cmpi slt, %rem3A_214, %lt3A_217 : i32
          %lt3A_219 = arith.constant 0 : i32
          %lt3A_220 = arith.cmpi slt, %select_n3A_213, %lt3A_219 : i32
          %ne3A_221 = arith.xori %lt3A_218, %lt3A_220 : i1
          %and3A_222 = arith.andi %ne3A_221, %ne3A_216 : i1
          %add3A_223 = arith.addi %rem3A_214, %select_n3A_213 : i32
          %select_n3A_224 = arith.select %and3A_222, %add3A_223, %rem3A_214 : i32
          %add3A_225 = arith.addi %mul3A_2, %add3A_206 : i32
          %mul3A_226 = arith.constant 784 : i32
          %mul3A_227 = arith.muli %select_n3A_224, %mul3A_226 : i32
          %multiple_of3A_228 = tpu.assume_multiple %mul3A_227, 8 : i32
          %mul3A_229 = arith.constant 784 : i32
          %mul3A_230 = arith.muli %add3A_225, %mul3A_229 : i32
          %dma_start3A_231 = tpu.memref_slice %arg6[%multiple_of3A_228] : memref<1568xi32, #tpu.memory_space<vmem>> -> memref<784xi32, #tpu.memory_space<vmem>>
          %dma_start3A_232 = tpu.memref_slice %arg3[%mul3A_230] : memref<784000xi32, #tpu.memory_space<hbm>> -> memref<784xi32, #tpu.memory_space<hbm>>
          %dma_start3A_233 = tpu.memref_slice %arg6[%multiple_of3A_228] : memref<1568xi32, #tpu.memory_space<vmem>> -> memref<784xi32, #tpu.memory_space<vmem>>
          %dma_start3A_234 = tpu.memref_slice %arg3[%mul3A_230] : memref<784000xi32, #tpu.memory_space<hbm>> -> memref<784xi32, #tpu.memory_space<hbm>>
          tpu.enqueue_dma source(%dma_start3A_234 : memref<784xi32, #tpu.memory_space<hbm>>) target(%dma_start3A_233 : memref<784xi32, #tpu.memory_space<vmem>>) target_semaphore(%arg11 : memref<!tpu.dma_semaphore, #tpu.memory_space<semaphore_mem>>)
          %mul3A_235 = arith.constant 784 : i32
          %mul3A_236 = arith.muli %add3A_225, %mul3A_235 : i32
          %dma_start3A_237 = tpu.memref_slice %arg7[%multiple_of3A_228] : memref<1568xf32, #tpu.memory_space<vmem>> -> memref<784xf32, #tpu.memory_space<vmem>>
          %dma_start3A_238 = tpu.memref_slice %arg4[%mul3A_236] : memref<784000xf32, #tpu.memory_space<hbm>> -> memref<784xf32, #tpu.memory_space<hbm>>
          %dma_start3A_239 = tpu.memref_slice %arg7[%multiple_of3A_228] : memref<1568xf32, #tpu.memory_space<vmem>> -> memref<784xf32, #tpu.memory_space<vmem>>
          %dma_start3A_240 = tpu.memref_slice %arg4[%mul3A_236] : memref<784000xf32, #tpu.memory_space<hbm>> -> memref<784xf32, #tpu.memory_space<hbm>>
          tpu.enqueue_dma source(%dma_start3A_240 : memref<784xf32, #tpu.memory_space<hbm>>) target(%dma_start3A_239 : memref<784xf32, #tpu.memory_space<vmem>>) target_semaphore(%arg11 : memref<!tpu.dma_semaphore, #tpu.memory_space<semaphore_mem>>)
        } else {
        }
        %ge3A_200 = arith.constant 2 : i32
        %ge3A_201 = arith.cmpi sge, %select_n3A, %ge3A_200 : i32
        %convert_element_type3A_202 = arith.extui %ge3A_201 : i1 to i32
        %cond3A_203 = arith.constant 0 : i32
        %cond3A_204 = arith.cmpi ne, %convert_element_type3A_202, %cond3A_203 : i32
        scf.if %cond3A_204 {
          %dma_wait3A_205 = arith.constant 0 : i32
          %dma_wait3A_206 = arith.constant 0 : i32
          %dma_wait3A_207 = arith.constant 0 : i32
          %dma_wait3A_208 = tpu.memref_slice %arg9[%select_n3A_151, %dma_wait3A_206, %dma_wait3A_207] : memref<2x49x256xf32, #tpu.memory_space<vmem>> -> memref<1x49x256xf32, #tpu.memory_space<vmem>>
          %dma_wait3A_209 = tpu.memref_squeeze %dma_wait3A_208 : memref<1x49x256xf32, #tpu.memory_space<vmem>> -> memref<49x256xf32, #tpu.memory_space<vmem>>
          %dma_wait3A_210 = arith.constant 0 : i32
          %dma_wait3A_211 = arith.constant 0 : i32
          %dma_wait3A_212 = tpu.memref_slice %arg5[%dma_wait3A_210, %dma_wait3A_205, %dma_wait3A_211] : memref<49x1000x256xf32, #tpu.memory_space<hbm>> -> memref<49x1x256xf32, #tpu.memory_space<hbm>>
          %dma_wait3A_213 = tpu.memref_squeeze %dma_wait3A_212 : memref<49x1x256xf32, #tpu.memory_space<hbm>> -> memref<49x256xf32, #tpu.memory_space<hbm>>
          %dma_wait3A_214 = arith.constant 0 : i32
          %dma_wait3A_215 = arith.constant 0 : i32
          %dma_wait3A_216 = tpu.memref_slice %arg5[%dma_wait3A_214, %dma_wait3A_205, %dma_wait3A_215] : memref<49x1000x256xf32, #tpu.memory_space<hbm>> -> memref<49x1x256xf32, #tpu.memory_space<hbm>>
          %dma_wait3A_217 = tpu.memref_squeeze %dma_wait3A_216 : memref<49x1x256xf32, #tpu.memory_space<hbm>> -> memref<49x256xf32, #tpu.memory_space<hbm>>
          %dma_wait3A_218 = arith.constant 0 : i32
          %dma_wait3A_219 = arith.constant 0 : i32
          %dma_wait3A_220 = tpu.memref_slice %arg9[%select_n3A_151, %dma_wait3A_218, %dma_wait3A_219] : memref<2x49x256xf32, #tpu.memory_space<vmem>> -> memref<1x49x256xf32, #tpu.memory_space<vmem>>
          %dma_wait3A_221 = tpu.memref_squeeze %dma_wait3A_220 : memref<1x49x256xf32, #tpu.memory_space<vmem>> -> memref<49x256xf32, #tpu.memory_space<vmem>>
          tpu.wait_dma2 semaphore(%arg12 : memref<!tpu.dma_semaphore, #tpu.memory_space<semaphore_mem>>) src(%dma_wait3A_221 : memref<49x256xf32, #tpu.memory_space<vmem>>) dst(%dma_wait3A_217 : memref<49x256xf32, #tpu.memory_space<hbm>>)
        } else {
        }
      } else {
      }
      %dma_wait3A_157 = arith.constant 0 : i32
      %dma_wait3A_158 = arith.constant 0 : i32
      %dma_wait3A_159 = tpu.memref_slice %arg8[%select_n3A_135, %dma_wait3A_157, %dma_wait3A_158] : memref<3x112x128xi32, #tpu.memory_space<vmem>> -> memref<1x112x128xi32, #tpu.memory_space<vmem>>
      %dma_wait3A_160 = tpu.memref_squeeze %dma_wait3A_159 : memref<1x112x128xi32, #tpu.memory_space<vmem>> -> memref<112x128xi32, #tpu.memory_space<vmem>>
      %dma_wait3A_161 = arith.constant 0 : i32
      %dma_wait3A_162 = arith.constant 0 : i32
      %dma_wait3A_163 = tpu.memref_slice %arg2[%dma_wait3A_161, %dma_wait3A_162] : memref<16384x128xi32, #tpu.memory_space<hbm>> -> memref<112x128xi32, #tpu.memory_space<hbm>>
      %dma_wait3A_164 = arith.constant 0 : i32
      %dma_wait3A_165 = arith.constant 0 : i32
      %dma_wait3A_166 = tpu.memref_slice %arg8[%select_n3A_135, %dma_wait3A_164, %dma_wait3A_165] : memref<3x112x128xi32, #tpu.memory_space<vmem>> -> memref<1x112x128xi32, #tpu.memory_space<vmem>>
      %dma_wait3A_167 = tpu.memref_squeeze %dma_wait3A_166 : memref<1x112x128xi32, #tpu.memory_space<vmem>> -> memref<112x128xi32, #tpu.memory_space<vmem>>
      %dma_wait3A_168 = arith.constant 0 : i32
      %dma_wait3A_169 = arith.constant 0 : i32
      %dma_wait3A_170 = tpu.memref_slice %arg2[%dma_wait3A_168, %dma_wait3A_169] : memref<16384x128xi32, #tpu.memory_space<hbm>> -> memref<112x128xi32, #tpu.memory_space<hbm>>
      tpu.wait_dma2 semaphore(%arg10 : memref<!tpu.dma_semaphore, #tpu.memory_space<semaphore_mem>>) src(%dma_wait3A_170 : memref<112x128xi32, #tpu.memory_space<hbm>>) dst(%dma_wait3A_167 : memref<112x128xi32, #tpu.memory_space<vmem>>)
      %eq3A_171 = arith.constant 5 : i32
      %eq3A_172 = arith.cmpi eq, %select_n3A_119, %eq3A_171 : i32
      %convert_element_type3A_173 = arith.extui %eq3A_172 : i1 to i32
      %cond3A_174 = arith.constant 0 : i32
      %cond3A_175 = arith.cmpi ne, %convert_element_type3A_173, %cond3A_174 : i32
      scf.if %cond3A_175 {
        %add3A_194 = arith.constant 1 : i32
        %add3A_195 = arith.addi %select_n3A, %add3A_194 : i32
        %lt3A_196 = arith.cmpi slt, %add3A_195, %min3A_4 : i32
        %convert_element_type3A_197 = arith.extui %lt3A_196 : i1 to i32
        %cond3A_198 = arith.constant 0 : i32
        %cond3A_199 = arith.cmpi ne, %convert_element_type3A_197, %cond3A_198 : i32
        scf.if %cond3A_199 {
          %add3A_200 = arith.constant 1 : i32
          %add3A_201 = arith.addi %select_n3A, %add3A_200 : i32
          %jit3A_202 = arith.constant 2 : i32
          %eq3A_203 = arith.constant 0 : i32
          %eq3A_204 = arith.cmpi eq, %jit3A_202, %eq3A_203 : i32
          %jit3A_205 = arith.constant 1 : i32
          %select_n3A_206 = arith.select %eq3A_204, %jit3A_205, %jit3A_202 : i32
          %rem3A_207 = arith.remsi %add3A_201, %select_n3A_206 : i32
          %ne3A_208 = arith.constant 0 : i32
          %ne3A_209 = arith.cmpi ne, %rem3A_207, %ne3A_208 : i32
          %lt3A_210 = arith.constant 0 : i32
          %lt3A_211 = arith.cmpi slt, %rem3A_207, %lt3A_210 : i32
          %lt3A_212 = arith.constant 0 : i32
          %lt3A_213 = arith.cmpi slt, %select_n3A_206, %lt3A_212 : i32
          %ne3A_214 = arith.xori %lt3A_211, %lt3A_213 : i1
          %and3A_215 = arith.andi %ne3A_214, %ne3A_209 : i1
          %add3A_216 = arith.addi %rem3A_207, %select_n3A_206 : i32
          %select_n3A_217 = arith.select %and3A_215, %add3A_216, %rem3A_207 : i32
          %mul3A_218 = arith.constant 784 : i32
          %mul3A_219 = arith.muli %select_n3A_217, %mul3A_218 : i32
          %multiple_of3A_220 = tpu.assume_multiple %mul3A_219, 8 : i32
          %dma_wait3A_221 = tpu.memref_slice %arg6[%multiple_of3A_220] : memref<1568xi32, #tpu.memory_space<vmem>> -> memref<784xi32, #tpu.memory_space<vmem>>
          %dma_wait3A_222 = arith.constant 0 : i32
          %dma_wait3A_223 = tpu.memref_slice %arg3[%dma_wait3A_222] : memref<784000xi32, #tpu.memory_space<hbm>> -> memref<784xi32, #tpu.memory_space<hbm>>
          %dma_wait3A_224 = tpu.memref_slice %arg6[%multiple_of3A_220] : memref<1568xi32, #tpu.memory_space<vmem>> -> memref<784xi32, #tpu.memory_space<vmem>>
          %dma_wait3A_225 = arith.constant 0 : i32
          %dma_wait3A_226 = tpu.memref_slice %arg3[%dma_wait3A_225] : memref<784000xi32, #tpu.memory_space<hbm>> -> memref<784xi32, #tpu.memory_space<hbm>>
          tpu.wait_dma2 semaphore(%arg11 : memref<!tpu.dma_semaphore, #tpu.memory_space<semaphore_mem>>) src(%dma_wait3A_226 : memref<784xi32, #tpu.memory_space<hbm>>) dst(%dma_wait3A_224 : memref<784xi32, #tpu.memory_space<vmem>>)
          %dma_wait3A_227 = tpu.memref_slice %arg7[%multiple_of3A_220] : memref<1568xf32, #tpu.memory_space<vmem>> -> memref<784xf32, #tpu.memory_space<vmem>>
          %dma_wait3A_228 = arith.constant 0 : i32
          %dma_wait3A_229 = tpu.memref_slice %arg4[%dma_wait3A_228] : memref<784000xf32, #tpu.memory_space<hbm>> -> memref<784xf32, #tpu.memory_space<hbm>>
          %dma_wait3A_230 = tpu.memref_slice %arg7[%multiple_of3A_220] : memref<1568xf32, #tpu.memory_space<vmem>> -> memref<784xf32, #tpu.memory_space<vmem>>
          %dma_wait3A_231 = arith.constant 0 : i32
          %dma_wait3A_232 = tpu.memref_slice %arg4[%dma_wait3A_231] : memref<784000xf32, #tpu.memory_space<hbm>> -> memref<784xf32, #tpu.memory_space<hbm>>
          tpu.wait_dma2 semaphore(%arg11 : memref<!tpu.dma_semaphore, #tpu.memory_space<semaphore_mem>>) src(%dma_wait3A_232 : memref<784xf32, #tpu.memory_space<hbm>>) dst(%dma_wait3A_230 : memref<784xf32, #tpu.memory_space<vmem>>)
        } else {
        }
      } else {
      }
      %add3A_176 = arith.constant 2 : i32
      %add3A_177 = arith.addi %while3A_87, %add3A_176 : i32
      %lt3A_178 = arith.cmpi slt, %add3A_177, %mul3A_6 : i32
      %convert_element_type3A_179 = arith.extui %lt3A_178 : i1 to i32
      %cond3A_180 = arith.constant 0 : i32
      %cond3A_181 = arith.cmpi ne, %convert_element_type3A_179, %cond3A_180 : i32
      scf.if %cond3A_181 {
        %add3A_194 = arith.constant 2 : i32
        %add3A_195 = arith.addi %while3A_87, %add3A_194 : i32
        %jit3A_196 = arith.constant 7 : i32
        %div3A_197 = arith.divsi %add3A_195, %jit3A_196 : i32
        %sign3A_198 = arith.constant 0 : i32
        %sign3A_199 = arith.cmpi sgt, %add3A_195, %sign3A_198 : i32
        %sign3A_200 = arith.extui %sign3A_199 : i1 to i32
        %sign3A_201 = arith.constant 0 : i32
        %sign3A_202 = arith.cmpi slt, %add3A_195, %sign3A_201 : i32
        %sign3A_203 = arith.extui %sign3A_202 : i1 to i32
        %sign3A_204 = arith.subi %sign3A_200, %sign3A_203 : i32
        %sign3A_205 = arith.constant 0 : i32
        %sign3A_206 = arith.cmpi sgt, %jit3A_196, %sign3A_205 : i32
        %sign3A_207 = arith.extui %sign3A_206 : i1 to i32
        %sign3A_208 = arith.constant 0 : i32
        %sign3A_209 = arith.cmpi slt, %jit3A_196, %sign3A_208 : i32
        %sign3A_210 = arith.extui %sign3A_209 : i1 to i32
        %sign3A_211 = arith.subi %sign3A_207, %sign3A_210 : i32
        %ne3A_212 = arith.cmpi ne, %sign3A_204, %sign3A_211 : i32
        %rem3A_213 = arith.remsi %add3A_195, %jit3A_196 : i32
        %ne3A_214 = arith.constant 0 : i32
        %ne3A_215 = arith.cmpi ne, %rem3A_213, %ne3A_214 : i32
        %and3A_216 = arith.andi %ne3A_212, %ne3A_215 : i1
        %sub3A_217 = arith.constant 1 : i32
        %sub3A_218 = arith.subi %div3A_197, %sub3A_217 : i32
        %select_n3A_219 = arith.select %and3A_216, %sub3A_218, %div3A_197 : i32
        %jit3A_220 = arith.constant 7 : i32
        %eq3A_221 = arith.constant 0 : i32
        %eq3A_222 = arith.cmpi eq, %jit3A_220, %eq3A_221 : i32
        %jit3A_223 = arith.constant 1 : i32
        %select_n3A_224 = arith.select %eq3A_222, %jit3A_223, %jit3A_220 : i32
        %rem3A_225 = arith.remsi %add3A_195, %select_n3A_224 : i32
        %ne3A_226 = arith.constant 0 : i32
        %ne3A_227 = arith.cmpi ne, %rem3A_225, %ne3A_226 : i32
        %lt3A_228 = arith.constant 0 : i32
        %lt3A_229 = arith.cmpi slt, %rem3A_225, %lt3A_228 : i32
        %lt3A_230 = arith.constant 0 : i32
        %lt3A_231 = arith.cmpi slt, %select_n3A_224, %lt3A_230 : i32
        %ne3A_232 = arith.xori %lt3A_229, %lt3A_231 : i1
        %and3A_233 = arith.andi %ne3A_232, %ne3A_227 : i1
        %add3A_234 = arith.addi %rem3A_225, %select_n3A_224 : i32
        %select_n3A_235 = arith.select %and3A_233, %add3A_234, %rem3A_225 : i32
        %jit3A_236 = arith.constant 2 : i32
        %eq3A_237 = arith.constant 0 : i32
        %eq3A_238 = arith.cmpi eq, %jit3A_236, %eq3A_237 : i32
        %jit3A_239 = arith.constant 1 : i32
        %select_n3A_240 = arith.select %eq3A_238, %jit3A_239, %jit3A_236 : i32
        %rem3A_241 = arith.remsi %select_n3A_219, %select_n3A_240 : i32
        %ne3A_242 = arith.constant 0 : i32
        %ne3A_243 = arith.cmpi ne, %rem3A_241, %ne3A_242 : i32
        %lt3A_244 = arith.constant 0 : i32
        %lt3A_245 = arith.cmpi slt, %rem3A_241, %lt3A_244 : i32
        %lt3A_246 = arith.constant 0 : i32
        %lt3A_247 = arith.cmpi slt, %select_n3A_240, %lt3A_246 : i32
        %ne3A_248 = arith.xori %lt3A_245, %lt3A_247 : i1
        %and3A_249 = arith.andi %ne3A_248, %ne3A_243 : i1
        %add3A_250 = arith.addi %rem3A_241, %select_n3A_240 : i32
        %select_n3A_251 = arith.select %and3A_249, %add3A_250, %rem3A_241 : i32
        %mul3A_252 = arith.constant 784 : i32
        %mul3A_253 = arith.muli %select_n3A_251, %mul3A_252 : i32
        %mul3A_254 = arith.constant 112 : i32
        %mul3A_255 = arith.muli %select_n3A_235, %mul3A_254 : i32
        %add3A_256 = arith.addi %mul3A_253, %mul3A_255 : i32
        %multiple_of3A_257 = tpu.assume_multiple %add3A_256, 8 : i32
        %jit3A_258 = arith.constant 3 : i32
        %eq3A_259 = arith.constant 0 : i32
        %eq3A_260 = arith.cmpi eq, %jit3A_258, %eq3A_259 : i32
        %jit3A_261 = arith.constant 1 : i32
        %select_n3A_262 = arith.select %eq3A_260, %jit3A_261, %jit3A_258 : i32
        %rem3A_263 = arith.remsi %add3A_195, %select_n3A_262 : i32
        %ne3A_264 = arith.constant 0 : i32
        %ne3A_265 = arith.cmpi ne, %rem3A_263, %ne3A_264 : i32
        %lt3A_266 = arith.constant 0 : i32
        %lt3A_267 = arith.cmpi slt, %rem3A_263, %lt3A_266 : i32
        %lt3A_268 = arith.constant 0 : i32
        %lt3A_269 = arith.cmpi slt, %select_n3A_262, %lt3A_268 : i32
        %ne3A_270 = arith.xori %lt3A_267, %lt3A_269 : i1
        %and3A_271 = arith.andi %ne3A_270, %ne3A_265 : i1
        %add3A_272 = arith.addi %rem3A_263, %select_n3A_262 : i32
        %select_n3A_273 = arith.select %and3A_271, %add3A_272, %rem3A_263 : i32
        %dma_start3A_274 = arith.constant 0 : i32
        %dma_start3A_275 = arith.constant 0 : i32
        %dma_start3A_276 = tpu.memref_slice %arg8[%select_n3A_273, %dma_start3A_274, %dma_start3A_275] : memref<3x112x128xi32, #tpu.memory_space<vmem>> -> memref<1x112x128xi32, #tpu.memory_space<vmem>>
        %dma_start3A_277 = tpu.memref_squeeze %dma_start3A_276 : memref<1x112x128xi32, #tpu.memory_space<vmem>> -> memref<112x128xi32, #tpu.memory_space<vmem>>
        %dma_start3A_278 = tpu.memref_slice %arg6[%multiple_of3A_257] : memref<1568xi32, #tpu.memory_space<vmem>> -> memref<112xi32, #tpu.memory_space<vmem>>
        %dma_start3A_279 = arith.constant 0 : i32
        %dma_start3A_280 = arith.constant 0 : i32
        %dma_start3A_281 = tpu.memref_slice %arg2[%dma_start3A_279, %dma_start3A_280] : memref<16384x128xi32, #tpu.memory_space<hbm>> -> memref<16384x128xi32, #tpu.memory_space<hbm>>
        tpu.enqueue_indirect_dma source(%dma_start3A_281 : memref<16384x128xi32, #tpu.memory_space<hbm>>) target(%dma_start3A_277 : memref<112x128xi32, #tpu.memory_space<vmem>>) offsets(%dma_start3A_278 : memref<112xi32, #tpu.memory_space<vmem>>) semaphore(%arg10 : memref<!tpu.dma_semaphore, #tpu.memory_space<semaphore_mem>>)
      } else {
      }
      %scan3A = arith.constant 0 : i32
      %scan3A_182 = arith.constant 0 : i32
      %scan3A_183 = arith.constant 7 : i32
      %scan3A_184 = arith.addi %scan3A_182, %scan3A_183 : i32
      %scan3A_185 = arith.constant 1 : i32
      %scan3A_186 = scf.for %scan3A_194 = %scan3A_182 to %scan3A_184 step %scan3A_185 iter_args(%scan3A_195 = %scan3A) -> (i32)  : i32 {
        %mul3A_196 = arith.constant 7 : i32
        %mul3A_197 = arith.muli %select_n3A_119, %mul3A_196 : i32
        %add3A_198 = arith.addi %mul3A_197, %scan3A_194 : i32
        %mul3A_199 = arith.constant 112 : i32
        %mul3A_200 = arith.muli %select_n3A_119, %mul3A_199 : i32
        %mul3A_201 = arith.constant 16 : i32
        %mul3A_202 = arith.muli %scan3A_194, %mul3A_201 : i32
        %add3A_203 = arith.addi %mul3A_200, %mul3A_202 : i32
        %mul3A_204 = arith.constant 784 : i32
        %mul3A_205 = arith.muli %select_n3A_151, %mul3A_204 : i32
        %add3A_206 = arith.addi %mul3A_205, %add3A_203 : i32
        %get3A = arith.index_cast %add3A_206 : i32 to index
        %get3A_207 = tpu.vector_load %arg7[%get3A] {strides = array<i32>} : memref<1568xf32, #tpu.memory_space<vmem>>, vector<16xf32>,
        %get3A_208 = vector.shape_cast %get3A_207 : vector<16xf32> to vector<16xf32>
        %broadcast_in_dim3A = arith.constant 0.000000e+00 : f32
        %broadcast_in_dim3A_209 = vector.broadcast %broadcast_in_dim3A : f32 to vector<16xf32>
        %slice3A = vector.extract_strided_slice %get3A_208 {offsets = [0], sizes = [1], strides = [1]} : vector<16xf32> to vector<1xf32>
        %squeeze3A = vector.extract %slice3A[0] : f32 from vector<1xf32>
        %broadcast_in_dim3A_210 = vector.broadcast %squeeze3A : f32 to vector<16xf32>
        %mul3A_211 = arith.constant 16 : i32
        %mul3A_212 = arith.muli %scan3A_194, %mul3A_211 : i32
        %add3A_213 = arith.constant 0 : i32
        %add3A_214 = arith.addi %mul3A_212, %add3A_213 : i32
        %get3A_215 = arith.index_cast %select_n3A_135 : i32 to index
        %get3A_216 = arith.index_cast %add3A_214 : i32 to index
        %get3A_217 = arith.constant 0 : index
        %get3A_218 = tpu.vector_load %arg8[%get3A_215, %get3A_216, %get3A_217] {strides = array<i32>} : memref<3x112x128xi32, #tpu.memory_space<vmem>>, vector<1x1x16xi32>,
        %get3A_219 = vector.shape_cast %get3A_218 : vector<1x1x16xi32> to vector<16xi32>
        %shift_left3A = arith.constant 16 : i32
        %shift_left3A_220 = vector.broadcast %shift_left3A : i32 to vector<16xi32>
        %shift_left3A_221 = arith.shli %get3A_219, %shift_left3A_220 : vector<16xi32>
        %bitcast_convert_type3A = tpu.bitcast %shift_left3A_221 : vector<16xi32> -> vector<16xf32>
        %bitcast_convert_type3A_222 = tpu.bitcast %get3A_219 : vector<16xi32> -> vector<16xf32>
        %mul3A_223 = arith.mulf %broadcast_in_dim3A_210, %bitcast_convert_type3A : vector<16xf32>
        %add3A_224 = arith.addf %broadcast_in_dim3A_209, %mul3A_223 : vector<16xf32>
        %mul3A_225 = arith.mulf %broadcast_in_dim3A_210, %bitcast_convert_type3A_222 : vector<16xf32>
        %add3A_226 = arith.addf %broadcast_in_dim3A_209, %mul3A_225 : vector<16xf32>
        %get3A_227 = arith.index_cast %select_n3A_135 : i32 to index
        %get3A_228 = arith.index_cast %add3A_214 : i32 to index
        %get3A_229 = arith.constant 16 : index
        %get3A_230 = tpu.vector_load %arg8[%get3A_227, %get3A_228, %get3A_229] {strides = array<i32>} : memref<3x112x128xi32, #tpu.memory_space<vmem>>, vector<1x1x16xi32>,
        %get3A_231 = vector.shape_cast %get3A_230 : vector<1x1x16xi32> to vector<16xi32>
        %shift_left3A_232 = arith.constant 16 : i32
        %shift_left3A_233 = vector.broadcast %shift_left3A_232 : i32 to vector<16xi32>
        %shift_left3A_234 = arith.shli %get3A_231, %shift_left3A_233 : vector<16xi32>
        %bitcast_convert_type3A_235 = tpu.bitcast %shift_left3A_234 : vector<16xi32> -> vector<16xf32>
        %bitcast_convert_type3A_236 = tpu.bitcast %get3A_231 : vector<16xi32> -> vector<16xf32>
        %mul3A_237 = arith.mulf %broadcast_in_dim3A_210, %bitcast_convert_type3A_235 : vector<16xf32>
        %add3A_238 = arith.addf %broadcast_in_dim3A_209, %mul3A_237 : vector<16xf32>
        %mul3A_239 = arith.mulf %broadcast_in_dim3A_210, %bitcast_convert_type3A_236 : vector<16xf32>
        %add3A_240 = arith.addf %broadcast_in_dim3A_209, %mul3A_239 : vector<16xf32>
        %get3A_241 = arith.index_cast %select_n3A_135 : i32 to index
        %get3A_242 = arith.index_cast %add3A_214 : i32 to index
        %get3A_243 = arith.constant 32 : index
        %get3A_244 = tpu.vector_load %arg8[%get3A_241, %get3A_242, %get3A_243] {strides = array<i32>} : memref<3x112x128xi32, #tpu.memory_space<vmem>>, vector<1x1x16xi32>,
        %get3A_245 = vector.shape_cast %get3A_244 : vector<1x1x16xi32> to vector<16xi32>
        %shift_left3A_246 = arith.constant 16 : i32
        %shift_left3A_247 = vector.broadcast %shift_left3A_246 : i32 to vector<16xi32>
        %shift_left3A_248 = arith.shli %get3A_245, %shift_left3A_247 : vector<16xi32>
        %bitcast_convert_type3A_249 = tpu.bitcast %shift_left3A_248 : vector<16xi32> -> vector<16xf32>
        %bitcast_convert_type3A_250 = tpu.bitcast %get3A_245 : vector<16xi32> -> vector<16xf32>
        %mul3A_251 = arith.mulf %broadcast_in_dim3A_210, %bitcast_convert_type3A_249 : vector<16xf32>
        %add3A_252 = arith.addf %broadcast_in_dim3A_209, %mul3A_251 : vector<16xf32>
        %mul3A_253 = arith.mulf %broadcast_in_dim3A_210, %bitcast_convert_type3A_250 : vector<16xf32>
        %add3A_254 = arith.addf %broadcast_in_dim3A_209, %mul3A_253 : vector<16xf32>
        %get3A_255 = arith.index_cast %select_n3A_135 : i32 to index
        %get3A_256 = arith.index_cast %add3A_214 : i32 to index
        %get3A_257 = arith.constant 48 : index
        %get3A_258 = tpu.vector_load %arg8[%get3A_255, %get3A_256, %get3A_257] {strides = array<i32>} : memref<3x112x128xi32, #tpu.memory_space<vmem>>, vector<1x1x16xi32>,
        %get3A_259 = vector.shape_cast %get3A_258 : vector<1x1x16xi32> to vector<16xi32>
        %shift_left3A_260 = arith.constant 16 : i32
        %shift_left3A_261 = vector.broadcast %shift_left3A_260 : i32 to vector<16xi32>
        %shift_left3A_262 = arith.shli %get3A_259, %shift_left3A_261 : vector<16xi32>
        %bitcast_convert_type3A_263 = tpu.bitcast %shift_left3A_262 : vector<16xi32> -> vector<16xf32>
        %bitcast_convert_type3A_264 = tpu.bitcast %get3A_259 : vector<16xi32> -> vector<16xf32>
        %mul3A_265 = arith.mulf %broadcast_in_dim3A_210, %bitcast_convert_type3A_263 : vector<16xf32>
        %add3A_266 = arith.addf %broadcast_in_dim3A_209, %mul3A_265 : vector<16xf32>
        %mul3A_267 = arith.mulf %broadcast_in_dim3A_210, %bitcast_convert_type3A_264 : vector<16xf32>
        %add3A_268 = arith.addf %broadcast_in_dim3A_209, %mul3A_267 : vector<16xf32>
        %get3A_269 = arith.index_cast %select_n3A_135 : i32 to index
        %get3A_270 = arith.index_cast %add3A_214 : i32 to index
        %get3A_271 = arith.constant 64 : index
        %get3A_272 = tpu.vector_load %arg8[%get3A_269, %get3A_270, %get3A_271] {strides = array<i32>} : memref<3x112x128xi32, #tpu.memory_space<vmem>>, vector<1x1x16xi32>,
        %get3A_273 = vector.shape_cast %get3A_272 : vector<1x1x16xi32> to vector<16xi32>
        %shift_left3A_274 = arith.constant 16 : i32
        %shift_left3A_275 = vector.broadcast %shift_left3A_274 : i32 to vector<16xi32>
        %shift_left3A_276 = arith.shli %get3A_273, %shift_left3A_275 : vector<16xi32>
        %bitcast_convert_type3A_277 = tpu.bitcast %shift_left3A_276 : vector<16xi32> -> vector<16xf32>
        %bitcast_convert_type3A_278 = tpu.bitcast %get3A_273 : vector<16xi32> -> vector<16xf32>
        %mul3A_279 = arith.mulf %broadcast_in_dim3A_210, %bitcast_convert_type3A_277 : vector<16xf32>
        %add3A_280 = arith.addf %broadcast_in_dim3A_209, %mul3A_279 : vector<16xf32>
        %mul3A_281 = arith.mulf %broadcast_in_dim3A_210, %bitcast_convert_type3A_278 : vector<16xf32>
        %add3A_282 = arith.addf %broadcast_in_dim3A_209, %mul3A_281 : vector<16xf32>
        %get3A_283 = arith.index_cast %select_n3A_135 : i32 to index
        %get3A_284 = arith.index_cast %add3A_214 : i32 to index
        %get3A_285 = arith.constant 80 : index
        %get3A_286 = tpu.vector_load %arg8[%get3A_283, %get3A_284, %get3A_285] {strides = array<i32>} : memref<3x112x128xi32, #tpu.memory_space<vmem>>, vector<1x1x16xi32>,
        %get3A_287 = vector.shape_cast %get3A_286 : vector<1x1x16xi32> to vector<16xi32>
        %shift_left3A_288 = arith.constant 16 : i32
        %shift_left3A_289 = vector.broadcast %shift_left3A_288 : i32 to vector<16xi32>
        %shift_left3A_290 = arith.shli %get3A_287, %shift_left3A_289 : vector<16xi32>
        %bitcast_convert_type3A_291 = tpu.bitcast %shift_left3A_290 : vector<16xi32> -> vector<16xf32>
        %bitcast_convert_type3A_292 = tpu.bitcast %get3A_287 : vector<16xi32> -> vector<16xf32>
        %mul3A_293 = arith.mulf %broadcast_in_dim3A_210, %bitcast_convert_type3A_291 : vector<16xf32>
        %add3A_294 = arith.addf %broadcast_in_dim3A_209, %mul3A_293 : vector<16xf32>
        %mul3A_295 = arith.mulf %broadcast_in_dim3A_210, %bitcast_convert_type3A_292 : vector<16xf32>
        %add3A_296 = arith.addf %broadcast_in_dim3A_209, %mul3A_295 : vector<16xf32>
        %get3A_297 = arith.index_cast %select_n3A_135 : i32 to index
        %get3A_298 = arith.index_cast %add3A_214 : i32 to index
        %get3A_299 = arith.constant 96 : index
        %get3A_300 = tpu.vector_load %arg8[%get3A_297, %get3A_298, %get3A_299] {strides = array<i32>} : memref<3x112x128xi32, #tpu.memory_space<vmem>>, vector<1x1x16xi32>,
        %get3A_301 = vector.shape_cast %get3A_300 : vector<1x1x16xi32> to vector<16xi32>
        %shift_left3A_302 = arith.constant 16 : i32
        %shift_left3A_303 = vector.broadcast %shift_left3A_302 : i32 to vector<16xi32>
        %shift_left3A_304 = arith.shli %get3A_301, %shift_left3A_303 : vector<16xi32>
        %bitcast_convert_type3A_305 = tpu.bitcast %shift_left3A_304 : vector<16xi32> -> vector<16xf32>
        %bitcast_convert_type3A_306 = tpu.bitcast %get3A_301 : vector<16xi32> -> vector<16xf32>
        %mul3A_307 = arith.mulf %broadcast_in_dim3A_210, %bitcast_convert_type3A_305 : vector<16xf32>
        %add3A_308 = arith.addf %broadcast_in_dim3A_209, %mul3A_307 : vector<16xf32>
        %mul3A_309 = arith.mulf %broadcast_in_dim3A_210, %bitcast_convert_type3A_306 : vector<16xf32>
        %add3A_310 = arith.addf %broadcast_in_dim3A_209, %mul3A_309 : vector<16xf32>
        %get3A_311 = arith.index_cast %select_n3A_135 : i32 to index
        %get3A_312 = arith.index_cast %add3A_214 : i32 to index
        %get3A_313 = arith.constant 112 : index
        %get3A_314 = tpu.vector_load %arg8[%get3A_311, %get3A_312, %get3A_313] {strides = array<i32>} : memref<3x112x128xi32, #tpu.memory_space<vmem>>, vector<1x1x16xi32>,
        %get3A_315 = vector.shape_cast %get3A_314 : vector<1x1x16xi32> to vector<16xi32>
        %shift_left3A_316 = arith.constant 16 : i32
        %shift_left3A_317 = vector.broadcast %shift_left3A_316 : i32 to vector<16xi32>
        %shift_left3A_318 = arith.shli %get3A_315, %shift_left3A_317 : vector<16xi32>
        %bitcast_convert_type3A_319 = tpu.bitcast %shift_left3A_318 : vector<16xi32> -> vector<16xf32>
        %bitcast_convert_type3A_320 = tpu.bitcast %get3A_315 : vector<16xi32> -> vector<16xf32>
        %mul3A_321 = arith.mulf %broadcast_in_dim3A_210, %bitcast_convert_type3A_319 : vector<16xf32>
        %add3A_322 = arith.addf %broadcast_in_dim3A_209, %mul3A_321 : vector<16xf32>
        %mul3A_323 = arith.mulf %broadcast_in_dim3A_210, %bitcast_convert_type3A_320 : vector<16xf32>
        %add3A_324 = arith.addf %broadcast_in_dim3A_209, %mul3A_323 : vector<16xf32>
        %slice3A_325 = vector.extract_strided_slice %get3A_208 {offsets = [1], sizes = [1], strides = [1]} : vector<16xf32> to vector<1xf32>
        %squeeze3A_326 = vector.extract %slice3A_325[0] : f32 from vector<1xf32>
        %broadcast_in_dim3A_327 = vector.broadcast %squeeze3A_326 : f32 to vector<16xf32>
        %mul3A_328 = arith.constant 16 : i32
        %mul3A_329 = arith.muli %scan3A_194, %mul3A_328 : i32
        %add3A_330 = arith.constant 1 : i32
        %add3A_331 = arith.addi %mul3A_329, %add3A_330 : i32
        %get3A_332 = arith.index_cast %select_n3A_135 : i32 to index
        %get3A_333 = arith.index_cast %add3A_331 : i32 to index
        %get3A_334 = arith.constant 0 : index
        %get3A_335 = tpu.vector_load %arg8[%get3A_332, %get3A_333, %get3A_334] {strides = array<i32>} : memref<3x112x128xi32, #tpu.memory_space<vmem>>, vector<1x1x16xi32>,
        %get3A_336 = vector.shape_cast %get3A_335 : vector<1x1x16xi32> to vector<16xi32>
        %shift_left3A_337 = arith.constant 16 : i32
        %shift_left3A_338 = vector.broadcast %shift_left3A_337 : i32 to vector<16xi32>
        %shift_left3A_339 = arith.shli %get3A_336, %shift_left3A_338 : vector<16xi32>
        %bitcast_convert_type3A_340 = tpu.bitcast %shift_left3A_339 : vector<16xi32> -> vector<16xf32>
        %bitcast_convert_type3A_341 = tpu.bitcast %get3A_336 : vector<16xi32> -> vector<16xf32>
        %mul3A_342 = arith.mulf %broadcast_in_dim3A_327, %bitcast_convert_type3A_340 : vector<16xf32>
        %add3A_343 = arith.addf %add3A_224, %mul3A_342 : vector<16xf32>
        %mul3A_344 = arith.mulf %broadcast_in_dim3A_327, %bitcast_convert_type3A_341 : vector<16xf32>
        %add3A_345 = arith.addf %add3A_226, %mul3A_344 : vector<16xf32>
        %get3A_346 = arith.index_cast %select_n3A_135 : i32 to index
        %get3A_347 = arith.index_cast %add3A_331 : i32 to index
        %get3A_348 = arith.constant 16 : index
        %get3A_349 = tpu.vector_load %arg8[%get3A_346, %get3A_347, %get3A_348] {strides = array<i32>} : memref<3x112x128xi32, #tpu.memory_space<vmem>>, vector<1x1x16xi32>,
        %get3A_350 = vector.shape_cast %get3A_349 : vector<1x1x16xi32> to vector<16xi32>
        %shift_left3A_351 = arith.constant 16 : i32
        %shift_left3A_352 = vector.broadcast %shift_left3A_351 : i32 to vector<16xi32>
        %shift_left3A_353 = arith.shli %get3A_350, %shift_left3A_352 : vector<16xi32>
        %bitcast_convert_type3A_354 = tpu.bitcast %shift_left3A_353 : vector<16xi32> -> vector<16xf32>
        %bitcast_convert_type3A_355 = tpu.bitcast %get3A_350 : vector<16xi32> -> vector<16xf32>
        %mul3A_356 = arith.mulf %broadcast_in_dim3A_327, %bitcast_convert_type3A_354 : vector<16xf32>
        %add3A_357 = arith.addf %add3A_238, %mul3A_356 : vector<16xf32>
        %mul3A_358 = arith.mulf %broadcast_in_dim3A_327, %bitcast_convert_type3A_355 : vector<16xf32>
        %add3A_359 = arith.addf %add3A_240, %mul3A_358 : vector<16xf32>
        %get3A_360 = arith.index_cast %select_n3A_135 : i32 to index
        %get3A_361 = arith.index_cast %add3A_331 : i32 to index
        %get3A_362 = arith.constant 32 : index
        %get3A_363 = tpu.vector_load %arg8[%get3A_360, %get3A_361, %get3A_362] {strides = array<i32>} : memref<3x112x128xi32, #tpu.memory_space<vmem>>, vector<1x1x16xi32>,
        %get3A_364 = vector.shape_cast %get3A_363 : vector<1x1x16xi32> to vector<16xi32>
        %shift_left3A_365 = arith.constant 16 : i32
        %shift_left3A_366 = vector.broadcast %shift_left3A_365 : i32 to vector<16xi32>
        %shift_left3A_367 = arith.shli %get3A_364, %shift_left3A_366 : vector<16xi32>
        %bitcast_convert_type3A_368 = tpu.bitcast %shift_left3A_367 : vector<16xi32> -> vector<16xf32>
        %bitcast_convert_type3A_369 = tpu.bitcast %get3A_364 : vector<16xi32> -> vector<16xf32>
        %mul3A_370 = arith.mulf %broadcast_in_dim3A_327, %bitcast_convert_type3A_368 : vector<16xf32>
        %add3A_371 = arith.addf %add3A_252, %mul3A_370 : vector<16xf32>
        %mul3A_372 = arith.mulf %broadcast_in_dim3A_327, %bitcast_convert_type3A_369 : vector<16xf32>
        %add3A_373 = arith.addf %add3A_254, %mul3A_372 : vector<16xf32>
        %get3A_374 = arith.index_cast %select_n3A_135 : i32 to index
        %get3A_375 = arith.index_cast %add3A_331 : i32 to index
        %get3A_376 = arith.constant 48 : index
        %get3A_377 = tpu.vector_load %arg8[%get3A_374, %get3A_375, %get3A_376] {strides = array<i32>} : memref<3x112x128xi32, #tpu.memory_space<vmem>>, vector<1x1x16xi32>,
        %get3A_378 = vector.shape_cast %get3A_377 : vector<1x1x16xi32> to vector<16xi32>
        %shift_left3A_379 = arith.constant 16 : i32
        %shift_left3A_380 = vector.broadcast %shift_left3A_379 : i32 to vector<16xi32>
        %shift_left3A_381 = arith.shli %get3A_378, %shift_left3A_380 : vector<16xi32>
        %bitcast_convert_type3A_382 = tpu.bitcast %shift_left3A_381 : vector<16xi32> -> vector<16xf32>
        %bitcast_convert_type3A_383 = tpu.bitcast %get3A_378 : vector<16xi32> -> vector<16xf32>
        %mul3A_384 = arith.mulf %broadcast_in_dim3A_327, %bitcast_convert_type3A_382 : vector<16xf32>
        %add3A_385 = arith.addf %add3A_266, %mul3A_384 : vector<16xf32>
        %mul3A_386 = arith.mulf %broadcast_in_dim3A_327, %bitcast_convert_type3A_383 : vector<16xf32>
        %add3A_387 = arith.addf %add3A_268, %mul3A_386 : vector<16xf32>
        %get3A_388 = arith.index_cast %select_n3A_135 : i32 to index
        %get3A_389 = arith.index_cast %add3A_331 : i32 to index
        %get3A_390 = arith.constant 64 : index
        %get3A_391 = tpu.vector_load %arg8[%get3A_388, %get3A_389, %get3A_390] {strides = array<i32>} : memref<3x112x128xi32, #tpu.memory_space<vmem>>, vector<1x1x16xi32>,
        %get3A_392 = vector.shape_cast %get3A_391 : vector<1x1x16xi32> to vector<16xi32>
        %shift_left3A_393 = arith.constant 16 : i32
        %shift_left3A_394 = vector.broadcast %shift_left3A_393 : i32 to vector<16xi32>
        %shift_left3A_395 = arith.shli %get3A_392, %shift_left3A_394 : vector<16xi32>
        %bitcast_convert_type3A_396 = tpu.bitcast %shift_left3A_395 : vector<16xi32> -> vector<16xf32>
        %bitcast_convert_type3A_397 = tpu.bitcast %get3A_392 : vector<16xi32> -> vector<16xf32>
        %mul3A_398 = arith.mulf %broadcast_in_dim3A_327, %bitcast_convert_type3A_396 : vector<16xf32>
        %add3A_399 = arith.addf %add3A_280, %mul3A_398 : vector<16xf32>
        %mul3A_400 = arith.mulf %broadcast_in_dim3A_327, %bitcast_convert_type3A_397 : vector<16xf32>
        %add3A_401 = arith.addf %add3A_282, %mul3A_400 : vector<16xf32>
        %get3A_402 = arith.index_cast %select_n3A_135 : i32 to index
        %get3A_403 = arith.index_cast %add3A_331 : i32 to index
        %get3A_404 = arith.constant 80 : index
        %get3A_405 = tpu.vector_load %arg8[%get3A_402, %get3A_403, %get3A_404] {strides = array<i32>} : memref<3x112x128xi32, #tpu.memory_space<vmem>>, vector<1x1x16xi32>,
        %get3A_406 = vector.shape_cast %get3A_405 : vector<1x1x16xi32> to vector<16xi32>
        %shift_left3A_407 = arith.constant 16 : i32
        %shift_left3A_408 = vector.broadcast %shift_left3A_407 : i32 to vector<16xi32>
        %shift_left3A_409 = arith.shli %get3A_406, %shift_left3A_408 : vector<16xi32>
        %bitcast_convert_type3A_410 = tpu.bitcast %shift_left3A_409 : vector<16xi32> -> vector<16xf32>
        %bitcast_convert_type3A_411 = tpu.bitcast %get3A_406 : vector<16xi32> -> vector<16xf32>
        %mul3A_412 = arith.mulf %broadcast_in_dim3A_327, %bitcast_convert_type3A_410 : vector<16xf32>
        %add3A_413 = arith.addf %add3A_294, %mul3A_412 : vector<16xf32>
        %mul3A_414 = arith.mulf %broadcast_in_dim3A_327, %bitcast_convert_type3A_411 : vector<16xf32>
        %add3A_415 = arith.addf %add3A_296, %mul3A_414 : vector<16xf32>
        %get3A_416 = arith.index_cast %select_n3A_135 : i32 to index
        %get3A_417 = arith.index_cast %add3A_331 : i32 to index
        %get3A_418 = arith.constant 96 : index
        %get3A_419 = tpu.vector_load %arg8[%get3A_416, %get3A_417, %get3A_418] {strides = array<i32>} : memref<3x112x128xi32, #tpu.memory_space<vmem>>, vector<1x1x16xi32>,
        %get3A_420 = vector.shape_cast %get3A_419 : vector<1x1x16xi32> to vector<16xi32>
        %shift_left3A_421 = arith.constant 16 : i32
        %shift_left3A_422 = vector.broadcast %shift_left3A_421 : i32 to vector<16xi32>
        %shift_left3A_423 = arith.shli %get3A_420, %shift_left3A_422 : vector<16xi32>
        %bitcast_convert_type3A_424 = tpu.bitcast %shift_left3A_423 : vector<16xi32> -> vector<16xf32>
        %bitcast_convert_type3A_425 = tpu.bitcast %get3A_420 : vector<16xi32> -> vector<16xf32>
        %mul3A_426 = arith.mulf %broadcast_in_dim3A_327, %bitcast_convert_type3A_424 : vector<16xf32>
        %add3A_427 = arith.addf %add3A_308, %mul3A_426 : vector<16xf32>
        %mul3A_428 = arith.mulf %broadcast_in_dim3A_327, %bitcast_convert_type3A_425 : vector<16xf32>
        %add3A_429 = arith.addf %add3A_310, %mul3A_428 : vector<16xf32>
        %get3A_430 = arith.index_cast %select_n3A_135 : i32 to index
        %get3A_431 = arith.index_cast %add3A_331 : i32 to index
        %get3A_432 = arith.constant 112 : index
        %get3A_433 = tpu.vector_load %arg8[%get3A_430, %get3A_431, %get3A_432] {strides = array<i32>} : memref<3x112x128xi32, #tpu.memory_space<vmem>>, vector<1x1x16xi32>,
        %get3A_434 = vector.shape_cast %get3A_433 : vector<1x1x16xi32> to vector<16xi32>
        %shift_left3A_435 = arith.constant 16 : i32
        %shift_left3A_436 = vector.broadcast %shift_left3A_435 : i32 to vector<16xi32>
        %shift_left3A_437 = arith.shli %get3A_434, %shift_left3A_436 : vector<16xi32>
        %bitcast_convert_type3A_438 = tpu.bitcast %shift_left3A_437 : vector<16xi32> -> vector<16xf32>
        %bitcast_convert_type3A_439 = tpu.bitcast %get3A_434 : vector<16xi32> -> vector<16xf32>
        %mul3A_440 = arith.mulf %broadcast_in_dim3A_327, %bitcast_convert_type3A_438 : vector<16xf32>
        %add3A_441 = arith.addf %add3A_322, %mul3A_440 : vector<16xf32>
        %mul3A_442 = arith.mulf %broadcast_in_dim3A_327, %bitcast_convert_type3A_439 : vector<16xf32>
        %add3A_443 = arith.addf %add3A_324, %mul3A_442 : vector<16xf32>
        %slice3A_444 = vector.extract_strided_slice %get3A_208 {offsets = [2], sizes = [1], strides = [1]} : vector<16xf32> to vector<1xf32>
        %squeeze3A_445 = vector.extract %slice3A_444[0] : f32 from vector<1xf32>
        %broadcast_in_dim3A_446 = vector.broadcast %squeeze3A_445 : f32 to vector<16xf32>
        %mul3A_447 = arith.constant 16 : i32
        %mul3A_448 = arith.muli %scan3A_194, %mul3A_447 : i32
        %add3A_449 = arith.constant 2 : i32
        %add3A_450 = arith.addi %mul3A_448, %add3A_449 : i32
        %get3A_451 = arith.index_cast %select_n3A_135 : i32 to index
        %get3A_452 = arith.index_cast %add3A_450 : i32 to index
        %get3A_453 = arith.constant 0 : index
        %get3A_454 = tpu.vector_load %arg8[%get3A_451, %get3A_452, %get3A_453] {strides = array<i32>} : memref<3x112x128xi32, #tpu.memory_space<vmem>>, vector<1x1x16xi32>,
        %get3A_455 = vector.shape_cast %get3A_454 : vector<1x1x16xi32> to vector<16xi32>
        %shift_left3A_456 = arith.constant 16 : i32
        %shift_left3A_457 = vector.broadcast %shift_left3A_456 : i32 to vector<16xi32>
        %shift_left3A_458 = arith.shli %get3A_455, %shift_left3A_457 : vector<16xi32>
        %bitcast_convert_type3A_459 = tpu.bitcast %shift_left3A_458 : vector<16xi32> -> vector<16xf32>
        %bitcast_convert_type3A_460 = tpu.bitcast %get3A_455 : vector<16xi32> -> vector<16xf32>
        %mul3A_461 = arith.mulf %broadcast_in_dim3A_446, %bitcast_convert_type3A_459 : vector<16xf32>
        %add3A_462 = arith.addf %add3A_343, %mul3A_461 : vector<16xf32>
        %mul3A_463 = arith.mulf %broadcast_in_dim3A_446, %bitcast_convert_type3A_460 : vector<16xf32>
        %add3A_464 = arith.addf %add3A_345, %mul3A_463 : vector<16xf32>
        %get3A_465 = arith.index_cast %select_n3A_135 : i32 to index
        %get3A_466 = arith.index_cast %add3A_450 : i32 to index
        %get3A_467 = arith.constant 16 : index
        %get3A_468 = tpu.vector_load %arg8[%get3A_465, %get3A_466, %get3A_467] {strides = array<i32>} : memref<3x112x128xi32, #tpu.memory_space<vmem>>, vector<1x1x16xi32>,
        %get3A_469 = vector.shape_cast %get3A_468 : vector<1x1x16xi32> to vector<16xi32>
        %shift_left3A_470 = arith.constant 16 : i32
        %shift_left3A_471 = vector.broadcast %shift_left3A_470 : i32 to vector<16xi32>
        %shift_left3A_472 = arith.shli %get3A_469, %shift_left3A_471 : vector<16xi32>
        %bitcast_convert_type3A_473 = tpu.bitcast %shift_left3A_472 : vector<16xi32> -> vector<16xf32>
        %bitcast_convert_type3A_474 = tpu.bitcast %get3A_469 : vector<16xi32> -> vector<16xf32>
        %mul3A_475 = arith.mulf %broadcast_in_dim3A_446, %bitcast_convert_type3A_473 : vector<16xf32>
        %add3A_476 = arith.addf %add3A_357, %mul3A_475 : vector<16xf32>
        %mul3A_477 = arith.mulf %broadcast_in_dim3A_446, %bitcast_convert_type3A_474 : vector<16xf32>
        %add3A_478 = arith.addf %add3A_359, %mul3A_477 : vector<16xf32>
        %get3A_479 = arith.index_cast %select_n3A_135 : i32 to index
        %get3A_480 = arith.index_cast %add3A_450 : i32 to index
        %get3A_481 = arith.constant 32 : index
        %get3A_482 = tpu.vector_load %arg8[%get3A_479, %get3A_480, %get3A_481] {strides = array<i32>} : memref<3x112x128xi32, #tpu.memory_space<vmem>>, vector<1x1x16xi32>,
        %get3A_483 = vector.shape_cast %get3A_482 : vector<1x1x16xi32> to vector<16xi32>
        %shift_left3A_484 = arith.constant 16 : i32
        %shift_left3A_485 = vector.broadcast %shift_left3A_484 : i32 to vector<16xi32>
        %shift_left3A_486 = arith.shli %get3A_483, %shift_left3A_485 : vector<16xi32>
        %bitcast_convert_type3A_487 = tpu.bitcast %shift_left3A_486 : vector<16xi32> -> vector<16xf32>
        %bitcast_convert_type3A_488 = tpu.bitcast %get3A_483 : vector<16xi32> -> vector<16xf32>
        %mul3A_489 = arith.mulf %broadcast_in_dim3A_446, %bitcast_convert_type3A_487 : vector<16xf32>
        %add3A_490 = arith.addf %add3A_371, %mul3A_489 : vector<16xf32>
        %mul3A_491 = arith.mulf %broadcast_in_dim3A_446, %bitcast_convert_type3A_488 : vector<16xf32>
        %add3A_492 = arith.addf %add3A_373, %mul3A_491 : vector<16xf32>
        %get3A_493 = arith.index_cast %select_n3A_135 : i32 to index
        %get3A_494 = arith.index_cast %add3A_450 : i32 to index
        %get3A_495 = arith.constant 48 : index
        %get3A_496 = tpu.vector_load %arg8[%get3A_493, %get3A_494, %get3A_495] {strides = array<i32>} : memref<3x112x128xi32, #tpu.memory_space<vmem>>, vector<1x1x16xi32>,
        %get3A_497 = vector.shape_cast %get3A_496 : vector<1x1x16xi32> to vector<16xi32>
        %shift_left3A_498 = arith.constant 16 : i32
        %shift_left3A_499 = vector.broadcast %shift_left3A_498 : i32 to vector<16xi32>
        %shift_left3A_500 = arith.shli %get3A_497, %shift_left3A_499 : vector<16xi32>
        %bitcast_convert_type3A_501 = tpu.bitcast %shift_left3A_500 : vector<16xi32> -> vector<16xf32>
        %bitcast_convert_type3A_502 = tpu.bitcast %get3A_497 : vector<16xi32> -> vector<16xf32>
        %mul3A_503 = arith.mulf %broadcast_in_dim3A_446, %bitcast_convert_type3A_501 : vector<16xf32>
        %add3A_504 = arith.addf %add3A_385, %mul3A_503 : vector<16xf32>
        %mul3A_505 = arith.mulf %broadcast_in_dim3A_446, %bitcast_convert_type3A_502 : vector<16xf32>
        %add3A_506 = arith.addf %add3A_387, %mul3A_505 : vector<16xf32>
        %get3A_507 = arith.index_cast %select_n3A_135 : i32 to index
        %get3A_508 = arith.index_cast %add3A_450 : i32 to index
        %get3A_509 = arith.constant 64 : index
        %get3A_510 = tpu.vector_load %arg8[%get3A_507, %get3A_508, %get3A_509] {strides = array<i32>} : memref<3x112x128xi32, #tpu.memory_space<vmem>>, vector<1x1x16xi32>,
        %get3A_511 = vector.shape_cast %get3A_510 : vector<1x1x16xi32> to vector<16xi32>
        %shift_left3A_512 = arith.constant 16 : i32
        %shift_left3A_513 = vector.broadcast %shift_left3A_512 : i32 to vector<16xi32>
        %shift_left3A_514 = arith.shli %get3A_511, %shift_left3A_513 : vector<16xi32>
        %bitcast_convert_type3A_515 = tpu.bitcast %shift_left3A_514 : vector<16xi32> -> vector<16xf32>
        %bitcast_convert_type3A_516 = tpu.bitcast %get3A_511 : vector<16xi32> -> vector<16xf32>
        %mul3A_517 = arith.mulf %broadcast_in_dim3A_446, %bitcast_convert_type3A_515 : vector<16xf32>
        %add3A_518 = arith.addf %add3A_399, %mul3A_517 : vector<16xf32>
        %mul3A_519 = arith.mulf %broadcast_in_dim3A_446, %bitcast_convert_type3A_516 : vector<16xf32>
        %add3A_520 = arith.addf %add3A_401, %mul3A_519 : vector<16xf32>
        %get3A_521 = arith.index_cast %select_n3A_135 : i32 to index
        %get3A_522 = arith.index_cast %add3A_450 : i32 to index
        %get3A_523 = arith.constant 80 : index
        %get3A_524 = tpu.vector_load %arg8[%get3A_521, %get3A_522, %get3A_523] {strides = array<i32>} : memref<3x112x128xi32, #tpu.memory_space<vmem>>, vector<1x1x16xi32>,
        %get3A_525 = vector.shape_cast %get3A_524 : vector<1x1x16xi32> to vector<16xi32>
        %shift_left3A_526 = arith.constant 16 : i32
        %shift_left3A_527 = vector.broadcast %shift_left3A_526 : i32 to vector<16xi32>
        %shift_left3A_528 = arith.shli %get3A_525, %shift_left3A_527 : vector<16xi32>
        %bitcast_convert_type3A_529 = tpu.bitcast %shift_left3A_528 : vector<16xi32> -> vector<16xf32>
        %bitcast_convert_type3A_530 = tpu.bitcast %get3A_525 : vector<16xi32> -> vector<16xf32>
        %mul3A_531 = arith.mulf %broadcast_in_dim3A_446, %bitcast_convert_type3A_529 : vector<16xf32>
        %add3A_532 = arith.addf %add3A_413, %mul3A_531 : vector<16xf32>
        %mul3A_533 = arith.mulf %broadcast_in_dim3A_446, %bitcast_convert_type3A_530 : vector<16xf32>
        %add3A_534 = arith.addf %add3A_415, %mul3A_533 : vector<16xf32>
        %get3A_535 = arith.index_cast %select_n3A_135 : i32 to index
        %get3A_536 = arith.index_cast %add3A_450 : i32 to index
        %get3A_537 = arith.constant 96 : index
        %get3A_538 = tpu.vector_load %arg8[%get3A_535, %get3A_536, %get3A_537] {strides = array<i32>} : memref<3x112x128xi32, #tpu.memory_space<vmem>>, vector<1x1x16xi32>,
        %get3A_539 = vector.shape_cast %get3A_538 : vector<1x1x16xi32> to vector<16xi32>
        %shift_left3A_540 = arith.constant 16 : i32
        %shift_left3A_541 = vector.broadcast %shift_left3A_540 : i32 to vector<16xi32>
        %shift_left3A_542 = arith.shli %get3A_539, %shift_left3A_541 : vector<16xi32>
        %bitcast_convert_type3A_543 = tpu.bitcast %shift_left3A_542 : vector<16xi32> -> vector<16xf32>
        %bitcast_convert_type3A_544 = tpu.bitcast %get3A_539 : vector<16xi32> -> vector<16xf32>
        %mul3A_545 = arith.mulf %broadcast_in_dim3A_446, %bitcast_convert_type3A_543 : vector<16xf32>
        %add3A_546 = arith.addf %add3A_427, %mul3A_545 : vector<16xf32>
        %mul3A_547 = arith.mulf %broadcast_in_dim3A_446, %bitcast_convert_type3A_544 : vector<16xf32>
        %add3A_548 = arith.addf %add3A_429, %mul3A_547 : vector<16xf32>
        %get3A_549 = arith.index_cast %select_n3A_135 : i32 to index
        %get3A_550 = arith.index_cast %add3A_450 : i32 to index
        %get3A_551 = arith.constant 112 : index
        %get3A_552 = tpu.vector_load %arg8[%get3A_549, %get3A_550, %get3A_551] {strides = array<i32>} : memref<3x112x128xi32, #tpu.memory_space<vmem>>, vector<1x1x16xi32>,
        %get3A_553 = vector.shape_cast %get3A_552 : vector<1x1x16xi32> to vector<16xi32>
        %shift_left3A_554 = arith.constant 16 : i32
        %shift_left3A_555 = vector.broadcast %shift_left3A_554 : i32 to vector<16xi32>
        %shift_left3A_556 = arith.shli %get3A_553, %shift_left3A_555 : vector<16xi32>
        %bitcast_convert_type3A_557 = tpu.bitcast %shift_left3A_556 : vector<16xi32> -> vector<16xf32>
        %bitcast_convert_type3A_558 = tpu.bitcast %get3A_553 : vector<16xi32> -> vector<16xf32>
        %mul3A_559 = arith.mulf %broadcast_in_dim3A_446, %bitcast_convert_type3A_557 : vector<16xf32>
        %add3A_560 = arith.addf %add3A_441, %mul3A_559 : vector<16xf32>
        %mul3A_561 = arith.mulf %broadcast_in_dim3A_446, %bitcast_convert_type3A_558 : vector<16xf32>
        %add3A_562 = arith.addf %add3A_443, %mul3A_561 : vector<16xf32>
        %slice3A_563 = vector.extract_strided_slice %get3A_208 {offsets = [3], sizes = [1], strides = [1]} : vector<16xf32> to vector<1xf32>
        %squeeze3A_564 = vector.extract %slice3A_563[0] : f32 from vector<1xf32>
        %broadcast_in_dim3A_565 = vector.broadcast %squeeze3A_564 : f32 to vector<16xf32>
        %mul3A_566 = arith.constant 16 : i32
        %mul3A_567 = arith.muli %scan3A_194, %mul3A_566 : i32
        %add3A_568 = arith.constant 3 : i32
        %add3A_569 = arith.addi %mul3A_567, %add3A_568 : i32
        %get3A_570 = arith.index_cast %select_n3A_135 : i32 to index
        %get3A_571 = arith.index_cast %add3A_569 : i32 to index
        %get3A_572 = arith.constant 0 : index
        %get3A_573 = tpu.vector_load %arg8[%get3A_570, %get3A_571, %get3A_572] {strides = array<i32>} : memref<3x112x128xi32, #tpu.memory_space<vmem>>, vector<1x1x16xi32>,
        %get3A_574 = vector.shape_cast %get3A_573 : vector<1x1x16xi32> to vector<16xi32>
        %shift_left3A_575 = arith.constant 16 : i32
        %shift_left3A_576 = vector.broadcast %shift_left3A_575 : i32 to vector<16xi32>
        %shift_left3A_577 = arith.shli %get3A_574, %shift_left3A_576 : vector<16xi32>
        %bitcast_convert_type3A_578 = tpu.bitcast %shift_left3A_577 : vector<16xi32> -> vector<16xf32>
        %bitcast_convert_type3A_579 = tpu.bitcast %get3A_574 : vector<16xi32> -> vector<16xf32>
        %mul3A_580 = arith.mulf %broadcast_in_dim3A_565, %bitcast_convert_type3A_578 : vector<16xf32>
        %add3A_581 = arith.addf %add3A_462, %mul3A_580 : vector<16xf32>
        %mul3A_582 = arith.mulf %broadcast_in_dim3A_565, %bitcast_convert_type3A_579 : vector<16xf32>
        %add3A_583 = arith.addf %add3A_464, %mul3A_582 : vector<16xf32>
        %get3A_584 = arith.index_cast %select_n3A_135 : i32 to index
        %get3A_585 = arith.index_cast %add3A_569 : i32 to index
        %get3A_586 = arith.constant 16 : index
        %get3A_587 = tpu.vector_load %arg8[%get3A_584, %get3A_585, %get3A_586] {strides = array<i32>} : memref<3x112x128xi32, #tpu.memory_space<vmem>>, vector<1x1x16xi32>,
        %get3A_588 = vector.shape_cast %get3A_587 : vector<1x1x16xi32> to vector<16xi32>
        %shift_left3A_589 = arith.constant 16 : i32
        %shift_left3A_590 = vector.broadcast %shift_left3A_589 : i32 to vector<16xi32>
        %shift_left3A_591 = arith.shli %get3A_588, %shift_left3A_590 : vector<16xi32>
        %bitcast_convert_type3A_592 = tpu.bitcast %shift_left3A_591 : vector<16xi32> -> vector<16xf32>
        %bitcast_convert_type3A_593 = tpu.bitcast %get3A_588 : vector<16xi32> -> vector<16xf32>
        %mul3A_594 = arith.mulf %broadcast_in_dim3A_565, %bitcast_convert_type3A_592 : vector<16xf32>
        %add3A_595 = arith.addf %add3A_476, %mul3A_594 : vector<16xf32>
        %mul3A_596 = arith.mulf %broadcast_in_dim3A_565, %bitcast_convert_type3A_593 : vector<16xf32>
        %add3A_597 = arith.addf %add3A_478, %mul3A_596 : vector<16xf32>
        %get3A_598 = arith.index_cast %select_n3A_135 : i32 to index
        %get3A_599 = arith.index_cast %add3A_569 : i32 to index
        %get3A_600 = arith.constant 32 : index
        %get3A_601 = tpu.vector_load %arg8[%get3A_598, %get3A_599, %get3A_600] {strides = array<i32>} : memref<3x112x128xi32, #tpu.memory_space<vmem>>, vector<1x1x16xi32>,
        %get3A_602 = vector.shape_cast %get3A_601 : vector<1x1x16xi32> to vector<16xi32>
        %shift_left3A_603 = arith.constant 16 : i32
        %shift_left3A_604 = vector.broadcast %shift_left3A_603 : i32 to vector<16xi32>
        %shift_left3A_605 = arith.shli %get3A_602, %shift_left3A_604 : vector<16xi32>
        %bitcast_convert_type3A_606 = tpu.bitcast %shift_left3A_605 : vector<16xi32> -> vector<16xf32>
        %bitcast_convert_type3A_607 = tpu.bitcast %get3A_602 : vector<16xi32> -> vector<16xf32>
        %mul3A_608 = arith.mulf %broadcast_in_dim3A_565, %bitcast_convert_type3A_606 : vector<16xf32>
        %add3A_609 = arith.addf %add3A_490, %mul3A_608 : vector<16xf32>
        %mul3A_610 = arith.mulf %broadcast_in_dim3A_565, %bitcast_convert_type3A_607 : vector<16xf32>
        %add3A_611 = arith.addf %add3A_492, %mul3A_610 : vector<16xf32>
        %get3A_612 = arith.index_cast %select_n3A_135 : i32 to index
        %get3A_613 = arith.index_cast %add3A_569 : i32 to index
        %get3A_614 = arith.constant 48 : index
        %get3A_615 = tpu.vector_load %arg8[%get3A_612, %get3A_613, %get3A_614] {strides = array<i32>} : memref<3x112x128xi32, #tpu.memory_space<vmem>>, vector<1x1x16xi32>,
        %get3A_616 = vector.shape_cast %get3A_615 : vector<1x1x16xi32> to vector<16xi32>
        %shift_left3A_617 = arith.constant 16 : i32
        %shift_left3A_618 = vector.broadcast %shift_left3A_617 : i32 to vector<16xi32>
        %shift_left3A_619 = arith.shli %get3A_616, %shift_left3A_618 : vector<16xi32>
        %bitcast_convert_type3A_620 = tpu.bitcast %shift_left3A_619 : vector<16xi32> -> vector<16xf32>
        %bitcast_convert_type3A_621 = tpu.bitcast %get3A_616 : vector<16xi32> -> vector<16xf32>
        %mul3A_622 = arith.mulf %broadcast_in_dim3A_565, %bitcast_convert_type3A_620 : vector<16xf32>
        %add3A_623 = arith.addf %add3A_504, %mul3A_622 : vector<16xf32>
        %mul3A_624 = arith.mulf %broadcast_in_dim3A_565, %bitcast_convert_type3A_621 : vector<16xf32>
        %add3A_625 = arith.addf %add3A_506, %mul3A_624 : vector<16xf32>
        %get3A_626 = arith.index_cast %select_n3A_135 : i32 to index
        %get3A_627 = arith.index_cast %add3A_569 : i32 to index
        %get3A_628 = arith.constant 64 : index
        %get3A_629 = tpu.vector_load %arg8[%get3A_626, %get3A_627, %get3A_628] {strides = array<i32>} : memref<3x112x128xi32, #tpu.memory_space<vmem>>, vector<1x1x16xi32>,
        %get3A_630 = vector.shape_cast %get3A_629 : vector<1x1x16xi32> to vector<16xi32>
        %shift_left3A_631 = arith.constant 16 : i32
        %shift_left3A_632 = vector.broadcast %shift_left3A_631 : i32 to vector<16xi32>
        %shift_left3A_633 = arith.shli %get3A_630, %shift_left3A_632 : vector<16xi32>
        %bitcast_convert_type3A_634 = tpu.bitcast %shift_left3A_633 : vector<16xi32> -> vector<16xf32>
        %bitcast_convert_type3A_635 = tpu.bitcast %get3A_630 : vector<16xi32> -> vector<16xf32>
        %mul3A_636 = arith.mulf %broadcast_in_dim3A_565, %bitcast_convert_type3A_634 : vector<16xf32>
        %add3A_637 = arith.addf %add3A_518, %mul3A_636 : vector<16xf32>
        %mul3A_638 = arith.mulf %broadcast_in_dim3A_565, %bitcast_convert_type3A_635 : vector<16xf32>
        %add3A_639 = arith.addf %add3A_520, %mul3A_638 : vector<16xf32>
        %get3A_640 = arith.index_cast %select_n3A_135 : i32 to index
        %get3A_641 = arith.index_cast %add3A_569 : i32 to index
        %get3A_642 = arith.constant 80 : index
        %get3A_643 = tpu.vector_load %arg8[%get3A_640, %get3A_641, %get3A_642] {strides = array<i32>} : memref<3x112x128xi32, #tpu.memory_space<vmem>>, vector<1x1x16xi32>,
        %get3A_644 = vector.shape_cast %get3A_643 : vector<1x1x16xi32> to vector<16xi32>
        %shift_left3A_645 = arith.constant 16 : i32
        %shift_left3A_646 = vector.broadcast %shift_left3A_645 : i32 to vector<16xi32>
        %shift_left3A_647 = arith.shli %get3A_644, %shift_left3A_646 : vector<16xi32>
        %bitcast_convert_type3A_648 = tpu.bitcast %shift_left3A_647 : vector<16xi32> -> vector<16xf32>
        %bitcast_convert_type3A_649 = tpu.bitcast %get3A_644 : vector<16xi32> -> vector<16xf32>
        %mul3A_650 = arith.mulf %broadcast_in_dim3A_565, %bitcast_convert_type3A_648 : vector<16xf32>
        %add3A_651 = arith.addf %add3A_532, %mul3A_650 : vector<16xf32>
        %mul3A_652 = arith.mulf %broadcast_in_dim3A_565, %bitcast_convert_type3A_649 : vector<16xf32>
        %add3A_653 = arith.addf %add3A_534, %mul3A_652 : vector<16xf32>
        %get3A_654 = arith.index_cast %select_n3A_135 : i32 to index
        %get3A_655 = arith.index_cast %add3A_569 : i32 to index
        %get3A_656 = arith.constant 96 : index
        %get3A_657 = tpu.vector_load %arg8[%get3A_654, %get3A_655, %get3A_656] {strides = array<i32>} : memref<3x112x128xi32, #tpu.memory_space<vmem>>, vector<1x1x16xi32>,
        %get3A_658 = vector.shape_cast %get3A_657 : vector<1x1x16xi32> to vector<16xi32>
        %shift_left3A_659 = arith.constant 16 : i32
        %shift_left3A_660 = vector.broadcast %shift_left3A_659 : i32 to vector<16xi32>
        %shift_left3A_661 = arith.shli %get3A_658, %shift_left3A_660 : vector<16xi32>
        %bitcast_convert_type3A_662 = tpu.bitcast %shift_left3A_661 : vector<16xi32> -> vector<16xf32>
        %bitcast_convert_type3A_663 = tpu.bitcast %get3A_658 : vector<16xi32> -> vector<16xf32>
        %mul3A_664 = arith.mulf %broadcast_in_dim3A_565, %bitcast_convert_type3A_662 : vector<16xf32>
        %add3A_665 = arith.addf %add3A_546, %mul3A_664 : vector<16xf32>
        %mul3A_666 = arith.mulf %broadcast_in_dim3A_565, %bitcast_convert_type3A_663 : vector<16xf32>
        %add3A_667 = arith.addf %add3A_548, %mul3A_666 : vector<16xf32>
        %get3A_668 = arith.index_cast %select_n3A_135 : i32 to index
        %get3A_669 = arith.index_cast %add3A_569 : i32 to index
        %get3A_670 = arith.constant 112 : index
        %get3A_671 = tpu.vector_load %arg8[%get3A_668, %get3A_669, %get3A_670] {strides = array<i32>} : memref<3x112x128xi32, #tpu.memory_space<vmem>>, vector<1x1x16xi32>,
        %get3A_672 = vector.shape_cast %get3A_671 : vector<1x1x16xi32> to vector<16xi32>
        %shift_left3A_673 = arith.constant 16 : i32
        %shift_left3A_674 = vector.broadcast %shift_left3A_673 : i32 to vector<16xi32>
        %shift_left3A_675 = arith.shli %get3A_672, %shift_left3A_674 : vector<16xi32>
        %bitcast_convert_type3A_676 = tpu.bitcast %shift_left3A_675 : vector<16xi32> -> vector<16xf32>
        %bitcast_convert_type3A_677 = tpu.bitcast %get3A_672 : vector<16xi32> -> vector<16xf32>
        %mul3A_678 = arith.mulf %broadcast_in_dim3A_565, %bitcast_convert_type3A_676 : vector<16xf32>
        %add3A_679 = arith.addf %add3A_560, %mul3A_678 : vector<16xf32>
        %mul3A_680 = arith.mulf %broadcast_in_dim3A_565, %bitcast_convert_type3A_677 : vector<16xf32>
        %add3A_681 = arith.addf %add3A_562, %mul3A_680 : vector<16xf32>
        %slice3A_682 = vector.extract_strided_slice %get3A_208 {offsets = [4], sizes = [1], strides = [1]} : vector<16xf32> to vector<1xf32>
        %squeeze3A_683 = vector.extract %slice3A_682[0] : f32 from vector<1xf32>
        %broadcast_in_dim3A_684 = vector.broadcast %squeeze3A_683 : f32 to vector<16xf32>
        %mul3A_685 = arith.constant 16 : i32
        %mul3A_686 = arith.muli %scan3A_194, %mul3A_685 : i32
        %add3A_687 = arith.constant 4 : i32
        %add3A_688 = arith.addi %mul3A_686, %add3A_687 : i32
        %get3A_689 = arith.index_cast %select_n3A_135 : i32 to index
        %get3A_690 = arith.index_cast %add3A_688 : i32 to index
        %get3A_691 = arith.constant 0 : index
        %get3A_692 = tpu.vector_load %arg8[%get3A_689, %get3A_690, %get3A_691] {strides = array<i32>} : memref<3x112x128xi32, #tpu.memory_space<vmem>>, vector<1x1x16xi32>,
        %get3A_693 = vector.shape_cast %get3A_692 : vector<1x1x16xi32> to vector<16xi32>
        %shift_left3A_694 = arith.constant 16 : i32
        %shift_left3A_695 = vector.broadcast %shift_left3A_694 : i32 to vector<16xi32>
        %shift_left3A_696 = arith.shli %get3A_693, %shift_left3A_695 : vector<16xi32>
        %bitcast_convert_type3A_697 = tpu.bitcast %shift_left3A_696 : vector<16xi32> -> vector<16xf32>
        %bitcast_convert_type3A_698 = tpu.bitcast %get3A_693 : vector<16xi32> -> vector<16xf32>
        %mul3A_699 = arith.mulf %broadcast_in_dim3A_684, %bitcast_convert_type3A_697 : vector<16xf32>
        %add3A_700 = arith.addf %add3A_581, %mul3A_699 : vector<16xf32>
        %mul3A_701 = arith.mulf %broadcast_in_dim3A_684, %bitcast_convert_type3A_698 : vector<16xf32>
        %add3A_702 = arith.addf %add3A_583, %mul3A_701 : vector<16xf32>
        %get3A_703 = arith.index_cast %select_n3A_135 : i32 to index
        %get3A_704 = arith.index_cast %add3A_688 : i32 to index
        %get3A_705 = arith.constant 16 : index
        %get3A_706 = tpu.vector_load %arg8[%get3A_703, %get3A_704, %get3A_705] {strides = array<i32>} : memref<3x112x128xi32, #tpu.memory_space<vmem>>, vector<1x1x16xi32>,
        %get3A_707 = vector.shape_cast %get3A_706 : vector<1x1x16xi32> to vector<16xi32>
        %shift_left3A_708 = arith.constant 16 : i32
        %shift_left3A_709 = vector.broadcast %shift_left3A_708 : i32 to vector<16xi32>
        %shift_left3A_710 = arith.shli %get3A_707, %shift_left3A_709 : vector<16xi32>
        %bitcast_convert_type3A_711 = tpu.bitcast %shift_left3A_710 : vector<16xi32> -> vector<16xf32>
        %bitcast_convert_type3A_712 = tpu.bitcast %get3A_707 : vector<16xi32> -> vector<16xf32>
        %mul3A_713 = arith.mulf %broadcast_in_dim3A_684, %bitcast_convert_type3A_711 : vector<16xf32>
        %add3A_714 = arith.addf %add3A_595, %mul3A_713 : vector<16xf32>
        %mul3A_715 = arith.mulf %broadcast_in_dim3A_684, %bitcast_convert_type3A_712 : vector<16xf32>
        %add3A_716 = arith.addf %add3A_597, %mul3A_715 : vector<16xf32>
        %get3A_717 = arith.index_cast %select_n3A_135 : i32 to index
        %get3A_718 = arith.index_cast %add3A_688 : i32 to index
        %get3A_719 = arith.constant 32 : index
        %get3A_720 = tpu.vector_load %arg8[%get3A_717, %get3A_718, %get3A_719] {strides = array<i32>} : memref<3x112x128xi32, #tpu.memory_space<vmem>>, vector<1x1x16xi32>,
        %get3A_721 = vector.shape_cast %get3A_720 : vector<1x1x16xi32> to vector<16xi32>
        %shift_left3A_722 = arith.constant 16 : i32
        %shift_left3A_723 = vector.broadcast %shift_left3A_722 : i32 to vector<16xi32>
        %shift_left3A_724 = arith.shli %get3A_721, %shift_left3A_723 : vector<16xi32>
        %bitcast_convert_type3A_725 = tpu.bitcast %shift_left3A_724 : vector<16xi32> -> vector<16xf32>
        %bitcast_convert_type3A_726 = tpu.bitcast %get3A_721 : vector<16xi32> -> vector<16xf32>
        %mul3A_727 = arith.mulf %broadcast_in_dim3A_684, %bitcast_convert_type3A_725 : vector<16xf32>
        %add3A_728 = arith.addf %add3A_609, %mul3A_727 : vector<16xf32>
        %mul3A_729 = arith.mulf %broadcast_in_dim3A_684, %bitcast_convert_type3A_726 : vector<16xf32>
        %add3A_730 = arith.addf %add3A_611, %mul3A_729 : vector<16xf32>
        %get3A_731 = arith.index_cast %select_n3A_135 : i32 to index
        %get3A_732 = arith.index_cast %add3A_688 : i32 to index
        %get3A_733 = arith.constant 48 : index
        %get3A_734 = tpu.vector_load %arg8[%get3A_731, %get3A_732, %get3A_733] {strides = array<i32>} : memref<3x112x128xi32, #tpu.memory_space<vmem>>, vector<1x1x16xi32>,
        %get3A_735 = vector.shape_cast %get3A_734 : vector<1x1x16xi32> to vector<16xi32>
        %shift_left3A_736 = arith.constant 16 : i32
        %shift_left3A_737 = vector.broadcast %shift_left3A_736 : i32 to vector<16xi32>
        %shift_left3A_738 = arith.shli %get3A_735, %shift_left3A_737 : vector<16xi32>
        %bitcast_convert_type3A_739 = tpu.bitcast %shift_left3A_738 : vector<16xi32> -> vector<16xf32>
        %bitcast_convert_type3A_740 = tpu.bitcast %get3A_735 : vector<16xi32> -> vector<16xf32>
        %mul3A_741 = arith.mulf %broadcast_in_dim3A_684, %bitcast_convert_type3A_739 : vector<16xf32>
        %add3A_742 = arith.addf %add3A_623, %mul3A_741 : vector<16xf32>
        %mul3A_743 = arith.mulf %broadcast_in_dim3A_684, %bitcast_convert_type3A_740 : vector<16xf32>
        %add3A_744 = arith.addf %add3A_625, %mul3A_743 : vector<16xf32>
        %get3A_745 = arith.index_cast %select_n3A_135 : i32 to index
        %get3A_746 = arith.index_cast %add3A_688 : i32 to index
        %get3A_747 = arith.constant 64 : index
        %get3A_748 = tpu.vector_load %arg8[%get3A_745, %get3A_746, %get3A_747] {strides = array<i32>} : memref<3x112x128xi32, #tpu.memory_space<vmem>>, vector<1x1x16xi32>,
        %get3A_749 = vector.shape_cast %get3A_748 : vector<1x1x16xi32> to vector<16xi32>
        %shift_left3A_750 = arith.constant 16 : i32
        %shift_left3A_751 = vector.broadcast %shift_left3A_750 : i32 to vector<16xi32>
        %shift_left3A_752 = arith.shli %get3A_749, %shift_left3A_751 : vector<16xi32>
        %bitcast_convert_type3A_753 = tpu.bitcast %shift_left3A_752 : vector<16xi32> -> vector<16xf32>
        %bitcast_convert_type3A_754 = tpu.bitcast %get3A_749 : vector<16xi32> -> vector<16xf32>
        %mul3A_755 = arith.mulf %broadcast_in_dim3A_684, %bitcast_convert_type3A_753 : vector<16xf32>
        %add3A_756 = arith.addf %add3A_637, %mul3A_755 : vector<16xf32>
        %mul3A_757 = arith.mulf %broadcast_in_dim3A_684, %bitcast_convert_type3A_754 : vector<16xf32>
        %add3A_758 = arith.addf %add3A_639, %mul3A_757 : vector<16xf32>
        %get3A_759 = arith.index_cast %select_n3A_135 : i32 to index
        %get3A_760 = arith.index_cast %add3A_688 : i32 to index
        %get3A_761 = arith.constant 80 : index
        %get3A_762 = tpu.vector_load %arg8[%get3A_759, %get3A_760, %get3A_761] {strides = array<i32>} : memref<3x112x128xi32, #tpu.memory_space<vmem>>, vector<1x1x16xi32>,
        %get3A_763 = vector.shape_cast %get3A_762 : vector<1x1x16xi32> to vector<16xi32>
        %shift_left3A_764 = arith.constant 16 : i32
        %shift_left3A_765 = vector.broadcast %shift_left3A_764 : i32 to vector<16xi32>
        %shift_left3A_766 = arith.shli %get3A_763, %shift_left3A_765 : vector<16xi32>
        %bitcast_convert_type3A_767 = tpu.bitcast %shift_left3A_766 : vector<16xi32> -> vector<16xf32>
        %bitcast_convert_type3A_768 = tpu.bitcast %get3A_763 : vector<16xi32> -> vector<16xf32>
        %mul3A_769 = arith.mulf %broadcast_in_dim3A_684, %bitcast_convert_type3A_767 : vector<16xf32>
        %add3A_770 = arith.addf %add3A_651, %mul3A_769 : vector<16xf32>
        %mul3A_771 = arith.mulf %broadcast_in_dim3A_684, %bitcast_convert_type3A_768 : vector<16xf32>
        %add3A_772 = arith.addf %add3A_653, %mul3A_771 : vector<16xf32>
        %get3A_773 = arith.index_cast %select_n3A_135 : i32 to index
        %get3A_774 = arith.index_cast %add3A_688 : i32 to index
        %get3A_775 = arith.constant 96 : index
        %get3A_776 = tpu.vector_load %arg8[%get3A_773, %get3A_774, %get3A_775] {strides = array<i32>} : memref<3x112x128xi32, #tpu.memory_space<vmem>>, vector<1x1x16xi32>,
        %get3A_777 = vector.shape_cast %get3A_776 : vector<1x1x16xi32> to vector<16xi32>
        %shift_left3A_778 = arith.constant 16 : i32
        %shift_left3A_779 = vector.broadcast %shift_left3A_778 : i32 to vector<16xi32>
        %shift_left3A_780 = arith.shli %get3A_777, %shift_left3A_779 : vector<16xi32>
        %bitcast_convert_type3A_781 = tpu.bitcast %shift_left3A_780 : vector<16xi32> -> vector<16xf32>
        %bitcast_convert_type3A_782 = tpu.bitcast %get3A_777 : vector<16xi32> -> vector<16xf32>
        %mul3A_783 = arith.mulf %broadcast_in_dim3A_684, %bitcast_convert_type3A_781 : vector<16xf32>
        %add3A_784 = arith.addf %add3A_665, %mul3A_783 : vector<16xf32>
        %mul3A_785 = arith.mulf %broadcast_in_dim3A_684, %bitcast_convert_type3A_782 : vector<16xf32>
        %add3A_786 = arith.addf %add3A_667, %mul3A_785 : vector<16xf32>
        %get3A_787 = arith.index_cast %select_n3A_135 : i32 to index
        %get3A_788 = arith.index_cast %add3A_688 : i32 to index
        %get3A_789 = arith.constant 112 : index
        %get3A_790 = tpu.vector_load %arg8[%get3A_787, %get3A_788, %get3A_789] {strides = array<i32>} : memref<3x112x128xi32, #tpu.memory_space<vmem>>, vector<1x1x16xi32>,
        %get3A_791 = vector.shape_cast %get3A_790 : vector<1x1x16xi32> to vector<16xi32>
        %shift_left3A_792 = arith.constant 16 : i32
        %shift_left3A_793 = vector.broadcast %shift_left3A_792 : i32 to vector<16xi32>
        %shift_left3A_794 = arith.shli %get3A_791, %shift_left3A_793 : vector<16xi32>
        %bitcast_convert_type3A_795 = tpu.bitcast %shift_left3A_794 : vector<16xi32> -> vector<16xf32>
        %bitcast_convert_type3A_796 = tpu.bitcast %get3A_791 : vector<16xi32> -> vector<16xf32>
        %mul3A_797 = arith.mulf %broadcast_in_dim3A_684, %bitcast_convert_type3A_795 : vector<16xf32>
        %add3A_798 = arith.addf %add3A_679, %mul3A_797 : vector<16xf32>
        %mul3A_799 = arith.mulf %broadcast_in_dim3A_684, %bitcast_convert_type3A_796 : vector<16xf32>
        %add3A_800 = arith.addf %add3A_681, %mul3A_799 : vector<16xf32>
        %slice3A_801 = vector.extract_strided_slice %get3A_208 {offsets = [5], sizes = [1], strides = [1]} : vector<16xf32> to vector<1xf32>
        %squeeze3A_802 = vector.extract %slice3A_801[0] : f32 from vector<1xf32>
        %broadcast_in_dim3A_803 = vector.broadcast %squeeze3A_802 : f32 to vector<16xf32>
        %mul3A_804 = arith.constant 16 : i32
        %mul3A_805 = arith.muli %scan3A_194, %mul3A_804 : i32
        %add3A_806 = arith.constant 5 : i32
        %add3A_807 = arith.addi %mul3A_805, %add3A_806 : i32
        %get3A_808 = arith.index_cast %select_n3A_135 : i32 to index
        %get3A_809 = arith.index_cast %add3A_807 : i32 to index
        %get3A_810 = arith.constant 0 : index
        %get3A_811 = tpu.vector_load %arg8[%get3A_808, %get3A_809, %get3A_810] {strides = array<i32>} : memref<3x112x128xi32, #tpu.memory_space<vmem>>, vector<1x1x16xi32>,
        %get3A_812 = vector.shape_cast %get3A_811 : vector<1x1x16xi32> to vector<16xi32>
        %shift_left3A_813 = arith.constant 16 : i32
        %shift_left3A_814 = vector.broadcast %shift_left3A_813 : i32 to vector<16xi32>
        %shift_left3A_815 = arith.shli %get3A_812, %shift_left3A_814 : vector<16xi32>
        %bitcast_convert_type3A_816 = tpu.bitcast %shift_left3A_815 : vector<16xi32> -> vector<16xf32>
        %bitcast_convert_type3A_817 = tpu.bitcast %get3A_812 : vector<16xi32> -> vector<16xf32>
        %mul3A_818 = arith.mulf %broadcast_in_dim3A_803, %bitcast_convert_type3A_816 : vector<16xf32>
        %add3A_819 = arith.addf %add3A_700, %mul3A_818 : vector<16xf32>
        %mul3A_820 = arith.mulf %broadcast_in_dim3A_803, %bitcast_convert_type3A_817 : vector<16xf32>
        %add3A_821 = arith.addf %add3A_702, %mul3A_820 : vector<16xf32>
        %get3A_822 = arith.index_cast %select_n3A_135 : i32 to index
        %get3A_823 = arith.index_cast %add3A_807 : i32 to index
        %get3A_824 = arith.constant 16 : index
        %get3A_825 = tpu.vector_load %arg8[%get3A_822, %get3A_823, %get3A_824] {strides = array<i32>} : memref<3x112x128xi32, #tpu.memory_space<vmem>>, vector<1x1x16xi32>,
        %get3A_826 = vector.shape_cast %get3A_825 : vector<1x1x16xi32> to vector<16xi32>
        %shift_left3A_827 = arith.constant 16 : i32
        %shift_left3A_828 = vector.broadcast %shift_left3A_827 : i32 to vector<16xi32>
        %shift_left3A_829 = arith.shli %get3A_826, %shift_left3A_828 : vector<16xi32>
        %bitcast_convert_type3A_830 = tpu.bitcast %shift_left3A_829 : vector<16xi32> -> vector<16xf32>
        %bitcast_convert_type3A_831 = tpu.bitcast %get3A_826 : vector<16xi32> -> vector<16xf32>
        %mul3A_832 = arith.mulf %broadcast_in_dim3A_803, %bitcast_convert_type3A_830 : vector<16xf32>
        %add3A_833 = arith.addf %add3A_714, %mul3A_832 : vector<16xf32>
        %mul3A_834 = arith.mulf %broadcast_in_dim3A_803, %bitcast_convert_type3A_831 : vector<16xf32>
        %add3A_835 = arith.addf %add3A_716, %mul3A_834 : vector<16xf32>
        %get3A_836 = arith.index_cast %select_n3A_135 : i32 to index
        %get3A_837 = arith.index_cast %add3A_807 : i32 to index
        %get3A_838 = arith.constant 32 : index
        %get3A_839 = tpu.vector_load %arg8[%get3A_836, %get3A_837, %get3A_838] {strides = array<i32>} : memref<3x112x128xi32, #tpu.memory_space<vmem>>, vector<1x1x16xi32>,
        %get3A_840 = vector.shape_cast %get3A_839 : vector<1x1x16xi32> to vector<16xi32>
        %shift_left3A_841 = arith.constant 16 : i32
        %shift_left3A_842 = vector.broadcast %shift_left3A_841 : i32 to vector<16xi32>
        %shift_left3A_843 = arith.shli %get3A_840, %shift_left3A_842 : vector<16xi32>
        %bitcast_convert_type3A_844 = tpu.bitcast %shift_left3A_843 : vector<16xi32> -> vector<16xf32>
        %bitcast_convert_type3A_845 = tpu.bitcast %get3A_840 : vector<16xi32> -> vector<16xf32>
        %mul3A_846 = arith.mulf %broadcast_in_dim3A_803, %bitcast_convert_type3A_844 : vector<16xf32>
        %add3A_847 = arith.addf %add3A_728, %mul3A_846 : vector<16xf32>
        %mul3A_848 = arith.mulf %broadcast_in_dim3A_803, %bitcast_convert_type3A_845 : vector<16xf32>
        %add3A_849 = arith.addf %add3A_730, %mul3A_848 : vector<16xf32>
        %get3A_850 = arith.index_cast %select_n3A_135 : i32 to index
        %get3A_851 = arith.index_cast %add3A_807 : i32 to index
        %get3A_852 = arith.constant 48 : index
        %get3A_853 = tpu.vector_load %arg8[%get3A_850, %get3A_851, %get3A_852] {strides = array<i32>} : memref<3x112x128xi32, #tpu.memory_space<vmem>>, vector<1x1x16xi32>,
        %get3A_854 = vector.shape_cast %get3A_853 : vector<1x1x16xi32> to vector<16xi32>
        %shift_left3A_855 = arith.constant 16 : i32
        %shift_left3A_856 = vector.broadcast %shift_left3A_855 : i32 to vector<16xi32>
        %shift_left3A_857 = arith.shli %get3A_854, %shift_left3A_856 : vector<16xi32>
        %bitcast_convert_type3A_858 = tpu.bitcast %shift_left3A_857 : vector<16xi32> -> vector<16xf32>
        %bitcast_convert_type3A_859 = tpu.bitcast %get3A_854 : vector<16xi32> -> vector<16xf32>
        %mul3A_860 = arith.mulf %broadcast_in_dim3A_803, %bitcast_convert_type3A_858 : vector<16xf32>
        %add3A_861 = arith.addf %add3A_742, %mul3A_860 : vector<16xf32>
        %mul3A_862 = arith.mulf %broadcast_in_dim3A_803, %bitcast_convert_type3A_859 : vector<16xf32>
        %add3A_863 = arith.addf %add3A_744, %mul3A_862 : vector<16xf32>
        %get3A_864 = arith.index_cast %select_n3A_135 : i32 to index
        %get3A_865 = arith.index_cast %add3A_807 : i32 to index
        %get3A_866 = arith.constant 64 : index
        %get3A_867 = tpu.vector_load %arg8[%get3A_864, %get3A_865, %get3A_866] {strides = array<i32>} : memref<3x112x128xi32, #tpu.memory_space<vmem>>, vector<1x1x16xi32>,
        %get3A_868 = vector.shape_cast %get3A_867 : vector<1x1x16xi32> to vector<16xi32>
        %shift_left3A_869 = arith.constant 16 : i32
        %shift_left3A_870 = vector.broadcast %shift_left3A_869 : i32 to vector<16xi32>
        %shift_left3A_871 = arith.shli %get3A_868, %shift_left3A_870 : vector<16xi32>
        %bitcast_convert_type3A_872 = tpu.bitcast %shift_left3A_871 : vector<16xi32> -> vector<16xf32>
        %bitcast_convert_type3A_873 = tpu.bitcast %get3A_868 : vector<16xi32> -> vector<16xf32>
        %mul3A_874 = arith.mulf %broadcast_in_dim3A_803, %bitcast_convert_type3A_872 : vector<16xf32>
        %add3A_875 = arith.addf %add3A_756, %mul3A_874 : vector<16xf32>
        %mul3A_876 = arith.mulf %broadcast_in_dim3A_803, %bitcast_convert_type3A_873 : vector<16xf32>
        %add3A_877 = arith.addf %add3A_758, %mul3A_876 : vector<16xf32>
        %get3A_878 = arith.index_cast %select_n3A_135 : i32 to index
        %get3A_879 = arith.index_cast %add3A_807 : i32 to index
        %get3A_880 = arith.constant 80 : index
        %get3A_881 = tpu.vector_load %arg8[%get3A_878, %get3A_879, %get3A_880] {strides = array<i32>} : memref<3x112x128xi32, #tpu.memory_space<vmem>>, vector<1x1x16xi32>,
        %get3A_882 = vector.shape_cast %get3A_881 : vector<1x1x16xi32> to vector<16xi32>
        %shift_left3A_883 = arith.constant 16 : i32
        %shift_left3A_884 = vector.broadcast %shift_left3A_883 : i32 to vector<16xi32>
        %shift_left3A_885 = arith.shli %get3A_882, %shift_left3A_884 : vector<16xi32>
        %bitcast_convert_type3A_886 = tpu.bitcast %shift_left3A_885 : vector<16xi32> -> vector<16xf32>
        %bitcast_convert_type3A_887 = tpu.bitcast %get3A_882 : vector<16xi32> -> vector<16xf32>
        %mul3A_888 = arith.mulf %broadcast_in_dim3A_803, %bitcast_convert_type3A_886 : vector<16xf32>
        %add3A_889 = arith.addf %add3A_770, %mul3A_888 : vector<16xf32>
        %mul3A_890 = arith.mulf %broadcast_in_dim3A_803, %bitcast_convert_type3A_887 : vector<16xf32>
        %add3A_891 = arith.addf %add3A_772, %mul3A_890 : vector<16xf32>
        %get3A_892 = arith.index_cast %select_n3A_135 : i32 to index
        %get3A_893 = arith.index_cast %add3A_807 : i32 to index
        %get3A_894 = arith.constant 96 : index
        %get3A_895 = tpu.vector_load %arg8[%get3A_892, %get3A_893, %get3A_894] {strides = array<i32>} : memref<3x112x128xi32, #tpu.memory_space<vmem>>, vector<1x1x16xi32>,
        %get3A_896 = vector.shape_cast %get3A_895 : vector<1x1x16xi32> to vector<16xi32>
        %shift_left3A_897 = arith.constant 16 : i32
        %shift_left3A_898 = vector.broadcast %shift_left3A_897 : i32 to vector<16xi32>
        %shift_left3A_899 = arith.shli %get3A_896, %shift_left3A_898 : vector<16xi32>
        %bitcast_convert_type3A_900 = tpu.bitcast %shift_left3A_899 : vector<16xi32> -> vector<16xf32>
        %bitcast_convert_type3A_901 = tpu.bitcast %get3A_896 : vector<16xi32> -> vector<16xf32>
        %mul3A_902 = arith.mulf %broadcast_in_dim3A_803, %bitcast_convert_type3A_900 : vector<16xf32>
        %add3A_903 = arith.addf %add3A_784, %mul3A_902 : vector<16xf32>
        %mul3A_904 = arith.mulf %broadcast_in_dim3A_803, %bitcast_convert_type3A_901 : vector<16xf32>
        %add3A_905 = arith.addf %add3A_786, %mul3A_904 : vector<16xf32>
        %get3A_906 = arith.index_cast %select_n3A_135 : i32 to index
        %get3A_907 = arith.index_cast %add3A_807 : i32 to index
        %get3A_908 = arith.constant 112 : index
        %get3A_909 = tpu.vector_load %arg8[%get3A_906, %get3A_907, %get3A_908] {strides = array<i32>} : memref<3x112x128xi32, #tpu.memory_space<vmem>>, vector<1x1x16xi32>,
        %get3A_910 = vector.shape_cast %get3A_909 : vector<1x1x16xi32> to vector<16xi32>
        %shift_left3A_911 = arith.constant 16 : i32
        %shift_left3A_912 = vector.broadcast %shift_left3A_911 : i32 to vector<16xi32>
        %shift_left3A_913 = arith.shli %get3A_910, %shift_left3A_912 : vector<16xi32>
        %bitcast_convert_type3A_914 = tpu.bitcast %shift_left3A_913 : vector<16xi32> -> vector<16xf32>
        %bitcast_convert_type3A_915 = tpu.bitcast %get3A_910 : vector<16xi32> -> vector<16xf32>
        %mul3A_916 = arith.mulf %broadcast_in_dim3A_803, %bitcast_convert_type3A_914 : vector<16xf32>
        %add3A_917 = arith.addf %add3A_798, %mul3A_916 : vector<16xf32>
        %mul3A_918 = arith.mulf %broadcast_in_dim3A_803, %bitcast_convert_type3A_915 : vector<16xf32>
        %add3A_919 = arith.addf %add3A_800, %mul3A_918 : vector<16xf32>
        %slice3A_920 = vector.extract_strided_slice %get3A_208 {offsets = [6], sizes = [1], strides = [1]} : vector<16xf32> to vector<1xf32>
        %squeeze3A_921 = vector.extract %slice3A_920[0] : f32 from vector<1xf32>
        %broadcast_in_dim3A_922 = vector.broadcast %squeeze3A_921 : f32 to vector<16xf32>
        %mul3A_923 = arith.constant 16 : i32
        %mul3A_924 = arith.muli %scan3A_194, %mul3A_923 : i32
        %add3A_925 = arith.constant 6 : i32
        %add3A_926 = arith.addi %mul3A_924, %add3A_925 : i32
        %get3A_927 = arith.index_cast %select_n3A_135 : i32 to index
        %get3A_928 = arith.index_cast %add3A_926 : i32 to index
        %get3A_929 = arith.constant 0 : index
        %get3A_930 = tpu.vector_load %arg8[%get3A_927, %get3A_928, %get3A_929] {strides = array<i32>} : memref<3x112x128xi32, #tpu.memory_space<vmem>>, vector<1x1x16xi32>,
        %get3A_931 = vector.shape_cast %get3A_930 : vector<1x1x16xi32> to vector<16xi32>
        %shift_left3A_932 = arith.constant 16 : i32
        %shift_left3A_933 = vector.broadcast %shift_left3A_932 : i32 to vector<16xi32>
        %shift_left3A_934 = arith.shli %get3A_931, %shift_left3A_933 : vector<16xi32>
        %bitcast_convert_type3A_935 = tpu.bitcast %shift_left3A_934 : vector<16xi32> -> vector<16xf32>
        %bitcast_convert_type3A_936 = tpu.bitcast %get3A_931 : vector<16xi32> -> vector<16xf32>
        %mul3A_937 = arith.mulf %broadcast_in_dim3A_922, %bitcast_convert_type3A_935 : vector<16xf32>
        %add3A_938 = arith.addf %add3A_819, %mul3A_937 : vector<16xf32>
        %mul3A_939 = arith.mulf %broadcast_in_dim3A_922, %bitcast_convert_type3A_936 : vector<16xf32>
        %add3A_940 = arith.addf %add3A_821, %mul3A_939 : vector<16xf32>
        %get3A_941 = arith.index_cast %select_n3A_135 : i32 to index
        %get3A_942 = arith.index_cast %add3A_926 : i32 to index
        %get3A_943 = arith.constant 16 : index
        %get3A_944 = tpu.vector_load %arg8[%get3A_941, %get3A_942, %get3A_943] {strides = array<i32>} : memref<3x112x128xi32, #tpu.memory_space<vmem>>, vector<1x1x16xi32>,
        %get3A_945 = vector.shape_cast %get3A_944 : vector<1x1x16xi32> to vector<16xi32>
        %shift_left3A_946 = arith.constant 16 : i32
        %shift_left3A_947 = vector.broadcast %shift_left3A_946 : i32 to vector<16xi32>
        %shift_left3A_948 = arith.shli %get3A_945, %shift_left3A_947 : vector<16xi32>
        %bitcast_convert_type3A_949 = tpu.bitcast %shift_left3A_948 : vector<16xi32> -> vector<16xf32>
        %bitcast_convert_type3A_950 = tpu.bitcast %get3A_945 : vector<16xi32> -> vector<16xf32>
        %mul3A_951 = arith.mulf %broadcast_in_dim3A_922, %bitcast_convert_type3A_949 : vector<16xf32>
        %add3A_952 = arith.addf %add3A_833, %mul3A_951 : vector<16xf32>
        %mul3A_953 = arith.mulf %broadcast_in_dim3A_922, %bitcast_convert_type3A_950 : vector<16xf32>
        %add3A_954 = arith.addf %add3A_835, %mul3A_953 : vector<16xf32>
        %get3A_955 = arith.index_cast %select_n3A_135 : i32 to index
        %get3A_956 = arith.index_cast %add3A_926 : i32 to index
        %get3A_957 = arith.constant 32 : index
        %get3A_958 = tpu.vector_load %arg8[%get3A_955, %get3A_956, %get3A_957] {strides = array<i32>} : memref<3x112x128xi32, #tpu.memory_space<vmem>>, vector<1x1x16xi32>,
        %get3A_959 = vector.shape_cast %get3A_958 : vector<1x1x16xi32> to vector<16xi32>
        %shift_left3A_960 = arith.constant 16 : i32
        %shift_left3A_961 = vector.broadcast %shift_left3A_960 : i32 to vector<16xi32>
        %shift_left3A_962 = arith.shli %get3A_959, %shift_left3A_961 : vector<16xi32>
        %bitcast_convert_type3A_963 = tpu.bitcast %shift_left3A_962 : vector<16xi32> -> vector<16xf32>
        %bitcast_convert_type3A_964 = tpu.bitcast %get3A_959 : vector<16xi32> -> vector<16xf32>
        %mul3A_965 = arith.mulf %broadcast_in_dim3A_922, %bitcast_convert_type3A_963 : vector<16xf32>
        %add3A_966 = arith.addf %add3A_847, %mul3A_965 : vector<16xf32>
        %mul3A_967 = arith.mulf %broadcast_in_dim3A_922, %bitcast_convert_type3A_964 : vector<16xf32>
        %add3A_968 = arith.addf %add3A_849, %mul3A_967 : vector<16xf32>
        %get3A_969 = arith.index_cast %select_n3A_135 : i32 to index
        %get3A_970 = arith.index_cast %add3A_926 : i32 to index
        %get3A_971 = arith.constant 48 : index
        %get3A_972 = tpu.vector_load %arg8[%get3A_969, %get3A_970, %get3A_971] {strides = array<i32>} : memref<3x112x128xi32, #tpu.memory_space<vmem>>, vector<1x1x16xi32>,
        %get3A_973 = vector.shape_cast %get3A_972 : vector<1x1x16xi32> to vector<16xi32>
        %shift_left3A_974 = arith.constant 16 : i32
        %shift_left3A_975 = vector.broadcast %shift_left3A_974 : i32 to vector<16xi32>
        %shift_left3A_976 = arith.shli %get3A_973, %shift_left3A_975 : vector<16xi32>
        %bitcast_convert_type3A_977 = tpu.bitcast %shift_left3A_976 : vector<16xi32> -> vector<16xf32>
        %bitcast_convert_type3A_978 = tpu.bitcast %get3A_973 : vector<16xi32> -> vector<16xf32>
        %mul3A_979 = arith.mulf %broadcast_in_dim3A_922, %bitcast_convert_type3A_977 : vector<16xf32>
        %add3A_980 = arith.addf %add3A_861, %mul3A_979 : vector<16xf32>
        %mul3A_981 = arith.mulf %broadcast_in_dim3A_922, %bitcast_convert_type3A_978 : vector<16xf32>
        %add3A_982 = arith.addf %add3A_863, %mul3A_981 : vector<16xf32>
        %get3A_983 = arith.index_cast %select_n3A_135 : i32 to index
        %get3A_984 = arith.index_cast %add3A_926 : i32 to index
        %get3A_985 = arith.constant 64 : index
        %get3A_986 = tpu.vector_load %arg8[%get3A_983, %get3A_984, %get3A_985] {strides = array<i32>} : memref<3x112x128xi32, #tpu.memory_space<vmem>>, vector<1x1x16xi32>,
        %get3A_987 = vector.shape_cast %get3A_986 : vector<1x1x16xi32> to vector<16xi32>
        %shift_left3A_988 = arith.constant 16 : i32
        %shift_left3A_989 = vector.broadcast %shift_left3A_988 : i32 to vector<16xi32>
        %shift_left3A_990 = arith.shli %get3A_987, %shift_left3A_989 : vector<16xi32>
        %bitcast_convert_type3A_991 = tpu.bitcast %shift_left3A_990 : vector<16xi32> -> vector<16xf32>
        %bitcast_convert_type3A_992 = tpu.bitcast %get3A_987 : vector<16xi32> -> vector<16xf32>
        %mul3A_993 = arith.mulf %broadcast_in_dim3A_922, %bitcast_convert_type3A_991 : vector<16xf32>
        %add3A_994 = arith.addf %add3A_875, %mul3A_993 : vector<16xf32>
        %mul3A_995 = arith.mulf %broadcast_in_dim3A_922, %bitcast_convert_type3A_992 : vector<16xf32>
        %add3A_996 = arith.addf %add3A_877, %mul3A_995 : vector<16xf32>
        %get3A_997 = arith.index_cast %select_n3A_135 : i32 to index
        %get3A_998 = arith.index_cast %add3A_926 : i32 to index
        %get3A_999 = arith.constant 80 : index
        %get3A_1000 = tpu.vector_load %arg8[%get3A_997, %get3A_998, %get3A_999] {strides = array<i32>} : memref<3x112x128xi32, #tpu.memory_space<vmem>>, vector<1x1x16xi32>,
        %get3A_1001 = vector.shape_cast %get3A_1000 : vector<1x1x16xi32> to vector<16xi32>
        %shift_left3A_1002 = arith.constant 16 : i32
        %shift_left3A_1003 = vector.broadcast %shift_left3A_1002 : i32 to vector<16xi32>
        %shift_left3A_1004 = arith.shli %get3A_1001, %shift_left3A_1003 : vector<16xi32>
        %bitcast_convert_type3A_1005 = tpu.bitcast %shift_left3A_1004 : vector<16xi32> -> vector<16xf32>
        %bitcast_convert_type3A_1006 = tpu.bitcast %get3A_1001 : vector<16xi32> -> vector<16xf32>
        %mul3A_1007 = arith.mulf %broadcast_in_dim3A_922, %bitcast_convert_type3A_1005 : vector<16xf32>
        %add3A_1008 = arith.addf %add3A_889, %mul3A_1007 : vector<16xf32>
        %mul3A_1009 = arith.mulf %broadcast_in_dim3A_922, %bitcast_convert_type3A_1006 : vector<16xf32>
        %add3A_1010 = arith.addf %add3A_891, %mul3A_1009 : vector<16xf32>
        %get3A_1011 = arith.index_cast %select_n3A_135 : i32 to index
        %get3A_1012 = arith.index_cast %add3A_926 : i32 to index
        %get3A_1013 = arith.constant 96 : index
        %get3A_1014 = tpu.vector_load %arg8[%get3A_1011, %get3A_1012, %get3A_1013] {strides = array<i32>} : memref<3x112x128xi32, #tpu.memory_space<vmem>>, vector<1x1x16xi32>,
        %get3A_1015 = vector.shape_cast %get3A_1014 : vector<1x1x16xi32> to vector<16xi32>
        %shift_left3A_1016 = arith.constant 16 : i32
        %shift_left3A_1017 = vector.broadcast %shift_left3A_1016 : i32 to vector<16xi32>
        %shift_left3A_1018 = arith.shli %get3A_1015, %shift_left3A_1017 : vector<16xi32>
        %bitcast_convert_type3A_1019 = tpu.bitcast %shift_left3A_1018 : vector<16xi32> -> vector<16xf32>
        %bitcast_convert_type3A_1020 = tpu.bitcast %get3A_1015 : vector<16xi32> -> vector<16xf32>
        %mul3A_1021 = arith.mulf %broadcast_in_dim3A_922, %bitcast_convert_type3A_1019 : vector<16xf32>
        %add3A_1022 = arith.addf %add3A_903, %mul3A_1021 : vector<16xf32>
        %mul3A_1023 = arith.mulf %broadcast_in_dim3A_922, %bitcast_convert_type3A_1020 : vector<16xf32>
        %add3A_1024 = arith.addf %add3A_905, %mul3A_1023 : vector<16xf32>
        %get3A_1025 = arith.index_cast %select_n3A_135 : i32 to index
        %get3A_1026 = arith.index_cast %add3A_926 : i32 to index
        %get3A_1027 = arith.constant 112 : index
        %get3A_1028 = tpu.vector_load %arg8[%get3A_1025, %get3A_1026, %get3A_1027] {strides = array<i32>} : memref<3x112x128xi32, #tpu.memory_space<vmem>>, vector<1x1x16xi32>,
        %get3A_1029 = vector.shape_cast %get3A_1028 : vector<1x1x16xi32> to vector<16xi32>
        %shift_left3A_1030 = arith.constant 16 : i32
        %shift_left3A_1031 = vector.broadcast %shift_left3A_1030 : i32 to vector<16xi32>
        %shift_left3A_1032 = arith.shli %get3A_1029, %shift_left3A_1031 : vector<16xi32>
        %bitcast_convert_type3A_1033 = tpu.bitcast %shift_left3A_1032 : vector<16xi32> -> vector<16xf32>
        %bitcast_convert_type3A_1034 = tpu.bitcast %get3A_1029 : vector<16xi32> -> vector<16xf32>
        %mul3A_1035 = arith.mulf %broadcast_in_dim3A_922, %bitcast_convert_type3A_1033 : vector<16xf32>
        %add3A_1036 = arith.addf %add3A_917, %mul3A_1035 : vector<16xf32>
        %mul3A_1037 = arith.mulf %broadcast_in_dim3A_922, %bitcast_convert_type3A_1034 : vector<16xf32>
        %add3A_1038 = arith.addf %add3A_919, %mul3A_1037 : vector<16xf32>
        %slice3A_1039 = vector.extract_strided_slice %get3A_208 {offsets = [7], sizes = [1], strides = [1]} : vector<16xf32> to vector<1xf32>
        %squeeze3A_1040 = vector.extract %slice3A_1039[0] : f32 from vector<1xf32>
        %broadcast_in_dim3A_1041 = vector.broadcast %squeeze3A_1040 : f32 to vector<16xf32>
        %mul3A_1042 = arith.constant 16 : i32
        %mul3A_1043 = arith.muli %scan3A_194, %mul3A_1042 : i32
        %add3A_1044 = arith.constant 7 : i32
        %add3A_1045 = arith.addi %mul3A_1043, %add3A_1044 : i32
        %get3A_1046 = arith.index_cast %select_n3A_135 : i32 to index
        %get3A_1047 = arith.index_cast %add3A_1045 : i32 to index
        %get3A_1048 = arith.constant 0 : index
        %get3A_1049 = tpu.vector_load %arg8[%get3A_1046, %get3A_1047, %get3A_1048] {strides = array<i32>} : memref<3x112x128xi32, #tpu.memory_space<vmem>>, vector<1x1x16xi32>,
        %get3A_1050 = vector.shape_cast %get3A_1049 : vector<1x1x16xi32> to vector<16xi32>
        %shift_left3A_1051 = arith.constant 16 : i32
        %shift_left3A_1052 = vector.broadcast %shift_left3A_1051 : i32 to vector<16xi32>
        %shift_left3A_1053 = arith.shli %get3A_1050, %shift_left3A_1052 : vector<16xi32>
        %bitcast_convert_type3A_1054 = tpu.bitcast %shift_left3A_1053 : vector<16xi32> -> vector<16xf32>
        %bitcast_convert_type3A_1055 = tpu.bitcast %get3A_1050 : vector<16xi32> -> vector<16xf32>
        %mul3A_1056 = arith.mulf %broadcast_in_dim3A_1041, %bitcast_convert_type3A_1054 : vector<16xf32>
        %add3A_1057 = arith.addf %add3A_938, %mul3A_1056 : vector<16xf32>
        %mul3A_1058 = arith.mulf %broadcast_in_dim3A_1041, %bitcast_convert_type3A_1055 : vector<16xf32>
        %add3A_1059 = arith.addf %add3A_940, %mul3A_1058 : vector<16xf32>
        %get3A_1060 = arith.index_cast %select_n3A_135 : i32 to index
        %get3A_1061 = arith.index_cast %add3A_1045 : i32 to index
        %get3A_1062 = arith.constant 16 : index
        %get3A_1063 = tpu.vector_load %arg8[%get3A_1060, %get3A_1061, %get3A_1062] {strides = array<i32>} : memref<3x112x128xi32, #tpu.memory_space<vmem>>, vector<1x1x16xi32>,
        %get3A_1064 = vector.shape_cast %get3A_1063 : vector<1x1x16xi32> to vector<16xi32>
        %shift_left3A_1065 = arith.constant 16 : i32
        %shift_left3A_1066 = vector.broadcast %shift_left3A_1065 : i32 to vector<16xi32>
        %shift_left3A_1067 = arith.shli %get3A_1064, %shift_left3A_1066 : vector<16xi32>
        %bitcast_convert_type3A_1068 = tpu.bitcast %shift_left3A_1067 : vector<16xi32> -> vector<16xf32>
        %bitcast_convert_type3A_1069 = tpu.bitcast %get3A_1064 : vector<16xi32> -> vector<16xf32>
        %mul3A_1070 = arith.mulf %broadcast_in_dim3A_1041, %bitcast_convert_type3A_1068 : vector<16xf32>
        %add3A_1071 = arith.addf %add3A_952, %mul3A_1070 : vector<16xf32>
        %mul3A_1072 = arith.mulf %broadcast_in_dim3A_1041, %bitcast_convert_type3A_1069 : vector<16xf32>
        %add3A_1073 = arith.addf %add3A_954, %mul3A_1072 : vector<16xf32>
        %get3A_1074 = arith.index_cast %select_n3A_135 : i32 to index
        %get3A_1075 = arith.index_cast %add3A_1045 : i32 to index
        %get3A_1076 = arith.constant 32 : index
        %get3A_1077 = tpu.vector_load %arg8[%get3A_1074, %get3A_1075, %get3A_1076] {strides = array<i32>} : memref<3x112x128xi32, #tpu.memory_space<vmem>>, vector<1x1x16xi32>,
        %get3A_1078 = vector.shape_cast %get3A_1077 : vector<1x1x16xi32> to vector<16xi32>
        %shift_left3A_1079 = arith.constant 16 : i32
        %shift_left3A_1080 = vector.broadcast %shift_left3A_1079 : i32 to vector<16xi32>
        %shift_left3A_1081 = arith.shli %get3A_1078, %shift_left3A_1080 : vector<16xi32>
        %bitcast_convert_type3A_1082 = tpu.bitcast %shift_left3A_1081 : vector<16xi32> -> vector<16xf32>
        %bitcast_convert_type3A_1083 = tpu.bitcast %get3A_1078 : vector<16xi32> -> vector<16xf32>
        %mul3A_1084 = arith.mulf %broadcast_in_dim3A_1041, %bitcast_convert_type3A_1082 : vector<16xf32>
        %add3A_1085 = arith.addf %add3A_966, %mul3A_1084 : vector<16xf32>
        %mul3A_1086 = arith.mulf %broadcast_in_dim3A_1041, %bitcast_convert_type3A_1083 : vector<16xf32>
        %add3A_1087 = arith.addf %add3A_968, %mul3A_1086 : vector<16xf32>
        %get3A_1088 = arith.index_cast %select_n3A_135 : i32 to index
        %get3A_1089 = arith.index_cast %add3A_1045 : i32 to index
        %get3A_1090 = arith.constant 48 : index
        %get3A_1091 = tpu.vector_load %arg8[%get3A_1088, %get3A_1089, %get3A_1090] {strides = array<i32>} : memref<3x112x128xi32, #tpu.memory_space<vmem>>, vector<1x1x16xi32>,
        %get3A_1092 = vector.shape_cast %get3A_1091 : vector<1x1x16xi32> to vector<16xi32>
        %shift_left3A_1093 = arith.constant 16 : i32
        %shift_left3A_1094 = vector.broadcast %shift_left3A_1093 : i32 to vector<16xi32>
        %shift_left3A_1095 = arith.shli %get3A_1092, %shift_left3A_1094 : vector<16xi32>
        %bitcast_convert_type3A_1096 = tpu.bitcast %shift_left3A_1095 : vector<16xi32> -> vector<16xf32>
        %bitcast_convert_type3A_1097 = tpu.bitcast %get3A_1092 : vector<16xi32> -> vector<16xf32>
        %mul3A_1098 = arith.mulf %broadcast_in_dim3A_1041, %bitcast_convert_type3A_1096 : vector<16xf32>
        %add3A_1099 = arith.addf %add3A_980, %mul3A_1098 : vector<16xf32>
        %mul3A_1100 = arith.mulf %broadcast_in_dim3A_1041, %bitcast_convert_type3A_1097 : vector<16xf32>
        %add3A_1101 = arith.addf %add3A_982, %mul3A_1100 : vector<16xf32>
        %get3A_1102 = arith.index_cast %select_n3A_135 : i32 to index
        %get3A_1103 = arith.index_cast %add3A_1045 : i32 to index
        %get3A_1104 = arith.constant 64 : index
        %get3A_1105 = tpu.vector_load %arg8[%get3A_1102, %get3A_1103, %get3A_1104] {strides = array<i32>} : memref<3x112x128xi32, #tpu.memory_space<vmem>>, vector<1x1x16xi32>,
        %get3A_1106 = vector.shape_cast %get3A_1105 : vector<1x1x16xi32> to vector<16xi32>
        %shift_left3A_1107 = arith.constant 16 : i32
        %shift_left3A_1108 = vector.broadcast %shift_left3A_1107 : i32 to vector<16xi32>
        %shift_left3A_1109 = arith.shli %get3A_1106, %shift_left3A_1108 : vector<16xi32>
        %bitcast_convert_type3A_1110 = tpu.bitcast %shift_left3A_1109 : vector<16xi32> -> vector<16xf32>
        %bitcast_convert_type3A_1111 = tpu.bitcast %get3A_1106 : vector<16xi32> -> vector<16xf32>
        %mul3A_1112 = arith.mulf %broadcast_in_dim3A_1041, %bitcast_convert_type3A_1110 : vector<16xf32>
        %add3A_1113 = arith.addf %add3A_994, %mul3A_1112 : vector<16xf32>
        %mul3A_1114 = arith.mulf %broadcast_in_dim3A_1041, %bitcast_convert_type3A_1111 : vector<16xf32>
        %add3A_1115 = arith.addf %add3A_996, %mul3A_1114 : vector<16xf32>
        %get3A_1116 = arith.index_cast %select_n3A_135 : i32 to index
        %get3A_1117 = arith.index_cast %add3A_1045 : i32 to index
        %get3A_1118 = arith.constant 80 : index
        %get3A_1119 = tpu.vector_load %arg8[%get3A_1116, %get3A_1117, %get3A_1118] {strides = array<i32>} : memref<3x112x128xi32, #tpu.memory_space<vmem>>, vector<1x1x16xi32>,
        %get3A_1120 = vector.shape_cast %get3A_1119 : vector<1x1x16xi32> to vector<16xi32>
        %shift_left3A_1121 = arith.constant 16 : i32
        %shift_left3A_1122 = vector.broadcast %shift_left3A_1121 : i32 to vector<16xi32>
        %shift_left3A_1123 = arith.shli %get3A_1120, %shift_left3A_1122 : vector<16xi32>
        %bitcast_convert_type3A_1124 = tpu.bitcast %shift_left3A_1123 : vector<16xi32> -> vector<16xf32>
        %bitcast_convert_type3A_1125 = tpu.bitcast %get3A_1120 : vector<16xi32> -> vector<16xf32>
        %mul3A_1126 = arith.mulf %broadcast_in_dim3A_1041, %bitcast_convert_type3A_1124 : vector<16xf32>
        %add3A_1127 = arith.addf %add3A_1008, %mul3A_1126 : vector<16xf32>
        %mul3A_1128 = arith.mulf %broadcast_in_dim3A_1041, %bitcast_convert_type3A_1125 : vector<16xf32>
        %add3A_1129 = arith.addf %add3A_1010, %mul3A_1128 : vector<16xf32>
        %get3A_1130 = arith.index_cast %select_n3A_135 : i32 to index
        %get3A_1131 = arith.index_cast %add3A_1045 : i32 to index
        %get3A_1132 = arith.constant 96 : index
        %get3A_1133 = tpu.vector_load %arg8[%get3A_1130, %get3A_1131, %get3A_1132] {strides = array<i32>} : memref<3x112x128xi32, #tpu.memory_space<vmem>>, vector<1x1x16xi32>,
        %get3A_1134 = vector.shape_cast %get3A_1133 : vector<1x1x16xi32> to vector<16xi32>
        %shift_left3A_1135 = arith.constant 16 : i32
        %shift_left3A_1136 = vector.broadcast %shift_left3A_1135 : i32 to vector<16xi32>
        %shift_left3A_1137 = arith.shli %get3A_1134, %shift_left3A_1136 : vector<16xi32>
        %bitcast_convert_type3A_1138 = tpu.bitcast %shift_left3A_1137 : vector<16xi32> -> vector<16xf32>
        %bitcast_convert_type3A_1139 = tpu.bitcast %get3A_1134 : vector<16xi32> -> vector<16xf32>
        %mul3A_1140 = arith.mulf %broadcast_in_dim3A_1041, %bitcast_convert_type3A_1138 : vector<16xf32>
        %add3A_1141 = arith.addf %add3A_1022, %mul3A_1140 : vector<16xf32>
        %mul3A_1142 = arith.mulf %broadcast_in_dim3A_1041, %bitcast_convert_type3A_1139 : vector<16xf32>
        %add3A_1143 = arith.addf %add3A_1024, %mul3A_1142 : vector<16xf32>
        %get3A_1144 = arith.index_cast %select_n3A_135 : i32 to index
        %get3A_1145 = arith.index_cast %add3A_1045 : i32 to index
        %get3A_1146 = arith.constant 112 : index
        %get3A_1147 = tpu.vector_load %arg8[%get3A_1144, %get3A_1145, %get3A_1146] {strides = array<i32>} : memref<3x112x128xi32, #tpu.memory_space<vmem>>, vector<1x1x16xi32>,
        %get3A_1148 = vector.shape_cast %get3A_1147 : vector<1x1x16xi32> to vector<16xi32>
        %shift_left3A_1149 = arith.constant 16 : i32
        %shift_left3A_1150 = vector.broadcast %shift_left3A_1149 : i32 to vector<16xi32>
        %shift_left3A_1151 = arith.shli %get3A_1148, %shift_left3A_1150 : vector<16xi32>
        %bitcast_convert_type3A_1152 = tpu.bitcast %shift_left3A_1151 : vector<16xi32> -> vector<16xf32>
        %bitcast_convert_type3A_1153 = tpu.bitcast %get3A_1148 : vector<16xi32> -> vector<16xf32>
        %mul3A_1154 = arith.mulf %broadcast_in_dim3A_1041, %bitcast_convert_type3A_1152 : vector<16xf32>
        %add3A_1155 = arith.addf %add3A_1036, %mul3A_1154 : vector<16xf32>
        %mul3A_1156 = arith.mulf %broadcast_in_dim3A_1041, %bitcast_convert_type3A_1153 : vector<16xf32>
        %add3A_1157 = arith.addf %add3A_1038, %mul3A_1156 : vector<16xf32>
        %slice3A_1158 = vector.extract_strided_slice %get3A_208 {offsets = [8], sizes = [1], strides = [1]} : vector<16xf32> to vector<1xf32>
        %squeeze3A_1159 = vector.extract %slice3A_1158[0] : f32 from vector<1xf32>
        %broadcast_in_dim3A_1160 = vector.broadcast %squeeze3A_1159 : f32 to vector<16xf32>
        %mul3A_1161 = arith.constant 16 : i32
        %mul3A_1162 = arith.muli %scan3A_194, %mul3A_1161 : i32
        %add3A_1163 = arith.constant 8 : i32
        %add3A_1164 = arith.addi %mul3A_1162, %add3A_1163 : i32
        %get3A_1165 = arith.index_cast %select_n3A_135 : i32 to index
        %get3A_1166 = arith.index_cast %add3A_1164 : i32 to index
        %get3A_1167 = arith.constant 0 : index
        %get3A_1168 = tpu.vector_load %arg8[%get3A_1165, %get3A_1166, %get3A_1167] {strides = array<i32>} : memref<3x112x128xi32, #tpu.memory_space<vmem>>, vector<1x1x16xi32>,
        %get3A_1169 = vector.shape_cast %get3A_1168 : vector<1x1x16xi32> to vector<16xi32>
        %shift_left3A_1170 = arith.constant 16 : i32
        %shift_left3A_1171 = vector.broadcast %shift_left3A_1170 : i32 to vector<16xi32>
        %shift_left3A_1172 = arith.shli %get3A_1169, %shift_left3A_1171 : vector<16xi32>
        %bitcast_convert_type3A_1173 = tpu.bitcast %shift_left3A_1172 : vector<16xi32> -> vector<16xf32>
        %bitcast_convert_type3A_1174 = tpu.bitcast %get3A_1169 : vector<16xi32> -> vector<16xf32>
        %mul3A_1175 = arith.mulf %broadcast_in_dim3A_1160, %bitcast_convert_type3A_1173 : vector<16xf32>
        %add3A_1176 = arith.addf %add3A_1057, %mul3A_1175 : vector<16xf32>
        %mul3A_1177 = arith.mulf %broadcast_in_dim3A_1160, %bitcast_convert_type3A_1174 : vector<16xf32>
        %add3A_1178 = arith.addf %add3A_1059, %mul3A_1177 : vector<16xf32>
        %get3A_1179 = arith.index_cast %select_n3A_135 : i32 to index
        %get3A_1180 = arith.index_cast %add3A_1164 : i32 to index
        %get3A_1181 = arith.constant 16 : index
        %get3A_1182 = tpu.vector_load %arg8[%get3A_1179, %get3A_1180, %get3A_1181] {strides = array<i32>} : memref<3x112x128xi32, #tpu.memory_space<vmem>>, vector<1x1x16xi32>,
        %get3A_1183 = vector.shape_cast %get3A_1182 : vector<1x1x16xi32> to vector<16xi32>
        %shift_left3A_1184 = arith.constant 16 : i32
        %shift_left3A_1185 = vector.broadcast %shift_left3A_1184 : i32 to vector<16xi32>
        %shift_left3A_1186 = arith.shli %get3A_1183, %shift_left3A_1185 : vector<16xi32>
        %bitcast_convert_type3A_1187 = tpu.bitcast %shift_left3A_1186 : vector<16xi32> -> vector<16xf32>
        %bitcast_convert_type3A_1188 = tpu.bitcast %get3A_1183 : vector<16xi32> -> vector<16xf32>
        %mul3A_1189 = arith.mulf %broadcast_in_dim3A_1160, %bitcast_convert_type3A_1187 : vector<16xf32>
        %add3A_1190 = arith.addf %add3A_1071, %mul3A_1189 : vector<16xf32>
        %mul3A_1191 = arith.mulf %broadcast_in_dim3A_1160, %bitcast_convert_type3A_1188 : vector<16xf32>
        %add3A_1192 = arith.addf %add3A_1073, %mul3A_1191 : vector<16xf32>
        %get3A_1193 = arith.index_cast %select_n3A_135 : i32 to index
        %get3A_1194 = arith.index_cast %add3A_1164 : i32 to index
        %get3A_1195 = arith.constant 32 : index
        %get3A_1196 = tpu.vector_load %arg8[%get3A_1193, %get3A_1194, %get3A_1195] {strides = array<i32>} : memref<3x112x128xi32, #tpu.memory_space<vmem>>, vector<1x1x16xi32>,
        %get3A_1197 = vector.shape_cast %get3A_1196 : vector<1x1x16xi32> to vector<16xi32>
        %shift_left3A_1198 = arith.constant 16 : i32
        %shift_left3A_1199 = vector.broadcast %shift_left3A_1198 : i32 to vector<16xi32>
        %shift_left3A_1200 = arith.shli %get3A_1197, %shift_left3A_1199 : vector<16xi32>
        %bitcast_convert_type3A_1201 = tpu.bitcast %shift_left3A_1200 : vector<16xi32> -> vector<16xf32>
        %bitcast_convert_type3A_1202 = tpu.bitcast %get3A_1197 : vector<16xi32> -> vector<16xf32>
        %mul3A_1203 = arith.mulf %broadcast_in_dim3A_1160, %bitcast_convert_type3A_1201 : vector<16xf32>
        %add3A_1204 = arith.addf %add3A_1085, %mul3A_1203 : vector<16xf32>
        %mul3A_1205 = arith.mulf %broadcast_in_dim3A_1160, %bitcast_convert_type3A_1202 : vector<16xf32>
        %add3A_1206 = arith.addf %add3A_1087, %mul3A_1205 : vector<16xf32>
        %get3A_1207 = arith.index_cast %select_n3A_135 : i32 to index
        %get3A_1208 = arith.index_cast %add3A_1164 : i32 to index
        %get3A_1209 = arith.constant 48 : index
        %get3A_1210 = tpu.vector_load %arg8[%get3A_1207, %get3A_1208, %get3A_1209] {strides = array<i32>} : memref<3x112x128xi32, #tpu.memory_space<vmem>>, vector<1x1x16xi32>,
        %get3A_1211 = vector.shape_cast %get3A_1210 : vector<1x1x16xi32> to vector<16xi32>
        %shift_left3A_1212 = arith.constant 16 : i32
        %shift_left3A_1213 = vector.broadcast %shift_left3A_1212 : i32 to vector<16xi32>
        %shift_left3A_1214 = arith.shli %get3A_1211, %shift_left3A_1213 : vector<16xi32>
        %bitcast_convert_type3A_1215 = tpu.bitcast %shift_left3A_1214 : vector<16xi32> -> vector<16xf32>
        %bitcast_convert_type3A_1216 = tpu.bitcast %get3A_1211 : vector<16xi32> -> vector<16xf32>
        %mul3A_1217 = arith.mulf %broadcast_in_dim3A_1160, %bitcast_convert_type3A_1215 : vector<16xf32>
        %add3A_1218 = arith.addf %add3A_1099, %mul3A_1217 : vector<16xf32>
        %mul3A_1219 = arith.mulf %broadcast_in_dim3A_1160, %bitcast_convert_type3A_1216 : vector<16xf32>
        %add3A_1220 = arith.addf %add3A_1101, %mul3A_1219 : vector<16xf32>
        %get3A_1221 = arith.index_cast %select_n3A_135 : i32 to index
        %get3A_1222 = arith.index_cast %add3A_1164 : i32 to index
        %get3A_1223 = arith.constant 64 : index
        %get3A_1224 = tpu.vector_load %arg8[%get3A_1221, %get3A_1222, %get3A_1223] {strides = array<i32>} : memref<3x112x128xi32, #tpu.memory_space<vmem>>, vector<1x1x16xi32>,
        %get3A_1225 = vector.shape_cast %get3A_1224 : vector<1x1x16xi32> to vector<16xi32>
        %shift_left3A_1226 = arith.constant 16 : i32
        %shift_left3A_1227 = vector.broadcast %shift_left3A_1226 : i32 to vector<16xi32>
        %shift_left3A_1228 = arith.shli %get3A_1225, %shift_left3A_1227 : vector<16xi32>
        %bitcast_convert_type3A_1229 = tpu.bitcast %shift_left3A_1228 : vector<16xi32> -> vector<16xf32>
        %bitcast_convert_type3A_1230 = tpu.bitcast %get3A_1225 : vector<16xi32> -> vector<16xf32>
        %mul3A_1231 = arith.mulf %broadcast_in_dim3A_1160, %bitcast_convert_type3A_1229 : vector<16xf32>
        %add3A_1232 = arith.addf %add3A_1113, %mul3A_1231 : vector<16xf32>
        %mul3A_1233 = arith.mulf %broadcast_in_dim3A_1160, %bitcast_convert_type3A_1230 : vector<16xf32>
        %add3A_1234 = arith.addf %add3A_1115, %mul3A_1233 : vector<16xf32>
        %get3A_1235 = arith.index_cast %select_n3A_135 : i32 to index
        %get3A_1236 = arith.index_cast %add3A_1164 : i32 to index
        %get3A_1237 = arith.constant 80 : index
        %get3A_1238 = tpu.vector_load %arg8[%get3A_1235, %get3A_1236, %get3A_1237] {strides = array<i32>} : memref<3x112x128xi32, #tpu.memory_space<vmem>>, vector<1x1x16xi32>,
        %get3A_1239 = vector.shape_cast %get3A_1238 : vector<1x1x16xi32> to vector<16xi32>
        %shift_left3A_1240 = arith.constant 16 : i32
        %shift_left3A_1241 = vector.broadcast %shift_left3A_1240 : i32 to vector<16xi32>
        %shift_left3A_1242 = arith.shli %get3A_1239, %shift_left3A_1241 : vector<16xi32>
        %bitcast_convert_type3A_1243 = tpu.bitcast %shift_left3A_1242 : vector<16xi32> -> vector<16xf32>
        %bitcast_convert_type3A_1244 = tpu.bitcast %get3A_1239 : vector<16xi32> -> vector<16xf32>
        %mul3A_1245 = arith.mulf %broadcast_in_dim3A_1160, %bitcast_convert_type3A_1243 : vector<16xf32>
        %add3A_1246 = arith.addf %add3A_1127, %mul3A_1245 : vector<16xf32>
        %mul3A_1247 = arith.mulf %broadcast_in_dim3A_1160, %bitcast_convert_type3A_1244 : vector<16xf32>
        %add3A_1248 = arith.addf %add3A_1129, %mul3A_1247 : vector<16xf32>
        %get3A_1249 = arith.index_cast %select_n3A_135 : i32 to index
        %get3A_1250 = arith.index_cast %add3A_1164 : i32 to index
        %get3A_1251 = arith.constant 96 : index
        %get3A_1252 = tpu.vector_load %arg8[%get3A_1249, %get3A_1250, %get3A_1251] {strides = array<i32>} : memref<3x112x128xi32, #tpu.memory_space<vmem>>, vector<1x1x16xi32>,
        %get3A_1253 = vector.shape_cast %get3A_1252 : vector<1x1x16xi32> to vector<16xi32>
        %shift_left3A_1254 = arith.constant 16 : i32
        %shift_left3A_1255 = vector.broadcast %shift_left3A_1254 : i32 to vector<16xi32>
        %shift_left3A_1256 = arith.shli %get3A_1253, %shift_left3A_1255 : vector<16xi32>
        %bitcast_convert_type3A_1257 = tpu.bitcast %shift_left3A_1256 : vector<16xi32> -> vector<16xf32>
        %bitcast_convert_type3A_1258 = tpu.bitcast %get3A_1253 : vector<16xi32> -> vector<16xf32>
        %mul3A_1259 = arith.mulf %broadcast_in_dim3A_1160, %bitcast_convert_type3A_1257 : vector<16xf32>
        %add3A_1260 = arith.addf %add3A_1141, %mul3A_1259 : vector<16xf32>
        %mul3A_1261 = arith.mulf %broadcast_in_dim3A_1160, %bitcast_convert_type3A_1258 : vector<16xf32>
        %add3A_1262 = arith.addf %add3A_1143, %mul3A_1261 : vector<16xf32>
        %get3A_1263 = arith.index_cast %select_n3A_135 : i32 to index
        %get3A_1264 = arith.index_cast %add3A_1164 : i32 to index
        %get3A_1265 = arith.constant 112 : index
        %get3A_1266 = tpu.vector_load %arg8[%get3A_1263, %get3A_1264, %get3A_1265] {strides = array<i32>} : memref<3x112x128xi32, #tpu.memory_space<vmem>>, vector<1x1x16xi32>,
        %get3A_1267 = vector.shape_cast %get3A_1266 : vector<1x1x16xi32> to vector<16xi32>
        %shift_left3A_1268 = arith.constant 16 : i32
        %shift_left3A_1269 = vector.broadcast %shift_left3A_1268 : i32 to vector<16xi32>
        %shift_left3A_1270 = arith.shli %get3A_1267, %shift_left3A_1269 : vector<16xi32>
        %bitcast_convert_type3A_1271 = tpu.bitcast %shift_left3A_1270 : vector<16xi32> -> vector<16xf32>
        %bitcast_convert_type3A_1272 = tpu.bitcast %get3A_1267 : vector<16xi32> -> vector<16xf32>
        %mul3A_1273 = arith.mulf %broadcast_in_dim3A_1160, %bitcast_convert_type3A_1271 : vector<16xf32>
        %add3A_1274 = arith.addf %add3A_1155, %mul3A_1273 : vector<16xf32>
        %mul3A_1275 = arith.mulf %broadcast_in_dim3A_1160, %bitcast_convert_type3A_1272 : vector<16xf32>
        %add3A_1276 = arith.addf %add3A_1157, %mul3A_1275 : vector<16xf32>
        %slice3A_1277 = vector.extract_strided_slice %get3A_208 {offsets = [9], sizes = [1], strides = [1]} : vector<16xf32> to vector<1xf32>
        %squeeze3A_1278 = vector.extract %slice3A_1277[0] : f32 from vector<1xf32>
        %broadcast_in_dim3A_1279 = vector.broadcast %squeeze3A_1278 : f32 to vector<16xf32>
        %mul3A_1280 = arith.constant 16 : i32
        %mul3A_1281 = arith.muli %scan3A_194, %mul3A_1280 : i32
        %add3A_1282 = arith.constant 9 : i32
        %add3A_1283 = arith.addi %mul3A_1281, %add3A_1282 : i32
        %get3A_1284 = arith.index_cast %select_n3A_135 : i32 to index
        %get3A_1285 = arith.index_cast %add3A_1283 : i32 to index
        %get3A_1286 = arith.constant 0 : index
        %get3A_1287 = tpu.vector_load %arg8[%get3A_1284, %get3A_1285, %get3A_1286] {strides = array<i32>} : memref<3x112x128xi32, #tpu.memory_space<vmem>>, vector<1x1x16xi32>,
        %get3A_1288 = vector.shape_cast %get3A_1287 : vector<1x1x16xi32> to vector<16xi32>
        %shift_left3A_1289 = arith.constant 16 : i32
        %shift_left3A_1290 = vector.broadcast %shift_left3A_1289 : i32 to vector<16xi32>
        %shift_left3A_1291 = arith.shli %get3A_1288, %shift_left3A_1290 : vector<16xi32>
        %bitcast_convert_type3A_1292 = tpu.bitcast %shift_left3A_1291 : vector<16xi32> -> vector<16xf32>
        %bitcast_convert_type3A_1293 = tpu.bitcast %get3A_1288 : vector<16xi32> -> vector<16xf32>
        %mul3A_1294 = arith.mulf %broadcast_in_dim3A_1279, %bitcast_convert_type3A_1292 : vector<16xf32>
        %add3A_1295 = arith.addf %add3A_1176, %mul3A_1294 : vector<16xf32>
        %mul3A_1296 = arith.mulf %broadcast_in_dim3A_1279, %bitcast_convert_type3A_1293 : vector<16xf32>
        %add3A_1297 = arith.addf %add3A_1178, %mul3A_1296 : vector<16xf32>
        %get3A_1298 = arith.index_cast %select_n3A_135 : i32 to index
        %get3A_1299 = arith.index_cast %add3A_1283 : i32 to index
        %get3A_1300 = arith.constant 16 : index
        %get3A_1301 = tpu.vector_load %arg8[%get3A_1298, %get3A_1299, %get3A_1300] {strides = array<i32>} : memref<3x112x128xi32, #tpu.memory_space<vmem>>, vector<1x1x16xi32>,
        %get3A_1302 = vector.shape_cast %get3A_1301 : vector<1x1x16xi32> to vector<16xi32>
        %shift_left3A_1303 = arith.constant 16 : i32
        %shift_left3A_1304 = vector.broadcast %shift_left3A_1303 : i32 to vector<16xi32>
        %shift_left3A_1305 = arith.shli %get3A_1302, %shift_left3A_1304 : vector<16xi32>
        %bitcast_convert_type3A_1306 = tpu.bitcast %shift_left3A_1305 : vector<16xi32> -> vector<16xf32>
        %bitcast_convert_type3A_1307 = tpu.bitcast %get3A_1302 : vector<16xi32> -> vector<16xf32>
        %mul3A_1308 = arith.mulf %broadcast_in_dim3A_1279, %bitcast_convert_type3A_1306 : vector<16xf32>
        %add3A_1309 = arith.addf %add3A_1190, %mul3A_1308 : vector<16xf32>
        %mul3A_1310 = arith.mulf %broadcast_in_dim3A_1279, %bitcast_convert_type3A_1307 : vector<16xf32>
        %add3A_1311 = arith.addf %add3A_1192, %mul3A_1310 : vector<16xf32>
        %get3A_1312 = arith.index_cast %select_n3A_135 : i32 to index
        %get3A_1313 = arith.index_cast %add3A_1283 : i32 to index
        %get3A_1314 = arith.constant 32 : index
        %get3A_1315 = tpu.vector_load %arg8[%get3A_1312, %get3A_1313, %get3A_1314] {strides = array<i32>} : memref<3x112x128xi32, #tpu.memory_space<vmem>>, vector<1x1x16xi32>,
        %get3A_1316 = vector.shape_cast %get3A_1315 : vector<1x1x16xi32> to vector<16xi32>
        %shift_left3A_1317 = arith.constant 16 : i32
        %shift_left3A_1318 = vector.broadcast %shift_left3A_1317 : i32 to vector<16xi32>
        %shift_left3A_1319 = arith.shli %get3A_1316, %shift_left3A_1318 : vector<16xi32>
        %bitcast_convert_type3A_1320 = tpu.bitcast %shift_left3A_1319 : vector<16xi32> -> vector<16xf32>
        %bitcast_convert_type3A_1321 = tpu.bitcast %get3A_1316 : vector<16xi32> -> vector<16xf32>
        %mul3A_1322 = arith.mulf %broadcast_in_dim3A_1279, %bitcast_convert_type3A_1320 : vector<16xf32>
        %add3A_1323 = arith.addf %add3A_1204, %mul3A_1322 : vector<16xf32>
        %mul3A_1324 = arith.mulf %broadcast_in_dim3A_1279, %bitcast_convert_type3A_1321 : vector<16xf32>
        %add3A_1325 = arith.addf %add3A_1206, %mul3A_1324 : vector<16xf32>
        %get3A_1326 = arith.index_cast %select_n3A_135 : i32 to index
        %get3A_1327 = arith.index_cast %add3A_1283 : i32 to index
        %get3A_1328 = arith.constant 48 : index
        %get3A_1329 = tpu.vector_load %arg8[%get3A_1326, %get3A_1327, %get3A_1328] {strides = array<i32>} : memref<3x112x128xi32, #tpu.memory_space<vmem>>, vector<1x1x16xi32>,
        %get3A_1330 = vector.shape_cast %get3A_1329 : vector<1x1x16xi32> to vector<16xi32>
        %shift_left3A_1331 = arith.constant 16 : i32
        %shift_left3A_1332 = vector.broadcast %shift_left3A_1331 : i32 to vector<16xi32>
        %shift_left3A_1333 = arith.shli %get3A_1330, %shift_left3A_1332 : vector<16xi32>
        %bitcast_convert_type3A_1334 = tpu.bitcast %shift_left3A_1333 : vector<16xi32> -> vector<16xf32>
        %bitcast_convert_type3A_1335 = tpu.bitcast %get3A_1330 : vector<16xi32> -> vector<16xf32>
        %mul3A_1336 = arith.mulf %broadcast_in_dim3A_1279, %bitcast_convert_type3A_1334 : vector<16xf32>
        %add3A_1337 = arith.addf %add3A_1218, %mul3A_1336 : vector<16xf32>
        %mul3A_1338 = arith.mulf %broadcast_in_dim3A_1279, %bitcast_convert_type3A_1335 : vector<16xf32>
        %add3A_1339 = arith.addf %add3A_1220, %mul3A_1338 : vector<16xf32>
        %get3A_1340 = arith.index_cast %select_n3A_135 : i32 to index
        %get3A_1341 = arith.index_cast %add3A_1283 : i32 to index
        %get3A_1342 = arith.constant 64 : index
        %get3A_1343 = tpu.vector_load %arg8[%get3A_1340, %get3A_1341, %get3A_1342] {strides = array<i32>} : memref<3x112x128xi32, #tpu.memory_space<vmem>>, vector<1x1x16xi32>,
        %get3A_1344 = vector.shape_cast %get3A_1343 : vector<1x1x16xi32> to vector<16xi32>
        %shift_left3A_1345 = arith.constant 16 : i32
        %shift_left3A_1346 = vector.broadcast %shift_left3A_1345 : i32 to vector<16xi32>
        %shift_left3A_1347 = arith.shli %get3A_1344, %shift_left3A_1346 : vector<16xi32>
        %bitcast_convert_type3A_1348 = tpu.bitcast %shift_left3A_1347 : vector<16xi32> -> vector<16xf32>
        %bitcast_convert_type3A_1349 = tpu.bitcast %get3A_1344 : vector<16xi32> -> vector<16xf32>
        %mul3A_1350 = arith.mulf %broadcast_in_dim3A_1279, %bitcast_convert_type3A_1348 : vector<16xf32>
        %add3A_1351 = arith.addf %add3A_1232, %mul3A_1350 : vector<16xf32>
        %mul3A_1352 = arith.mulf %broadcast_in_dim3A_1279, %bitcast_convert_type3A_1349 : vector<16xf32>
        %add3A_1353 = arith.addf %add3A_1234, %mul3A_1352 : vector<16xf32>
        %get3A_1354 = arith.index_cast %select_n3A_135 : i32 to index
        %get3A_1355 = arith.index_cast %add3A_1283 : i32 to index
        %get3A_1356 = arith.constant 80 : index
        %get3A_1357 = tpu.vector_load %arg8[%get3A_1354, %get3A_1355, %get3A_1356] {strides = array<i32>} : memref<3x112x128xi32, #tpu.memory_space<vmem>>, vector<1x1x16xi32>,
        %get3A_1358 = vector.shape_cast %get3A_1357 : vector<1x1x16xi32> to vector<16xi32>
        %shift_left3A_1359 = arith.constant 16 : i32
        %shift_left3A_1360 = vector.broadcast %shift_left3A_1359 : i32 to vector<16xi32>
        %shift_left3A_1361 = arith.shli %get3A_1358, %shift_left3A_1360 : vector<16xi32>
        %bitcast_convert_type3A_1362 = tpu.bitcast %shift_left3A_1361 : vector<16xi32> -> vector<16xf32>
        %bitcast_convert_type3A_1363 = tpu.bitcast %get3A_1358 : vector<16xi32> -> vector<16xf32>
        %mul3A_1364 = arith.mulf %broadcast_in_dim3A_1279, %bitcast_convert_type3A_1362 : vector<16xf32>
        %add3A_1365 = arith.addf %add3A_1246, %mul3A_1364 : vector<16xf32>
        %mul3A_1366 = arith.mulf %broadcast_in_dim3A_1279, %bitcast_convert_type3A_1363 : vector<16xf32>
        %add3A_1367 = arith.addf %add3A_1248, %mul3A_1366 : vector<16xf32>
        %get3A_1368 = arith.index_cast %select_n3A_135 : i32 to index
        %get3A_1369 = arith.index_cast %add3A_1283 : i32 to index
        %get3A_1370 = arith.constant 96 : index
        %get3A_1371 = tpu.vector_load %arg8[%get3A_1368, %get3A_1369, %get3A_1370] {strides = array<i32>} : memref<3x112x128xi32, #tpu.memory_space<vmem>>, vector<1x1x16xi32>,
        %get3A_1372 = vector.shape_cast %get3A_1371 : vector<1x1x16xi32> to vector<16xi32>
        %shift_left3A_1373 = arith.constant 16 : i32
        %shift_left3A_1374 = vector.broadcast %shift_left3A_1373 : i32 to vector<16xi32>
        %shift_left3A_1375 = arith.shli %get3A_1372, %shift_left3A_1374 : vector<16xi32>
        %bitcast_convert_type3A_1376 = tpu.bitcast %shift_left3A_1375 : vector<16xi32> -> vector<16xf32>
        %bitcast_convert_type3A_1377 = tpu.bitcast %get3A_1372 : vector<16xi32> -> vector<16xf32>
        %mul3A_1378 = arith.mulf %broadcast_in_dim3A_1279, %bitcast_convert_type3A_1376 : vector<16xf32>
        %add3A_1379 = arith.addf %add3A_1260, %mul3A_1378 : vector<16xf32>
        %mul3A_1380 = arith.mulf %broadcast_in_dim3A_1279, %bitcast_convert_type3A_1377 : vector<16xf32>
        %add3A_1381 = arith.addf %add3A_1262, %mul3A_1380 : vector<16xf32>
        %get3A_1382 = arith.index_cast %select_n3A_135 : i32 to index
        %get3A_1383 = arith.index_cast %add3A_1283 : i32 to index
        %get3A_1384 = arith.constant 112 : index
        %get3A_1385 = tpu.vector_load %arg8[%get3A_1382, %get3A_1383, %get3A_1384] {strides = array<i32>} : memref<3x112x128xi32, #tpu.memory_space<vmem>>, vector<1x1x16xi32>,
        %get3A_1386 = vector.shape_cast %get3A_1385 : vector<1x1x16xi32> to vector<16xi32>
        %shift_left3A_1387 = arith.constant 16 : i32
        %shift_left3A_1388 = vector.broadcast %shift_left3A_1387 : i32 to vector<16xi32>
        %shift_left3A_1389 = arith.shli %get3A_1386, %shift_left3A_1388 : vector<16xi32>
        %bitcast_convert_type3A_1390 = tpu.bitcast %shift_left3A_1389 : vector<16xi32> -> vector<16xf32>
        %bitcast_convert_type3A_1391 = tpu.bitcast %get3A_1386 : vector<16xi32> -> vector<16xf32>
        %mul3A_1392 = arith.mulf %broadcast_in_dim3A_1279, %bitcast_convert_type3A_1390 : vector<16xf32>
        %add3A_1393 = arith.addf %add3A_1274, %mul3A_1392 : vector<16xf32>
        %mul3A_1394 = arith.mulf %broadcast_in_dim3A_1279, %bitcast_convert_type3A_1391 : vector<16xf32>
        %add3A_1395 = arith.addf %add3A_1276, %mul3A_1394 : vector<16xf32>
        %slice3A_1396 = vector.extract_strided_slice %get3A_208 {offsets = [10], sizes = [1], strides = [1]} : vector<16xf32> to vector<1xf32>
        %squeeze3A_1397 = vector.extract %slice3A_1396[0] : f32 from vector<1xf32>
        %broadcast_in_dim3A_1398 = vector.broadcast %squeeze3A_1397 : f32 to vector<16xf32>
        %mul3A_1399 = arith.constant 16 : i32
        %mul3A_1400 = arith.muli %scan3A_194, %mul3A_1399 : i32
        %add3A_1401 = arith.constant 10 : i32
        %add3A_1402 = arith.addi %mul3A_1400, %add3A_1401 : i32
        %get3A_1403 = arith.index_cast %select_n3A_135 : i32 to index
        %get3A_1404 = arith.index_cast %add3A_1402 : i32 to index
        %get3A_1405 = arith.constant 0 : index
        %get3A_1406 = tpu.vector_load %arg8[%get3A_1403, %get3A_1404, %get3A_1405] {strides = array<i32>} : memref<3x112x128xi32, #tpu.memory_space<vmem>>, vector<1x1x16xi32>,
        %get3A_1407 = vector.shape_cast %get3A_1406 : vector<1x1x16xi32> to vector<16xi32>
        %shift_left3A_1408 = arith.constant 16 : i32
        %shift_left3A_1409 = vector.broadcast %shift_left3A_1408 : i32 to vector<16xi32>
        %shift_left3A_1410 = arith.shli %get3A_1407, %shift_left3A_1409 : vector<16xi32>
        %bitcast_convert_type3A_1411 = tpu.bitcast %shift_left3A_1410 : vector<16xi32> -> vector<16xf32>
        %bitcast_convert_type3A_1412 = tpu.bitcast %get3A_1407 : vector<16xi32> -> vector<16xf32>
        %mul3A_1413 = arith.mulf %broadcast_in_dim3A_1398, %bitcast_convert_type3A_1411 : vector<16xf32>
        %add3A_1414 = arith.addf %add3A_1295, %mul3A_1413 : vector<16xf32>
        %mul3A_1415 = arith.mulf %broadcast_in_dim3A_1398, %bitcast_convert_type3A_1412 : vector<16xf32>
        %add3A_1416 = arith.addf %add3A_1297, %mul3A_1415 : vector<16xf32>
        %get3A_1417 = arith.index_cast %select_n3A_135 : i32 to index
        %get3A_1418 = arith.index_cast %add3A_1402 : i32 to index
        %get3A_1419 = arith.constant 16 : index
        %get3A_1420 = tpu.vector_load %arg8[%get3A_1417, %get3A_1418, %get3A_1419] {strides = array<i32>} : memref<3x112x128xi32, #tpu.memory_space<vmem>>, vector<1x1x16xi32>,
        %get3A_1421 = vector.shape_cast %get3A_1420 : vector<1x1x16xi32> to vector<16xi32>
        %shift_left3A_1422 = arith.constant 16 : i32
        %shift_left3A_1423 = vector.broadcast %shift_left3A_1422 : i32 to vector<16xi32>
        %shift_left3A_1424 = arith.shli %get3A_1421, %shift_left3A_1423 : vector<16xi32>
        %bitcast_convert_type3A_1425 = tpu.bitcast %shift_left3A_1424 : vector<16xi32> -> vector<16xf32>
        %bitcast_convert_type3A_1426 = tpu.bitcast %get3A_1421 : vector<16xi32> -> vector<16xf32>
        %mul3A_1427 = arith.mulf %broadcast_in_dim3A_1398, %bitcast_convert_type3A_1425 : vector<16xf32>
        %add3A_1428 = arith.addf %add3A_1309, %mul3A_1427 : vector<16xf32>
        %mul3A_1429 = arith.mulf %broadcast_in_dim3A_1398, %bitcast_convert_type3A_1426 : vector<16xf32>
        %add3A_1430 = arith.addf %add3A_1311, %mul3A_1429 : vector<16xf32>
        %get3A_1431 = arith.index_cast %select_n3A_135 : i32 to index
        %get3A_1432 = arith.index_cast %add3A_1402 : i32 to index
        %get3A_1433 = arith.constant 32 : index
        %get3A_1434 = tpu.vector_load %arg8[%get3A_1431, %get3A_1432, %get3A_1433] {strides = array<i32>} : memref<3x112x128xi32, #tpu.memory_space<vmem>>, vector<1x1x16xi32>,
        %get3A_1435 = vector.shape_cast %get3A_1434 : vector<1x1x16xi32> to vector<16xi32>
        %shift_left3A_1436 = arith.constant 16 : i32
        %shift_left3A_1437 = vector.broadcast %shift_left3A_1436 : i32 to vector<16xi32>
        %shift_left3A_1438 = arith.shli %get3A_1435, %shift_left3A_1437 : vector<16xi32>
        %bitcast_convert_type3A_1439 = tpu.bitcast %shift_left3A_1438 : vector<16xi32> -> vector<16xf32>
        %bitcast_convert_type3A_1440 = tpu.bitcast %get3A_1435 : vector<16xi32> -> vector<16xf32>
        %mul3A_1441 = arith.mulf %broadcast_in_dim3A_1398, %bitcast_convert_type3A_1439 : vector<16xf32>
        %add3A_1442 = arith.addf %add3A_1323, %mul3A_1441 : vector<16xf32>
        %mul3A_1443 = arith.mulf %broadcast_in_dim3A_1398, %bitcast_convert_type3A_1440 : vector<16xf32>
        %add3A_1444 = arith.addf %add3A_1325, %mul3A_1443 : vector<16xf32>
        %get3A_1445 = arith.index_cast %select_n3A_135 : i32 to index
        %get3A_1446 = arith.index_cast %add3A_1402 : i32 to index
        %get3A_1447 = arith.constant 48 : index
        %get3A_1448 = tpu.vector_load %arg8[%get3A_1445, %get3A_1446, %get3A_1447] {strides = array<i32>} : memref<3x112x128xi32, #tpu.memory_space<vmem>>, vector<1x1x16xi32>,
        %get3A_1449 = vector.shape_cast %get3A_1448 : vector<1x1x16xi32> to vector<16xi32>
        %shift_left3A_1450 = arith.constant 16 : i32
        %shift_left3A_1451 = vector.broadcast %shift_left3A_1450 : i32 to vector<16xi32>
        %shift_left3A_1452 = arith.shli %get3A_1449, %shift_left3A_1451 : vector<16xi32>
        %bitcast_convert_type3A_1453 = tpu.bitcast %shift_left3A_1452 : vector<16xi32> -> vector<16xf32>
        %bitcast_convert_type3A_1454 = tpu.bitcast %get3A_1449 : vector<16xi32> -> vector<16xf32>
        %mul3A_1455 = arith.mulf %broadcast_in_dim3A_1398, %bitcast_convert_type3A_1453 : vector<16xf32>
        %add3A_1456 = arith.addf %add3A_1337, %mul3A_1455 : vector<16xf32>
        %mul3A_1457 = arith.mulf %broadcast_in_dim3A_1398, %bitcast_convert_type3A_1454 : vector<16xf32>
        %add3A_1458 = arith.addf %add3A_1339, %mul3A_1457 : vector<16xf32>
        %get3A_1459 = arith.index_cast %select_n3A_135 : i32 to index
        %get3A_1460 = arith.index_cast %add3A_1402 : i32 to index
        %get3A_1461 = arith.constant 64 : index
        %get3A_1462 = tpu.vector_load %arg8[%get3A_1459, %get3A_1460, %get3A_1461] {strides = array<i32>} : memref<3x112x128xi32, #tpu.memory_space<vmem>>, vector<1x1x16xi32>,
        %get3A_1463 = vector.shape_cast %get3A_1462 : vector<1x1x16xi32> to vector<16xi32>
        %shift_left3A_1464 = arith.constant 16 : i32
        %shift_left3A_1465 = vector.broadcast %shift_left3A_1464 : i32 to vector<16xi32>
        %shift_left3A_1466 = arith.shli %get3A_1463, %shift_left3A_1465 : vector<16xi32>
        %bitcast_convert_type3A_1467 = tpu.bitcast %shift_left3A_1466 : vector<16xi32> -> vector<16xf32>
        %bitcast_convert_type3A_1468 = tpu.bitcast %get3A_1463 : vector<16xi32> -> vector<16xf32>
        %mul3A_1469 = arith.mulf %broadcast_in_dim3A_1398, %bitcast_convert_type3A_1467 : vector<16xf32>
        %add3A_1470 = arith.addf %add3A_1351, %mul3A_1469 : vector<16xf32>
        %mul3A_1471 = arith.mulf %broadcast_in_dim3A_1398, %bitcast_convert_type3A_1468 : vector<16xf32>
        %add3A_1472 = arith.addf %add3A_1353, %mul3A_1471 : vector<16xf32>
        %get3A_1473 = arith.index_cast %select_n3A_135 : i32 to index
        %get3A_1474 = arith.index_cast %add3A_1402 : i32 to index
        %get3A_1475 = arith.constant 80 : index
        %get3A_1476 = tpu.vector_load %arg8[%get3A_1473, %get3A_1474, %get3A_1475] {strides = array<i32>} : memref<3x112x128xi32, #tpu.memory_space<vmem>>, vector<1x1x16xi32>,
        %get3A_1477 = vector.shape_cast %get3A_1476 : vector<1x1x16xi32> to vector<16xi32>
        %shift_left3A_1478 = arith.constant 16 : i32
        %shift_left3A_1479 = vector.broadcast %shift_left3A_1478 : i32 to vector<16xi32>
        %shift_left3A_1480 = arith.shli %get3A_1477, %shift_left3A_1479 : vector<16xi32>
        %bitcast_convert_type3A_1481 = tpu.bitcast %shift_left3A_1480 : vector<16xi32> -> vector<16xf32>
        %bitcast_convert_type3A_1482 = tpu.bitcast %get3A_1477 : vector<16xi32> -> vector<16xf32>
        %mul3A_1483 = arith.mulf %broadcast_in_dim3A_1398, %bitcast_convert_type3A_1481 : vector<16xf32>
        %add3A_1484 = arith.addf %add3A_1365, %mul3A_1483 : vector<16xf32>
        %mul3A_1485 = arith.mulf %broadcast_in_dim3A_1398, %bitcast_convert_type3A_1482 : vector<16xf32>
        %add3A_1486 = arith.addf %add3A_1367, %mul3A_1485 : vector<16xf32>
        %get3A_1487 = arith.index_cast %select_n3A_135 : i32 to index
        %get3A_1488 = arith.index_cast %add3A_1402 : i32 to index
        %get3A_1489 = arith.constant 96 : index
        %get3A_1490 = tpu.vector_load %arg8[%get3A_1487, %get3A_1488, %get3A_1489] {strides = array<i32>} : memref<3x112x128xi32, #tpu.memory_space<vmem>>, vector<1x1x16xi32>,
        %get3A_1491 = vector.shape_cast %get3A_1490 : vector<1x1x16xi32> to vector<16xi32>
        %shift_left3A_1492 = arith.constant 16 : i32
        %shift_left3A_1493 = vector.broadcast %shift_left3A_1492 : i32 to vector<16xi32>
        %shift_left3A_1494 = arith.shli %get3A_1491, %shift_left3A_1493 : vector<16xi32>
        %bitcast_convert_type3A_1495 = tpu.bitcast %shift_left3A_1494 : vector<16xi32> -> vector<16xf32>
        %bitcast_convert_type3A_1496 = tpu.bitcast %get3A_1491 : vector<16xi32> -> vector<16xf32>
        %mul3A_1497 = arith.mulf %broadcast_in_dim3A_1398, %bitcast_convert_type3A_1495 : vector<16xf32>
        %add3A_1498 = arith.addf %add3A_1379, %mul3A_1497 : vector<16xf32>
        %mul3A_1499 = arith.mulf %broadcast_in_dim3A_1398, %bitcast_convert_type3A_1496 : vector<16xf32>
        %add3A_1500 = arith.addf %add3A_1381, %mul3A_1499 : vector<16xf32>
        %get3A_1501 = arith.index_cast %select_n3A_135 : i32 to index
        %get3A_1502 = arith.index_cast %add3A_1402 : i32 to index
        %get3A_1503 = arith.constant 112 : index
        %get3A_1504 = tpu.vector_load %arg8[%get3A_1501, %get3A_1502, %get3A_1503] {strides = array<i32>} : memref<3x112x128xi32, #tpu.memory_space<vmem>>, vector<1x1x16xi32>,
        %get3A_1505 = vector.shape_cast %get3A_1504 : vector<1x1x16xi32> to vector<16xi32>
        %shift_left3A_1506 = arith.constant 16 : i32
        %shift_left3A_1507 = vector.broadcast %shift_left3A_1506 : i32 to vector<16xi32>
        %shift_left3A_1508 = arith.shli %get3A_1505, %shift_left3A_1507 : vector<16xi32>
        %bitcast_convert_type3A_1509 = tpu.bitcast %shift_left3A_1508 : vector<16xi32> -> vector<16xf32>
        %bitcast_convert_type3A_1510 = tpu.bitcast %get3A_1505 : vector<16xi32> -> vector<16xf32>
        %mul3A_1511 = arith.mulf %broadcast_in_dim3A_1398, %bitcast_convert_type3A_1509 : vector<16xf32>
        %add3A_1512 = arith.addf %add3A_1393, %mul3A_1511 : vector<16xf32>
        %mul3A_1513 = arith.mulf %broadcast_in_dim3A_1398, %bitcast_convert_type3A_1510 : vector<16xf32>
        %add3A_1514 = arith.addf %add3A_1395, %mul3A_1513 : vector<16xf32>
        %slice3A_1515 = vector.extract_strided_slice %get3A_208 {offsets = [11], sizes = [1], strides = [1]} : vector<16xf32> to vector<1xf32>
        %squeeze3A_1516 = vector.extract %slice3A_1515[0] : f32 from vector<1xf32>
        %broadcast_in_dim3A_1517 = vector.broadcast %squeeze3A_1516 : f32 to vector<16xf32>
        %mul3A_1518 = arith.constant 16 : i32
        %mul3A_1519 = arith.muli %scan3A_194, %mul3A_1518 : i32
        %add3A_1520 = arith.constant 11 : i32
        %add3A_1521 = arith.addi %mul3A_1519, %add3A_1520 : i32
        %get3A_1522 = arith.index_cast %select_n3A_135 : i32 to index
        %get3A_1523 = arith.index_cast %add3A_1521 : i32 to index
        %get3A_1524 = arith.constant 0 : index
        %get3A_1525 = tpu.vector_load %arg8[%get3A_1522, %get3A_1523, %get3A_1524] {strides = array<i32>} : memref<3x112x128xi32, #tpu.memory_space<vmem>>, vector<1x1x16xi32>,
        %get3A_1526 = vector.shape_cast %get3A_1525 : vector<1x1x16xi32> to vector<16xi32>
        %shift_left3A_1527 = arith.constant 16 : i32
        %shift_left3A_1528 = vector.broadcast %shift_left3A_1527 : i32 to vector<16xi32>
        %shift_left3A_1529 = arith.shli %get3A_1526, %shift_left3A_1528 : vector<16xi32>
        %bitcast_convert_type3A_1530 = tpu.bitcast %shift_left3A_1529 : vector<16xi32> -> vector<16xf32>
        %bitcast_convert_type3A_1531 = tpu.bitcast %get3A_1526 : vector<16xi32> -> vector<16xf32>
        %mul3A_1532 = arith.mulf %broadcast_in_dim3A_1517, %bitcast_convert_type3A_1530 : vector<16xf32>
        %add3A_1533 = arith.addf %add3A_1414, %mul3A_1532 : vector<16xf32>
        %mul3A_1534 = arith.mulf %broadcast_in_dim3A_1517, %bitcast_convert_type3A_1531 : vector<16xf32>
        %add3A_1535 = arith.addf %add3A_1416, %mul3A_1534 : vector<16xf32>
        %get3A_1536 = arith.index_cast %select_n3A_135 : i32 to index
        %get3A_1537 = arith.index_cast %add3A_1521 : i32 to index
        %get3A_1538 = arith.constant 16 : index
        %get3A_1539 = tpu.vector_load %arg8[%get3A_1536, %get3A_1537, %get3A_1538] {strides = array<i32>} : memref<3x112x128xi32, #tpu.memory_space<vmem>>, vector<1x1x16xi32>,
        %get3A_1540 = vector.shape_cast %get3A_1539 : vector<1x1x16xi32> to vector<16xi32>
        %shift_left3A_1541 = arith.constant 16 : i32
        %shift_left3A_1542 = vector.broadcast %shift_left3A_1541 : i32 to vector<16xi32>
        %shift_left3A_1543 = arith.shli %get3A_1540, %shift_left3A_1542 : vector<16xi32>
        %bitcast_convert_type3A_1544 = tpu.bitcast %shift_left3A_1543 : vector<16xi32> -> vector<16xf32>
        %bitcast_convert_type3A_1545 = tpu.bitcast %get3A_1540 : vector<16xi32> -> vector<16xf32>
        %mul3A_1546 = arith.mulf %broadcast_in_dim3A_1517, %bitcast_convert_type3A_1544 : vector<16xf32>
        %add3A_1547 = arith.addf %add3A_1428, %mul3A_1546 : vector<16xf32>
        %mul3A_1548 = arith.mulf %broadcast_in_dim3A_1517, %bitcast_convert_type3A_1545 : vector<16xf32>
        %add3A_1549 = arith.addf %add3A_1430, %mul3A_1548 : vector<16xf32>
        %get3A_1550 = arith.index_cast %select_n3A_135 : i32 to index
        %get3A_1551 = arith.index_cast %add3A_1521 : i32 to index
        %get3A_1552 = arith.constant 32 : index
        %get3A_1553 = tpu.vector_load %arg8[%get3A_1550, %get3A_1551, %get3A_1552] {strides = array<i32>} : memref<3x112x128xi32, #tpu.memory_space<vmem>>, vector<1x1x16xi32>,
        %get3A_1554 = vector.shape_cast %get3A_1553 : vector<1x1x16xi32> to vector<16xi32>
        %shift_left3A_1555 = arith.constant 16 : i32
        %shift_left3A_1556 = vector.broadcast %shift_left3A_1555 : i32 to vector<16xi32>
        %shift_left3A_1557 = arith.shli %get3A_1554, %shift_left3A_1556 : vector<16xi32>
        %bitcast_convert_type3A_1558 = tpu.bitcast %shift_left3A_1557 : vector<16xi32> -> vector<16xf32>
        %bitcast_convert_type3A_1559 = tpu.bitcast %get3A_1554 : vector<16xi32> -> vector<16xf32>
        %mul3A_1560 = arith.mulf %broadcast_in_dim3A_1517, %bitcast_convert_type3A_1558 : vector<16xf32>
        %add3A_1561 = arith.addf %add3A_1442, %mul3A_1560 : vector<16xf32>
        %mul3A_1562 = arith.mulf %broadcast_in_dim3A_1517, %bitcast_convert_type3A_1559 : vector<16xf32>
        %add3A_1563 = arith.addf %add3A_1444, %mul3A_1562 : vector<16xf32>
        %get3A_1564 = arith.index_cast %select_n3A_135 : i32 to index
        %get3A_1565 = arith.index_cast %add3A_1521 : i32 to index
        %get3A_1566 = arith.constant 48 : index
        %get3A_1567 = tpu.vector_load %arg8[%get3A_1564, %get3A_1565, %get3A_1566] {strides = array<i32>} : memref<3x112x128xi32, #tpu.memory_space<vmem>>, vector<1x1x16xi32>,
        %get3A_1568 = vector.shape_cast %get3A_1567 : vector<1x1x16xi32> to vector<16xi32>
        %shift_left3A_1569 = arith.constant 16 : i32
        %shift_left3A_1570 = vector.broadcast %shift_left3A_1569 : i32 to vector<16xi32>
        %shift_left3A_1571 = arith.shli %get3A_1568, %shift_left3A_1570 : vector<16xi32>
        %bitcast_convert_type3A_1572 = tpu.bitcast %shift_left3A_1571 : vector<16xi32> -> vector<16xf32>
        %bitcast_convert_type3A_1573 = tpu.bitcast %get3A_1568 : vector<16xi32> -> vector<16xf32>
        %mul3A_1574 = arith.mulf %broadcast_in_dim3A_1517, %bitcast_convert_type3A_1572 : vector<16xf32>
        %add3A_1575 = arith.addf %add3A_1456, %mul3A_1574 : vector<16xf32>
        %mul3A_1576 = arith.mulf %broadcast_in_dim3A_1517, %bitcast_convert_type3A_1573 : vector<16xf32>
        %add3A_1577 = arith.addf %add3A_1458, %mul3A_1576 : vector<16xf32>
        %get3A_1578 = arith.index_cast %select_n3A_135 : i32 to index
        %get3A_1579 = arith.index_cast %add3A_1521 : i32 to index
        %get3A_1580 = arith.constant 64 : index
        %get3A_1581 = tpu.vector_load %arg8[%get3A_1578, %get3A_1579, %get3A_1580] {strides = array<i32>} : memref<3x112x128xi32, #tpu.memory_space<vmem>>, vector<1x1x16xi32>,
        %get3A_1582 = vector.shape_cast %get3A_1581 : vector<1x1x16xi32> to vector<16xi32>
        %shift_left3A_1583 = arith.constant 16 : i32
        %shift_left3A_1584 = vector.broadcast %shift_left3A_1583 : i32 to vector<16xi32>
        %shift_left3A_1585 = arith.shli %get3A_1582, %shift_left3A_1584 : vector<16xi32>
        %bitcast_convert_type3A_1586 = tpu.bitcast %shift_left3A_1585 : vector<16xi32> -> vector<16xf32>
        %bitcast_convert_type3A_1587 = tpu.bitcast %get3A_1582 : vector<16xi32> -> vector<16xf32>
        %mul3A_1588 = arith.mulf %broadcast_in_dim3A_1517, %bitcast_convert_type3A_1586 : vector<16xf32>
        %add3A_1589 = arith.addf %add3A_1470, %mul3A_1588 : vector<16xf32>
        %mul3A_1590 = arith.mulf %broadcast_in_dim3A_1517, %bitcast_convert_type3A_1587 : vector<16xf32>
        %add3A_1591 = arith.addf %add3A_1472, %mul3A_1590 : vector<16xf32>
        %get3A_1592 = arith.index_cast %select_n3A_135 : i32 to index
        %get3A_1593 = arith.index_cast %add3A_1521 : i32 to index
        %get3A_1594 = arith.constant 80 : index
        %get3A_1595 = tpu.vector_load %arg8[%get3A_1592, %get3A_1593, %get3A_1594] {strides = array<i32>} : memref<3x112x128xi32, #tpu.memory_space<vmem>>, vector<1x1x16xi32>,
        %get3A_1596 = vector.shape_cast %get3A_1595 : vector<1x1x16xi32> to vector<16xi32>
        %shift_left3A_1597 = arith.constant 16 : i32
        %shift_left3A_1598 = vector.broadcast %shift_left3A_1597 : i32 to vector<16xi32>
        %shift_left3A_1599 = arith.shli %get3A_1596, %shift_left3A_1598 : vector<16xi32>
        %bitcast_convert_type3A_1600 = tpu.bitcast %shift_left3A_1599 : vector<16xi32> -> vector<16xf32>
        %bitcast_convert_type3A_1601 = tpu.bitcast %get3A_1596 : vector<16xi32> -> vector<16xf32>
        %mul3A_1602 = arith.mulf %broadcast_in_dim3A_1517, %bitcast_convert_type3A_1600 : vector<16xf32>
        %add3A_1603 = arith.addf %add3A_1484, %mul3A_1602 : vector<16xf32>
        %mul3A_1604 = arith.mulf %broadcast_in_dim3A_1517, %bitcast_convert_type3A_1601 : vector<16xf32>
        %add3A_1605 = arith.addf %add3A_1486, %mul3A_1604 : vector<16xf32>
        %get3A_1606 = arith.index_cast %select_n3A_135 : i32 to index
        %get3A_1607 = arith.index_cast %add3A_1521 : i32 to index
        %get3A_1608 = arith.constant 96 : index
        %get3A_1609 = tpu.vector_load %arg8[%get3A_1606, %get3A_1607, %get3A_1608] {strides = array<i32>} : memref<3x112x128xi32, #tpu.memory_space<vmem>>, vector<1x1x16xi32>,
        %get3A_1610 = vector.shape_cast %get3A_1609 : vector<1x1x16xi32> to vector<16xi32>
        %shift_left3A_1611 = arith.constant 16 : i32
        %shift_left3A_1612 = vector.broadcast %shift_left3A_1611 : i32 to vector<16xi32>
        %shift_left3A_1613 = arith.shli %get3A_1610, %shift_left3A_1612 : vector<16xi32>
        %bitcast_convert_type3A_1614 = tpu.bitcast %shift_left3A_1613 : vector<16xi32> -> vector<16xf32>
        %bitcast_convert_type3A_1615 = tpu.bitcast %get3A_1610 : vector<16xi32> -> vector<16xf32>
        %mul3A_1616 = arith.mulf %broadcast_in_dim3A_1517, %bitcast_convert_type3A_1614 : vector<16xf32>
        %add3A_1617 = arith.addf %add3A_1498, %mul3A_1616 : vector<16xf32>
        %mul3A_1618 = arith.mulf %broadcast_in_dim3A_1517, %bitcast_convert_type3A_1615 : vector<16xf32>
        %add3A_1619 = arith.addf %add3A_1500, %mul3A_1618 : vector<16xf32>
        %get3A_1620 = arith.index_cast %select_n3A_135 : i32 to index
        %get3A_1621 = arith.index_cast %add3A_1521 : i32 to index
        %get3A_1622 = arith.constant 112 : index
        %get3A_1623 = tpu.vector_load %arg8[%get3A_1620, %get3A_1621, %get3A_1622] {strides = array<i32>} : memref<3x112x128xi32, #tpu.memory_space<vmem>>, vector<1x1x16xi32>,
        %get3A_1624 = vector.shape_cast %get3A_1623 : vector<1x1x16xi32> to vector<16xi32>
        %shift_left3A_1625 = arith.constant 16 : i32
        %shift_left3A_1626 = vector.broadcast %shift_left3A_1625 : i32 to vector<16xi32>
        %shift_left3A_1627 = arith.shli %get3A_1624, %shift_left3A_1626 : vector<16xi32>
        %bitcast_convert_type3A_1628 = tpu.bitcast %shift_left3A_1627 : vector<16xi32> -> vector<16xf32>
        %bitcast_convert_type3A_1629 = tpu.bitcast %get3A_1624 : vector<16xi32> -> vector<16xf32>
        %mul3A_1630 = arith.mulf %broadcast_in_dim3A_1517, %bitcast_convert_type3A_1628 : vector<16xf32>
        %add3A_1631 = arith.addf %add3A_1512, %mul3A_1630 : vector<16xf32>
        %mul3A_1632 = arith.mulf %broadcast_in_dim3A_1517, %bitcast_convert_type3A_1629 : vector<16xf32>
        %add3A_1633 = arith.addf %add3A_1514, %mul3A_1632 : vector<16xf32>
        %slice3A_1634 = vector.extract_strided_slice %get3A_208 {offsets = [12], sizes = [1], strides = [1]} : vector<16xf32> to vector<1xf32>
        %squeeze3A_1635 = vector.extract %slice3A_1634[0] : f32 from vector<1xf32>
        %broadcast_in_dim3A_1636 = vector.broadcast %squeeze3A_1635 : f32 to vector<16xf32>
        %mul3A_1637 = arith.constant 16 : i32
        %mul3A_1638 = arith.muli %scan3A_194, %mul3A_1637 : i32
        %add3A_1639 = arith.constant 12 : i32
        %add3A_1640 = arith.addi %mul3A_1638, %add3A_1639 : i32
        %get3A_1641 = arith.index_cast %select_n3A_135 : i32 to index
        %get3A_1642 = arith.index_cast %add3A_1640 : i32 to index
        %get3A_1643 = arith.constant 0 : index
        %get3A_1644 = tpu.vector_load %arg8[%get3A_1641, %get3A_1642, %get3A_1643] {strides = array<i32>} : memref<3x112x128xi32, #tpu.memory_space<vmem>>, vector<1x1x16xi32>,
        %get3A_1645 = vector.shape_cast %get3A_1644 : vector<1x1x16xi32> to vector<16xi32>
        %shift_left3A_1646 = arith.constant 16 : i32
        %shift_left3A_1647 = vector.broadcast %shift_left3A_1646 : i32 to vector<16xi32>
        %shift_left3A_1648 = arith.shli %get3A_1645, %shift_left3A_1647 : vector<16xi32>
        %bitcast_convert_type3A_1649 = tpu.bitcast %shift_left3A_1648 : vector<16xi32> -> vector<16xf32>
        %bitcast_convert_type3A_1650 = tpu.bitcast %get3A_1645 : vector<16xi32> -> vector<16xf32>
        %mul3A_1651 = arith.mulf %broadcast_in_dim3A_1636, %bitcast_convert_type3A_1649 : vector<16xf32>
        %add3A_1652 = arith.addf %add3A_1533, %mul3A_1651 : vector<16xf32>
        %mul3A_1653 = arith.mulf %broadcast_in_dim3A_1636, %bitcast_convert_type3A_1650 : vector<16xf32>
        %add3A_1654 = arith.addf %add3A_1535, %mul3A_1653 : vector<16xf32>
        %get3A_1655 = arith.index_cast %select_n3A_135 : i32 to index
        %get3A_1656 = arith.index_cast %add3A_1640 : i32 to index
        %get3A_1657 = arith.constant 16 : index
        %get3A_1658 = tpu.vector_load %arg8[%get3A_1655, %get3A_1656, %get3A_1657] {strides = array<i32>} : memref<3x112x128xi32, #tpu.memory_space<vmem>>, vector<1x1x16xi32>,
        %get3A_1659 = vector.shape_cast %get3A_1658 : vector<1x1x16xi32> to vector<16xi32>
        %shift_left3A_1660 = arith.constant 16 : i32
        %shift_left3A_1661 = vector.broadcast %shift_left3A_1660 : i32 to vector<16xi32>
        %shift_left3A_1662 = arith.shli %get3A_1659, %shift_left3A_1661 : vector<16xi32>
        %bitcast_convert_type3A_1663 = tpu.bitcast %shift_left3A_1662 : vector<16xi32> -> vector<16xf32>
        %bitcast_convert_type3A_1664 = tpu.bitcast %get3A_1659 : vector<16xi32> -> vector<16xf32>
        %mul3A_1665 = arith.mulf %broadcast_in_dim3A_1636, %bitcast_convert_type3A_1663 : vector<16xf32>
        %add3A_1666 = arith.addf %add3A_1547, %mul3A_1665 : vector<16xf32>
        %mul3A_1667 = arith.mulf %broadcast_in_dim3A_1636, %bitcast_convert_type3A_1664 : vector<16xf32>
        %add3A_1668 = arith.addf %add3A_1549, %mul3A_1667 : vector<16xf32>
        %get3A_1669 = arith.index_cast %select_n3A_135 : i32 to index
        %get3A_1670 = arith.index_cast %add3A_1640 : i32 to index
        %get3A_1671 = arith.constant 32 : index
        %get3A_1672 = tpu.vector_load %arg8[%get3A_1669, %get3A_1670, %get3A_1671] {strides = array<i32>} : memref<3x112x128xi32, #tpu.memory_space<vmem>>, vector<1x1x16xi32>,
        %get3A_1673 = vector.shape_cast %get3A_1672 : vector<1x1x16xi32> to vector<16xi32>
        %shift_left3A_1674 = arith.constant 16 : i32
        %shift_left3A_1675 = vector.broadcast %shift_left3A_1674 : i32 to vector<16xi32>
        %shift_left3A_1676 = arith.shli %get3A_1673, %shift_left3A_1675 : vector<16xi32>
        %bitcast_convert_type3A_1677 = tpu.bitcast %shift_left3A_1676 : vector<16xi32> -> vector<16xf32>
        %bitcast_convert_type3A_1678 = tpu.bitcast %get3A_1673 : vector<16xi32> -> vector<16xf32>
        %mul3A_1679 = arith.mulf %broadcast_in_dim3A_1636, %bitcast_convert_type3A_1677 : vector<16xf32>
        %add3A_1680 = arith.addf %add3A_1561, %mul3A_1679 : vector<16xf32>
        %mul3A_1681 = arith.mulf %broadcast_in_dim3A_1636, %bitcast_convert_type3A_1678 : vector<16xf32>
        %add3A_1682 = arith.addf %add3A_1563, %mul3A_1681 : vector<16xf32>
        %get3A_1683 = arith.index_cast %select_n3A_135 : i32 to index
        %get3A_1684 = arith.index_cast %add3A_1640 : i32 to index
        %get3A_1685 = arith.constant 48 : index
        %get3A_1686 = tpu.vector_load %arg8[%get3A_1683, %get3A_1684, %get3A_1685] {strides = array<i32>} : memref<3x112x128xi32, #tpu.memory_space<vmem>>, vector<1x1x16xi32>,
        %get3A_1687 = vector.shape_cast %get3A_1686 : vector<1x1x16xi32> to vector<16xi32>
        %shift_left3A_1688 = arith.constant 16 : i32
        %shift_left3A_1689 = vector.broadcast %shift_left3A_1688 : i32 to vector<16xi32>
        %shift_left3A_1690 = arith.shli %get3A_1687, %shift_left3A_1689 : vector<16xi32>
        %bitcast_convert_type3A_1691 = tpu.bitcast %shift_left3A_1690 : vector<16xi32> -> vector<16xf32>
        %bitcast_convert_type3A_1692 = tpu.bitcast %get3A_1687 : vector<16xi32> -> vector<16xf32>
        %mul3A_1693 = arith.mulf %broadcast_in_dim3A_1636, %bitcast_convert_type3A_1691 : vector<16xf32>
        %add3A_1694 = arith.addf %add3A_1575, %mul3A_1693 : vector<16xf32>
        %mul3A_1695 = arith.mulf %broadcast_in_dim3A_1636, %bitcast_convert_type3A_1692 : vector<16xf32>
        %add3A_1696 = arith.addf %add3A_1577, %mul3A_1695 : vector<16xf32>
        %get3A_1697 = arith.index_cast %select_n3A_135 : i32 to index
        %get3A_1698 = arith.index_cast %add3A_1640 : i32 to index
        %get3A_1699 = arith.constant 64 : index
        %get3A_1700 = tpu.vector_load %arg8[%get3A_1697, %get3A_1698, %get3A_1699] {strides = array<i32>} : memref<3x112x128xi32, #tpu.memory_space<vmem>>, vector<1x1x16xi32>,
        %get3A_1701 = vector.shape_cast %get3A_1700 : vector<1x1x16xi32> to vector<16xi32>
        %shift_left3A_1702 = arith.constant 16 : i32
        %shift_left3A_1703 = vector.broadcast %shift_left3A_1702 : i32 to vector<16xi32>
        %shift_left3A_1704 = arith.shli %get3A_1701, %shift_left3A_1703 : vector<16xi32>
        %bitcast_convert_type3A_1705 = tpu.bitcast %shift_left3A_1704 : vector<16xi32> -> vector<16xf32>
        %bitcast_convert_type3A_1706 = tpu.bitcast %get3A_1701 : vector<16xi32> -> vector<16xf32>
        %mul3A_1707 = arith.mulf %broadcast_in_dim3A_1636, %bitcast_convert_type3A_1705 : vector<16xf32>
        %add3A_1708 = arith.addf %add3A_1589, %mul3A_1707 : vector<16xf32>
        %mul3A_1709 = arith.mulf %broadcast_in_dim3A_1636, %bitcast_convert_type3A_1706 : vector<16xf32>
        %add3A_1710 = arith.addf %add3A_1591, %mul3A_1709 : vector<16xf32>
        %get3A_1711 = arith.index_cast %select_n3A_135 : i32 to index
        %get3A_1712 = arith.index_cast %add3A_1640 : i32 to index
        %get3A_1713 = arith.constant 80 : index
        %get3A_1714 = tpu.vector_load %arg8[%get3A_1711, %get3A_1712, %get3A_1713] {strides = array<i32>} : memref<3x112x128xi32, #tpu.memory_space<vmem>>, vector<1x1x16xi32>,
        %get3A_1715 = vector.shape_cast %get3A_1714 : vector<1x1x16xi32> to vector<16xi32>
        %shift_left3A_1716 = arith.constant 16 : i32
        %shift_left3A_1717 = vector.broadcast %shift_left3A_1716 : i32 to vector<16xi32>
        %shift_left3A_1718 = arith.shli %get3A_1715, %shift_left3A_1717 : vector<16xi32>
        %bitcast_convert_type3A_1719 = tpu.bitcast %shift_left3A_1718 : vector<16xi32> -> vector<16xf32>
        %bitcast_convert_type3A_1720 = tpu.bitcast %get3A_1715 : vector<16xi32> -> vector<16xf32>
        %mul3A_1721 = arith.mulf %broadcast_in_dim3A_1636, %bitcast_convert_type3A_1719 : vector<16xf32>
        %add3A_1722 = arith.addf %add3A_1603, %mul3A_1721 : vector<16xf32>
        %mul3A_1723 = arith.mulf %broadcast_in_dim3A_1636, %bitcast_convert_type3A_1720 : vector<16xf32>
        %add3A_1724 = arith.addf %add3A_1605, %mul3A_1723 : vector<16xf32>
        %get3A_1725 = arith.index_cast %select_n3A_135 : i32 to index
        %get3A_1726 = arith.index_cast %add3A_1640 : i32 to index
        %get3A_1727 = arith.constant 96 : index
        %get3A_1728 = tpu.vector_load %arg8[%get3A_1725, %get3A_1726, %get3A_1727] {strides = array<i32>} : memref<3x112x128xi32, #tpu.memory_space<vmem>>, vector<1x1x16xi32>,
        %get3A_1729 = vector.shape_cast %get3A_1728 : vector<1x1x16xi32> to vector<16xi32>
        %shift_left3A_1730 = arith.constant 16 : i32
        %shift_left3A_1731 = vector.broadcast %shift_left3A_1730 : i32 to vector<16xi32>
        %shift_left3A_1732 = arith.shli %get3A_1729, %shift_left3A_1731 : vector<16xi32>
        %bitcast_convert_type3A_1733 = tpu.bitcast %shift_left3A_1732 : vector<16xi32> -> vector<16xf32>
        %bitcast_convert_type3A_1734 = tpu.bitcast %get3A_1729 : vector<16xi32> -> vector<16xf32>
        %mul3A_1735 = arith.mulf %broadcast_in_dim3A_1636, %bitcast_convert_type3A_1733 : vector<16xf32>
        %add3A_1736 = arith.addf %add3A_1617, %mul3A_1735 : vector<16xf32>
        %mul3A_1737 = arith.mulf %broadcast_in_dim3A_1636, %bitcast_convert_type3A_1734 : vector<16xf32>
        %add3A_1738 = arith.addf %add3A_1619, %mul3A_1737 : vector<16xf32>
        %get3A_1739 = arith.index_cast %select_n3A_135 : i32 to index
        %get3A_1740 = arith.index_cast %add3A_1640 : i32 to index
        %get3A_1741 = arith.constant 112 : index
        %get3A_1742 = tpu.vector_load %arg8[%get3A_1739, %get3A_1740, %get3A_1741] {strides = array<i32>} : memref<3x112x128xi32, #tpu.memory_space<vmem>>, vector<1x1x16xi32>,
        %get3A_1743 = vector.shape_cast %get3A_1742 : vector<1x1x16xi32> to vector<16xi32>
        %shift_left3A_1744 = arith.constant 16 : i32
        %shift_left3A_1745 = vector.broadcast %shift_left3A_1744 : i32 to vector<16xi32>
        %shift_left3A_1746 = arith.shli %get3A_1743, %shift_left3A_1745 : vector<16xi32>
        %bitcast_convert_type3A_1747 = tpu.bitcast %shift_left3A_1746 : vector<16xi32> -> vector<16xf32>
        %bitcast_convert_type3A_1748 = tpu.bitcast %get3A_1743 : vector<16xi32> -> vector<16xf32>
        %mul3A_1749 = arith.mulf %broadcast_in_dim3A_1636, %bitcast_convert_type3A_1747 : vector<16xf32>
        %add3A_1750 = arith.addf %add3A_1631, %mul3A_1749 : vector<16xf32>
        %mul3A_1751 = arith.mulf %broadcast_in_dim3A_1636, %bitcast_convert_type3A_1748 : vector<16xf32>
        %add3A_1752 = arith.addf %add3A_1633, %mul3A_1751 : vector<16xf32>
        %slice3A_1753 = vector.extract_strided_slice %get3A_208 {offsets = [13], sizes = [1], strides = [1]} : vector<16xf32> to vector<1xf32>
        %squeeze3A_1754 = vector.extract %slice3A_1753[0] : f32 from vector<1xf32>
        %broadcast_in_dim3A_1755 = vector.broadcast %squeeze3A_1754 : f32 to vector<16xf32>
        %mul3A_1756 = arith.constant 16 : i32
        %mul3A_1757 = arith.muli %scan3A_194, %mul3A_1756 : i32
        %add3A_1758 = arith.constant 13 : i32
        %add3A_1759 = arith.addi %mul3A_1757, %add3A_1758 : i32
        %get3A_1760 = arith.index_cast %select_n3A_135 : i32 to index
        %get3A_1761 = arith.index_cast %add3A_1759 : i32 to index
        %get3A_1762 = arith.constant 0 : index
        %get3A_1763 = tpu.vector_load %arg8[%get3A_1760, %get3A_1761, %get3A_1762] {strides = array<i32>} : memref<3x112x128xi32, #tpu.memory_space<vmem>>, vector<1x1x16xi32>,
        %get3A_1764 = vector.shape_cast %get3A_1763 : vector<1x1x16xi32> to vector<16xi32>
        %shift_left3A_1765 = arith.constant 16 : i32
        %shift_left3A_1766 = vector.broadcast %shift_left3A_1765 : i32 to vector<16xi32>
        %shift_left3A_1767 = arith.shli %get3A_1764, %shift_left3A_1766 : vector<16xi32>
        %bitcast_convert_type3A_1768 = tpu.bitcast %shift_left3A_1767 : vector<16xi32> -> vector<16xf32>
        %bitcast_convert_type3A_1769 = tpu.bitcast %get3A_1764 : vector<16xi32> -> vector<16xf32>
        %mul3A_1770 = arith.mulf %broadcast_in_dim3A_1755, %bitcast_convert_type3A_1768 : vector<16xf32>
        %add3A_1771 = arith.addf %add3A_1652, %mul3A_1770 : vector<16xf32>
        %mul3A_1772 = arith.mulf %broadcast_in_dim3A_1755, %bitcast_convert_type3A_1769 : vector<16xf32>
        %add3A_1773 = arith.addf %add3A_1654, %mul3A_1772 : vector<16xf32>
        %get3A_1774 = arith.index_cast %select_n3A_135 : i32 to index
        %get3A_1775 = arith.index_cast %add3A_1759 : i32 to index
        %get3A_1776 = arith.constant 16 : index
        %get3A_1777 = tpu.vector_load %arg8[%get3A_1774, %get3A_1775, %get3A_1776] {strides = array<i32>} : memref<3x112x128xi32, #tpu.memory_space<vmem>>, vector<1x1x16xi32>,
        %get3A_1778 = vector.shape_cast %get3A_1777 : vector<1x1x16xi32> to vector<16xi32>
        %shift_left3A_1779 = arith.constant 16 : i32
        %shift_left3A_1780 = vector.broadcast %shift_left3A_1779 : i32 to vector<16xi32>
        %shift_left3A_1781 = arith.shli %get3A_1778, %shift_left3A_1780 : vector<16xi32>
        %bitcast_convert_type3A_1782 = tpu.bitcast %shift_left3A_1781 : vector<16xi32> -> vector<16xf32>
        %bitcast_convert_type3A_1783 = tpu.bitcast %get3A_1778 : vector<16xi32> -> vector<16xf32>
        %mul3A_1784 = arith.mulf %broadcast_in_dim3A_1755, %bitcast_convert_type3A_1782 : vector<16xf32>
        %add3A_1785 = arith.addf %add3A_1666, %mul3A_1784 : vector<16xf32>
        %mul3A_1786 = arith.mulf %broadcast_in_dim3A_1755, %bitcast_convert_type3A_1783 : vector<16xf32>
        %add3A_1787 = arith.addf %add3A_1668, %mul3A_1786 : vector<16xf32>
        %get3A_1788 = arith.index_cast %select_n3A_135 : i32 to index
        %get3A_1789 = arith.index_cast %add3A_1759 : i32 to index
        %get3A_1790 = arith.constant 32 : index
        %get3A_1791 = tpu.vector_load %arg8[%get3A_1788, %get3A_1789, %get3A_1790] {strides = array<i32>} : memref<3x112x128xi32, #tpu.memory_space<vmem>>, vector<1x1x16xi32>,
        %get3A_1792 = vector.shape_cast %get3A_1791 : vector<1x1x16xi32> to vector<16xi32>
        %shift_left3A_1793 = arith.constant 16 : i32
        %shift_left3A_1794 = vector.broadcast %shift_left3A_1793 : i32 to vector<16xi32>
        %shift_left3A_1795 = arith.shli %get3A_1792, %shift_left3A_1794 : vector<16xi32>
        %bitcast_convert_type3A_1796 = tpu.bitcast %shift_left3A_1795 : vector<16xi32> -> vector<16xf32>
        %bitcast_convert_type3A_1797 = tpu.bitcast %get3A_1792 : vector<16xi32> -> vector<16xf32>
        %mul3A_1798 = arith.mulf %broadcast_in_dim3A_1755, %bitcast_convert_type3A_1796 : vector<16xf32>
        %add3A_1799 = arith.addf %add3A_1680, %mul3A_1798 : vector<16xf32>
        %mul3A_1800 = arith.mulf %broadcast_in_dim3A_1755, %bitcast_convert_type3A_1797 : vector<16xf32>
        %add3A_1801 = arith.addf %add3A_1682, %mul3A_1800 : vector<16xf32>
        %get3A_1802 = arith.index_cast %select_n3A_135 : i32 to index
        %get3A_1803 = arith.index_cast %add3A_1759 : i32 to index
        %get3A_1804 = arith.constant 48 : index
        %get3A_1805 = tpu.vector_load %arg8[%get3A_1802, %get3A_1803, %get3A_1804] {strides = array<i32>} : memref<3x112x128xi32, #tpu.memory_space<vmem>>, vector<1x1x16xi32>,
        %get3A_1806 = vector.shape_cast %get3A_1805 : vector<1x1x16xi32> to vector<16xi32>
        %shift_left3A_1807 = arith.constant 16 : i32
        %shift_left3A_1808 = vector.broadcast %shift_left3A_1807 : i32 to vector<16xi32>
        %shift_left3A_1809 = arith.shli %get3A_1806, %shift_left3A_1808 : vector<16xi32>
        %bitcast_convert_type3A_1810 = tpu.bitcast %shift_left3A_1809 : vector<16xi32> -> vector<16xf32>
        %bitcast_convert_type3A_1811 = tpu.bitcast %get3A_1806 : vector<16xi32> -> vector<16xf32>
        %mul3A_1812 = arith.mulf %broadcast_in_dim3A_1755, %bitcast_convert_type3A_1810 : vector<16xf32>
        %add3A_1813 = arith.addf %add3A_1694, %mul3A_1812 : vector<16xf32>
        %mul3A_1814 = arith.mulf %broadcast_in_dim3A_1755, %bitcast_convert_type3A_1811 : vector<16xf32>
        %add3A_1815 = arith.addf %add3A_1696, %mul3A_1814 : vector<16xf32>
        %get3A_1816 = arith.index_cast %select_n3A_135 : i32 to index
        %get3A_1817 = arith.index_cast %add3A_1759 : i32 to index
        %get3A_1818 = arith.constant 64 : index
        %get3A_1819 = tpu.vector_load %arg8[%get3A_1816, %get3A_1817, %get3A_1818] {strides = array<i32>} : memref<3x112x128xi32, #tpu.memory_space<vmem>>, vector<1x1x16xi32>,
        %get3A_1820 = vector.shape_cast %get3A_1819 : vector<1x1x16xi32> to vector<16xi32>
        %shift_left3A_1821 = arith.constant 16 : i32
        %shift_left3A_1822 = vector.broadcast %shift_left3A_1821 : i32 to vector<16xi32>
        %shift_left3A_1823 = arith.shli %get3A_1820, %shift_left3A_1822 : vector<16xi32>
        %bitcast_convert_type3A_1824 = tpu.bitcast %shift_left3A_1823 : vector<16xi32> -> vector<16xf32>
        %bitcast_convert_type3A_1825 = tpu.bitcast %get3A_1820 : vector<16xi32> -> vector<16xf32>
        %mul3A_1826 = arith.mulf %broadcast_in_dim3A_1755, %bitcast_convert_type3A_1824 : vector<16xf32>
        %add3A_1827 = arith.addf %add3A_1708, %mul3A_1826 : vector<16xf32>
        %mul3A_1828 = arith.mulf %broadcast_in_dim3A_1755, %bitcast_convert_type3A_1825 : vector<16xf32>
        %add3A_1829 = arith.addf %add3A_1710, %mul3A_1828 : vector<16xf32>
        %get3A_1830 = arith.index_cast %select_n3A_135 : i32 to index
        %get3A_1831 = arith.index_cast %add3A_1759 : i32 to index
        %get3A_1832 = arith.constant 80 : index
        %get3A_1833 = tpu.vector_load %arg8[%get3A_1830, %get3A_1831, %get3A_1832] {strides = array<i32>} : memref<3x112x128xi32, #tpu.memory_space<vmem>>, vector<1x1x16xi32>,
        %get3A_1834 = vector.shape_cast %get3A_1833 : vector<1x1x16xi32> to vector<16xi32>
        %shift_left3A_1835 = arith.constant 16 : i32
        %shift_left3A_1836 = vector.broadcast %shift_left3A_1835 : i32 to vector<16xi32>
        %shift_left3A_1837 = arith.shli %get3A_1834, %shift_left3A_1836 : vector<16xi32>
        %bitcast_convert_type3A_1838 = tpu.bitcast %shift_left3A_1837 : vector<16xi32> -> vector<16xf32>
        %bitcast_convert_type3A_1839 = tpu.bitcast %get3A_1834 : vector<16xi32> -> vector<16xf32>
        %mul3A_1840 = arith.mulf %broadcast_in_dim3A_1755, %bitcast_convert_type3A_1838 : vector<16xf32>
        %add3A_1841 = arith.addf %add3A_1722, %mul3A_1840 : vector<16xf32>
        %mul3A_1842 = arith.mulf %broadcast_in_dim3A_1755, %bitcast_convert_type3A_1839 : vector<16xf32>
        %add3A_1843 = arith.addf %add3A_1724, %mul3A_1842 : vector<16xf32>
        %get3A_1844 = arith.index_cast %select_n3A_135 : i32 to index
        %get3A_1845 = arith.index_cast %add3A_1759 : i32 to index
        %get3A_1846 = arith.constant 96 : index
        %get3A_1847 = tpu.vector_load %arg8[%get3A_1844, %get3A_1845, %get3A_1846] {strides = array<i32>} : memref<3x112x128xi32, #tpu.memory_space<vmem>>, vector<1x1x16xi32>,
        %get3A_1848 = vector.shape_cast %get3A_1847 : vector<1x1x16xi32> to vector<16xi32>
        %shift_left3A_1849 = arith.constant 16 : i32
        %shift_left3A_1850 = vector.broadcast %shift_left3A_1849 : i32 to vector<16xi32>
        %shift_left3A_1851 = arith.shli %get3A_1848, %shift_left3A_1850 : vector<16xi32>
        %bitcast_convert_type3A_1852 = tpu.bitcast %shift_left3A_1851 : vector<16xi32> -> vector<16xf32>
        %bitcast_convert_type3A_1853 = tpu.bitcast %get3A_1848 : vector<16xi32> -> vector<16xf32>
        %mul3A_1854 = arith.mulf %broadcast_in_dim3A_1755, %bitcast_convert_type3A_1852 : vector<16xf32>
        %add3A_1855 = arith.addf %add3A_1736, %mul3A_1854 : vector<16xf32>
        %mul3A_1856 = arith.mulf %broadcast_in_dim3A_1755, %bitcast_convert_type3A_1853 : vector<16xf32>
        %add3A_1857 = arith.addf %add3A_1738, %mul3A_1856 : vector<16xf32>
        %get3A_1858 = arith.index_cast %select_n3A_135 : i32 to index
        %get3A_1859 = arith.index_cast %add3A_1759 : i32 to index
        %get3A_1860 = arith.constant 112 : index
        %get3A_1861 = tpu.vector_load %arg8[%get3A_1858, %get3A_1859, %get3A_1860] {strides = array<i32>} : memref<3x112x128xi32, #tpu.memory_space<vmem>>, vector<1x1x16xi32>,
        %get3A_1862 = vector.shape_cast %get3A_1861 : vector<1x1x16xi32> to vector<16xi32>
        %shift_left3A_1863 = arith.constant 16 : i32
        %shift_left3A_1864 = vector.broadcast %shift_left3A_1863 : i32 to vector<16xi32>
        %shift_left3A_1865 = arith.shli %get3A_1862, %shift_left3A_1864 : vector<16xi32>
        %bitcast_convert_type3A_1866 = tpu.bitcast %shift_left3A_1865 : vector<16xi32> -> vector<16xf32>
        %bitcast_convert_type3A_1867 = tpu.bitcast %get3A_1862 : vector<16xi32> -> vector<16xf32>
        %mul3A_1868 = arith.mulf %broadcast_in_dim3A_1755, %bitcast_convert_type3A_1866 : vector<16xf32>
        %add3A_1869 = arith.addf %add3A_1750, %mul3A_1868 : vector<16xf32>
        %mul3A_1870 = arith.mulf %broadcast_in_dim3A_1755, %bitcast_convert_type3A_1867 : vector<16xf32>
        %add3A_1871 = arith.addf %add3A_1752, %mul3A_1870 : vector<16xf32>
        %slice3A_1872 = vector.extract_strided_slice %get3A_208 {offsets = [14], sizes = [1], strides = [1]} : vector<16xf32> to vector<1xf32>
        %squeeze3A_1873 = vector.extract %slice3A_1872[0] : f32 from vector<1xf32>
        %broadcast_in_dim3A_1874 = vector.broadcast %squeeze3A_1873 : f32 to vector<16xf32>
        %mul3A_1875 = arith.constant 16 : i32
        %mul3A_1876 = arith.muli %scan3A_194, %mul3A_1875 : i32
        %add3A_1877 = arith.constant 14 : i32
        %add3A_1878 = arith.addi %mul3A_1876, %add3A_1877 : i32
        %get3A_1879 = arith.index_cast %select_n3A_135 : i32 to index
        %get3A_1880 = arith.index_cast %add3A_1878 : i32 to index
        %get3A_1881 = arith.constant 0 : index
        %get3A_1882 = tpu.vector_load %arg8[%get3A_1879, %get3A_1880, %get3A_1881] {strides = array<i32>} : memref<3x112x128xi32, #tpu.memory_space<vmem>>, vector<1x1x16xi32>,
        %get3A_1883 = vector.shape_cast %get3A_1882 : vector<1x1x16xi32> to vector<16xi32>
        %shift_left3A_1884 = arith.constant 16 : i32
        %shift_left3A_1885 = vector.broadcast %shift_left3A_1884 : i32 to vector<16xi32>
        %shift_left3A_1886 = arith.shli %get3A_1883, %shift_left3A_1885 : vector<16xi32>
        %bitcast_convert_type3A_1887 = tpu.bitcast %shift_left3A_1886 : vector<16xi32> -> vector<16xf32>
        %bitcast_convert_type3A_1888 = tpu.bitcast %get3A_1883 : vector<16xi32> -> vector<16xf32>
        %mul3A_1889 = arith.mulf %broadcast_in_dim3A_1874, %bitcast_convert_type3A_1887 : vector<16xf32>
        %add3A_1890 = arith.addf %add3A_1771, %mul3A_1889 : vector<16xf32>
        %mul3A_1891 = arith.mulf %broadcast_in_dim3A_1874, %bitcast_convert_type3A_1888 : vector<16xf32>
        %add3A_1892 = arith.addf %add3A_1773, %mul3A_1891 : vector<16xf32>
        %get3A_1893 = arith.index_cast %select_n3A_135 : i32 to index
        %get3A_1894 = arith.index_cast %add3A_1878 : i32 to index
        %get3A_1895 = arith.constant 16 : index
        %get3A_1896 = tpu.vector_load %arg8[%get3A_1893, %get3A_1894, %get3A_1895] {strides = array<i32>} : memref<3x112x128xi32, #tpu.memory_space<vmem>>, vector<1x1x16xi32>,
        %get3A_1897 = vector.shape_cast %get3A_1896 : vector<1x1x16xi32> to vector<16xi32>
        %shift_left3A_1898 = arith.constant 16 : i32
        %shift_left3A_1899 = vector.broadcast %shift_left3A_1898 : i32 to vector<16xi32>
        %shift_left3A_1900 = arith.shli %get3A_1897, %shift_left3A_1899 : vector<16xi32>
        %bitcast_convert_type3A_1901 = tpu.bitcast %shift_left3A_1900 : vector<16xi32> -> vector<16xf32>
        %bitcast_convert_type3A_1902 = tpu.bitcast %get3A_1897 : vector<16xi32> -> vector<16xf32>
        %mul3A_1903 = arith.mulf %broadcast_in_dim3A_1874, %bitcast_convert_type3A_1901 : vector<16xf32>
        %add3A_1904 = arith.addf %add3A_1785, %mul3A_1903 : vector<16xf32>
        %mul3A_1905 = arith.mulf %broadcast_in_dim3A_1874, %bitcast_convert_type3A_1902 : vector<16xf32>
        %add3A_1906 = arith.addf %add3A_1787, %mul3A_1905 : vector<16xf32>
        %get3A_1907 = arith.index_cast %select_n3A_135 : i32 to index
        %get3A_1908 = arith.index_cast %add3A_1878 : i32 to index
        %get3A_1909 = arith.constant 32 : index
        %get3A_1910 = tpu.vector_load %arg8[%get3A_1907, %get3A_1908, %get3A_1909] {strides = array<i32>} : memref<3x112x128xi32, #tpu.memory_space<vmem>>, vector<1x1x16xi32>,
        %get3A_1911 = vector.shape_cast %get3A_1910 : vector<1x1x16xi32> to vector<16xi32>
        %shift_left3A_1912 = arith.constant 16 : i32
        %shift_left3A_1913 = vector.broadcast %shift_left3A_1912 : i32 to vector<16xi32>
        %shift_left3A_1914 = arith.shli %get3A_1911, %shift_left3A_1913 : vector<16xi32>
        %bitcast_convert_type3A_1915 = tpu.bitcast %shift_left3A_1914 : vector<16xi32> -> vector<16xf32>
        %bitcast_convert_type3A_1916 = tpu.bitcast %get3A_1911 : vector<16xi32> -> vector<16xf32>
        %mul3A_1917 = arith.mulf %broadcast_in_dim3A_1874, %bitcast_convert_type3A_1915 : vector<16xf32>
        %add3A_1918 = arith.addf %add3A_1799, %mul3A_1917 : vector<16xf32>
        %mul3A_1919 = arith.mulf %broadcast_in_dim3A_1874, %bitcast_convert_type3A_1916 : vector<16xf32>
        %add3A_1920 = arith.addf %add3A_1801, %mul3A_1919 : vector<16xf32>
        %get3A_1921 = arith.index_cast %select_n3A_135 : i32 to index
        %get3A_1922 = arith.index_cast %add3A_1878 : i32 to index
        %get3A_1923 = arith.constant 48 : index
        %get3A_1924 = tpu.vector_load %arg8[%get3A_1921, %get3A_1922, %get3A_1923] {strides = array<i32>} : memref<3x112x128xi32, #tpu.memory_space<vmem>>, vector<1x1x16xi32>,
        %get3A_1925 = vector.shape_cast %get3A_1924 : vector<1x1x16xi32> to vector<16xi32>
        %shift_left3A_1926 = arith.constant 16 : i32
        %shift_left3A_1927 = vector.broadcast %shift_left3A_1926 : i32 to vector<16xi32>
        %shift_left3A_1928 = arith.shli %get3A_1925, %shift_left3A_1927 : vector<16xi32>
        %bitcast_convert_type3A_1929 = tpu.bitcast %shift_left3A_1928 : vector<16xi32> -> vector<16xf32>
        %bitcast_convert_type3A_1930 = tpu.bitcast %get3A_1925 : vector<16xi32> -> vector<16xf32>
        %mul3A_1931 = arith.mulf %broadcast_in_dim3A_1874, %bitcast_convert_type3A_1929 : vector<16xf32>
        %add3A_1932 = arith.addf %add3A_1813, %mul3A_1931 : vector<16xf32>
        %mul3A_1933 = arith.mulf %broadcast_in_dim3A_1874, %bitcast_convert_type3A_1930 : vector<16xf32>
        %add3A_1934 = arith.addf %add3A_1815, %mul3A_1933 : vector<16xf32>
        %get3A_1935 = arith.index_cast %select_n3A_135 : i32 to index
        %get3A_1936 = arith.index_cast %add3A_1878 : i32 to index
        %get3A_1937 = arith.constant 64 : index
        %get3A_1938 = tpu.vector_load %arg8[%get3A_1935, %get3A_1936, %get3A_1937] {strides = array<i32>} : memref<3x112x128xi32, #tpu.memory_space<vmem>>, vector<1x1x16xi32>,
        %get3A_1939 = vector.shape_cast %get3A_1938 : vector<1x1x16xi32> to vector<16xi32>
        %shift_left3A_1940 = arith.constant 16 : i32
        %shift_left3A_1941 = vector.broadcast %shift_left3A_1940 : i32 to vector<16xi32>
        %shift_left3A_1942 = arith.shli %get3A_1939, %shift_left3A_1941 : vector<16xi32>
        %bitcast_convert_type3A_1943 = tpu.bitcast %shift_left3A_1942 : vector<16xi32> -> vector<16xf32>
        %bitcast_convert_type3A_1944 = tpu.bitcast %get3A_1939 : vector<16xi32> -> vector<16xf32>
        %mul3A_1945 = arith.mulf %broadcast_in_dim3A_1874, %bitcast_convert_type3A_1943 : vector<16xf32>
        %add3A_1946 = arith.addf %add3A_1827, %mul3A_1945 : vector<16xf32>
        %mul3A_1947 = arith.mulf %broadcast_in_dim3A_1874, %bitcast_convert_type3A_1944 : vector<16xf32>
        %add3A_1948 = arith.addf %add3A_1829, %mul3A_1947 : vector<16xf32>
        %get3A_1949 = arith.index_cast %select_n3A_135 : i32 to index
        %get3A_1950 = arith.index_cast %add3A_1878 : i32 to index
        %get3A_1951 = arith.constant 80 : index
        %get3A_1952 = tpu.vector_load %arg8[%get3A_1949, %get3A_1950, %get3A_1951] {strides = array<i32>} : memref<3x112x128xi32, #tpu.memory_space<vmem>>, vector<1x1x16xi32>,
        %get3A_1953 = vector.shape_cast %get3A_1952 : vector<1x1x16xi32> to vector<16xi32>
        %shift_left3A_1954 = arith.constant 16 : i32
        %shift_left3A_1955 = vector.broadcast %shift_left3A_1954 : i32 to vector<16xi32>
        %shift_left3A_1956 = arith.shli %get3A_1953, %shift_left3A_1955 : vector<16xi32>
        %bitcast_convert_type3A_1957 = tpu.bitcast %shift_left3A_1956 : vector<16xi32> -> vector<16xf32>
        %bitcast_convert_type3A_1958 = tpu.bitcast %get3A_1953 : vector<16xi32> -> vector<16xf32>
        %mul3A_1959 = arith.mulf %broadcast_in_dim3A_1874, %bitcast_convert_type3A_1957 : vector<16xf32>
        %add3A_1960 = arith.addf %add3A_1841, %mul3A_1959 : vector<16xf32>
        %mul3A_1961 = arith.mulf %broadcast_in_dim3A_1874, %bitcast_convert_type3A_1958 : vector<16xf32>
        %add3A_1962 = arith.addf %add3A_1843, %mul3A_1961 : vector<16xf32>
        %get3A_1963 = arith.index_cast %select_n3A_135 : i32 to index
        %get3A_1964 = arith.index_cast %add3A_1878 : i32 to index
        %get3A_1965 = arith.constant 96 : index
        %get3A_1966 = tpu.vector_load %arg8[%get3A_1963, %get3A_1964, %get3A_1965] {strides = array<i32>} : memref<3x112x128xi32, #tpu.memory_space<vmem>>, vector<1x1x16xi32>,
        %get3A_1967 = vector.shape_cast %get3A_1966 : vector<1x1x16xi32> to vector<16xi32>
        %shift_left3A_1968 = arith.constant 16 : i32
        %shift_left3A_1969 = vector.broadcast %shift_left3A_1968 : i32 to vector<16xi32>
        %shift_left3A_1970 = arith.shli %get3A_1967, %shift_left3A_1969 : vector<16xi32>
        %bitcast_convert_type3A_1971 = tpu.bitcast %shift_left3A_1970 : vector<16xi32> -> vector<16xf32>
        %bitcast_convert_type3A_1972 = tpu.bitcast %get3A_1967 : vector<16xi32> -> vector<16xf32>
        %mul3A_1973 = arith.mulf %broadcast_in_dim3A_1874, %bitcast_convert_type3A_1971 : vector<16xf32>
        %add3A_1974 = arith.addf %add3A_1855, %mul3A_1973 : vector<16xf32>
        %mul3A_1975 = arith.mulf %broadcast_in_dim3A_1874, %bitcast_convert_type3A_1972 : vector<16xf32>
        %add3A_1976 = arith.addf %add3A_1857, %mul3A_1975 : vector<16xf32>
        %get3A_1977 = arith.index_cast %select_n3A_135 : i32 to index
        %get3A_1978 = arith.index_cast %add3A_1878 : i32 to index
        %get3A_1979 = arith.constant 112 : index
        %get3A_1980 = tpu.vector_load %arg8[%get3A_1977, %get3A_1978, %get3A_1979] {strides = array<i32>} : memref<3x112x128xi32, #tpu.memory_space<vmem>>, vector<1x1x16xi32>,
        %get3A_1981 = vector.shape_cast %get3A_1980 : vector<1x1x16xi32> to vector<16xi32>
        %shift_left3A_1982 = arith.constant 16 : i32
        %shift_left3A_1983 = vector.broadcast %shift_left3A_1982 : i32 to vector<16xi32>
        %shift_left3A_1984 = arith.shli %get3A_1981, %shift_left3A_1983 : vector<16xi32>
        %bitcast_convert_type3A_1985 = tpu.bitcast %shift_left3A_1984 : vector<16xi32> -> vector<16xf32>
        %bitcast_convert_type3A_1986 = tpu.bitcast %get3A_1981 : vector<16xi32> -> vector<16xf32>
        %mul3A_1987 = arith.mulf %broadcast_in_dim3A_1874, %bitcast_convert_type3A_1985 : vector<16xf32>
        %add3A_1988 = arith.addf %add3A_1869, %mul3A_1987 : vector<16xf32>
        %mul3A_1989 = arith.mulf %broadcast_in_dim3A_1874, %bitcast_convert_type3A_1986 : vector<16xf32>
        %add3A_1990 = arith.addf %add3A_1871, %mul3A_1989 : vector<16xf32>
        %slice3A_1991 = vector.extract_strided_slice %get3A_208 {offsets = [15], sizes = [1], strides = [1]} : vector<16xf32> to vector<1xf32>
        %squeeze3A_1992 = vector.extract %slice3A_1991[0] : f32 from vector<1xf32>
        %broadcast_in_dim3A_1993 = vector.broadcast %squeeze3A_1992 : f32 to vector<16xf32>
        %mul3A_1994 = arith.constant 16 : i32
        %mul3A_1995 = arith.muli %scan3A_194, %mul3A_1994 : i32
        %add3A_1996 = arith.constant 15 : i32
        %add3A_1997 = arith.addi %mul3A_1995, %add3A_1996 : i32
        %get3A_1998 = arith.index_cast %select_n3A_135 : i32 to index
        %get3A_1999 = arith.index_cast %add3A_1997 : i32 to index
        %get3A_2000 = arith.constant 0 : index
        %get3A_2001 = tpu.vector_load %arg8[%get3A_1998, %get3A_1999, %get3A_2000] {strides = array<i32>} : memref<3x112x128xi32, #tpu.memory_space<vmem>>, vector<1x1x16xi32>,
        %get3A_2002 = vector.shape_cast %get3A_2001 : vector<1x1x16xi32> to vector<16xi32>
        %shift_left3A_2003 = arith.constant 16 : i32
        %shift_left3A_2004 = vector.broadcast %shift_left3A_2003 : i32 to vector<16xi32>
        %shift_left3A_2005 = arith.shli %get3A_2002, %shift_left3A_2004 : vector<16xi32>
        %bitcast_convert_type3A_2006 = tpu.bitcast %shift_left3A_2005 : vector<16xi32> -> vector<16xf32>
        %bitcast_convert_type3A_2007 = tpu.bitcast %get3A_2002 : vector<16xi32> -> vector<16xf32>
        %mul3A_2008 = arith.mulf %broadcast_in_dim3A_1993, %bitcast_convert_type3A_2006 : vector<16xf32>
        %add3A_2009 = arith.addf %add3A_1890, %mul3A_2008 : vector<16xf32>
        %mul3A_2010 = arith.mulf %broadcast_in_dim3A_1993, %bitcast_convert_type3A_2007 : vector<16xf32>
        %add3A_2011 = arith.addf %add3A_1892, %mul3A_2010 : vector<16xf32>
        %get3A_2012 = arith.index_cast %select_n3A_135 : i32 to index
        %get3A_2013 = arith.index_cast %add3A_1997 : i32 to index
        %get3A_2014 = arith.constant 16 : index
        %get3A_2015 = tpu.vector_load %arg8[%get3A_2012, %get3A_2013, %get3A_2014] {strides = array<i32>} : memref<3x112x128xi32, #tpu.memory_space<vmem>>, vector<1x1x16xi32>,
        %get3A_2016 = vector.shape_cast %get3A_2015 : vector<1x1x16xi32> to vector<16xi32>
        %shift_left3A_2017 = arith.constant 16 : i32
        %shift_left3A_2018 = vector.broadcast %shift_left3A_2017 : i32 to vector<16xi32>
        %shift_left3A_2019 = arith.shli %get3A_2016, %shift_left3A_2018 : vector<16xi32>
        %bitcast_convert_type3A_2020 = tpu.bitcast %shift_left3A_2019 : vector<16xi32> -> vector<16xf32>
        %bitcast_convert_type3A_2021 = tpu.bitcast %get3A_2016 : vector<16xi32> -> vector<16xf32>
        %mul3A_2022 = arith.mulf %broadcast_in_dim3A_1993, %bitcast_convert_type3A_2020 : vector<16xf32>
        %add3A_2023 = arith.addf %add3A_1904, %mul3A_2022 : vector<16xf32>
        %mul3A_2024 = arith.mulf %broadcast_in_dim3A_1993, %bitcast_convert_type3A_2021 : vector<16xf32>
        %add3A_2025 = arith.addf %add3A_1906, %mul3A_2024 : vector<16xf32>
        %get3A_2026 = arith.index_cast %select_n3A_135 : i32 to index
        %get3A_2027 = arith.index_cast %add3A_1997 : i32 to index
        %get3A_2028 = arith.constant 32 : index
        %get3A_2029 = tpu.vector_load %arg8[%get3A_2026, %get3A_2027, %get3A_2028] {strides = array<i32>} : memref<3x112x128xi32, #tpu.memory_space<vmem>>, vector<1x1x16xi32>,
        %get3A_2030 = vector.shape_cast %get3A_2029 : vector<1x1x16xi32> to vector<16xi32>
        %shift_left3A_2031 = arith.constant 16 : i32
        %shift_left3A_2032 = vector.broadcast %shift_left3A_2031 : i32 to vector<16xi32>
        %shift_left3A_2033 = arith.shli %get3A_2030, %shift_left3A_2032 : vector<16xi32>
        %bitcast_convert_type3A_2034 = tpu.bitcast %shift_left3A_2033 : vector<16xi32> -> vector<16xf32>
        %bitcast_convert_type3A_2035 = tpu.bitcast %get3A_2030 : vector<16xi32> -> vector<16xf32>
        %mul3A_2036 = arith.mulf %broadcast_in_dim3A_1993, %bitcast_convert_type3A_2034 : vector<16xf32>
        %add3A_2037 = arith.addf %add3A_1918, %mul3A_2036 : vector<16xf32>
        %mul3A_2038 = arith.mulf %broadcast_in_dim3A_1993, %bitcast_convert_type3A_2035 : vector<16xf32>
        %add3A_2039 = arith.addf %add3A_1920, %mul3A_2038 : vector<16xf32>
        %get3A_2040 = arith.index_cast %select_n3A_135 : i32 to index
        %get3A_2041 = arith.index_cast %add3A_1997 : i32 to index
        %get3A_2042 = arith.constant 48 : index
        %get3A_2043 = tpu.vector_load %arg8[%get3A_2040, %get3A_2041, %get3A_2042] {strides = array<i32>} : memref<3x112x128xi32, #tpu.memory_space<vmem>>, vector<1x1x16xi32>,
        %get3A_2044 = vector.shape_cast %get3A_2043 : vector<1x1x16xi32> to vector<16xi32>
        %shift_left3A_2045 = arith.constant 16 : i32
        %shift_left3A_2046 = vector.broadcast %shift_left3A_2045 : i32 to vector<16xi32>
        %shift_left3A_2047 = arith.shli %get3A_2044, %shift_left3A_2046 : vector<16xi32>
        %bitcast_convert_type3A_2048 = tpu.bitcast %shift_left3A_2047 : vector<16xi32> -> vector<16xf32>
        %bitcast_convert_type3A_2049 = tpu.bitcast %get3A_2044 : vector<16xi32> -> vector<16xf32>
        %mul3A_2050 = arith.mulf %broadcast_in_dim3A_1993, %bitcast_convert_type3A_2048 : vector<16xf32>
        %add3A_2051 = arith.addf %add3A_1932, %mul3A_2050 : vector<16xf32>
        %mul3A_2052 = arith.mulf %broadcast_in_dim3A_1993, %bitcast_convert_type3A_2049 : vector<16xf32>
        %add3A_2053 = arith.addf %add3A_1934, %mul3A_2052 : vector<16xf32>
        %get3A_2054 = arith.index_cast %select_n3A_135 : i32 to index
        %get3A_2055 = arith.index_cast %add3A_1997 : i32 to index
        %get3A_2056 = arith.constant 64 : index
        %get3A_2057 = tpu.vector_load %arg8[%get3A_2054, %get3A_2055, %get3A_2056] {strides = array<i32>} : memref<3x112x128xi32, #tpu.memory_space<vmem>>, vector<1x1x16xi32>,
        %get3A_2058 = vector.shape_cast %get3A_2057 : vector<1x1x16xi32> to vector<16xi32>
        %shift_left3A_2059 = arith.constant 16 : i32
        %shift_left3A_2060 = vector.broadcast %shift_left3A_2059 : i32 to vector<16xi32>
        %shift_left3A_2061 = arith.shli %get3A_2058, %shift_left3A_2060 : vector<16xi32>
        %bitcast_convert_type3A_2062 = tpu.bitcast %shift_left3A_2061 : vector<16xi32> -> vector<16xf32>
        %bitcast_convert_type3A_2063 = tpu.bitcast %get3A_2058 : vector<16xi32> -> vector<16xf32>
        %mul3A_2064 = arith.mulf %broadcast_in_dim3A_1993, %bitcast_convert_type3A_2062 : vector<16xf32>
        %add3A_2065 = arith.addf %add3A_1946, %mul3A_2064 : vector<16xf32>
        %mul3A_2066 = arith.mulf %broadcast_in_dim3A_1993, %bitcast_convert_type3A_2063 : vector<16xf32>
        %add3A_2067 = arith.addf %add3A_1948, %mul3A_2066 : vector<16xf32>
        %get3A_2068 = arith.index_cast %select_n3A_135 : i32 to index
        %get3A_2069 = arith.index_cast %add3A_1997 : i32 to index
        %get3A_2070 = arith.constant 80 : index
        %get3A_2071 = tpu.vector_load %arg8[%get3A_2068, %get3A_2069, %get3A_2070] {strides = array<i32>} : memref<3x112x128xi32, #tpu.memory_space<vmem>>, vector<1x1x16xi32>,
        %get3A_2072 = vector.shape_cast %get3A_2071 : vector<1x1x16xi32> to vector<16xi32>
        %shift_left3A_2073 = arith.constant 16 : i32
        %shift_left3A_2074 = vector.broadcast %shift_left3A_2073 : i32 to vector<16xi32>
        %shift_left3A_2075 = arith.shli %get3A_2072, %shift_left3A_2074 : vector<16xi32>
        %bitcast_convert_type3A_2076 = tpu.bitcast %shift_left3A_2075 : vector<16xi32> -> vector<16xf32>
        %bitcast_convert_type3A_2077 = tpu.bitcast %get3A_2072 : vector<16xi32> -> vector<16xf32>
        %mul3A_2078 = arith.mulf %broadcast_in_dim3A_1993, %bitcast_convert_type3A_2076 : vector<16xf32>
        %add3A_2079 = arith.addf %add3A_1960, %mul3A_2078 : vector<16xf32>
        %mul3A_2080 = arith.mulf %broadcast_in_dim3A_1993, %bitcast_convert_type3A_2077 : vector<16xf32>
        %add3A_2081 = arith.addf %add3A_1962, %mul3A_2080 : vector<16xf32>
        %get3A_2082 = arith.index_cast %select_n3A_135 : i32 to index
        %get3A_2083 = arith.index_cast %add3A_1997 : i32 to index
        %get3A_2084 = arith.constant 96 : index
        %get3A_2085 = tpu.vector_load %arg8[%get3A_2082, %get3A_2083, %get3A_2084] {strides = array<i32>} : memref<3x112x128xi32, #tpu.memory_space<vmem>>, vector<1x1x16xi32>,
        %get3A_2086 = vector.shape_cast %get3A_2085 : vector<1x1x16xi32> to vector<16xi32>
        %shift_left3A_2087 = arith.constant 16 : i32
        %shift_left3A_2088 = vector.broadcast %shift_left3A_2087 : i32 to vector<16xi32>
        %shift_left3A_2089 = arith.shli %get3A_2086, %shift_left3A_2088 : vector<16xi32>
        %bitcast_convert_type3A_2090 = tpu.bitcast %shift_left3A_2089 : vector<16xi32> -> vector<16xf32>
        %bitcast_convert_type3A_2091 = tpu.bitcast %get3A_2086 : vector<16xi32> -> vector<16xf32>
        %mul3A_2092 = arith.mulf %broadcast_in_dim3A_1993, %bitcast_convert_type3A_2090 : vector<16xf32>
        %add3A_2093 = arith.addf %add3A_1974, %mul3A_2092 : vector<16xf32>
        %mul3A_2094 = arith.mulf %broadcast_in_dim3A_1993, %bitcast_convert_type3A_2091 : vector<16xf32>
        %add3A_2095 = arith.addf %add3A_1976, %mul3A_2094 : vector<16xf32>
        %get3A_2096 = arith.index_cast %select_n3A_135 : i32 to index
        %get3A_2097 = arith.index_cast %add3A_1997 : i32 to index
        %get3A_2098 = arith.constant 112 : index
        %get3A_2099 = tpu.vector_load %arg8[%get3A_2096, %get3A_2097, %get3A_2098] {strides = array<i32>} : memref<3x112x128xi32, #tpu.memory_space<vmem>>, vector<1x1x16xi32>,
        %get3A_2100 = vector.shape_cast %get3A_2099 : vector<1x1x16xi32> to vector<16xi32>
        %shift_left3A_2101 = arith.constant 16 : i32
        %shift_left3A_2102 = vector.broadcast %shift_left3A_2101 : i32 to vector<16xi32>
        %shift_left3A_2103 = arith.shli %get3A_2100, %shift_left3A_2102 : vector<16xi32>
        %bitcast_convert_type3A_2104 = tpu.bitcast %shift_left3A_2103 : vector<16xi32> -> vector<16xf32>
        %bitcast_convert_type3A_2105 = tpu.bitcast %get3A_2100 : vector<16xi32> -> vector<16xf32>
        %mul3A_2106 = arith.mulf %broadcast_in_dim3A_1993, %bitcast_convert_type3A_2104 : vector<16xf32>
        %add3A_2107 = arith.addf %add3A_1988, %mul3A_2106 : vector<16xf32>
        %mul3A_2108 = arith.mulf %broadcast_in_dim3A_1993, %bitcast_convert_type3A_2105 : vector<16xf32>
        %add3A_2109 = arith.addf %add3A_1990, %mul3A_2108 : vector<16xf32>
        %swap3A = arith.index_cast %select_n3A_151 : i32 to index
        %swap3A_2110 = arith.index_cast %add3A_198 : i32 to index
        %swap3A_2111 = arith.constant 0 : index
        %swap3A_2112 = tpu.vector_load %arg9[%swap3A, %swap3A_2110, %swap3A_2111] {strides = array<i32>} : memref<2x49x256xf32, #tpu.memory_space<vmem>>, vector<1x1x16xf32>,
        %swap3A_2113 = vector.shape_cast %swap3A_2112 : vector<1x1x16xf32> to vector<16xf32>
        %swap3A_2114 = vector.shape_cast %add3A_2009 : vector<16xf32> to vector<1x1x16xf32>
        tpu.vector_store %arg9[%swap3A, %swap3A_2110, %swap3A_2111], %swap3A_2114 {strides = array<i32>} : memref<2x49x256xf32, #tpu.memory_space<vmem>>, vector<1x1x16xf32>,
        %swap3A_2115 = arith.index_cast %select_n3A_151 : i32 to index
        %swap3A_2116 = arith.index_cast %add3A_198 : i32 to index
        %swap3A_2117 = arith.constant 16 : index
        %swap3A_2118 = tpu.vector_load %arg9[%swap3A_2115, %swap3A_2116, %swap3A_2117] {strides = array<i32>} : memref<2x49x256xf32, #tpu.memory_space<vmem>>, vector<1x1x16xf32>,
        %swap3A_2119 = vector.shape_cast %swap3A_2118 : vector<1x1x16xf32> to vector<16xf32>
        %swap3A_2120 = vector.shape_cast %add3A_2011 : vector<16xf32> to vector<1x1x16xf32>
        tpu.vector_store %arg9[%swap3A_2115, %swap3A_2116, %swap3A_2117], %swap3A_2120 {strides = array<i32>} : memref<2x49x256xf32, #tpu.memory_space<vmem>>, vector<1x1x16xf32>,
        %swap3A_2121 = arith.index_cast %select_n3A_151 : i32 to index
        %swap3A_2122 = arith.index_cast %add3A_198 : i32 to index
        %swap3A_2123 = arith.constant 32 : index
        %swap3A_2124 = tpu.vector_load %arg9[%swap3A_2121, %swap3A_2122, %swap3A_2123] {strides = array<i32>} : memref<2x49x256xf32, #tpu.memory_space<vmem>>, vector<1x1x16xf32>,
        %swap3A_2125 = vector.shape_cast %swap3A_2124 : vector<1x1x16xf32> to vector<16xf32>
        %swap3A_2126 = vector.shape_cast %add3A_2023 : vector<16xf32> to vector<1x1x16xf32>
        tpu.vector_store %arg9[%swap3A_2121, %swap3A_2122, %swap3A_2123], %swap3A_2126 {strides = array<i32>} : memref<2x49x256xf32, #tpu.memory_space<vmem>>, vector<1x1x16xf32>,
        %swap3A_2127 = arith.index_cast %select_n3A_151 : i32 to index
        %swap3A_2128 = arith.index_cast %add3A_198 : i32 to index
        %swap3A_2129 = arith.constant 48 : index
        %swap3A_2130 = tpu.vector_load %arg9[%swap3A_2127, %swap3A_2128, %swap3A_2129] {strides = array<i32>} : memref<2x49x256xf32, #tpu.memory_space<vmem>>, vector<1x1x16xf32>,
        %swap3A_2131 = vector.shape_cast %swap3A_2130 : vector<1x1x16xf32> to vector<16xf32>
        %swap3A_2132 = vector.shape_cast %add3A_2025 : vector<16xf32> to vector<1x1x16xf32>
        tpu.vector_store %arg9[%swap3A_2127, %swap3A_2128, %swap3A_2129], %swap3A_2132 {strides = array<i32>} : memref<2x49x256xf32, #tpu.memory_space<vmem>>, vector<1x1x16xf32>,
        %swap3A_2133 = arith.index_cast %select_n3A_151 : i32 to index
        %swap3A_2134 = arith.index_cast %add3A_198 : i32 to index
        %swap3A_2135 = arith.constant 64 : index
        %swap3A_2136 = tpu.vector_load %arg9[%swap3A_2133, %swap3A_2134, %swap3A_2135] {strides = array<i32>} : memref<2x49x256xf32, #tpu.memory_space<vmem>>, vector<1x1x16xf32>,
        %swap3A_2137 = vector.shape_cast %swap3A_2136 : vector<1x1x16xf32> to vector<16xf32>
        %swap3A_2138 = vector.shape_cast %add3A_2037 : vector<16xf32> to vector<1x1x16xf32>
        tpu.vector_store %arg9[%swap3A_2133, %swap3A_2134, %swap3A_2135], %swap3A_2138 {strides = array<i32>} : memref<2x49x256xf32, #tpu.memory_space<vmem>>, vector<1x1x16xf32>,
        %swap3A_2139 = arith.index_cast %select_n3A_151 : i32 to index
        %swap3A_2140 = arith.index_cast %add3A_198 : i32 to index
        %swap3A_2141 = arith.constant 80 : index
        %swap3A_2142 = tpu.vector_load %arg9[%swap3A_2139, %swap3A_2140, %swap3A_2141] {strides = array<i32>} : memref<2x49x256xf32, #tpu.memory_space<vmem>>, vector<1x1x16xf32>,
        %swap3A_2143 = vector.shape_cast %swap3A_2142 : vector<1x1x16xf32> to vector<16xf32>
        %swap3A_2144 = vector.shape_cast %add3A_2039 : vector<16xf32> to vector<1x1x16xf32>
        tpu.vector_store %arg9[%swap3A_2139, %swap3A_2140, %swap3A_2141], %swap3A_2144 {strides = array<i32>} : memref<2x49x256xf32, #tpu.memory_space<vmem>>, vector<1x1x16xf32>,
        %swap3A_2145 = arith.index_cast %select_n3A_151 : i32 to index
        %swap3A_2146 = arith.index_cast %add3A_198 : i32 to index
        %swap3A_2147 = arith.constant 96 : index
        %swap3A_2148 = tpu.vector_load %arg9[%swap3A_2145, %swap3A_2146, %swap3A_2147] {strides = array<i32>} : memref<2x49x256xf32, #tpu.memory_space<vmem>>, vector<1x1x16xf32>,
        %swap3A_2149 = vector.shape_cast %swap3A_2148 : vector<1x1x16xf32> to vector<16xf32>
        %swap3A_2150 = vector.shape_cast %add3A_2051 : vector<16xf32> to vector<1x1x16xf32>
        tpu.vector_store %arg9[%swap3A_2145, %swap3A_2146, %swap3A_2147], %swap3A_2150 {strides = array<i32>} : memref<2x49x256xf32, #tpu.memory_space<vmem>>, vector<1x1x16xf32>,
        %swap3A_2151 = arith.index_cast %select_n3A_151 : i32 to index
        %swap3A_2152 = arith.index_cast %add3A_198 : i32 to index
        %swap3A_2153 = arith.constant 112 : index
        %swap3A_2154 = tpu.vector_load %arg9[%swap3A_2151, %swap3A_2152, %swap3A_2153] {strides = array<i32>} : memref<2x49x256xf32, #tpu.memory_space<vmem>>, vector<1x1x16xf32>,
        %swap3A_2155 = vector.shape_cast %swap3A_2154 : vector<1x1x16xf32> to vector<16xf32>
        %swap3A_2156 = vector.shape_cast %add3A_2053 : vector<16xf32> to vector<1x1x16xf32>
        tpu.vector_store %arg9[%swap3A_2151, %swap3A_2152, %swap3A_2153], %swap3A_2156 {strides = array<i32>} : memref<2x49x256xf32, #tpu.memory_space<vmem>>, vector<1x1x16xf32>,
        %swap3A_2157 = arith.index_cast %select_n3A_151 : i32 to index
        %swap3A_2158 = arith.index_cast %add3A_198 : i32 to index
        %swap3A_2159 = arith.constant 128 : index
        %swap3A_2160 = tpu.vector_load %arg9[%swap3A_2157, %swap3A_2158, %swap3A_2159] {strides = array<i32>} : memref<2x49x256xf32, #tpu.memory_space<vmem>>, vector<1x1x16xf32>,
        %swap3A_2161 = vector.shape_cast %swap3A_2160 : vector<1x1x16xf32> to vector<16xf32>
        %swap3A_2162 = vector.shape_cast %add3A_2065 : vector<16xf32> to vector<1x1x16xf32>
        tpu.vector_store %arg9[%swap3A_2157, %swap3A_2158, %swap3A_2159], %swap3A_2162 {strides = array<i32>} : memref<2x49x256xf32, #tpu.memory_space<vmem>>, vector<1x1x16xf32>,
        %swap3A_2163 = arith.index_cast %select_n3A_151 : i32 to index
        %swap3A_2164 = arith.index_cast %add3A_198 : i32 to index
        %swap3A_2165 = arith.constant 144 : index
        %swap3A_2166 = tpu.vector_load %arg9[%swap3A_2163, %swap3A_2164, %swap3A_2165] {strides = array<i32>} : memref<2x49x256xf32, #tpu.memory_space<vmem>>, vector<1x1x16xf32>,
        %swap3A_2167 = vector.shape_cast %swap3A_2166 : vector<1x1x16xf32> to vector<16xf32>
        %swap3A_2168 = vector.shape_cast %add3A_2067 : vector<16xf32> to vector<1x1x16xf32>
        tpu.vector_store %arg9[%swap3A_2163, %swap3A_2164, %swap3A_2165], %swap3A_2168 {strides = array<i32>} : memref<2x49x256xf32, #tpu.memory_space<vmem>>, vector<1x1x16xf32>,
        %swap3A_2169 = arith.index_cast %select_n3A_151 : i32 to index
        %swap3A_2170 = arith.index_cast %add3A_198 : i32 to index
        %swap3A_2171 = arith.constant 160 : index
        %swap3A_2172 = tpu.vector_load %arg9[%swap3A_2169, %swap3A_2170, %swap3A_2171] {strides = array<i32>} : memref<2x49x256xf32, #tpu.memory_space<vmem>>, vector<1x1x16xf32>,
        %swap3A_2173 = vector.shape_cast %swap3A_2172 : vector<1x1x16xf32> to vector<16xf32>
        %swap3A_2174 = vector.shape_cast %add3A_2079 : vector<16xf32> to vector<1x1x16xf32>
        tpu.vector_store %arg9[%swap3A_2169, %swap3A_2170, %swap3A_2171], %swap3A_2174 {strides = array<i32>} : memref<2x49x256xf32, #tpu.memory_space<vmem>>, vector<1x1x16xf32>,
        %swap3A_2175 = arith.index_cast %select_n3A_151 : i32 to index
        %swap3A_2176 = arith.index_cast %add3A_198 : i32 to index
        %swap3A_2177 = arith.constant 176 : index
        %swap3A_2178 = tpu.vector_load %arg9[%swap3A_2175, %swap3A_2176, %swap3A_2177] {strides = array<i32>} : memref<2x49x256xf32, #tpu.memory_space<vmem>>, vector<1x1x16xf32>,
        %swap3A_2179 = vector.shape_cast %swap3A_2178 : vector<1x1x16xf32> to vector<16xf32>
        %swap3A_2180 = vector.shape_cast %add3A_2081 : vector<16xf32> to vector<1x1x16xf32>
        tpu.vector_store %arg9[%swap3A_2175, %swap3A_2176, %swap3A_2177], %swap3A_2180 {strides = array<i32>} : memref<2x49x256xf32, #tpu.memory_space<vmem>>, vector<1x1x16xf32>,
        %swap3A_2181 = arith.index_cast %select_n3A_151 : i32 to index
        %swap3A_2182 = arith.index_cast %add3A_198 : i32 to index
        %swap3A_2183 = arith.constant 192 : index
        %swap3A_2184 = tpu.vector_load %arg9[%swap3A_2181, %swap3A_2182, %swap3A_2183] {strides = array<i32>} : memref<2x49x256xf32, #tpu.memory_space<vmem>>, vector<1x1x16xf32>,
        %swap3A_2185 = vector.shape_cast %swap3A_2184 : vector<1x1x16xf32> to vector<16xf32>
        %swap3A_2186 = vector.shape_cast %add3A_2093 : vector<16xf32> to vector<1x1x16xf32>
        tpu.vector_store %arg9[%swap3A_2181, %swap3A_2182, %swap3A_2183], %swap3A_2186 {strides = array<i32>} : memref<2x49x256xf32, #tpu.memory_space<vmem>>, vector<1x1x16xf32>,
        %swap3A_2187 = arith.index_cast %select_n3A_151 : i32 to index
        %swap3A_2188 = arith.index_cast %add3A_198 : i32 to index
        %swap3A_2189 = arith.constant 208 : index
        %swap3A_2190 = tpu.vector_load %arg9[%swap3A_2187, %swap3A_2188, %swap3A_2189] {strides = array<i32>} : memref<2x49x256xf32, #tpu.memory_space<vmem>>, vector<1x1x16xf32>,
        %swap3A_2191 = vector.shape_cast %swap3A_2190 : vector<1x1x16xf32> to vector<16xf32>
        %swap3A_2192 = vector.shape_cast %add3A_2095 : vector<16xf32> to vector<1x1x16xf32>
        tpu.vector_store %arg9[%swap3A_2187, %swap3A_2188, %swap3A_2189], %swap3A_2192 {strides = array<i32>} : memref<2x49x256xf32, #tpu.memory_space<vmem>>, vector<1x1x16xf32>,
        %swap3A_2193 = arith.index_cast %select_n3A_151 : i32 to index
        %swap3A_2194 = arith.index_cast %add3A_198 : i32 to index
        %swap3A_2195 = arith.constant 224 : index
        %swap3A_2196 = tpu.vector_load %arg9[%swap3A_2193, %swap3A_2194, %swap3A_2195] {strides = array<i32>} : memref<2x49x256xf32, #tpu.memory_space<vmem>>, vector<1x1x16xf32>,
        %swap3A_2197 = vector.shape_cast %swap3A_2196 : vector<1x1x16xf32> to vector<16xf32>
        %swap3A_2198 = vector.shape_cast %add3A_2107 : vector<16xf32> to vector<1x1x16xf32>
        tpu.vector_store %arg9[%swap3A_2193, %swap3A_2194, %swap3A_2195], %swap3A_2198 {strides = array<i32>} : memref<2x49x256xf32, #tpu.memory_space<vmem>>, vector<1x1x16xf32>,
        %swap3A_2199 = arith.index_cast %select_n3A_151 : i32 to index
        %swap3A_2200 = arith.index_cast %add3A_198 : i32 to index
        %swap3A_2201 = arith.constant 240 : index
        %swap3A_2202 = tpu.vector_load %arg9[%swap3A_2199, %swap3A_2200, %swap3A_2201] {strides = array<i32>} : memref<2x49x256xf32, #tpu.memory_space<vmem>>, vector<1x1x16xf32>,
        %swap3A_2203 = vector.shape_cast %swap3A_2202 : vector<1x1x16xf32> to vector<16xf32>
        %swap3A_2204 = vector.shape_cast %add3A_2109 : vector<16xf32> to vector<1x1x16xf32>
        tpu.vector_store %arg9[%swap3A_2199, %swap3A_2200, %swap3A_2201], %swap3A_2204 {strides = array<i32>} : memref<2x49x256xf32, #tpu.memory_space<vmem>>, vector<1x1x16xf32>,
        %scan3A_2205 = arith.constant 0 : i32
        scf.yield %scan3A_2205 : i32
      }
      %scan3A_187 = arith.constant 7 : i32
      %eq3A_188 = arith.constant 6 : i32
      %eq3A_189 = arith.cmpi eq, %select_n3A_119, %eq3A_188 : i32
      %convert_element_type3A_190 = arith.extui %eq3A_189 : i1 to i32
      %cond3A_191 = arith.constant 0 : i32
      %cond3A_192 = arith.cmpi ne, %convert_element_type3A_190, %cond3A_191 : i32
      scf.if %cond3A_192 {
        %add3A_194 = arith.addi %mul3A_2, %select_n3A : i32
        %dma_start3A_195 = arith.constant 0 : i32
        %dma_start3A_196 = arith.constant 0 : i32
        %dma_start3A_197 = tpu.memref_slice %arg9[%select_n3A_151, %dma_start3A_195, %dma_start3A_196] : memref<2x49x256xf32, #tpu.memory_space<vmem>> -> memref<1x49x256xf32, #tpu.memory_space<vmem>>
        %dma_start3A_198 = tpu.memref_squeeze %dma_start3A_197 : memref<1x49x256xf32, #tpu.memory_space<vmem>> -> memref<49x256xf32, #tpu.memory_space<vmem>>
        %dma_start3A_199 = arith.constant 0 : i32
        %dma_start3A_200 = arith.constant 0 : i32
        %dma_start3A_201 = tpu.memref_slice %arg5[%dma_start3A_199, %add3A_194, %dma_start3A_200] : memref<49x1000x256xf32, #tpu.memory_space<hbm>> -> memref<49x1x256xf32, #tpu.memory_space<hbm>>
        %dma_start3A_202 = tpu.memref_squeeze %dma_start3A_201 : memref<49x1x256xf32, #tpu.memory_space<hbm>> -> memref<49x256xf32, #tpu.memory_space<hbm>>
        %dma_start3A_203 = arith.constant 0 : i32
        %dma_start3A_204 = arith.constant 0 : i32
        %dma_start3A_205 = tpu.memref_slice %arg5[%dma_start3A_203, %add3A_194, %dma_start3A_204] : memref<49x1000x256xf32, #tpu.memory_space<hbm>> -> memref<49x1x256xf32, #tpu.memory_space<hbm>>
        %dma_start3A_206 = tpu.memref_squeeze %dma_start3A_205 : memref<49x1x256xf32, #tpu.memory_space<hbm>> -> memref<49x256xf32, #tpu.memory_space<hbm>>
        %dma_start3A_207 = arith.constant 0 : i32
        %dma_start3A_208 = arith.constant 0 : i32
        %dma_start3A_209 = tpu.memref_slice %arg9[%select_n3A_151, %dma_start3A_207, %dma_start3A_208] : memref<2x49x256xf32, #tpu.memory_space<vmem>> -> memref<1x49x256xf32, #tpu.memory_space<vmem>>
        %dma_start3A_210 = tpu.memref_squeeze %dma_start3A_209 : memref<1x49x256xf32, #tpu.memory_space<vmem>> -> memref<49x256xf32, #tpu.memory_space<vmem>>
        tpu.enqueue_dma source(%dma_start3A_210 : memref<49x256xf32, #tpu.memory_space<vmem>>) target(%dma_start3A_206 : memref<49x256xf32, #tpu.memory_space<hbm>>) target_semaphore(%arg12 : memref<!tpu.dma_semaphore, #tpu.memory_space<semaphore_mem>>)
      } else {
      }
      %while3A_193 = arith.constant 0 : i32
      scf.yield %while3A_193 : i32
    }
    %dma_wait3A_67 = arith.constant 0 : i32
    %dma_wait3A_68 = arith.constant 0 : i32
    %dma_wait3A_69 = arith.constant 0 : i32
    %dma_wait3A_70 = arith.constant 0 : i32
    %dma_wait3A_71 = tpu.memref_slice %arg9[%dma_wait3A_67, %dma_wait3A_69, %dma_wait3A_70] : memref<2x49x256xf32, #tpu.memory_space<vmem>> -> memref<1x49x256xf32, #tpu.memory_space<vmem>>
    %dma_wait3A_72 = tpu.memref_squeeze %dma_wait3A_71 : memref<1x49x256xf32, #tpu.memory_space<vmem>> -> memref<49x256xf32, #tpu.memory_space<vmem>>
    %dma_wait3A_73 = arith.constant 0 : i32
    %dma_wait3A_74 = arith.constant 0 : i32
    %dma_wait3A_75 = tpu.memref_slice %arg5[%dma_wait3A_73, %dma_wait3A_68, %dma_wait3A_74] : memref<49x1000x256xf32, #tpu.memory_space<hbm>> -> memref<49x1x256xf32, #tpu.memory_space<hbm>>
    %dma_wait3A_76 = tpu.memref_squeeze %dma_wait3A_75 : memref<49x1x256xf32, #tpu.memory_space<hbm>> -> memref<49x256xf32, #tpu.memory_space<hbm>>
    %dma_wait3A_77 = arith.constant 0 : i32
    %dma_wait3A_78 = arith.constant 0 : i32
    %dma_wait3A_79 = tpu.memref_slice %arg5[%dma_wait3A_77, %dma_wait3A_68, %dma_wait3A_78] : memref<49x1000x256xf32, #tpu.memory_space<hbm>> -> memref<49x1x256xf32, #tpu.memory_space<hbm>>
    %dma_wait3A_80 = tpu.memref_squeeze %dma_wait3A_79 : memref<49x1x256xf32, #tpu.memory_space<hbm>> -> memref<49x256xf32, #tpu.memory_space<hbm>>
    %dma_wait3A_81 = arith.constant 0 : i32
    %dma_wait3A_82 = arith.constant 0 : i32
    %dma_wait3A_83 = tpu.memref_slice %arg9[%dma_wait3A_67, %dma_wait3A_81, %dma_wait3A_82] : memref<2x49x256xf32, #tpu.memory_space<vmem>> -> memref<1x49x256xf32, #tpu.memory_space<vmem>>
    %dma_wait3A_84 = tpu.memref_squeeze %dma_wait3A_83 : memref<1x49x256xf32, #tpu.memory_space<vmem>> -> memref<49x256xf32, #tpu.memory_space<vmem>>
    tpu.wait_dma2 semaphore(%arg12 : memref<!tpu.dma_semaphore, #tpu.memory_space<semaphore_mem>>) src(%dma_wait3A_84 : memref<49x256xf32, #tpu.memory_space<vmem>>) dst(%dma_wait3A_80 : memref<49x256xf32, #tpu.memory_space<hbm>>)
    %ge3A = arith.constant 2 : i32
    %ge3A_85 = arith.cmpi sge, %min3A_4, %ge3A : i32
    %convert_element_type3A = arith.extui %ge3A_85 : i1 to i32
    %cond3A = arith.constant 0 : i32
    %cond3A_86 = arith.cmpi ne, %convert_element_type3A, %cond3A : i32
    scf.if %cond3A_86 {
      %dma_wait3A_87 = arith.constant 0 : i32
      %dma_wait3A_88 = arith.constant 0 : i32
      %dma_wait3A_89 = arith.constant 0 : i32
      %dma_wait3A_90 = arith.constant 0 : i32
      %dma_wait3A_91 = tpu.memref_slice %arg9[%dma_wait3A_87, %dma_wait3A_89, %dma_wait3A_90] : memref<2x49x256xf32, #tpu.memory_space<vmem>> -> memref<1x49x256xf32, #tpu.memory_space<vmem>>
      %dma_wait3A_92 = tpu.memref_squeeze %dma_wait3A_91 : memref<1x49x256xf32, #tpu.memory_space<vmem>> -> memref<49x256xf32, #tpu.memory_space<vmem>>
      %dma_wait3A_93 = arith.constant 0 : i32
      %dma_wait3A_94 = arith.constant 0 : i32
      %dma_wait3A_95 = tpu.memref_slice %arg5[%dma_wait3A_93, %dma_wait3A_88, %dma_wait3A_94] : memref<49x1000x256xf32, #tpu.memory_space<hbm>> -> memref<49x1x256xf32, #tpu.memory_space<hbm>>
      %dma_wait3A_96 = tpu.memref_squeeze %dma_wait3A_95 : memref<49x1x256xf32, #tpu.memory_space<hbm>> -> memref<49x256xf32, #tpu.memory_space<hbm>>
      %dma_wait3A_97 = arith.constant 0 : i32
      %dma_wait3A_98 = arith.constant 0 : i32
      %dma_wait3A_99 = tpu.memref_slice %arg5[%dma_wait3A_97, %dma_wait3A_88, %dma_wait3A_98] : memref<49x1000x256xf32, #tpu.memory_space<hbm>> -> memref<49x1x256xf32, #tpu.memory_space<hbm>>
      %dma_wait3A_100 = tpu.memref_squeeze %dma_wait3A_99 : memref<49x1x256xf32, #tpu.memory_space<hbm>> -> memref<49x256xf32, #tpu.memory_space<hbm>>
      %dma_wait3A_101 = arith.constant 0 : i32
      %dma_wait3A_102 = arith.constant 0 : i32
      %dma_wait3A_103 = tpu.memref_slice %arg9[%dma_wait3A_87, %dma_wait3A_101, %dma_wait3A_102] : memref<2x49x256xf32, #tpu.memory_space<vmem>> -> memref<1x49x256xf32, #tpu.memory_space<vmem>>
      %dma_wait3A_104 = tpu.memref_squeeze %dma_wait3A_103 : memref<1x49x256xf32, #tpu.memory_space<vmem>> -> memref<49x256xf32, #tpu.memory_space<vmem>>
      tpu.wait_dma2 semaphore(%arg12 : memref<!tpu.dma_semaphore, #tpu.memory_space<semaphore_mem>>) src(%dma_wait3A_104 : memref<49x256xf32, #tpu.memory_space<vmem>>) dst(%dma_wait3A_100 : memref<49x256xf32, #tpu.memory_space<hbm>>)
    } else {
    }
    return
  }
}

module attributes {stable_mosaic.version = 14 : i64} {
  func.func @_coeff_body(%arg0: memref<1000x4xf32, #tpu.memory_space<vmem>>, %arg1: memref<1000x1xi32, #tpu.memory_space<vmem>>, %arg2: memref<1x784xf32, #tpu.memory_space<vmem>>, %arg3: memref<1x784xf32, #tpu.memory_space<vmem>>, %arg4: memref<1x784xf32, #tpu.memory_space<vmem>>, %arg5: memref<1x784xf32, #tpu.memory_space<vmem>>, %arg6: memref<1x784xi32, #tpu.memory_space<vmem>>, %arg7: memref<1x784xi32, #tpu.memory_space<vmem>>, %arg8: memref<1000x784xi32, #tpu.memory_space<vmem>>, %arg9: memref<1000x784xf32, #tpu.memory_space<vmem>>) attributes {dimension_semantics = [], scalar_prefetch = 0 : i64, scratch_operands = 0 : i64, tpu.core_type = #tpu.core_type<tc>} {
    %get3A = arith.constant 0 : index
    %get3A_0 = arith.constant 0 : index
    %get3A_1 = vector.load %arg2[%get3A, %get3A_0] : memref<1x784xf32, #tpu.memory_space<vmem>>, vector<1x784xf32>
    %get3A_2 = arith.constant 0 : index
    %get3A_3 = arith.constant 0 : index
    %get3A_4 = vector.load %arg3[%get3A_2, %get3A_3] : memref<1x784xf32, #tpu.memory_space<vmem>>, vector<1x784xf32>
    %get3A_5 = arith.constant 0 : index
    %get3A_6 = arith.constant 0 : index
    %get3A_7 = vector.load %arg4[%get3A_5, %get3A_6] : memref<1x784xf32, #tpu.memory_space<vmem>>, vector<1x784xf32>
    %get3A_8 = arith.constant 0 : index
    %get3A_9 = arith.constant 0 : index
    %get3A_10 = vector.load %arg5[%get3A_8, %get3A_9] : memref<1x784xf32, #tpu.memory_space<vmem>>, vector<1x784xf32>
    %get3A_11 = arith.constant 0 : index
    %get3A_12 = arith.constant 0 : index
    %get3A_13 = vector.load %arg6[%get3A_11, %get3A_12] : memref<1x784xi32, #tpu.memory_space<vmem>>, vector<1x784xi32>
    %ne3A = arith.constant 0 : i32
    %ne3A_14 = vector.broadcast %ne3A : i32 to vector<1x784xi32>
    %ne3A_15 = arith.cmpi ne, %get3A_13, %ne3A_14 : vector<1x784xi32>
    %get3A_16 = arith.constant 0 : index
    %get3A_17 = arith.constant 0 : index
    %get3A_18 = vector.load %arg7[%get3A_16, %get3A_17] : memref<1x784xi32, #tpu.memory_space<vmem>>, vector<1x784xi32>
    %ne3A_19 = arith.constant 0 : i32
    %ne3A_20 = vector.broadcast %ne3A_19 : i32 to vector<1x784xi32>
    %ne3A_21 = arith.cmpi ne, %get3A_18, %ne3A_20 : vector<1x784xi32>
    %get3A_22 = arith.constant 0 : index
    %get3A_23 = arith.constant 0 : index
    %get3A_24 = vector.load %arg0[%get3A_22, %get3A_23] : memref<1000x4xf32, #tpu.memory_space<vmem>>, vector<1000x1xf32>
    %get3A_25 = arith.constant 0 : index
    %get3A_26 = arith.constant 1 : index
    %get3A_27 = vector.load %arg0[%get3A_25, %get3A_26] : memref<1000x4xf32, #tpu.memory_space<vmem>>, vector<1000x1xf32>
    %get3A_28 = arith.constant 0 : index
    %get3A_29 = arith.constant 2 : index
    %get3A_30 = vector.load %arg0[%get3A_28, %get3A_29] : memref<1000x4xf32, #tpu.memory_space<vmem>>, vector<1000x1xf32>
    %get3A_31 = arith.constant 0 : index
    %get3A_32 = arith.constant 3 : index
    %get3A_33 = vector.load %arg0[%get3A_31, %get3A_32] : memref<1000x4xf32, #tpu.memory_space<vmem>>, vector<1000x1xf32>
    %sub3A = arith.subf %get3A_33, %get3A_27 : vector<1000x1xf32>
    %max3A = arith.constant 1.000000e+00 : f32
    %max3A_34 = vector.broadcast %max3A : f32 to vector<1000x1xf32>
    %max3A_35 = arith.maximumf %sub3A, %max3A_34 : vector<1000x1xf32>
    %div3A = arith.constant 7.000000e+00 : f32
    %div3A_36 = vector.broadcast %div3A : f32 to vector<1000x1xf32>
    %div3A_37 = arith.divf %max3A_35, %div3A_36 : vector<1000x1xf32>
    %sub3A_38 = arith.subf %get3A_30, %get3A_24 : vector<1000x1xf32>
    %max3A_39 = arith.constant 1.000000e+00 : f32
    %max3A_40 = vector.broadcast %max3A_39 : f32 to vector<1000x1xf32>
    %max3A_41 = arith.maximumf %sub3A_38, %max3A_40 : vector<1000x1xf32>
    %div3A_42 = arith.constant 7.000000e+00 : f32
    %div3A_43 = vector.broadcast %div3A_42 : f32 to vector<1000x1xf32>
    %div3A_44 = arith.divf %max3A_41, %div3A_43 : vector<1000x1xf32>
    %add3A = arith.addf %get3A_1, %get3A_7 : vector<1x784xf32>
    %mul3A = vector.broadcast %add3A : vector<1x784xf32> to vector<1000x784xf32>
    %mul3A_45 = vector.broadcast %div3A_37 : vector<1000x1xf32> to vector<1000x784xf32>
    %mul3A_46 = arith.mulf %mul3A, %mul3A_45 : vector<1000x784xf32>
    %add3A_47 = vector.broadcast %get3A_27 : vector<1000x1xf32> to vector<1000x784xf32>
    %add3A_48 = arith.addf %add3A_47, %mul3A_46 : vector<1000x784xf32>
    %jit3A = arith.constant 0.000000e+00 : f32
    %jit3A_49 = arith.constant 63 : i32
    %max3A_50 = vector.broadcast %jit3A : f32 to vector<1000x784xf32>
    %max3A_51 = arith.maximumf %max3A_50, %add3A_48 : vector<1000x784xf32>
    %convert_element_type3A = arith.sitofp %jit3A_49 : i32 to f32
    %min3A = vector.broadcast %convert_element_type3A : f32 to vector<1000x784xf32>
    %min3A_52 = arith.minimumf %min3A, %max3A_51 : vector<1000x784xf32>
    %add3A_53 = arith.addf %get3A_4, %get3A_10 : vector<1x784xf32>
    %mul3A_54 = vector.broadcast %add3A_53 : vector<1x784xf32> to vector<1000x784xf32>
    %mul3A_55 = vector.broadcast %div3A_44 : vector<1000x1xf32> to vector<1000x784xf32>
    %mul3A_56 = arith.mulf %mul3A_54, %mul3A_55 : vector<1000x784xf32>
    %add3A_57 = vector.broadcast %get3A_24 : vector<1000x1xf32> to vector<1000x784xf32>
    %add3A_58 = arith.addf %add3A_57, %mul3A_56 : vector<1000x784xf32>
    %jit3A_59 = arith.constant 0.000000e+00 : f32
    %jit3A_60 = arith.constant 63 : i32
    %max3A_61 = vector.broadcast %jit3A_59 : f32 to vector<1000x784xf32>
    %max3A_62 = arith.maximumf %max3A_61, %add3A_58 : vector<1000x784xf32>
    %convert_element_type3A_63 = arith.sitofp %jit3A_60 : i32 to f32
    %min3A_64 = vector.broadcast %convert_element_type3A_63 : f32 to vector<1000x784xf32>
    %min3A_65 = arith.minimumf %min3A_64, %max3A_62 : vector<1000x784xf32>
    %floor3A = math.floor %min3A_52 : vector<1000x784xf32>
    %floor3A_66 = math.floor %min3A_65 : vector<1000x784xf32>
    %sub3A_67 = arith.subf %min3A_52, %floor3A : vector<1000x784xf32>
    %sub3A_68 = arith.subf %min3A_65, %floor3A_66 : vector<1000x784xf32>
    %convert_element_type3A_69 = arith.fptosi %floor3A : vector<1000x784xf32> to vector<1000x784xi32>
    %convert_element_type3A_70 = arith.fptosi %floor3A_66 : vector<1000x784xf32> to vector<1000x784xi32>
    %add3A_71 = arith.constant 1 : i32
    %add3A_72 = vector.broadcast %add3A_71 : i32 to vector<1000x784xi32>
    %add3A_73 = arith.addi %convert_element_type3A_69, %add3A_72 : vector<1000x784xi32>
    %min3A_74 = arith.constant 63 : i32
    %min3A_75 = vector.broadcast %min3A_74 : i32 to vector<1000x784xi32>
    %min3A_76 = arith.minsi %add3A_73, %min3A_75 : vector<1000x784xi32>
    %broadcast_in_dim3A = vector.shape_cast %ne3A_15 : vector<1x784xi1> to vector<1x784xi1>
    %broadcast_in_dim3A_77 = vector.broadcast %broadcast_in_dim3A : vector<1x784xi1> to vector<1000x784xi1>
    %select_n3A = arith.select %broadcast_in_dim3A_77, %min3A_76, %convert_element_type3A_69 : vector<1000x784xi1>, vector<1000x784xi32>
    %add3A_78 = arith.constant 1 : i32
    %add3A_79 = vector.broadcast %add3A_78 : i32 to vector<1000x784xi32>
    %add3A_80 = arith.addi %convert_element_type3A_70, %add3A_79 : vector<1000x784xi32>
    %min3A_81 = arith.constant 63 : i32
    %min3A_82 = vector.broadcast %min3A_81 : i32 to vector<1000x784xi32>
    %min3A_83 = arith.minsi %add3A_80, %min3A_82 : vector<1000x784xi32>
    %broadcast_in_dim3A_84 = vector.shape_cast %ne3A_21 : vector<1x784xi1> to vector<1x784xi1>
    %broadcast_in_dim3A_85 = vector.broadcast %broadcast_in_dim3A_84 : vector<1x784xi1> to vector<1000x784xi1>
    %select_n3A_86 = arith.select %broadcast_in_dim3A_85, %min3A_83, %convert_element_type3A_70 : vector<1000x784xi1>, vector<1000x784xi32>
    %sub3A_87 = arith.constant 1.000000e+00 : f32
    %sub3A_88 = vector.broadcast %sub3A_87 : f32 to vector<1000x784xf32>
    %sub3A_89 = arith.subf %sub3A_88, %sub3A_67 : vector<1000x784xf32>
    %broadcast_in_dim3A_90 = vector.shape_cast %ne3A_15 : vector<1x784xi1> to vector<1x784xi1>
    %broadcast_in_dim3A_91 = vector.broadcast %broadcast_in_dim3A_90 : vector<1x784xi1> to vector<1000x784xi1>
    %select_n3A_92 = arith.select %broadcast_in_dim3A_91, %sub3A_67, %sub3A_89 : vector<1000x784xi1>, vector<1000x784xf32>
    %sub3A_93 = arith.constant 1.000000e+00 : f32
    %sub3A_94 = vector.broadcast %sub3A_93 : f32 to vector<1000x784xf32>
    %sub3A_95 = arith.subf %sub3A_94, %sub3A_68 : vector<1000x784xf32>
    %broadcast_in_dim3A_96 = vector.shape_cast %ne3A_21 : vector<1x784xi1> to vector<1x784xi1>
    %broadcast_in_dim3A_97 = vector.broadcast %broadcast_in_dim3A_96 : vector<1x784xi1> to vector<1000x784xi1>
    %select_n3A_98 = arith.select %broadcast_in_dim3A_97, %sub3A_68, %sub3A_95 : vector<1000x784xi1>, vector<1000x784xf32>
    %mul3A_99 = arith.constant 2.500000e-01 : f32
    %mul3A_100 = vector.broadcast %mul3A_99 : f32 to vector<1000x784xf32>
    %mul3A_101 = arith.mulf %mul3A_100, %select_n3A_92 : vector<1000x784xf32>
    %mul3A_102 = arith.mulf %mul3A_101, %select_n3A_98 : vector<1000x784xf32>
    %swap3A = arith.constant 0 : index
    %swap3A_103 = arith.constant 0 : index
    %swap3A_104 = vector.load %arg9[%swap3A, %swap3A_103] : memref<1000x784xf32, #tpu.memory_space<vmem>>, vector<1000x784xf32>
    tpu.vector_store %arg9[%swap3A, %swap3A_103], %mul3A_102 {strides = array<i32>} : memref<1000x784xf32, #tpu.memory_space<vmem>>, vector<1000x784xf32>,
    %get3A_105 = arith.constant 0 : index
    %get3A_106 = arith.constant 0 : index
    %get3A_107 = vector.load %arg1[%get3A_105, %get3A_106] : memref<1000x1xi32, #tpu.memory_space<vmem>>, vector<1000x1xi32>
    %mul3A_108 = arith.constant 4096 : i32
    %mul3A_109 = vector.broadcast %mul3A_108 : i32 to vector<1000x1xi32>
    %mul3A_110 = arith.muli %get3A_107, %mul3A_109 : vector<1000x1xi32>
    %mul3A_111 = arith.constant 64 : i32
    %mul3A_112 = vector.broadcast %mul3A_111 : i32 to vector<1000x784xi32>
    %mul3A_113 = arith.muli %select_n3A, %mul3A_112 : vector<1000x784xi32>
    %add3A_114 = vector.broadcast %mul3A_110 : vector<1000x1xi32> to vector<1000x784xi32>
    %add3A_115 = arith.addi %add3A_114, %mul3A_113 : vector<1000x784xi32>
    %add3A_116 = arith.addi %add3A_115, %select_n3A_86 : vector<1000x784xi32>
    %swap3A_117 = arith.constant 0 : index
    %swap3A_118 = arith.constant 0 : index
    %swap3A_119 = vector.load %arg8[%swap3A_117, %swap3A_118] : memref<1000x784xi32, #tpu.memory_space<vmem>>, vector<1000x784xi32>
    tpu.vector_store %arg8[%swap3A_117, %swap3A_118], %add3A_116 {strides = array<i32>} : memref<1000x784xi32, #tpu.memory_space<vmem>>, vector<1000x784xi32>,
    return
  }
}

module attributes {stable_mosaic.version = 14 : i64} {
  func.func @_transpose_body(%arg0: i32, %arg1: memref<1x256x4096xf32, #tpu.memory_space<vmem>>, %arg2: memref<1x4096x128xi32, #tpu.memory_space<vmem>>) attributes {dimension_semantics = [#tpu.dimension_semantics<arbitrary>], iteration_bounds = array<i64: 4>, scalar_prefetch = 0 : i64, scratch_operands = 0 : i64, tpu.core_type = #tpu.core_type<tc>, window_params = [{transform_indices = @transform_0, window_bounds = array<i64: 1, 256, 4096>}, {transform_indices = @transform_1, window_bounds = array<i64: 1, 4096, 128>}]} {
    %get3A = arith.constant 0 : index
    %get3A_0 = arith.constant 0 : index
    %get3A_1 = arith.constant 0 : index
    %get3A_2 = vector.load %arg1[%get3A, %get3A_0, %get3A_1] : memref<1x256x4096xf32, #tpu.memory_space<vmem>>, vector<1x256x4096xf32>
    %get3A_3 = vector.shape_cast %get3A_2 : vector<1x256x4096xf32> to vector<256x4096xf32>
    %iota3A = tpu.iota {dimensions = array<i32: 0>} : vector<256x128xi32>
    %iota3A_4 = tpu.iota {dimensions = array<i32: 1>} : vector<256x128xi32>
    %jit3A = arith.constant 16 : i32
    %div3A = vector.broadcast %jit3A : i32 to vector<256x128xi32>
    %div3A_5 = arith.divsi %iota3A_4, %div3A : vector<256x128xi32>
    %sign3A = arith.constant 0 : i32
    %sign3A_6 = vector.broadcast %sign3A : i32 to vector<256x128xi32>
    %sign3A_7 = arith.cmpi sgt, %iota3A_4, %sign3A_6 : vector<256x128xi32>
    %sign3A_8 = arith.extui %sign3A_7 : vector<256x128xi1> to vector<256x128xi32>
    %sign3A_9 = arith.constant 0 : i32
    %sign3A_10 = vector.broadcast %sign3A_9 : i32 to vector<256x128xi32>
    %sign3A_11 = arith.cmpi slt, %iota3A_4, %sign3A_10 : vector<256x128xi32>
    %sign3A_12 = arith.extui %sign3A_11 : vector<256x128xi1> to vector<256x128xi32>
    %sign3A_13 = arith.subi %sign3A_8, %sign3A_12 : vector<256x128xi32>
    %sign3A_14 = arith.constant 0 : i32
    %sign3A_15 = arith.cmpi sgt, %jit3A, %sign3A_14 : i32
    %sign3A_16 = arith.extui %sign3A_15 : i1 to i32
    %sign3A_17 = arith.constant 0 : i32
    %sign3A_18 = arith.cmpi slt, %jit3A, %sign3A_17 : i32
    %sign3A_19 = arith.extui %sign3A_18 : i1 to i32
    %sign3A_20 = arith.subi %sign3A_16, %sign3A_19 : i32
    %ne3A = vector.broadcast %sign3A_20 : i32 to vector<256x128xi32>
    %ne3A_21 = arith.cmpi ne, %sign3A_13, %ne3A : vector<256x128xi32>
    %rem3A = vector.broadcast %jit3A : i32 to vector<256x128xi32>
    %rem3A_22 = arith.remsi %iota3A_4, %rem3A : vector<256x128xi32>
    %ne3A_23 = arith.constant 0 : i32
    %ne3A_24 = vector.broadcast %ne3A_23 : i32 to vector<256x128xi32>
    %ne3A_25 = arith.cmpi ne, %rem3A_22, %ne3A_24 : vector<256x128xi32>
    %and3A = arith.andi %ne3A_21, %ne3A_25 : vector<256x128xi1>
    %sub3A = arith.constant 1 : i32
    %sub3A_26 = vector.broadcast %sub3A : i32 to vector<256x128xi32>
    %sub3A_27 = arith.subi %div3A_5, %sub3A_26 : vector<256x128xi32>
    %select_n3A = arith.select %and3A, %sub3A_27, %div3A_5 : vector<256x128xi1>, vector<256x128xi32>
    %mul3A = arith.constant 32 : i32
    %mul3A_28 = vector.broadcast %mul3A : i32 to vector<256x128xi32>
    %mul3A_29 = arith.muli %select_n3A, %mul3A_28 : vector<256x128xi32>
    %jit3A_30 = arith.constant 16 : i32
    %eq3A = arith.constant 0 : i32
    %eq3A_31 = arith.cmpi eq, %jit3A_30, %eq3A : i32
    %jit3A_32 = arith.constant 1 : i32
    %select_n3A_33 = arith.select %eq3A_31, %jit3A_32, %jit3A_30 : i32
    %rem3A_34 = vector.broadcast %select_n3A_33 : i32 to vector<256x128xi32>
    %rem3A_35 = arith.remsi %iota3A_4, %rem3A_34 : vector<256x128xi32>
    %ne3A_36 = arith.constant 0 : i32
    %ne3A_37 = vector.broadcast %ne3A_36 : i32 to vector<256x128xi32>
    %ne3A_38 = arith.cmpi ne, %rem3A_35, %ne3A_37 : vector<256x128xi32>
    %lt3A = arith.constant 0 : i32
    %lt3A_39 = vector.broadcast %lt3A : i32 to vector<256x128xi32>
    %lt3A_40 = arith.cmpi slt, %rem3A_35, %lt3A_39 : vector<256x128xi32>
    %lt3A_41 = arith.constant 0 : i32
    %lt3A_42 = arith.cmpi slt, %select_n3A_33, %lt3A_41 : i32
    %ne3A_43 = vector.broadcast %lt3A_42 : i1 to vector<256x128xi1>
    %ne3A_44 = vector.broadcast %ne3A_43 : vector<256x128xi1> to vector<256x128xi1>
    %ne3A_45 = arith.xori %lt3A_40, %ne3A_44 : vector<256x128xi1>
    %and3A_46 = arith.andi %ne3A_45, %ne3A_38 : vector<256x128xi1>
    %add3A = vector.broadcast %select_n3A_33 : i32 to vector<256x128xi32>
    %add3A_47 = arith.addi %rem3A_35, %add3A : vector<256x128xi32>
    %select_n3A_48 = arith.select %and3A_46, %add3A_47, %rem3A_35 : vector<256x128xi1>, vector<256x128xi32>
    %add3A_49 = arith.addi %mul3A_29, %select_n3A_48 : vector<256x128xi32>
    %eq3A_50 = arith.cmpi eq, %iota3A, %add3A_49 : vector<256x128xi32>
    %convert_element_type3A = arith.extui %eq3A_50 : vector<256x128xi1> to vector<256x128xi32>
    %convert_element_type3A_51 = arith.sitofp %convert_element_type3A : vector<256x128xi32> to vector<256x128xf32>
    %add3A_52 = arith.constant 16 : i32
    %add3A_53 = vector.broadcast %add3A_52 : i32 to vector<256x128xi32>
    %add3A_54 = arith.addi %add3A_49, %add3A_53 : vector<256x128xi32>
    %eq3A_55 = arith.cmpi eq, %iota3A, %add3A_54 : vector<256x128xi32>
    %convert_element_type3A_56 = arith.extui %eq3A_55 : vector<256x128xi1> to vector<256x128xi32>
    %convert_element_type3A_57 = arith.sitofp %convert_element_type3A_56 : vector<256x128xi32> to vector<256x128xf32>
    %dot_general3A = arith.constant dense<0.000000e+00> : vector<4096x128xf32>
    %dot_general3A_58 = tpu.matmul %get3A_3, %convert_element_type3A_51, %dot_general3A {dimension_numbers = #tpu.dot_dimension_numbers<[0], [0], [1], [1], [0, 1, 1, 1], [], []>, precision = #tpu.contract_precision<fp32>, transpose_lhs_hint = false} : vector<256x4096xf32>, vector<256x128xf32>, vector<4096x128xf32> -> vector<4096x128xf32>
    %dot_general3A_59 = arith.constant dense<0.000000e+00> : vector<4096x128xf32>
    %dot_general3A_60 = tpu.matmul %get3A_3, %convert_element_type3A_57, %dot_general3A_59 {dimension_numbers = #tpu.dot_dimension_numbers<[0], [0], [1], [1], [0, 1, 1, 1], [], []>, precision = #tpu.contract_precision<fp32>, transpose_lhs_hint = false} : vector<256x4096xf32>, vector<256x128xf32>, vector<4096x128xf32> -> vector<4096x128xf32>
    %convert_element_type3A_61 = arith.truncf %dot_general3A_58 : vector<4096x128xf32> to vector<4096x128xbf16>
    %convert_element_type3A_62 = arith.extf %convert_element_type3A_61 : vector<4096x128xbf16> to vector<4096x128xf32>
    %bitcast_convert_type3A = tpu.bitcast %convert_element_type3A_62 : vector<4096x128xf32> -> vector<4096x128xi32>
    %convert_element_type3A_63 = arith.truncf %dot_general3A_60 : vector<4096x128xf32> to vector<4096x128xbf16>
    %convert_element_type3A_64 = arith.extf %convert_element_type3A_63 : vector<4096x128xbf16> to vector<4096x128xf32>
    %bitcast_convert_type3A_65 = tpu.bitcast %convert_element_type3A_64 : vector<4096x128xf32> -> vector<4096x128xi32>
    %and3A_66 = arith.constant -65536 : i32
    %and3A_67 = vector.broadcast %and3A_66 : i32 to vector<4096x128xi32>
    %and3A_68 = arith.andi %bitcast_convert_type3A_65, %and3A_67 : vector<4096x128xi32>
    %shift_right_logical3A = arith.constant 16 : i32
    %shift_right_logical3A_69 = vector.broadcast %shift_right_logical3A : i32 to vector<4096x128xi32>
    %shift_right_logical3A_70 = arith.shrui %bitcast_convert_type3A, %shift_right_logical3A_69 : vector<4096x128xi32>
    %or3A = arith.ori %and3A_68, %shift_right_logical3A_70 : vector<4096x128xi32>
    %swap3A = arith.constant 0 : index
    %swap3A_71 = arith.constant 0 : index
    %swap3A_72 = arith.constant 0 : index
    %swap3A_73 = vector.load %arg2[%swap3A, %swap3A_71, %swap3A_72] : memref<1x4096x128xi32, #tpu.memory_space<vmem>>, vector<1x4096x128xi32>
    %swap3A_74 = vector.shape_cast %swap3A_73 : vector<1x4096x128xi32> to vector<4096x128xi32>
    %swap3A_75 = vector.shape_cast %or3A : vector<4096x128xi32> to vector<1x4096x128xi32>
    tpu.vector_store %arg2[%swap3A, %swap3A_71, %swap3A_72], %swap3A_75 {strides = array<i32>} : memref<1x4096x128xi32, #tpu.memory_space<vmem>>, vector<1x4096x128xi32>,
    return
  }
  func.func @transform_0(%arg0: i32) -> (i32, i32, i32) {
    %c0_i32 = arith.constant 0 : i32
    %c0_i32_0 = arith.constant 0 : i32
    %c0_i32_1 = arith.constant 0 : i32
    return %arg0, %c0_i32, %c0_i32_0 : i32, i32, i32
  }
  func.func @transform_1(%arg0: i32) -> (i32, i32, i32) {
    %c0_i32 = arith.constant 0 : i32
    %c0_i32_0 = arith.constant 0 : i32
    %c0_i32_1 = arith.constant 0 : i32
    return %arg0, %c0_i32, %c0_i32_0 : i32, i32, i32
  }
}

</mosaic_0001>

<sc_bundles>
// kernel: kernel.5.cloned.1.call-start
scs
__scs_entry_jumppad:
0x0: {  	(pc) =	sbr.rel $0x88, $3  }
0x1: {  	(tag) =	ssettag $0x0;
	lr =	simm.s32 $0x1  }
0x2: {  	[smem:$0x3F9E] =	sst lr;
	_ =	strace $0xD0000000  }
0x3: {  	_ = 	snop  }
0x4: {  	_ = 	snop  }
0x5: {  	_ = 	snop  }
0x6: {  	_ = 	snop  }
0x7: {  	_ = 	snop  }
__scs_overlays_trampoline_lowered:
0x8: {  	[smem:$0x3FAD] =	sst s0  }
0x9: {  	[smem:$0x3FAE] =	sst s1  }
0xa: {  	[smem:$0x3FAF] =	sst s2  }
0xb: {  	[smem:$0x3FB0] =	sst s3  }
0xc: {  	[smem:$0x3FB1] =	sst s4  }
0xd: {  	[smem:$0x3FB2] =	sst s5  }
0xe: {  	[smem:$0x3FB3] =	sst s6  }
0xf: {  	[smem:$0x3FB4] =	sst s7  }
0x10: {  	[smem:$0x3FB5] =	sst s8  }
0x11: {  	[smem:$0x3FB6] =	sst s9;
	s0 =	simm.s32 @!p0 $0x0  }
0x12: {  	s1 =	sld [smem:$0x3F9C];
	s0 =	simm.s32 @p0 $0x1  }
0x13: {  	[smem:$0x3FB7] =	sst s0;
	s0 =	simm.s32 @!p1 $0x0  }
0x14: {  	s2 =	sld [smem:$0x3F9B];
	s0 =	simm.s32 @p1 $0x1  }
0x15: {  	[smem:$0x3FB8] =	sst s0;
	s0 =	simm.s32 @!p2 $0x0  }
0x16: {  	s3 =	sld [smem:$0x3FDB];
	s0 =	simm.s32 @p2 $0x1  }
0x17: {  	s4 =	simm.s32 $0x1BF5;
	[smem:$0x3FBA] =	sst s0  }
0x18: {  	s0 =	sld [smem:$0x3F9D];
	_ =	swait.ge [sflag:s4], $0x0  }
0x19: {  	s7 =	sld [smem:$0x3F9E]  }
0x1a: {  	s8 =	sadd.s32 $0xFFFFE003, lr  }
0x1b: {  	s9 =	sadd.s32 $0xFFFFFEF7, lr;
	s5 =	simm.s32 $0xFFFFFFFF;
	p2 =	slt.u32 s8, $0xFFFFF086  }
0x1c: {  	p1 =	slt.u32 s9, $0xF7A;
	s5 =	simm.s32 @!p2 $0x0  }
0x1d: {  	s5 =	simm.s32 @p1 $0x1;
	p0 =	seq.s32 s7, s2  }
0x1e: {  	s7 =	smul.u32 @!p0 $0xF7A, s2;
	p2 =	seq.s32 @!p0 s5, $0x0  }
0x1f: {  	s9 =	smul.u32 $0xF7A, s1;
	s8 =	simm.s32 @!p0 $0x1BF5;
	p2 =	por !p2, p0  }
0x20: {  	[sflag:s8] =	ssyncset.s32 @!p0 $0xFFFFF086;
	s6 =	sadd.s32 @!p0 s3, s7;
	s7 =	simm.s32 @!p0 $0x108  }
0x21: {  	s3 =	sadd.s32 s3, s9;
	s6 =	sadd.s32 @!p0 $0x88, s6;
	s7 =	simm.s32 @p2 $0x1082  }
0x22: {  	[simem:s7], [sflag:s8] =	dma.local @!p0 [hbm:s6], $0xF7A  }
0x23: {  	s9 =	sor.u32 $0xD0000000, s2;
	s6 =	simm.s32 $0x108;
	_ =	swait.ge @!p0 [sflag:s8], $0x0  }
0x24: {  	s3 =	sadd.s32 $0x88, s3;
	s6 =	simm.s32 @!p1 $0x1082;
	[sflag:s4] =	ssyncset.s32 $0xFFFFF086  }
0x25: {  	[simem:s6], [sflag:s4] =	dma.local [hbm:s3], $0xF7A  }
0x26: {  	[smem:$0x3F9E] =	sst s1;
	(tag) =	ssettag s2;
	_ =	strace s9  }
0x27: {  	s1 =	sld [smem:$0x3FAE]  }
0x28: {  	s2 =	sld [smem:$0x3FAF]  }
0x29: {  	s4 =	sld [smem:$0x3FB1]  }
0x2a: {  	p0 =	seq.s32 s5, $0x0;
	s5 =	sld [smem:$0x3FB2]  }
0x2b: {  	s6 =	sld [smem:$0x3FB3]  }
0x2c: {  	s7 =	sld [smem:$0x3FB4]  }
0x2d: {  	s3 =	simm.s32 $0x108;
	s8 =	sld [smem:$0x3FB5]  }
0x2e: {  	s3 =	simm.s32 @!p0 $0x1082;
	s9 =	sld [smem:$0x3FB6]  }
0x2f: {  	lr =	sadd.s32 s0, s3;
	s0 =	sld [smem:$0x3FAD]  }
0x30: {  	s3 =	sld [smem:$0x3FB0]  }
0x31: {  	[smem:$0x3FB9] =	sst s10  }
0x32: {  	s10 =	sld [smem:$0x3FB7];
	_ =	sdelay $0x3  }
0x33: {  	p0 =	seq.s32 s10, $0x1;
	s10 =	sld [smem:$0x3FB9];
	_ =	sdelay $0x3  }
0x34: {  	[smem:$0x3FB9] =	sst s10  }
0x35: {  	s10 =	sld [smem:$0x3FB8];
	_ =	sdelay $0x3  }
0x36: {  	p1 =	seq.s32 s10, $0x1;
	s10 =	sld [smem:$0x3FB9];
	_ =	sdelay $0x3  }
0x37: {  	[smem:$0x3FB9] =	sst s10  }
0x38: {  	s10 =	sld [smem:$0x3FBA]  }
0x39: {  	_ = 	snop;
	(pc) =	sbr.ind lr, $3  }
0x3a: {  	_ = 	snop  }
0x3b: {  	_ = 	snop  }
0x3c: {  	p2 =	seq.s32 s10, $0x1;
	s10 =	sld [smem:$0x3FB9]  }
0x3d: {  	_ =	shalt  }
0x3e: {  	_ =	shalt  }
0x3f: {  	_ =	shalt  }
0x40: {  	_ =	shalt  }
0x41: {  	_ =	shalt  }
0x42: {  	_ =	shalt  }
0x43: {  	_ =	shalt  }
0x44: {  	_ =	shalt  }
0x45: {  	_ =	shalt  }
0x46: {  	_ =	shalt  }
0x47: {  	_ =	shalt  }
0x48: {  	_ =	shalt  }
0x49: {  	_ =	shalt  }
0x4a: {  	_ =	shalt  }
0x4b: {  	_ =	shalt  }
0x4c: {  	_ =	shalt  }
0x4d: {  	_ =	shalt  }
0x4e: {  	_ =	shalt  }
0x4f: {  	_ =	shalt  }
0x50: {  	_ =	shalt  }
0x51: {  	_ =	shalt  }
0x52: {  	_ =	shalt  }
0x53: {  	_ =	shalt  }
0x54: {  	_ =	shalt  }
0x55: {  	_ =	shalt  }
0x56: {  	_ =	shalt  }
0x57: {  	_ =	shalt  }
0x58: {  	_ =	shalt  }
0x59: {  	_ =	shalt  }
0x5a: {  	_ =	shalt  }
0x5b: {  	_ =	shalt  }
0x5c: {  	_ =	shalt  }
0x5d: {  	_ =	shalt  }
0x5e: {  	_ =	shalt  }
0x5f: {  	_ =	shalt  }
0x60: {  	_ =	shalt  }
0x61: {  	_ =	shalt  }
0x62: {  	_ =	shalt  }
0x63: {  	_ =	shalt  }
0x64: {  	_ =	shalt  }
0x65: {  	_ =	shalt  }
0x66: {  	_ =	shalt  }
0x67: {  	_ =	shalt  }
0x68: {  	_ =	shalt  }
0x69: {  	_ =	shalt  }
0x6a: {  	_ =	shalt  }
0x6b: {  	_ =	shalt  }
0x6c: {  	_ =	shalt  }
0x6d: {  	_ =	shalt  }
0x6e: {  	_ =	shalt  }
0x6f: {  	_ =	shalt  }
0x70: {  	_ =	shalt  }
0x71: {  	_ =	shalt  }
0x72: {  	_ =	shalt  }
0x73: {  	_ =	shalt  }
0x74: {  	_ =	shalt  }
0x75: {  	_ =	shalt  }
0x76: {  	_ =	shalt  }
0x77: {  	_ =	shalt  }
0x78: {  	_ =	shalt  }
0x79: {  	_ =	shalt  }
0x7a: {  	_ =	shalt  }
0x7b: {  	_ =	shalt  }
0x7c: {  	_ =	shalt  }
0x7d: {  	_ =	shalt  }
0x7e: {  	_ =	shalt  }
0x7f: {  	_ =	shalt  }
0x80: {  	_ =	shalt  }
0x81: {  	_ =	shalt  }
0x82: {  	_ =	shalt  }
0x83: {  	_ =	shalt  }
0x84: {  	_ =	shalt  }
0x85: {  	_ =	shalt  }
0x86: {  	_ =	shalt  }
0x87: {  	_ =	shalt  }
.Lfunc_end0:
.L_simem_size_0:
called_computation_lowered:
.L_overlay_start_0:
0x88: {  	s2 =	sld [smem:$0x3FD9]  }
0x89: {  	s3 =	sld [smem:$0x3FFE];
	_ =	sdelay $0x1  }
0x8a: {  	s1 =	srdreg.scid  }
0x8b: {  	s0 =	sand.u32 $0x1, s1  }
0x8c: {  	s17 =	sshll.u32 s0, $0xA;
	s2 =	sadd.s32 s3, s2  }
0x8d: {  	s2 =	sadd.s32 s2, s17  }
0x8e: {  	[smem:$0x3FC5] =	sst s2  }
0x8f: {  	_ = 	snop  }
0x90: {  	s2 =	sld [smem:$0x3FD0];
	(tm) =	ssettm $0x1  }
0x91: {  	s18 =	sld [smem:$0x3FFB];
	_ =	sdelay $0x3  }
0x92: {  	_ =	strace s18  }
0x93: {  	s3 =	sld [smem:$0x3FFC];
	_ =	sdelay $0x3  }
0x94: {  	_ =	strace s3  }
0x95: {  	s3 =	sld [smem:$0x3FFD];
	_ =	sdelay $0x3  }
0x96: {  	_ =	strace s3  }
0x97: {  	_ =	strace $0x8FFFFFFF  }
0x98: {  	s19 =	sld [smem:$0x3FDB];
	_ =	sdelay $0x1  }
0x99: {  	s4 =	simm.s32 $_scs_section_size  }
0x9a: {  	s5 =	simm.s32 $_size__tile_overlayer_lowered;
	s6 =	simm.s32 $_tile_overlayer_lowered  }
0x9b: {  	s22 =	simm.s32 $0x1BFF;
	s21 =	sshll.u32 s6, $0x1;
	s3 =	sadd.s32 s4, s19  }
0x9c: {  	s7 =	simm.s32 $0x0;
	s20 =	sshll.u32 s5, $0x1;
	s5 =	sadd.s32 s21, s3  }
0x9d: {  	[timem:s7], [sflag:s22] =	dma.local [hbm:s5], s20  }
0x9e: {  	_ =	swait.ge [sflag:s22], s20  }
0x9f: {  	s4 =	ssub.s32 $0x0, s20;
	[sflag:s22] =	ssyncset.done $0x0  }
0xa0: {  	[sflag:s22] =	ssyncadd.s32 s4;
	_ =	sdelay $0x1  }
0xa1: {  	s23 =	simm.s32 $0x1B8B  }
0xa2: {  	_ =	swait.ge [sflag:s23], $0x1  }
0xa3: {  	[sflag:s23] =	ssyncset.done $0x0  }
0xa4: {  	s25 =	simm.s32 $0x1B8E;
	s24 =	sld [smem:$0x3FFE];
	[sflag:s23] =	ssyncadd.s32 $0xFFFFFFFF  }
0xa5: {  	s26 =	simm.s32 $execute0_lowered;
	[smem:$0x3FD2] =	sst s25  }
0xa6: {  	s5 =	sshll.u32 s26, $0x1;
	_ =	strace $0x80000046;
	[dreg:$0x1] =	wrdreg $0xFFFFFFFF  }
0xa7: {  	s28 =	simm.s32 $_size_execute0_lowered;
	s3 =	sadd.s32 s3, s5;
	[dreg:$0x0] =	wrdreg $0x0  }
0xa8: {  	s5 =	sshll.u32 s28, $0x1;
	[dreg:$0x2] =	wrdreg s3  }
0xa9: {  	[dreg:$0x3] =	wrdreg s5  }
0xaa: {  	[dreg:$0x4] =	wrdreg $0xC0  }
0xab: {  	_ =	task [dreg:s7], $0x5FFFF  }
0xac: {  	[dreg:$0x1] =	wrdreg $0xFFFFFFFF  }
0xad: {  	[dreg:$0x0] =	wrdreg $0x60  }
0xae: {  	[dreg:$0x2] =	wrdreg s24  }
0xaf: {  	[dreg:$0x3] =	wrdreg s2  }
0xb0: {  	[dreg:$0x4] =	wrdreg $0x9  }
0xb1: {  	_ =	task.clear_ibuf [dreg:s7], $0x5FFFF;
	_ =	strace $0x90000046  }
0xb2: {  	s29 =	simm.s32 $0x9;
	_ =	strace $0x80000048  }
0xb3: {  	_ =	swait.ge [sflag:s29], $0x1  }
0xb4: {  	[sflag:s29] =	ssyncadd.s32 $0xFFFFFFFF  }
0xb5: {  	_ =	strace $0x90000048  }
0xb6: {  	_ =	sfence  }
0xb7: {  	s30 =	sld [smem:$0x0];
	_ =	sdelay $0x2  }
0xb8: {  	s31 =	sshll.u32 s1, $0xD;
	s1 =	sshrl.u32 s1, $0x2  }
0xb9: {  	s3 =	sand.u32 $0x4000, s31;
	s1 =	sadd.s32 s1, s30  }
0xba: {  	s0 =	sor.u32 s3, s0;
	s1 =	sshll.u32 s1, $0x11  }
0xbb: {  	s0 =	sor.u32 s1, s0  }
0xbc: {  	s0 =	sadd.s32 $0x8F2B, s0  }
0xbd: {  	[sflag:s0] =	ssyncadd.remote.s32 $0x1  }
0xbe: {  	_ =	sfence.sel $0xFFFF  }
0xbf: {  	[dreg:$0x0] =	wrdreg $0xFFFFFFFF;
	(pc) =	sbr.abs _section_cstart, $3  }
0xc0: {  	[dreg:$0x1] =	wrdreg $0xFFFFFFFF  }
0xc1: {  	_ =	task.clear_ibuf [dreg:s7], $0x2FFFF;
	_ =	strace $0x9FFFFFFF  }
0xc2: {  	(tm) =	ssettm $0x7FFFFFFF  }
0xc3: {  	_ =	shalt  }
tec
execute0_lowered:
.L_overlay_start_1:
0x0: {  	(tag) =	ssettag $0x1  }
0x1: {  	s0 =	rddreg [dreg:$0x0]  }
0x2: {  	s1 =	rddreg [dreg:$0x1];
	s2 =	simm.s32 $0x0  }
0x3: {  	s3 =	srdreg.scid;
	s10 =	stileid.u32;
	s14 =	simm.s32 $0x2  }
0x4: {  	s17 =	simm.s32 $0x1;
	s18 =	simm.s32 $0x3;
	s19 =	simm.s32 $0x0  }
0x5: {  	[smem:$0x7FF] =	sst s2;
	s4 =	sadd.s32 $0x31400, s0;
	s3 =	sand.u32 $0x1, s3  }
0x6: {  	s5 =	sadd.s32 $0x1400, s0;
	s7 =	sshll.u32 s10, $0x1;
	s6 =	sadd.s32 $0x19400, s0  }
0x7: {  	s10 =	sshll.u32 s10, $0x6;
	_ =	strace $0x80000047;
	s8 =	ssub.s32 $0x2, s3  }
0x8: {  	s9 =	sor.u32 s3, s7;
	s3 =	sshll.u32 s3, $0x5;
	s29 =	sshrl.u32 s8, $0x1  }
0x9: {  	s7 =	sshll.u32 s9, $0x5;
	s12 =	smul.u32 $0xC40, s9;
	s3 =	sor.u32 s10, s3  }
0xa: {  	s11 =	sxor.u32 $0x3E8, s7;
	s0 =	ssub.s32 s8, s29;
	s3 =	sxor.u32 $0x3E8, s3  }
0xb: {  	s8 =	smin.u32 s11, $0x20;
	s30 =	sadd.s32 s5, s12;
	s3 =	smin.u32 s3, $0x20  }
0xc: {  	s31 =	sadd.s32 s6, s12;
	s9 =	smul.u32 $0x7, s8;
	[dreg:$0x3] =	wrdreg s30  }
0xd: {  	s13 =	smax.u32 s0, $0x1;
	[dreg:$0x4] =	wrdreg s31;
	s12 =	smul.u32 $0x7, s3  }
.LBB2_1:
0xe: {  	s0 =	rddreg [dreg:$0x3]  }
0xf: {  	[tilespmem:s2], [sflag:$0x2] =	stream.linear.gather [hbm4b:s0+s2], $0x310, $0x38;
	[tilespmem:$0x12500] =	vst v63  }
0x10: {  	s20 =	simm.s32 $0x680;
	s30 =	rddreg [dreg:$0x4]  }
0x11: {  	[tilespmem:s20], [sflag:$0x2] =	stream.linear.gather [hbm4b:s30+s2], $0x310, $0x38;
	[tilespmem:$0x12500] =	vst v63  }
0x12: {  	_ =	swait.ge [sflag:s14], $0x310  }
0x13: {  	[sflag:s14] =	ssyncset.done $0x0  }
0x14: {  	[sflag:s14] =	ssyncadd.s32 $0xFFFFFCF0  }
0x15: {  	_ =	swait.ge [sflag:s14], $0x310  }
0x16: {  	s21 =	simm.s32 $0xD00;
	[sflag:s14] =	ssyncset.done $0x0  }
0x17: {  	s31 =	simm.s32 $0x70;
	s3 =	simm.s32 $0x4500;
	[sflag:s14] =	ssyncadd.s32 $0xFFFFFCF0  }
0x18: {  	[tilespmem:s21], [sflag:$0x1] =	stream.indirect.gather [hbm4b:s4+s31], $0x80, s2, s31, $0xb8;
	[tilespmem:$0x12500] =	vst v63  }
0x19: {  	s22 =	simm.s32 $0x0;
	s23 =	simm.s32 $0x0;
	s24 =	simm.s32 $0x0  }
0x1a: {  	[tilespmem:s3], [sflag:$0x1] =	stream.indirect.gather [hbm4b:s4+s31], $0x80, s31, s31, $0xb8;
	[tilespmem:$0x12500] =	vst v63  }
.LBB2_2:
0x1b: {  	s0 =	smulhi.u32 $0x24924925, s24;
	_ =	sdelay $0x1  }
0x1c: {  	s3 =	ssub.s32 s24, s0  }
0x1d: {  	s3 =	sshrl.u32 s3, $0x1  }
0x1e: {  	s0 =	sadd.s32 s0, s3  }
0x1f: {  	s25 =	sshrl.u32 s0, $0x2  }
0x20: {  	s0 =	smul.u32 $0x7, s25;
	_ =	sdelay $0x1  }
0x21: {  	s26 =	ssub.s32 s24, s0  }
0x22: {  	s0 =	sadd.s32 $0x1, s25;
	p0 =	sne.s32 s26, $0x0  }
0x23: {  	p1 =	sge.u32 @!p0 s0, s8  }
0x24: {  	p2 =	por p1, p0  }
0x25: {  	s3 =	sand.u32 @!p2 $0x1, s0  }
0x26: {  	s11 =	smul.u32 $0x3100, s25;
	s31 =	sand.u32 $0x1, s25;
	p3 =	seq.s32 @!p2 s3, $0x1  }
0x27: {  	s10 =	smul.u32 $0xC40, s25;
	s3 =	sadd.s32 @!p2 s7, s0;
	p1 =	por @!p0 !p3, p1  }
0x28: {  	s28 =	simm.s32 @!p2 $0x310;
	s3 =	smul.u32 @!p2 $0x62, s3;
	p1 =	por !p1, p0  }
0x29: {  	s16 =	smul.u32 $0xC40, s31;
	s30 =	simm.s32 @!p2 $0x0;
	s28 =	simm.s32 @!p1 $0x0  }
0x2a: {  	s29 =	sadd.s32 @!p2 s5, s3;
	s3 =	sadd.s32 @!p2 s6, s3;
	p1 =	slt.u32 @!p0 s24, $0xE  }
0x2b: {  	[tilespmem:s28], [sflag:$0x2] =	stream.linear.gather @!p2 [hbm4b:s29+s30], $0x310, $0x38;
	[tilespmem:$0x12500] =	vst v63  }
0x2c: {  	s28 =	sadd.s32 @!p2 $0x680, s28;
	s29 =	smul.u32 $0x1880, s25;
	p0 =	por p1, p0  }
0x2d: {  	[tilespmem:s28], [sflag:$0x2] =	stream.linear.gather @!p2 [hbm4b:s3+s30], $0x310, $0x38;
	[tilespmem:$0x12500] =	vst v63  }
0x2e: {  	p1 =	sne.s32 s26, $0x5;
	s15 =	simm.s32 @!p0 $0x3;
	s28 =	ssub.s32 s23, s11  }
0x2f: {  	s11 =	ssub.s32 s16, s10;
	s10 =	sadd.s32 $0x2, s24;
	_ =	swait.ge @!p0 [sflag:s15], $0x3100  }
0x30: {  	p2 =	sge.u32 @!p1 s0, s8;
	s3 =	sshra.s32 s11, $0x2;
	[sflag:s15] =	ssyncset.done @!p0 $0x0  }
0x31: {  	s11 =	smulhi.u32 $0xAAAAAAAB, s24;
	[sflag:s15] =	ssyncadd.s32 @!p0 $0xFFFFCF00;
	p0 =	sge.u32 s10, s9  }
0x32: {  	s30 =	ssub.s32 s22, s29;
	p1 =	por p2, p1;
	s0 =	smulhi.u32 @!p0 $0x24924925, s10  }
0x33: {  	s15 =	simm.s32 @!p1 $0x2;
	s11 =	sshrl.u32 s11, $0x1;
	_ =	swait.ge [sflag:s17], $0x3800  }
0x34: {  	s29 =	smulhi.u32 @!p0 $0xAAAAAAAB, s10;
	[sflag:s17] =	ssyncset.done $0x0;
	s16 =	ssub.s32 @!p0 s10, s0  }
0x35: {  	s11 =	smul.u32 $0xFFFD6000, s11;
	[sflag:s17] =	ssyncadd.s32 $0xFFFFC800;
	s16 =	sshrl.u32 @!p0 s16, $0x1  }
0x36: {  	_ =	swait.ge @!p1 [sflag:s15], $0x310;
	s0 =	sadd.s32 @!p0 s0, s16;
	s16 =	sshrl.u32 @!p0 s29, $0x1  }
0x37: {  	[sflag:s15] =	ssyncset.done @!p1 $0x0;
	s0 =	sshrl.u32 @!p0 s0, $0x2;
	s16 =	smul.u32 @!p0 $0x3, s16  }
0x38: {  	[sflag:s15] =	ssyncadd.s32 @!p1 $0xFFFFFCF0;
	s29 =	smul.u32 @!p0 $0x7, s0  }
0x39: {  	_ =	swait.ge @!p1 [sflag:s15], $0x310;
	s0 =	sand.u32 @!p0 $0x1, s0;
	s16 =	ssub.s32 @!p0 s10, s16  }
0x3a: {  	[sflag:s15] =	ssyncset.done @!p1 $0x0;
	s10 =	ssub.s32 @!p0 s10, s29;
	s16 =	smul.u32 @!p0 $0xE000, s16  }
0x3b: {  	[sflag:s15] =	ssyncadd.s32 @!p1 $0xFFFFFCF0;
	p1 =	seq.s32 @!p0 s0, $0x1;
	s0 =	smul.u32 @!p0 $0x1C0, s10  }
0x3c: {  	s10 =	simm.s32 @!p0 $0x310;
	p1 =	por !p1, p0;
	s15 =	sshrl.u32 @!p0 s16, $0x2  }
0x3d: {  	s10 =	simm.s32 @p1 $0x0;
	s16 =	smul.u32 $0xE000, s31;
	s0 =	sshrl.u32 @!p0 s0, $0x2  }
0x3e: {  	s15 =	sadd.s32 @!p0 $0xD00, s15;
	s0 =	sadd.s32 @!p0 s0, s10;
	s10 =	simm.s32 @!p0 $0x70  }
0x3f: {  	[tilespmem:s15], [sflag:$0x1] =	stream.indirect.gather @!p0 [hbm4b:s4+s10], $0x80, s0, s10, $0xb8;
	[tilespmem:$0x12500] =	vst v63  }
0x40: {  	s29 =	sshrl.u32 s16, $0x2;
	s10 =	sadd.s32 s3, s20;
	s15 =	sshra.s32 s11, $0x2  }
0x41: {  	s31 =	sadd.s32 $0xB500, s29;
	s3 =	simm.s32 $0x0;
	s0 =	sadd.s32 s15, s21;
	v0 =	vmov s10  }
.LBB2_3:
0x42: {  	v2 =	vld [tilespmem:s0+$0x0]  }
0x43: {  	v3 =	vld [tilespmem:s0+$0x10]  }
0x44: {  	v5 =	vld [tilespmem:s0+$0x20]  }
0x45: {  	v7 =	vld [tilespmem:s0+$0x30]  }
0x46: {  	v9 =	vld [tilespmem:s0+$0x40]  }
0x47: {  	v11 =	vld [tilespmem:s0+$0x50]  }
0x48: {  	s10 =	sshra.s32 s3, $0x2;
	v13 =	vld [tilespmem:s0+$0x60]  }
0x49: {  	v1 =	vld.idx.msk [tilespmem:v0+s10+$0x0 ss:$0x1], $0xffff  }
0x4a: {  	v15 =	vld [tilespmem:s0+$0x70]  }
0x4b: {  	v17 =	vld [tilespmem:s0+$0x80]  }
0x4c: {  	v19 =	vld [tilespmem:s0+$0x90];
	v6 =	vshll.u32 v2, $0x10  }
0x4d: {  	v22 =	vld [tilespmem:s0+$0xA0];
	v8 =	vshll.u32 v3, $0x10;
	v10 =	vshll.u32 v5, $0x10;
	v12 =	vshll.u32 v7, $0x10  }
0x4e: {  	v24 =	vld [tilespmem:s0+$0xB0];
	v14 =	vshll.u32 v9, $0x10;
	v16 =	vshll.u32 v11, $0x10;
	v4 =	vbroadcast v1, $0x0  }
0x4f: {  	v31 =	vld [tilespmem:s0+$0xC0];
	v18 =	vshll.u32 v13, $0x10;
	v20 =	vshll.u32 v15, $0x10;
	v21 =	vbroadcast v1, $0x1  }
0x50: {  	v25 =	vld [tilespmem:s0+$0xD0];
	v23 =	vshll.u32 v17, $0x10;
	v47 =	vbroadcast v1, $0x2;
	v6 =	vmul.f32 v6, v4  }
0x51: {  	v27 =	vld [tilespmem:s0+$0xE0];
	v30 =	vshll.u32 v19, $0x10;
	v2 =	vmul.f32 v2, v4;
	v8 =	vmul.f32 v8, v4  }
0x52: {  	v38 =	vld [tilespmem:s0+$0xF0];
	v32 =	vshll.u32 v22, $0x10;
	v3 =	vmul.f32 v3, v4;
	v10 =	vmul.f32 v10, v4  }
0x53: {  	v41 =	vld [tilespmem:s0+$0x100];
	v26 =	vshll.u32 v24, $0x10;
	v5 =	vmul.f32 v5, v4;
	v12 =	vmul.f32 v12, v4  }
0x54: {  	v44 =	vld [tilespmem:s0+$0x110];
	v36 =	vshll.u32 v31, $0x10;
	v7 =	vmul.f32 v7, v4;
	v14 =	vmul.f32 v14, v4  }
0x55: {  	v48 =	vld [tilespmem:s0+$0x120];
	v37 =	vshll.u32 v25, $0x10;
	v9 =	vmul.f32 v9, v4;
	v16 =	vmul.f32 v16, v4  }
0x56: {  	v50 =	vld [tilespmem:s0+$0x130];
	v40 =	vshll.u32 v27, $0x10;
	v11 =	vmul.f32 v11, v4;
	v18 =	vmul.f32 v18, v4  }
0x57: {  	v54 =	vld [tilespmem:s0+$0x140];
	v46 =	vshll.u32 v38, $0x10;
	v13 =	vmul.f32 v13, v4;
	v20 =	vmul.f32 v20, v4  }
0x58: {  	v49 =	vshll.u32 v41, $0x10;
	v4 =	vmul.f32 v15, v4;
	v29 =	vmul.f32 v23, v21  }
0x59: {  	v53 =	vshll.u32 v44, $0x10;
	v17 =	vmul.f32 v17, v21;
	v15 =	vmul.f32 v30, v21  }
0x5a: {  	v55 =	vshll.u32 v48, $0x10;
	v19 =	vmul.f32 v19, v21;
	v33 =	vmul.f32 v22, v21  }
0x5b: {  	v58 =	vshll.u32 v50, $0x10;
	v34 =	vmul.f32 v26, v21;
	v35 =	vmul.f32 v24, v21  }
0x5c: {  	v62 =	vshll.u32 v54, $0x10;
	v39 =	vmul.f32 v31, v21;
	v42 =	vmul.f32 v25, v21  }
0x5d: {  	v23 =	vmul.f32 v40, v21;
	v6 =	vadd.f32 $0.0e+00, v6;
	v2 =	vadd.f32 $0.0e+00, v2  }
0x5e: {  	v45 =	vmul.f32 v27, v21;
	v8 =	vadd.f32 $0.0e+00, v8;
	v3 =	vadd.f32 $0.0e+00, v3  }
0x5f: {  	v22 =	vmul.f32 v46, v21;
	v10 =	vadd.f32 $0.0e+00, v10;
	v5 =	vadd.f32 $0.0e+00, v5  }
0x60: {  	v63 =	vld [tilespmem:s0+$0x170];
	v51 =	vmul.f32 v49, v47;
	v12 =	vadd.f32 $0.0e+00, v12;
	v7 =	vadd.f32 $0.0e+00, v7  }
0x61: {  	v28 =	vld [tilespmem:s0+$0x1B0];
	v52 =	vmul.f32 v41, v47;
	v14 =	vadd.f32 $0.0e+00, v14;
	v9 =	vadd.f32 $0.0e+00, v9  }
0x62: {  	v57 =	vmul.f32 v48, v47;
	v16 =	vadd.f32 $0.0e+00, v16;
	v11 =	vadd.f32 $0.0e+00, v11  }
0x63: {  	v59 =	vmul.f32 v58, v47;
	v18 =	vadd.f32 $0.0e+00, v18;
	v13 =	vadd.f32 $0.0e+00, v13  }
0x64: {  	v61 =	vmul.f32 v50, v47;
	v20 =	vadd.f32 $0.0e+00, v20;
	v4 =	vadd.f32 $0.0e+00, v4  }
0x65: {  	v56 =	vld [tilespmem:s0+$0x150];
	v41 =	vmul.f32 v63, v47;
	v6 =	vadd.f32 v29, v6;
	v2 =	vadd.f32 v17, v2  }
0x66: {  	v60 =	vld [tilespmem:s0+$0x160];
	v49 =	vshll.u32 v28, $0x10;
	v8 =	vadd.f32 v15, v8;
	v3 =	vadd.f32 v19, v3  }
0x67: {  	v46 =	vld [tilespmem:s0+$0x1C0];
	v17 =	vmul.f32 v32, v21;
	v5 =	vadd.f32 v33, v5;
	v12 =	vadd.f32 v34, v12  }
0x68: {  	v50 =	vld [tilespmem:s0+$0x1E0];
	v7 =	vadd.f32 v35, v7;
	v15 =	vmul.f32 v36, v21;
	v9 =	vadd.f32 v39, v9  }
0x69: {  	v11 =	vadd.f32 v42, v11;
	v43 =	vadd.f32 v23, v18;
	v19 =	vmul.f32 v38, v21  }
0x6a: {  	v13 =	vadd.f32 v45, v13;
	v20 =	vadd.f32 v22, v20;
	v18 =	vmul.f32 v53, v47  }
0x6b: {  	v32 =	vshll.u32 v56, $0x10;
	v22 =	vmul.f32 v56, v47;
	v35 =	vshll.u32 v60, $0x10  }
0x6c: {  	v38 =	vbroadcast v1, $0x3;
	v34 =	vmul.f32 v32, v47;
	v53 =	vshll.u32 v46, $0x10  }
0x6d: {  	v56 =	vshll.u32 v50, $0x10;
	v10 =	vadd.f32 v17, v10;
	v14 =	vadd.f32 v15, v14  }
0x6e: {  	v48 =	vld [tilespmem:s0+$0x1D0];
	v17 =	vmul.f32 v37, v21;
	v4 =	vadd.f32 v19, v4;
	v6 =	vadd.f32 v51, v6  }
0x6f: {  	v2 =	vadd.f32 v52, v2;
	v21 =	vmul.f32 v55, v47;
	v8 =	vadd.f32 v18, v8  }
0x70: {  	v5 =	vadd.f32 v57, v5;
	v12 =	vadd.f32 v59, v12;
	v19 =	vmul.f32 v54, v47  }
0x71: {  	v31 =	vld [tilespmem:s0+$0x230];
	v7 =	vadd.f32 v61, v7;
	v11 =	vadd.f32 v22, v11;
	v18 =	vmul.f32 v60, v47  }
0x72: {  	v33 =	vld [tilespmem:s0+$0x180];
	v37 =	vshll.u32 v63, $0x10;
	v24 =	vmul.f32 v49, v38;
	v52 =	vmul.f32 v28, v38  }
0x73: {  	v36 =	vld [tilespmem:s0+$0x190];
	v54 =	vshll.u32 v48, $0x10;
	v58 =	vmul.f32 v48, v38;
	v59 =	vmul.f32 v56, v38  }
0x74: {  	v39 =	vld [tilespmem:s0+$0x1A0];
	v61 =	vmul.f32 v50, v38;
	v63 =	vbroadcast v1, $0x4;
	v16 =	vadd.f32 v17, v16  }
0x75: {  	v29 =	vld [tilespmem:s0+$0x220];
	v50 =	vbroadcast v1, $0x5;
	v10 =	vadd.f32 v21, v10;
	v9 =	vadd.f32 v19, v9  }
0x76: {  	v17 =	vmul.f32 v44, v47;
	v13 =	vadd.f32 v18, v13;
	v4 =	vadd.f32 v41, v4  }
0x77: {  	v21 =	vmul.f32 v62, v47;
	v12 =	vadd.f32 v24, v12;
	v7 =	vadd.f32 v52, v7  }
0x78: {  	v55 =	vld [tilespmem:s0+$0x1F0];
	v11 =	vadd.f32 v58, v11;
	v41 =	vmul.f32 v31, v63;
	v40 =	vshll.u32 v33, $0x10  }
0x79: {  	v57 =	vld [tilespmem:s0+$0x200];
	v44 =	vmul.f32 v33, v38;
	v45 =	vshll.u32 v36, $0x10;
	v19 =	vmul.f32 v36, v38  }
0x7a: {  	v60 =	vld [tilespmem:s0+$0x210];
	v51 =	vmul.f32 v39, v38;
	v36 =	vshll.u32 v29, $0x10;
	v24 =	vmul.f32 v29, v63  }
0x7b: {  	v48 =	vld [tilespmem:s0+$0x290];
	v3 =	vadd.f32 v17, v3;
	v14 =	vadd.f32 v21, v14;
	v17 =	vmul.f32 v35, v47  }
0x7c: {  	v16 =	vadd.f32 v34, v16;
	v21 =	vmul.f32 v37, v47;
	v42 =	vmul.f32 v40, v38  }
0x7d: {  	v47 =	vshll.u32 v39, $0x10;
	v13 =	vadd.f32 v61, v13;
	v7 =	vadd.f32 v41, v7  }
0x7e: {  	v2 =	vadd.f32 v44, v2;
	v5 =	vadd.f32 v51, v5;
	v62 =	vshll.u32 v55, $0x10  }
0x7f: {  	v58 =	vld [tilespmem:s0+$0x2C0];
	v30 =	vshll.u32 v57, $0x10;
	v33 =	vmul.f32 v57, v63;
	v34 =	vshll.u32 v60, $0x10  }
0x80: {  	v57 =	vshll.u32 v48, $0x10;
	v15 =	vadd.f32 v17, v43;
	v43 =	vadd.f32 v21, v20  }
0x81: {  	v6 =	vadd.f32 v42, v6;
	v17 =	vmul.f32 v45, v38;
	v20 =	vmul.f32 v47, v38  }
0x82: {  	v35 =	vld [tilespmem:s0+$0x240];
	v3 =	vadd.f32 v19, v3;
	v21 =	vmul.f32 v46, v38;
	v19 =	vmul.f32 v54, v38  }
0x83: {  	v37 =	vld [tilespmem:s0+$0x250];
	v32 =	vmul.f32 v30, v63;
	v2 =	vadd.f32 v33, v2;
	v5 =	vadd.f32 v24, v5  }
0x84: {  	v40 =	vld [tilespmem:s0+$0x260];
	v27 =	vshll.u32 v58, $0x10;
	v8 =	vadd.f32 v17, v8;
	v10 =	vadd.f32 v20, v10  }
0x85: {  	v17 =	vmul.f32 v53, v38;
	v9 =	vadd.f32 v21, v9;
	v16 =	vadd.f32 v19, v16  }
0x86: {  	v15 =	vadd.f32 v59, v15;
	v21 =	vmul.f32 v62, v38;
	v20 =	vmul.f32 v55, v38  }
0x87: {  	v29 =	vld [tilespmem:s0+$0x2F0];
	v6 =	vadd.f32 v32, v6;
	v19 =	vmul.f32 v34, v63;
	v38 =	vshll.u32 v31, $0x10  }
0x88: {  	v51 =	vld [tilespmem:s0+$0x2A0];
	v39 =	vmul.f32 v38, v63;
	v42 =	vshll.u32 v35, $0x10;
	v44 =	vshll.u32 v37, $0x10  }
0x89: {  	v45 =	vld [tilespmem:s0+$0x280];
	v22 =	vmul.f32 v37, v63;
	v47 =	vshll.u32 v40, $0x10;
	v37 =	vbroadcast v1, $0x6  }
0x8a: {  	v14 =	vadd.f32 v17, v14;
	v18 =	vadd.f32 v21, v43;
	v17 =	vmul.f32 v60, v63  }
0x8b: {  	v4 =	vadd.f32 v20, v4;
	v21 =	vmul.f32 v36, v63;
	v20 =	vmul.f32 v35, v63  }
0x8c: {  	v8 =	vadd.f32 v19, v8;
	v46 =	vmul.f32 v44, v63;
	v19 =	vmul.f32 v40, v63  }
0x8d: {  	v53 =	vld [tilespmem:s0+$0x2B0];
	v59 =	vshll.u32 v51, $0x10;
	v36 =	vshll.u32 v29, $0x10;
	v12 =	vadd.f32 v39, v12  }
0x8e: {  	v62 =	vld [tilespmem:s0+$0x2E0];
	v11 =	vadd.f32 v22, v11;
	v52 =	vshll.u32 v45, $0x10;
	v56 =	vmul.f32 v45, v50  }
0x8f: {  	v31 =	vld [tilespmem:s0+$0x300];
	v3 =	vadd.f32 v17, v3;
	v10 =	vadd.f32 v21, v10;
	v21 =	vmul.f32 v42, v63  }
0x90: {  	v9 =	vadd.f32 v20, v9;
	v16 =	vadd.f32 v46, v16;
	v17 =	vmul.f32 v47, v63  }
0x91: {  	v55 =	vmul.f32 v52, v50;
	v13 =	vadd.f32 v19, v13;
	v20 =	vmul.f32 v48, v50  }
0x92: {  	v38 =	vld [tilespmem:s0+$0x320];
	v19 =	vmul.f32 v59, v50;
	v59 =	vbroadcast v1, $0x7;
	v2 =	vadd.f32 v56, v2  }
0x93: {  	v43 =	vld [tilespmem:s0+$0x270];
	v61 =	vshll.u32 v53, $0x10;
	v25 =	vmul.f32 v53, v50;
	v30 =	vshll.u32 v62, $0x10  }
0x94: {  	v60 =	vld [tilespmem:s0+$0x2D0];
	v35 =	vmul.f32 v62, v50;
	v39 =	vshll.u32 v31, $0x10;
	v14 =	vadd.f32 v21, v14  }
0x95: {  	v34 =	vld [tilespmem:s0+$0x310];
	v42 =	vmul.f32 v31, v37;
	v15 =	vadd.f32 v17, v15;
	v6 =	vadd.f32 v55, v6  }
0x96: {  	v40 =	vld [tilespmem:s0+$0x330];
	v17 =	vmul.f32 v57, v50;
	v24 =	vmul.f32 v61, v50;
	v3 =	vadd.f32 v20, v3  }
0x97: {  	v10 =	vadd.f32 v19, v10;
	v33 =	vmul.f32 v30, v50;
	v20 =	vmul.f32 v29, v50  }
0x98: {  	v41 =	vmul.f32 v39, v37;
	v45 =	vshll.u32 v38, $0x10;
	v49 =	vshll.u32 v43, $0x10  }
0x99: {  	v54 =	vmul.f32 v43, v63;
	v7 =	vadd.f32 v25, v7;
	v28 =	vshll.u32 v60, $0x10  }
0x9a: {  	v44 =	vld [tilespmem:s0+$0x340];
	v32 =	vmul.f32 v60, v50;
	v13 =	vadd.f32 v35, v13;
	v2 =	vadd.f32 v42, v2  }
0x9b: {  	v46 =	vld [tilespmem:s0+$0x350];
	v43 =	vshll.u32 v34, $0x10;
	v47 =	vshll.u32 v40, $0x10;
	v25 =	vbroadcast v1, $0xE  }
0x9c: {  	v21 =	vmul.f32 v49, v63;
	v8 =	vadd.f32 v17, v8;
	v63 =	vmul.f32 v51, v50  }
0x9d: {  	v12 =	vadd.f32 v24, v12;
	v17 =	vmul.f32 v27, v50;
	v19 =	vmul.f32 v28, v50  }
0x9e: {  	v52 =	vld [tilespmem:s0+$0x370];
	v15 =	vadd.f32 v33, v15;
	v6 =	vadd.f32 v41, v6;
	v24 =	vmul.f32 v38, v37  }
0x9f: {  	v62 =	vld [tilespmem:s0+$0x3B0];
	v48 =	vmul.f32 v47, v37;
	v51 =	vshll.u32 v44, $0x10;
	v4 =	vadd.f32 v54, v4  }
0xa0: {  	v31 =	vld [tilespmem:s0+$0x3D0];
	v11 =	vadd.f32 v32, v11;
	v53 =	vshll.u32 v46, $0x10;
	v22 =	vmul.f32 v46, v37  }
0xa1: {  	v46 =	vbroadcast v1, $0x8;
	v18 =	vadd.f32 v21, v18;
	v5 =	vadd.f32 v63, v5  }
0xa2: {  	v57 =	vld [tilespmem:s0+$0x390];
	v21 =	vmul.f32 v58, v50;
	v14 =	vadd.f32 v17, v14;
	v16 =	vadd.f32 v19, v16  }
0xa3: {  	v29 =	vld [tilespmem:s0+$0x3C0];
	v19 =	vmul.f32 v43, v37;
	v17 =	vmul.f32 v34, v37;
	v12 =	vadd.f32 v48, v12  }
0xa4: {  	v60 =	vld [tilespmem:s0+$0x3A0];
	v55 =	vmul.f32 v53, v37;
	v58 =	vshll.u32 v52, $0x10;
	v63 =	vmul.f32 v52, v37  }
0xa5: {  	v49 =	vld [tilespmem:s0+$0x360];
	v32 =	vshll.u32 v62, $0x10;
	v35 =	vmul.f32 v62, v59;
	v41 =	vmul.f32 v31, v59  }
0xa6: {  	v33 =	vld [tilespmem:s0+$0x3E0];
	v4 =	vadd.f32 v20, v4;
	v20 =	vmul.f32 v44, v37;
	v11 =	vadd.f32 v22, v11  }
0xa7: {  	v27 =	vshll.u32 v57, $0x10;
	v9 =	vadd.f32 v21, v9;
	v8 =	vadd.f32 v19, v8  }
0xa8: {  	v21 =	vmul.f32 v36, v50;
	v3 =	vadd.f32 v17, v3;
	v5 =	vadd.f32 v24, v5  }
0xa9: {  	v54 =	vld [tilespmem:s0+$0x380];
	v50 =	vmul.f32 v40, v37;
	v16 =	vadd.f32 v55, v16;
	v30 =	vshll.u32 v60, $0x10  }
0xaa: {  	v38 =	vld [tilespmem:s0+$0x3F0];
	v34 =	vmul.f32 v60, v59;
	v36 =	vshll.u32 v29, $0x10;
	v56 =	vshll.u32 v49, $0x10  }
0xab: {  	v47 =	vld [tilespmem:s0+$0x420];
	v19 =	vmul.f32 v49, v37;
	v4 =	vadd.f32 v63, v4;
	v39 =	vshll.u32 v33, $0x10  }
0xac: {  	v43 =	vld [tilespmem:s0+$0x410];
	v11 =	vadd.f32 v41, v11;
	v44 =	vmul.f32 v33, v59;
	v18 =	vadd.f32 v21, v18  }
0xad: {  	v53 =	vld [tilespmem:s0+$0x440];
	v21 =	vmul.f32 v45, v37;
	v7 =	vadd.f32 v50, v7;
	v9 =	vadd.f32 v20, v9  }
0xae: {  	v17 =	vmul.f32 v56, v37;
	v61 =	vshll.u32 v54, $0x10;
	v26 =	vmul.f32 v54, v59  }
0xaf: {  	v20 =	vmul.f32 v57, v59;
	v5 =	vadd.f32 v34, v5;
	v42 =	vmul.f32 v39, v59  }
0xb0: {  	v45 =	vshll.u32 v38, $0x10;
	v54 =	vshll.u32 v47, $0x10;
	v24 =	vmul.f32 v61, v59  }
0xb1: {  	v40 =	vld [tilespmem:s0+$0x400];
	v13 =	vadd.f32 v19, v13;
	v19 =	vmul.f32 v30, v59;
	v52 =	vshll.u32 v43, $0x10  }
0xb2: {  	v55 =	vld [tilespmem:s0+$0x450];
	v60 =	vshll.u32 v53, $0x10;
	v10 =	vadd.f32 v21, v10;
	v21 =	vmul.f32 v51, v37  }
0xb3: {  	v15 =	vadd.f32 v17, v15;
	v2 =	vadd.f32 v26, v2;
	v17 =	vmul.f32 v27, v59  }
0xb4: {  	v3 =	vadd.f32 v20, v3;
	v7 =	vadd.f32 v35, v7;
	v20 =	vmul.f32 v38, v59  }
0xb5: {  	v49 =	vld [tilespmem:s0+$0x430];
	v35 =	vbroadcast v1, $0x9;
	v6 =	vadd.f32 v24, v6;
	v24 =	vmul.f32 v32, v59  }
0xb6: {  	v63 =	vld [tilespmem:s0+$0x480];
	v48 =	vshll.u32 v40, $0x10;
	v13 =	vadd.f32 v44, v13;
	v51 =	vmul.f32 v40, v46  }
0xb7: {  	v33 =	vld [tilespmem:s0+$0x490];
	v62 =	vshll.u32 v55, $0x10;
	v22 =	vmul.f32 v55, v46;
	v14 =	vadd.f32 v21, v14  }
0xb8: {  	v21 =	vmul.f32 v58, v37;
	v8 =	vadd.f32 v17, v8;
	v10 =	vadd.f32 v19, v10  }
0xb9: {  	v17 =	vmul.f32 v36, v59;
	v37 =	vshll.u32 v31, $0x10;
	v15 =	vadd.f32 v42, v15  }
0xba: {  	v50 =	vmul.f32 v48, v46;
	v4 =	vadd.f32 v20, v4;
	v20 =	vmul.f32 v53, v46  }
0xbb: {  	v61 =	vld [tilespmem:s0+$0x470];
	v56 =	vshll.u32 v49, $0x10;
	v31 =	vmul.f32 v62, v46;
	v41 =	vmul.f32 v63, v35  }
0xbc: {  	v42 =	vshll.u32 v33, $0x10;
	v12 =	vadd.f32 v24, v12;
	v19 =	vmul.f32 v37, v59  }
0xbd: {  	v2 =	vadd.f32 v51, v2;
	v24 =	vmul.f32 v47, v46;
	v57 =	vmul.f32 v56, v46  }
0xbe: {  	v11 =	vadd.f32 v22, v11;
	v37 =	vshll.u32 v63, $0x10;
	v18 =	vadd.f32 v21, v18  }
0xbf: {  	v38 =	vld [tilespmem:s0+$0x4B0];
	v21 =	vmul.f32 v29, v59;
	v14 =	vadd.f32 v17, v14;
	v6 =	vadd.f32 v50, v6  }
0xc0: {  	v58 =	vld [tilespmem:s0+$0x460];
	v17 =	vmul.f32 v43, v46;
	v34 =	vshll.u32 v61, $0x10;
	v39 =	vmul.f32 v61, v46  }
0xc1: {  	v36 =	vld [tilespmem:s0+$0x4A0];
	v40 =	vmul.f32 v37, v35;
	v16 =	vadd.f32 v19, v16;
	v5 =	vadd.f32 v24, v5  }
0xc2: {  	v19 =	vmul.f32 v52, v46;
	v12 =	vadd.f32 v57, v12;
	v2 =	vadd.f32 v41, v2  }
0xc3: {  	v9 =	vadd.f32 v21, v9;
	v21 =	vmul.f32 v45, v59;
	v3 =	vadd.f32 v17, v3  }
0xc4: {  	v47 =	vld [tilespmem:s0+$0x4E0];
	v59 =	vmul.f32 v49, v46;
	v4 =	vadd.f32 v39, v4;
	v6 =	vadd.f32 v40, v6  }
0xc5: {  	v43 =	vld [tilespmem:s0+$0x4C0];
	v49 =	vmul.f32 v38, v35;
	v8 =	vadd.f32 v19, v8;
	v16 =	vadd.f32 v31, v16  }
0xc6: {  	v61 =	vld [tilespmem:s0+$0x520];
	v32 =	vshll.u32 v58, $0x10;
	v19 =	vmul.f32 v58, v46;
	v44 =	vshll.u32 v36, $0x10  }
0xc7: {  	v52 =	vld [tilespmem:s0+$0x4F0];
	v48 =	vmul.f32 v36, v35;
	v18 =	vadd.f32 v21, v18;
	v21 =	vmul.f32 v54, v46  }
0xc8: {  	v57 =	vld [tilespmem:s0+$0x510];
	v7 =	vadd.f32 v59, v7;
	v9 =	vadd.f32 v20, v9;
	v17 =	vmul.f32 v32, v46  }
0xc9: {  	v41 =	vld [tilespmem:s0+$0x580];
	v20 =	vmul.f32 v33, v35;
	v53 =	vshll.u32 v47, $0x10;
	v58 =	vmul.f32 v47, v35  }
0xca: {  	v45 =	vld [tilespmem:s0+$0x4D0];
	v13 =	vadd.f32 v19, v13;
	v19 =	vmul.f32 v44, v35;
	v5 =	vadd.f32 v48, v5  }
0xcb: {  	v39 =	vld [tilespmem:s0+$0x570];
	v50 =	vshll.u32 v43, $0x10;
	v56 =	vmul.f32 v53, v35;
	v32 =	vshll.u32 v61, $0x10  }
0xcc: {  	v10 =	vadd.f32 v21, v10;
	v21 =	vmul.f32 v60, v46;
	v15 =	vadd.f32 v17, v15  }
0xcd: {  	v17 =	vmul.f32 v42, v35;
	v3 =	vadd.f32 v20, v3;
	v7 =	vadd.f32 v49, v7  }
0xce: {  	v63 =	vld [tilespmem:s0+$0x530];
	v59 =	vshll.u32 v52, $0x10;
	v60 =	vbroadcast v1, $0xA;
	v20 =	vmul.f32 v52, v35  }
0xcf: {  	v31 =	vld [tilespmem:s0+$0x540];
	v30 =	vshll.u32 v57, $0x10;
	v48 =	vshll.u32 v41, $0x10;
	v51 =	vshll.u32 v45, $0x10  }
0xd0: {  	v55 =	vmul.f32 v45, v35;
	v13 =	vadd.f32 v58, v13;
	v45 =	vshll.u32 v39, $0x10  }
0xd1: {  	v54 =	vld [tilespmem:s0+$0x500];
	v14 =	vadd.f32 v21, v14;
	v21 =	vmul.f32 v34, v46;
	v46 =	vshll.u32 v38, $0x10  }
0xd2: {  	v33 =	vld [tilespmem:s0+$0x550];
	v8 =	vadd.f32 v17, v8;
	v10 =	vadd.f32 v19, v10;
	v17 =	vmul.f32 v50, v35  }
0xd3: {  	v47 =	vld [tilespmem:s0+$0x5A0];
	v19 =	vmul.f32 v51, v35;
	v15 =	vadd.f32 v56, v15;
	v4 =	vadd.f32 v20, v4  }
0xd4: {  	v34 =	vshll.u32 v63, $0x10;
	v37 =	vmul.f32 v63, v60;
	v20 =	vmul.f32 v31, v60  }
0xd5: {  	v38 =	vshll.u32 v31, $0x10;
	v50 =	vmul.f32 v39, v60;
	v24 =	vmul.f32 v46, v35  }
0xd6: {  	v36 =	vld [tilespmem:s0+$0x560];
	v11 =	vadd.f32 v55, v11;
	v62 =	vshll.u32 v54, $0x10;
	v29 =	vmul.f32 v54, v60  }
0xd7: {  	v44 =	vld [tilespmem:s0+$0x590];
	v40 =	vshll.u32 v33, $0x10;
	v22 =	vmul.f32 v33, v60;
	v46 =	vbroadcast v1, $0xB  }
0xd8: {  	v55 =	vshll.u32 v47, $0x10;
	v18 =	vadd.f32 v21, v18;
	v21 =	vmul.f32 v43, v35  }
0xd9: {  	v49 =	vld [tilespmem:s0+$0x5B0];
	v14 =	vadd.f32 v17, v14;
	v16 =	vadd.f32 v19, v16;
	v28 =	vmul.f32 v62, v60  }
0xda: {  	v19 =	vmul.f32 v30, v60;
	v17 =	vmul.f32 v57, v60;
	v7 =	vadd.f32 v37, v7  }
0xdb: {  	v42 =	vmul.f32 v40, v60;
	v43 =	vshll.u32 v36, $0x10;
	v4 =	vadd.f32 v50, v4  }
0xdc: {  	v53 =	vshll.u32 v44, $0x10;
	v12 =	vadd.f32 v24, v12;
	v2 =	vadd.f32 v29, v2  }
0xdd: {  	v58 =	vld [tilespmem:s0+$0x5E0];
	v24 =	vmul.f32 v61, v60;
	v11 =	vadd.f32 v22, v11;
	v51 =	vmul.f32 v48, v46  }
0xde: {  	v52 =	vmul.f32 v41, v46;
	v57 =	vshll.u32 v49, $0x10;
	v9 =	vadd.f32 v21, v9  }
0xdf: {  	v56 =	vld [tilespmem:s0+$0x5D0];
	v21 =	vmul.f32 v59, v35;
	v6 =	vadd.f32 v28, v6;
	v8 =	vadd.f32 v19, v8  }
0xe0: {  	v63 =	vld [tilespmem:s0+$0x5F0];
	v3 =	vadd.f32 v17, v3;
	v35 =	vmul.f32 v34, v60;
	v17 =	vmul.f32 v43, v60  }
0xe1: {  	v16 =	vadd.f32 v42, v16;
	v19 =	vmul.f32 v36, v60;
	v59 =	vmul.f32 v47, v46  }
0xe2: {  	v28 =	vshll.u32 v58, $0x10;
	v33 =	vmul.f32 v58, v46;
	v58 =	vbroadcast v1, $0xD  }
0xe3: {  	v54 =	vld [tilespmem:s0+$0x5C0];
	v5 =	vadd.f32 v24, v5;
	v2 =	vadd.f32 v52, v2;
	v24 =	vmul.f32 v57, v46  }
0xe4: {  	v62 =	vshll.u32 v56, $0x10;
	v30 =	vmul.f32 v56, v46;
	v31 =	vmul.f32 v28, v46  }
0xe5: {  	v50 =	vld [tilespmem:s0+$0x670];
	v34 =	vshll.u32 v63, $0x10;
	v18 =	vadd.f32 v21, v18;
	v12 =	vadd.f32 v35, v12  }
0xe6: {  	v21 =	vmul.f32 v32, v60;
	v9 =	vadd.f32 v20, v9;
	v15 =	vadd.f32 v17, v15  }
0xe7: {  	v13 =	vadd.f32 v19, v13;
	v6 =	vadd.f32 v51, v6;
	v17 =	vmul.f32 v53, v46  }
0xe8: {  	v29 =	vld [tilespmem:s0+$0x600];
	v20 =	vmul.f32 v44, v46;
	v19 =	vmul.f32 v55, v46;
	v61 =	vshll.u32 v54, $0x10  }
0xe9: {  	v35 =	vbroadcast v1, $0xC;
	v1 =	vbroadcast v1, $0xF;
	v5 =	vadd.f32 v59, v5  }
0xea: {  	v36 =	vld [tilespmem:s0+$0x620];
	v11 =	vadd.f32 v30, v11;
	v57 =	vshll.u32 v50, $0x10;
	v10 =	vadd.f32 v21, v10  }
0xeb: {  	v42 =	vld [tilespmem:s0+$0x640];
	v21 =	vmul.f32 v38, v60;
	v8 =	vadd.f32 v17, v8;
	v3 =	vadd.f32 v20, v3  }
0xec: {  	v52 =	vld [tilespmem:s0+$0x680];
	v12 =	vadd.f32 v24, v12;
	v17 =	vmul.f32 v61, v46;
	v15 =	vadd.f32 v31, v15  }
0xed: {  	v56 =	vld [tilespmem:s0+$0x690];
	v20 =	vmul.f32 v63, v46;
	v37 =	vshll.u32 v29, $0x10;
	v40 =	vmul.f32 v29, v35  }
0xee: {  	v32 =	vld [tilespmem:s0+$0x610];
	v13 =	vadd.f32 v33, v13;
	v23 =	vmul.f32 v50, v35;
	v39 =	vmul.f32 v37, v35  }
0xef: {  	v44 =	vld [tilespmem:s0+$0x650];
	v43 =	vshll.u32 v36, $0x10;
	v24 =	vmul.f32 v36, v35;
	v14 =	vadd.f32 v21, v14  }
0xf0: {  	v21 =	vmul.f32 v45, v60;
	v10 =	vadd.f32 v19, v10;
	v60 =	vmul.f32 v49, v46  }
0xf1: {  	v19 =	vmul.f32 v62, v46;
	v4 =	vadd.f32 v20, v4;
	v2 =	vadd.f32 v40, v2  }
0xf2: {  	v47 =	vld [tilespmem:s0+$0x660];
	v49 =	vshll.u32 v42, $0x10;
	v20 =	vmul.f32 v42, v35;
	v63 =	vmul.f32 v52, v58  }
0xf3: {  	v59 =	vld [tilespmem:s0+$0x6A0];
	v28 =	vshll.u32 v56, $0x10;
	v6 =	vadd.f32 v39, v6;
	v41 =	vshll.u32 v32, $0x10  }
0xf4: {  	v38 =	vld [tilespmem:s0+$0x630];
	v5 =	vadd.f32 v24, v5;
	v51 =	vshll.u32 v44, $0x10;
	v22 =	vmul.f32 v44, v35  }
0xf5: {  	v18 =	vadd.f32 v21, v18;
	v7 =	vadd.f32 v60, v7;
	v21 =	vmul.f32 v54, v46  }
0xf6: {  	v29 =	vld [tilespmem:s0+$0x6C0];
	v14 =	vadd.f32 v17, v14;
	v16 =	vadd.f32 v19, v16;
	v19 =	vmul.f32 v41, v35  }
0xf7: {  	v31 =	vld [tilespmem:s0+$0x6D0];
	v17 =	vmul.f32 v32, v35;
	v53 =	vmul.f32 v51, v35;
	v54 =	vshll.u32 v47, $0x10  }
0xf8: {  	v60 =	vshll.u32 v52, $0x10;
	v4 =	vadd.f32 v23, v4;
	v30 =	vshll.u32 v59, $0x10  }
0xf9: {  	v2 =	vadd.f32 v63, v2;
	v33 =	vmul.f32 v59, v58;
	v45 =	vshll.u32 v38, $0x10  }
0xfa: {  	v48 =	vmul.f32 v38, v35;
	v11 =	vadd.f32 v22, v11;
	v55 =	vmul.f32 v54, v35  }
0xfb: {  	v37 =	vld [tilespmem:s0+$0x6F0];
	v61 =	vmul.f32 v60, v58;
	v32 =	vmul.f32 v30, v58;
	v36 =	vshll.u32 v29, $0x10  }
0xfc: {  	v62 =	vld [tilespmem:s0+$0x6B0];
	v23 =	vmul.f32 v29, v58;
	v38 =	vshll.u32 v31, $0x10;
	v41 =	vmul.f32 v31, v58  }
0xfd: {  	v40 =	vld [tilespmem:s0+$0x700];
	v9 =	vadd.f32 v21, v9;
	v21 =	vmul.f32 v34, v46;
	v8 =	vadd.f32 v19, v8  }
0xfe: {  	v3 =	vadd.f32 v17, v3;
	v46 =	vmul.f32 v45, v35;
	v16 =	vadd.f32 v53, v16  }
0xff: {  	v19 =	vmul.f32 v47, v35;
	v5 =	vadd.f32 v33, v5;
	v39 =	vmul.f32 v38, v58  }
0x100: {  	v44 =	vshll.u32 v37, $0x10;
	v47 =	vmul.f32 v37, v58;
	v7 =	vadd.f32 v48, v7  }
0x101: {  	v52 =	vld [tilespmem:s0+$0x740];
	v15 =	vadd.f32 v55, v15;
	v6 =	vadd.f32 v61, v6;
	v34 =	vshll.u32 v62, $0x10  }
0x102: {  	v63 =	vld [tilespmem:s0+$0x760];
	v11 =	vadd.f32 v41, v11;
	v48 =	vshll.u32 v40, $0x10;
	v18 =	vadd.f32 v21, v18  }
0x103: {  	v60 =	vld [tilespmem:s0+$0x780];
	v21 =	vmul.f32 v43, v35;
	v12 =	vadd.f32 v46, v12;
	v9 =	vadd.f32 v20, v9  }
0x104: {  	v45 =	vld [tilespmem:s0+$0x720];
	v13 =	vadd.f32 v19, v13;
	v20 =	vmul.f32 v56, v58;
	v17 =	vmul.f32 v34, v58  }
0x105: {  	v33 =	vld [tilespmem:s0+$0x790];
	v19 =	vmul.f32 v62, v58;
	v16 =	vadd.f32 v39, v16;
	v46 =	vmul.f32 v44, v58  }
0x106: {  	v38 =	vld [tilespmem:s0+$0x7A0];
	v50 =	vmul.f32 v48, v25;
	v4 =	vadd.f32 v47, v4;
	v62 =	vshll.u32 v52, $0x10  }
0x107: {  	v34 =	vmul.f32 v52, v25;
	v41 =	vshll.u32 v63, $0x10;
	v10 =	vadd.f32 v21, v10  }
0x108: {  	v55 =	vld [tilespmem:s0+$0x750];
	v21 =	vmul.f32 v49, v35;
	v3 =	vadd.f32 v20, v3;
	v12 =	vadd.f32 v17, v12  }
0x109: {  	v29 =	vld [tilespmem:s0+$0x7D0];
	v7 =	vadd.f32 v19, v7;
	v9 =	vadd.f32 v23, v9;
	v19 =	vmul.f32 v40, v25  }
0x10a: {  	v43 =	vld [tilespmem:s0+$0x710];
	v6 =	vadd.f32 v50, v6;
	v31 =	vmul.f32 v62, v25;
	v39 =	vshll.u32 v60, $0x10  }
0x10b: {  	v54 =	vshll.u32 v45, $0x10;
	v26 =	vmul.f32 v33, v1;
	v50 =	vmul.f32 v38, v1  }
0x10c: {  	v14 =	vadd.f32 v21, v14;
	v21 =	vmul.f32 v57, v35;
	v10 =	vadd.f32 v32, v10  }
0x10d: {  	v49 =	vld [tilespmem:s0+$0x730];
	v2 =	vadd.f32 v19, v2;
	v57 =	vmul.f32 v45, v25;
	v32 =	vshll.u32 v55, $0x10  }
0x10e: {  	v40 =	vld [tilespmem:s0+$0x7B0];
	v37 =	vmul.f32 v55, v25;
	v9 =	vadd.f32 v34, v9;
	v19 =	vmul.f32 v41, v25  }
0x10f: {  	v55 =	vshll.u32 v29, $0x10;
	v51 =	vshll.u32 v43, $0x10;
	v56 =	vmul.f32 v43, v25  }
0x110: {  	v35 =	vld [tilespmem:s0+$0x6E0];
	v43 =	vshll.u32 v33, $0x10;
	v18 =	vadd.f32 v21, v18;
	v21 =	vmul.f32 v28, v58  }
0x111: {  	v53 =	vmul.f32 v51, v25;
	v5 =	vadd.f32 v57, v5;
	v11 =	vadd.f32 v37, v11  }
0x112: {  	v45 =	vld [tilespmem:s0+$0x7E0];
	v44 =	vmul.f32 v43, v1;
	v3 =	vadd.f32 v56, v3;
	v61 =	vmul.f32 v49, v25  }
0x113: {  	v51 =	vmul.f32 v40, v1;
	v56 =	vmul.f32 v29, v1;
	v8 =	vadd.f32 v21, v8  }
0x114: {  	v21 =	vmul.f32 v36, v58;
	v17 =	vadd.f32 v46, v18;
	v18 =	vmul.f32 v39, v1  }
0x115: {  	v46 =	vshll.u32 v38, $0x10;
	v5 =	vadd.f32 v50, v5;
	v42 =	vshll.u32 v35, $0x10  }
0x116: {  	v20 =	vmul.f32 v35, v58;
	v7 =	vadd.f32 v61, v7;
	v35 =	vmul.f32 v32, v25  }
0x117: {  	v3 =	vadd.f32 v26, v3;
	v48 =	vmul.f32 v46, v1;
	v57 =	vshll.u32 v45, $0x10  }
0x118: {  	s16 =	sand.u32 $0x7800, s28;
	v14 =	vadd.f32 v21, v14;
	v21 =	vmul.f32 v42, v58;
	v8 =	vadd.f32 v53, v8  }
0x119: {  	s11 =	sand.u32 $0x380, s30;
	s10 =	sadd.s32 s16, s31;
	v36 =	vld [tilespmem:s0+$0x770];
	v58 =	vshll.u32 v49, $0x10;
	v13 =	vadd.f32 v20, v13;
	v20 =	vmul.f32 v54, v25  }
0x11a: {  	s10 =	sadd.s32 s11, s10;
	v47 =	vld [tilespmem:s0+$0x7F0];
	v6 =	vadd.f32 v18, v6;
	v49 =	vmul.f32 v63, v25;
	v16 =	vadd.f32 v35, v16  }
0x11b: {  	v42 =	vld [tilespmem:s0+$0x7C0];
	[tilespmem:s10+$0x50] =	vst v5;
	v7 =	vadd.f32 v51, v7;
	v10 =	vadd.f32 v20, v10;
	v20 =	vmul.f32 v60, v1  }
0x11c: {  	v59 =	vmul.f32 v58, v25;
	[tilespmem:s10+$0x30] =	vst v3;
	v15 =	vadd.f32 v21, v15;
	v14 =	vadd.f32 v31, v14  }
0x11d: {  	v5 =	vmul.f32 v55, v1;
	v8 =	vadd.f32 v44, v8;
	[tilespmem:s10+$0x0] =	vst v6;
	v2 =	vadd.f32 v20, v2  }
0x11e: {  	v12 =	vadd.f32 v59, v12;
	v52 =	vadd.f32 v49, v13;
	v53 =	vshll.u32 v36, $0x10;
	[tilespmem:s10+$0x70] =	vst v7  }
0x11f: {  	v5 =	vadd.f32 v5, v16;
	v59 =	vmul.f32 v45, v1;
	[tilespmem:s10+$0x10] =	vst v2;
	v2 =	vshll.u32 v40, $0x10  }
0x120: {  	[tilespmem:s10+$0x20] =	vst v8;
	v6 =	vadd.f32 v48, v10;
	v3 =	vshll.u32 v42, $0x10;
	v2 =	vmul.f32 v2, v1  }
0x121: {  	v58 =	vmul.f32 v36, v25;
	[tilespmem:s10+$0x420] =	vst v5;
	v63 =	vadd.f32 v59, v52;
	v3 =	vmul.f32 v3, v1  }
0x122: {  	v60 =	vshll.u32 v47, $0x10;
	v54 =	vmul.f32 v42, v1;
	[tilespmem:s10+$0x40] =	vst v6;
	v2 =	vadd.f32 v2, v12  }
0x123: {  	v15 =	vadd.f32 v19, v15;
	v62 =	vmul.f32 v60, v1;
	[tilespmem:s10+$0x450] =	vst v63;
	v3 =	vadd.f32 v3, v14  }
0x124: {  	v6 =	vmul.f32 v53, v25;
	[tilespmem:s10+$0x60] =	vst v2;
	v2 =	vadd.f32 v54, v9;
	v9 =	vmul.f32 v57, v1  }
0x125: {  	p0 =	sne.s32 s3, $0x180;
	v4 =	vadd.f32 v58, v4;
	[tilespmem:s10+$0x400] =	vst v3;
	v3 =	vadd.f32 v56, v11;
	v1 =	vmul.f32 v47, v1  }
.Ltmp0:
0x126: {  	[tilespmem:s10+$0x410] =	vst v2;
	v2 =	vadd.f32 v6, v17;
	v61 =	vadd.f32 v9, v15;
	(pc) =	sbr.rel @p0 .LBB2_3-.Ltmp0, $4  }
0x127: {  	[tilespmem:s10+$0x430] =	vst v3;
	v1 =	vadd.f32 v1, v4  }
0x128: {  	v2 =	vadd.f32 v62, v2;
	[tilespmem:s10+$0x440] =	vst v61  }
0x129: {  	s28 =	sadd.s32 $0x100, s28;
	[tilespmem:s10+$0x470] =	vst v1  }
0x12a: {  	s30 =	sadd.s32 $0x80, s30;
	s3 =	sadd.s32 $0x40, s3;
	s0 =	sadd.s32 $0x800, s0;
	[tilespmem:s10+$0x460] =	vst v2  }
0x12b: {  	p0 =	sne.s32 s26, $0x6  }
0x12c: {  	s0 =	sadd.s32 @!p0 s7, s25  }
0x12d: {  	s3 =	sshll.u32 @!p0 s25, $0x7;
	s0 =	sshll.u32 @!p0 s0, $0x8  }
0x12e: {  	s3 =	sand.u32 @!p0 $0x380, s3;
	s0 =	sand.u32 @!p0 $0xFFFFF800, s0  }
0x12f: {  	s0 =	sor.u32 @!p0 s3, s0  }
0x130: {  	s0 =	sshrl.u32 @!p0 s0, $0x3  }
0x131: {  	s10 =	simm.s32 @!p0 $0x3E800;
	s3 =	simm.s32 @!p0 $0x80;
	s0 =	sadd.s32 @!p0 s1, s0  }
0x132: {  	[hbm4b:s0+s3] =	stream.strided.scatter @!p0 [tilespmem:s31], [sflag:$0x3], $0x400, s10, s3, $0x38;
	[tilespmem:$0x12500] =	vst v63  }
0x133: {  	s11 =	sadd.s32 @!p0 $0xB900, s29;
	s15 =	sadd.s32 @!p0 $0x80, s0  }
0x134: {  	[hbm4b:s15+s3] =	stream.strided.scatter @!p0 [tilespmem:s11], [sflag:$0x3], $0x400, s10, s3, $0x38;
	[tilespmem:$0x12500] =	vst v63  }
0x135: {  	s11 =	sadd.s32 @!p0 $0xBD00, s29;
	s15 =	sadd.s32 @!p0 $0x3E800, s0  }
0x136: {  	[hbm4b:s15+s3] =	stream.strided.scatter @!p0 [tilespmem:s11], [sflag:$0x3], $0x400, s10, s3, $0x38;
	[tilespmem:$0x12500] =	vst v63  }
0x137: {  	s11 =	sadd.s32 @!p0 $0xC100, s29;
	s15 =	sadd.s32 @!p0 $0x80, s15  }
0x138: {  	[hbm4b:s15+s3] =	stream.strided.scatter @!p0 [tilespmem:s11], [sflag:$0x3], $0x400, s10, s3, $0x38;
	[tilespmem:$0x12500] =	vst v63  }
0x139: {  	s11 =	sadd.s32 @!p0 $0xC500, s29;
	s15 =	sadd.s32 @!p0 $0x7D000, s0  }
0x13a: {  	[hbm4b:s15+s3] =	stream.strided.scatter @!p0 [tilespmem:s11], [sflag:$0x3], $0x400, s10, s3, $0x38;
	[tilespmem:$0x12500] =	vst v63  }
0x13b: {  	s11 =	sadd.s32 @!p0 $0xC900, s29;
	s15 =	sadd.s32 @!p0 $0x80, s15  }
0x13c: {  	[hbm4b:s15+s3] =	stream.strided.scatter @!p0 [tilespmem:s11], [sflag:$0x3], $0x400, s10, s3, $0x38;
	[tilespmem:$0x12500] =	vst v63  }
0x13d: {  	s11 =	sadd.s32 @!p0 $0xCD00, s29;
	s15 =	sadd.s32 @!p0 $0xBB800, s0  }
0x13e: {  	[hbm4b:s15+s3] =	stream.strided.scatter @!p0 [tilespmem:s11], [sflag:$0x3], $0x400, s10, s3, $0x38;
	[tilespmem:$0x12500] =	vst v63  }
0x13f: {  	s11 =	sadd.s32 @!p0 $0xD100, s29;
	s15 =	sadd.s32 @!p0 $0x80, s15  }
0x140: {  	[hbm4b:s15+s3] =	stream.strided.scatter @!p0 [tilespmem:s11], [sflag:$0x3], $0x400, s10, s3, $0x38;
	[tilespmem:$0x12500] =	vst v63  }
0x141: {  	s11 =	sadd.s32 @!p0 $0xD500, s29;
	s15 =	sadd.s32 @!p0 $0xFA000, s0  }
0x142: {  	[hbm4b:s15+s3] =	stream.strided.scatter @!p0 [tilespmem:s11], [sflag:$0x3], $0x400, s10, s3, $0x38;
	[tilespmem:$0x12500] =	vst v63  }
0x143: {  	s11 =	sadd.s32 @!p0 $0xD900, s29;
	s15 =	sadd.s32 @!p0 $0x80, s15  }
0x144: {  	[hbm4b:s15+s3] =	stream.strided.scatter @!p0 [tilespmem:s11], [sflag:$0x3], $0x400, s10, s3, $0x38;
	[tilespmem:$0x12500] =	vst v63  }
0x145: {  	s11 =	sadd.s32 @!p0 $0xDD00, s29;
	s15 =	sadd.s32 @!p0 $0x138800, s0  }
0x146: {  	[hbm4b:s15+s3] =	stream.strided.scatter @!p0 [tilespmem:s11], [sflag:$0x3], $0x400, s10, s3, $0x38;
	[tilespmem:$0x12500] =	vst v63  }
0x147: {  	s11 =	sadd.s32 @!p0 $0xE100, s29;
	s15 =	sadd.s32 @!p0 $0x80, s15  }
0x148: {  	[hbm4b:s15+s3] =	stream.strided.scatter @!p0 [tilespmem:s11], [sflag:$0x3], $0x400, s10, s3, $0x38;
	[tilespmem:$0x12500] =	vst v63  }
0x149: {  	s0 =	sadd.s32 @!p0 $0x177000, s0;
	s3 =	sadd.s32 @!p0 $0xE500, s29;
	s10 =	simm.s32 @!p0 $0x0  }
0x14a: {  	[hbm4b:s0+s10] =	stream.linear.scatter @!p0 [tilespmem:s3], [sflag:$0x3], $0x80, $0x38;
	[tilespmem:$0x12500] =	vst v63  }
0x14b: {  	s24 =	sadd.s32 $0x1, s24;
	s3 =	sadd.s32 @!p0 $0xE900, s29;
	s0 =	sadd.s32 @!p0 $0x80, s0  }
0x14c: {  	[hbm4b:s0+s10] =	stream.linear.scatter @!p0 [tilespmem:s3], [sflag:$0x3], $0x80, $0x38;
	[tilespmem:$0x12500] =	vst v63  }
0x14d: {  	p0 =	sne.s32 s24, s12  }
.Ltmp1:
0x14e: {  	_ = 	snop;
	(pc) =	sbr.rel @p0 .LBB2_2-.Ltmp1, $3  }
0x14f: {  	_ =	sdelay $0x1  }
0x150: {  	s23 =	sadd.s32 $0x700, s23  }
0x151: {  	s22 =	sadd.s32 $0x380, s22;
	s20 =	sadd.s32 $0x70, s20;
	s21 =	sadd.s32 $0x3800, s21  }
0x152: {  	s19 =	sadd.s32 $0x1, s19  }
0x153: {  	_ =	swait.ge [sflag:s18], $0x3100;
	p0 =	sne.s32 s19, s13  }
.Ltmp2:
0x154: {  	[sflag:s18] =	ssyncset.done $0x0;
	(pc) =	sbr.rel @p0 .LBB2_1-.Ltmp2, $4  }
0x155: {  	[sflag:s18] =	ssyncadd.s32 $0xFFFFCF00  }
0x156: {  	_ =	swait.ge [sflag:s18], $0x3100  }
0x157: {  	[sflag:s18] =	ssyncset.done $0x0  }
0x158: {  	[sflag:s18] =	ssyncadd.s32 $0xFFFFCF00  }
0x159: {  	_ =	sfence.sel $0x180000  }
0x15a: {  	[bflag:$0x0] =	sbarrier.arrive $0xFFFF  }
0x15b: {  	_ =	strace $0x90000047  }
0x15c: {  	s0 =	stileid.u32;
	[bflag:$0x2] =	sbarrier.arrive $0xFFFF  }
0x15d: {  	p0 =	sne.s32 s0, $0x0;
	s0 =	rddreg [dreg:$0x2]  }
0x15e: {  	s0 =	sadd.s32 @!p0 $0x100000, s0  }
0x15f: {  	[sflag:s0] =	ssyncadd.tile.s32 @!p0 $0x1;
	_ =	shalt  }
.Lfunc_end2:
_tile_overlayer_lowered:
.L_overlay_start_2:
0x160: {  	(tag) =	ssettag $0x2  }
0x161: {  	s0 =	rddreg [dreg:$0x0];
	s2 =	stileid.u32  }
0x162: {  	s1 =	rddreg [dreg:$0x1];
	p0 =	sne.s32 s2, $0x0  }
0x163: {  	s3 =	rddreg [dreg:$0x2];
	[bflag:$0x3] =	sbarrier.arrive $0xFFFF;
	s2 =	simm.s32 @!p0 $0x1C04  }
0x164: {  	[timem:s3], [sflag:s2] =	dma.local @!p0 [hbm:s0], s1  }
0x165: {  	s0 =	simm.s32 @!p0 $0x4  }
0x166: {  	_ =	swait.ge @!p0 [sflag:s0], s1  }
0x167: {  	s1 =	ssub.s32 @!p0 $0x0, s1;
	[sflag:s0] =	ssyncset.done @!p0 $0x0  }
0x168: {  	[sflag:s0] =	ssyncadd.s32 @!p0 s1  }
0x169: {  	[bflag:$0x3] =	sbarrier.arrive $0xFFFF  }
0x16a: {  	_ =	shalt  }

</sc_bundles>
